<compile_context>
chip_gen: v7x
topology: tpu7x:2x2x1
jax: 0.10.2.dev20260603
libtpu: 0.0.44.dev20260713+nightly
codegen_flags: <defaults>
</compile_context>

<pallas_src>
import functools

import jax
import jax.numpy as jnp
from jax import lax
from jax.experimental import pallas as pl
from jax.experimental.pallas import tpu as pltpu
from jax.experimental.pallas import tpu_sc as plsc

EMB = 64
F0, F1, F2 = 5, 6, 2
NROWS = F0 * F1 * F2
N_EDGES = 800000
LANES = 16
HREG = EMB // LANES

_info = plsc.get_sparse_core_info()
NC = _info.num_cores
NS = _info.num_subcores
NW = NC * NS
PER_W = N_EDGES // NW
CH = 128
NCH = PER_W // CH
TAIL = PER_W - NCH * CH

_mesh = plsc.VectorSubcoreMesh(core_axis_name="c", subcore_axis_name="s")


def _fused_table_body(w0_ref, w1_ref, w2_ref, out_ref):
    r = lax.broadcasted_iota(jnp.int32, (NROWS, F0), 0)
    c = lax.broadcasted_iota(jnp.int32, (NROWS, F0), 1)
    o0 = (r // (F1 * F2) == c).astype(jnp.float32)
    r = lax.broadcasted_iota(jnp.int32, (NROWS, F1), 0)
    c = lax.broadcasted_iota(jnp.int32, (NROWS, F1), 1)
    o1 = ((r // F2) % F1 == c).astype(jnp.float32)
    r = lax.broadcasted_iota(jnp.int32, (NROWS, F2), 0)
    c = lax.broadcasted_iota(jnp.int32, (NROWS, F2), 1)
    o2 = (r % F2 == c).astype(jnp.float32)
    hp = lax.Precision.HIGHEST
    t = (jnp.dot(o0, w0_ref[...], preferred_element_type=jnp.float32, precision=hp)
         + jnp.dot(o1, w1_ref[...], preferred_element_type=jnp.float32, precision=hp)
         + jnp.dot(o2, w2_ref[...], preferred_element_type=jnp.float32, precision=hp))
    out_ref[:, :EMB] = t
    out_ref[:, EMB:] = jnp.zeros((NROWS, EMB), jnp.float32)


_fused_table = pl.pallas_call(
    _fused_table_body,
    out_shape=jax.ShapeDtypeStruct((NROWS, 2 * EMB), jnp.float32),
)

_COL_SCRATCH = [pltpu.VMEM((CH,), jnp.int32) for _ in range(9)]


@functools.partial(
    pl.kernel,
    mesh=_mesh,
    out_type=jax.ShapeDtypeStruct((N_EDGES, EMB), jnp.float32),
    scratch_types=[
        pltpu.VMEM_SHARED((NROWS, 2 * EMB), jnp.float32),
        *_COL_SCRATCH,
        pltpu.VMEM((CH,), jnp.int32),
        pltpu.VMEM((CH,), jnp.int32),
        pltpu.VMEM((CH,), jnp.int32),
        pltpu.VMEM((CH, 2 * EMB), jnp.float32),
        pltpu.VMEM((CH, 2 * EMB), jnp.float32),
        pltpu.VMEM((CH, 2 * EMB), jnp.float32),
        pltpu.VMEM((CH, EMB), jnp.float32),
        pltpu.VMEM((CH, EMB), jnp.float32),
        pltpu.VMEM((CH, EMB), jnp.float32),
        pltpu.SemaphoreType.DMA,
        pltpu.SemaphoreType.DMA,
        pltpu.SemaphoreType.DMA,
        pltpu.SemaphoreType.DMA,
        pltpu.SemaphoreType.DMA,
        pltpu.SemaphoreType.DMA,
        pltpu.SemaphoreType.DMA,
        pltpu.SemaphoreType.DMA,
        pltpu.SemaphoreType.DMA,
    ],
)
def _lookup(c0_hbm, c1_hbm, c2_hbm, tp_hbm, out_hbm, sh_v, *scratch):
    cols = [scratch[0:3], scratch[3:6], scratch[6:9]]
    idx = [scratch[9], scratch[10], scratch[11]]
    rows = [scratch[12], scratch[13], scratch[14]]
    r64 = [scratch[15], scratch[16], scratch[17]]
    sem_c = [scratch[18], scratch[19], scratch[20]]
    sem_g = [scratch[21], scratch[22], scratch[23]]
    sem_o = [scratch[24], scratch[25], scratch[26]]
    chbm = [c0_hbm, c1_hbm, c2_hbm]

    sid = lax.axis_index("s")
    wid = sid * NC + lax.axis_index("c")
    web = wid * PER_W

    @pl.when(sid == 0)
    def _():
        pltpu.sync_copy(tp_hbm, sh_v)
    plsc.subcore_barrier()

    def start_cols(b, t):
        eb = web + t * CH
        for j in range(3):
            pltpu.async_copy(chbm[j].at[pl.ds(eb, CH)], cols[b][j], sem_c[b])

    def wait_cols(b):
        for j in range(3):
            pltpu.make_async_copy(chbm[j].at[pl.ds(web, CH)], cols[b][j],
                                  sem_c[b]).wait()

    def wait_out(b):
        pltpu.make_async_copy(r64[b], out_hbm.at[pl.ds(web, CH)],
                              sem_o[b]).wait()

    def wait_gather(b):
        pltpu.make_async_copy(sh_v.at[idx[b]], rows[b], sem_g[b]).wait()

    def compute_idx(b):
        for g in range(CH // LANES):
            sl = pl.ds(g * LANES, LANES)
            v = (cols[b][0][sl] * (F1 * F2) + cols[b][1][sl] * F2
                 + cols[b][2][sl])
            idx[b][sl] = jnp.minimum(jnp.maximum(v, 0), NROWS - 1)

    def strip(b, nrow8):
        def grp(g, carry):
            for j in range(8):
                r = g * 8 + j
                for h in range(HREG):
                    sl = pl.ds(h * LANES, LANES)
                    r64[b][r, sl] = rows[b][r, sl]
            return carry
        lax.fori_loop(0, nrow8, grp, 0)

    def finish_chunk(p, tprev):
        wait_gather(p)

        @pl.when(tprev >= 3)
        def _():
            wait_out(p)

        strip(p, CH // 8)
        pltpu.async_copy(r64[p], out_hbm.at[pl.ds(web + tprev * CH, CH)],
                         sem_o[p])

    def step(b, t):
        wait_cols(b)
        compute_idx(b)
        pltpu.async_copy(sh_v.at[idx[b]], rows[b], sem_g[b])

        @pl.when(t >= 1)
        def _():
            finish_chunk((b + 2) % 3, t - 1)

        @pl.when(t + 3 < NCH)
        def _():
            start_cols(b, t + 3)

    start_cols(0, 0)
    start_cols(1, 1)
    start_cols(2, 2)

    def super_body(s, carry):
        step(0, 3 * s)
        step(1, 3 * s + 1)
        step(2, 3 * s + 2)
        return carry

    lax.fori_loop(0, NCH // 3, super_body, 0)
    finish_chunk((NCH - 1) % 3, jnp.int32(NCH - 1))

    wait_out(0)
    teb = web + NCH * CH
    for j in range(3):
        pltpu.sync_copy(chbm[j].at[pl.ds(teb, TAIL)],
                        cols[0][j].at[pl.ds(0, TAIL)])
    compute_idx(0)
    pltpu.async_copy(sh_v.at[idx[0]], rows[0], sem_g[0]).wait()
    strip(0, (TAIL + 7) // 8)
    pltpu.sync_copy(r64[0].at[pl.ds(0, TAIL)], out_hbm.at[pl.ds(teb, TAIL)])
    wait_out(1)
    wait_out(2)


def kernel(edge_attr, W0, W1, W2):
    ea = edge_attr.astype(jnp.int32)
    tp = _fused_table(W0, W1, W2)
    return _lookup(ea[:, 0], ea[:, 1], ea[:, 2], tp)

# --- scband reference (transcript-rebuilt; emitter-appended) ---
"""Pipeline reference for scband-bond-encoder-16604343566555 (READ-ONLY COPY).

The authoritative reference and input builder live on the scoring server;
editing this copy changes nothing except your own understanding.
"""

import jax, jax.numpy as jnp
import numpy as np

EMB_DIM = 64
N_EDGES = 800000
FEAT_DIMS = [5, 6, 2]  # bond_type, stereo, is_conjugated

def _xavier_uniform(key, shape):
    fan_in, fan_out = shape[0], shape[1]
    a = jnp.sqrt(6.0 / (fan_in + fan_out))
    return jax.random.uniform(key, shape, minval=-a, maxval=a, dtype=jnp.float32)

def setup_inputs(seed: int = 0) -> dict:
    key = jax.random.key(seed)
    k_idx, k0, k1, k2 = jax.random.split(key, 4)
    # all columns drawn in [0, 2) so every feature index is in-range for all three tables
    edge_attr = jax.random.randint(k_idx, (N_EDGES, 3), 0, 2, dtype=jnp.int64)
    W0 = _xavier_uniform(k0, (FEAT_DIMS[0], EMB_DIM))
    W1 = _xavier_uniform(k1, (FEAT_DIMS[1], EMB_DIM))
    W2 = _xavier_uniform(k2, (FEAT_DIMS[2], EMB_DIM))
    return {"edge_attr": edge_attr, "W0": W0, "W1": W1, "W2": W2}

def reference(edge_attr, W0, W1, W2):
    # BondEncoder.forward: sum of per-feature embedding lookups
    tables = [W0, W1, W2]
    bond_embedding = jnp.zeros((edge_attr.shape[0], EMB_DIM), dtype=jnp.float32)
    for i in range(edge_attr.shape[1]):
        bond_embedding = bond_embedding + jnp.take(tables[i], edge_attr[:, i], axis=0)
    return bond_embedding

if __name__ == "__main__":
    import jax
    _d = setup_inputs()
    print(jax.jit(kernel)(*tuple(_d.values())))

</pallas_src>

<mosaic_0001>
#map = affine_map<(d0, d1) -> (0)>
#map1 = affine_map<(d0, d1) -> (0, 0)>
module attributes {stable_mosaic.version = 14 : i64} {
  func.func @_lookup(%arg0: i32, %arg1: i32, %arg2: memref<800000xi32, #tpu.memory_space<hbm>>, %arg3: memref<800000xi32, #tpu.memory_space<hbm>>, %arg4: memref<800000xi32, #tpu.memory_space<hbm>>, %arg5: memref<60x128xf32, #tpu.memory_space<hbm>>, %arg6: memref<800000x64xf32, #tpu.memory_space<hbm>>, %arg7: memref<60x128xf32, #tpu.memory_space<vmem_shared>>, %arg8: memref<128xi32, #tpu.memory_space<vmem>>, %arg9: memref<128xi32, #tpu.memory_space<vmem>>, %arg10: memref<128xi32, #tpu.memory_space<vmem>>, %arg11: memref<128xi32, #tpu.memory_space<vmem>>, %arg12: memref<128xi32, #tpu.memory_space<vmem>>, %arg13: memref<128xi32, #tpu.memory_space<vmem>>, %arg14: memref<128xi32, #tpu.memory_space<vmem>>, %arg15: memref<128xi32, #tpu.memory_space<vmem>>, %arg16: memref<128xi32, #tpu.memory_space<vmem>>, %arg17: memref<128xi32, #tpu.memory_space<vmem>>, %arg18: memref<128xi32, #tpu.memory_space<vmem>>, %arg19: memref<128xi32, #tpu.memory_space<vmem>>, %arg20: memref<128x128xf32, #tpu.memory_space<vmem>>, %arg21: memref<128x128xf32, #tpu.memory_space<vmem>>, %arg22: memref<128x128xf32, #tpu.memory_space<vmem>>, %arg23: memref<128x64xf32, #tpu.memory_space<vmem>>, %arg24: memref<128x64xf32, #tpu.memory_space<vmem>>, %arg25: memref<128x64xf32, #tpu.memory_space<vmem>>, %arg26: memref<!tpu.dma_semaphore, #tpu.memory_space<semaphore_mem>>, %arg27: memref<!tpu.dma_semaphore, #tpu.memory_space<semaphore_mem>>, %arg28: memref<!tpu.dma_semaphore, #tpu.memory_space<semaphore_mem>>, %arg29: memref<!tpu.dma_semaphore, #tpu.memory_space<semaphore_mem>>, %arg30: memref<!tpu.dma_semaphore, #tpu.memory_space<semaphore_mem>>, %arg31: memref<!tpu.dma_semaphore, #tpu.memory_space<semaphore_mem>>, %arg32: memref<!tpu.dma_semaphore, #tpu.memory_space<semaphore_mem>>, %arg33: memref<!tpu.dma_semaphore, #tpu.memory_space<semaphore_mem>>, %arg34: memref<!tpu.dma_semaphore, #tpu.memory_space<semaphore_mem>>) attributes {dimension_semantics = [#tpu.dimension_semantics<core_parallel>, #tpu.dimension_semantics<subcore_parallel>], iteration_bounds = array<i64: 2, 16>, scalar_prefetch = 0 : i64, scratch_operands = 28 : i64, tpu.core_type = #tpu.core_type<sc_vector_subcore>, window_params = [{transform_indices = #map}, {transform_indices = #map}, {transform_indices = #map}, {transform_indices = #map1}, {transform_indices = #map1}]} {
    %mul3A = arith.constant 2 : i32
    %mul3A_0 = arith.muli %arg1, %mul3A : i32
    %add3A = arith.addi %mul3A_0, %arg0 : i32
    %mul3A_1 = arith.constant 25000 : i32
    %mul3A_2 = arith.muli %add3A, %mul3A_1 : i32
    %eq3A = arith.constant 0 : i32
    %eq3A_3 = arith.cmpi eq, %arg1, %eq3A : i32
    %convert_element_type3A = arith.extui %eq3A_3 : i1 to i32
    %cond3A = arith.constant 0 : i32
    %cond3A_4 = arith.cmpi ne, %convert_element_type3A, %cond3A : i32
    scf.if %cond3A_4 {
      "tpu.region"() ({
        %run_scoped3A = tpu.sem_alloc : memref<!tpu.dma_semaphore, #tpu.memory_space<semaphore_mem>>
        tpu.enqueue_dma source(%arg5 : memref<60x128xf32, #tpu.memory_space<hbm>>) target(%arg7 : memref<60x128xf32, #tpu.memory_space<vmem_shared>>) target_semaphore(%run_scoped3A : memref<!tpu.dma_semaphore, #tpu.memory_space<semaphore_mem>>)
        tpu.wait_dma2 semaphore(%run_scoped3A : memref<!tpu.dma_semaphore, #tpu.memory_space<semaphore_mem>>) src(%arg5 : memref<60x128xf32, #tpu.memory_space<hbm>>) dst(%arg7 : memref<60x128xf32, #tpu.memory_space<vmem_shared>>)
        tpu.yield
      }) : () -> ()
    } else {
    }
    %barrier3A = arith.constant 0 : index
    tpu.barrier barrier_id(%barrier3A)
    %add3A_5 = arith.constant 0 : i32
    %add3A_6 = arith.addi %mul3A_2, %add3A_5 : i32
    %dma_start3A = tpu.memref_slice %arg2[%add3A_6] : memref<800000xi32, #tpu.memory_space<hbm>> -> memref<128xi32, #tpu.memory_space<hbm>>
    %dma_start3A_7 = tpu.memref_slice %arg2[%add3A_6] : memref<800000xi32, #tpu.memory_space<hbm>> -> memref<128xi32, #tpu.memory_space<hbm>>
    tpu.enqueue_dma source(%dma_start3A_7 : memref<128xi32, #tpu.memory_space<hbm>>) target(%arg8 : memref<128xi32, #tpu.memory_space<vmem>>) target_semaphore(%arg26 : memref<!tpu.dma_semaphore, #tpu.memory_space<semaphore_mem>>)
    %dma_start3A_8 = tpu.memref_slice %arg3[%add3A_6] : memref<800000xi32, #tpu.memory_space<hbm>> -> memref<128xi32, #tpu.memory_space<hbm>>
    %dma_start3A_9 = tpu.memref_slice %arg3[%add3A_6] : memref<800000xi32, #tpu.memory_space<hbm>> -> memref<128xi32, #tpu.memory_space<hbm>>
    tpu.enqueue_dma source(%dma_start3A_9 : memref<128xi32, #tpu.memory_space<hbm>>) target(%arg9 : memref<128xi32, #tpu.memory_space<vmem>>) target_semaphore(%arg26 : memref<!tpu.dma_semaphore, #tpu.memory_space<semaphore_mem>>)
    %dma_start3A_10 = tpu.memref_slice %arg4[%add3A_6] : memref<800000xi32, #tpu.memory_space<hbm>> -> memref<128xi32, #tpu.memory_space<hbm>>
    %dma_start3A_11 = tpu.memref_slice %arg4[%add3A_6] : memref<800000xi32, #tpu.memory_space<hbm>> -> memref<128xi32, #tpu.memory_space<hbm>>
    tpu.enqueue_dma source(%dma_start3A_11 : memref<128xi32, #tpu.memory_space<hbm>>) target(%arg10 : memref<128xi32, #tpu.memory_space<vmem>>) target_semaphore(%arg26 : memref<!tpu.dma_semaphore, #tpu.memory_space<semaphore_mem>>)
    %add3A_12 = arith.constant 128 : i32
    %add3A_13 = arith.addi %mul3A_2, %add3A_12 : i32
    %dma_start3A_14 = tpu.memref_slice %arg2[%add3A_13] : memref<800000xi32, #tpu.memory_space<hbm>> -> memref<128xi32, #tpu.memory_space<hbm>>
    %dma_start3A_15 = tpu.memref_slice %arg2[%add3A_13] : memref<800000xi32, #tpu.memory_space<hbm>> -> memref<128xi32, #tpu.memory_space<hbm>>
    tpu.enqueue_dma source(%dma_start3A_15 : memref<128xi32, #tpu.memory_space<hbm>>) target(%arg11 : memref<128xi32, #tpu.memory_space<vmem>>) target_semaphore(%arg27 : memref<!tpu.dma_semaphore, #tpu.memory_space<semaphore_mem>>)
    %dma_start3A_16 = tpu.memref_slice %arg3[%add3A_13] : memref<800000xi32, #tpu.memory_space<hbm>> -> memref<128xi32, #tpu.memory_space<hbm>>
    %dma_start3A_17 = tpu.memref_slice %arg3[%add3A_13] : memref<800000xi32, #tpu.memory_space<hbm>> -> memref<128xi32, #tpu.memory_space<hbm>>
    tpu.enqueue_dma source(%dma_start3A_17 : memref<128xi32, #tpu.memory_space<hbm>>) target(%arg12 : memref<128xi32, #tpu.memory_space<vmem>>) target_semaphore(%arg27 : memref<!tpu.dma_semaphore, #tpu.memory_space<semaphore_mem>>)
    %dma_start3A_18 = tpu.memref_slice %arg4[%add3A_13] : memref<800000xi32, #tpu.memory_space<hbm>> -> memref<128xi32, #tpu.memory_space<hbm>>
    %dma_start3A_19 = tpu.memref_slice %arg4[%add3A_13] : memref<800000xi32, #tpu.memory_space<hbm>> -> memref<128xi32, #tpu.memory_space<hbm>>
    tpu.enqueue_dma source(%dma_start3A_19 : memref<128xi32, #tpu.memory_space<hbm>>) target(%arg13 : memref<128xi32, #tpu.memory_space<vmem>>) target_semaphore(%arg27 : memref<!tpu.dma_semaphore, #tpu.memory_space<semaphore_mem>>)
    %add3A_20 = arith.constant 256 : i32
    %add3A_21 = arith.addi %mul3A_2, %add3A_20 : i32
    %dma_start3A_22 = tpu.memref_slice %arg2[%add3A_21] : memref<800000xi32, #tpu.memory_space<hbm>> -> memref<128xi32, #tpu.memory_space<hbm>>
    %dma_start3A_23 = tpu.memref_slice %arg2[%add3A_21] : memref<800000xi32, #tpu.memory_space<hbm>> -> memref<128xi32, #tpu.memory_space<hbm>>
    tpu.enqueue_dma source(%dma_start3A_23 : memref<128xi32, #tpu.memory_space<hbm>>) target(%arg14 : memref<128xi32, #tpu.memory_space<vmem>>) target_semaphore(%arg28 : memref<!tpu.dma_semaphore, #tpu.memory_space<semaphore_mem>>)
    %dma_start3A_24 = tpu.memref_slice %arg3[%add3A_21] : memref<800000xi32, #tpu.memory_space<hbm>> -> memref<128xi32, #tpu.memory_space<hbm>>
    %dma_start3A_25 = tpu.memref_slice %arg3[%add3A_21] : memref<800000xi32, #tpu.memory_space<hbm>> -> memref<128xi32, #tpu.memory_space<hbm>>
    tpu.enqueue_dma source(%dma_start3A_25 : memref<128xi32, #tpu.memory_space<hbm>>) target(%arg15 : memref<128xi32, #tpu.memory_space<vmem>>) target_semaphore(%arg28 : memref<!tpu.dma_semaphore, #tpu.memory_space<semaphore_mem>>)
    %dma_start3A_26 = tpu.memref_slice %arg4[%add3A_21] : memref<800000xi32, #tpu.memory_space<hbm>> -> memref<128xi32, #tpu.memory_space<hbm>>
    %dma_start3A_27 = tpu.memref_slice %arg4[%add3A_21] : memref<800000xi32, #tpu.memory_space<hbm>> -> memref<128xi32, #tpu.memory_space<hbm>>
    tpu.enqueue_dma source(%dma_start3A_27 : memref<128xi32, #tpu.memory_space<hbm>>) target(%arg16 : memref<128xi32, #tpu.memory_space<vmem>>) target_semaphore(%arg28 : memref<!tpu.dma_semaphore, #tpu.memory_space<semaphore_mem>>)
    %scan3A = arith.constant 0 : i32
    %scan3A_28 = arith.constant 0 : i32
    %scan3A_29 = arith.constant 65 : i32
    %scan3A_30 = arith.addi %scan3A_28, %scan3A_29 : i32
    %scan3A_31 = arith.constant 1 : i32
    scf.for %scan3A_292 = %scan3A_28 to %scan3A_30 step %scan3A_31  : i32 {
      %mul3A_293 = arith.constant 3 : i32
      %mul3A_294 = arith.muli %mul3A_293, %scan3A_292 : i32
      %dma_wait3A_295 = tpu.memref_slice %arg2[%mul3A_2] : memref<800000xi32, #tpu.memory_space<hbm>> -> memref<128xi32, #tpu.memory_space<hbm>>
      %dma_wait3A_296 = tpu.memref_slice %arg2[%mul3A_2] : memref<800000xi32, #tpu.memory_space<hbm>> -> memref<128xi32, #tpu.memory_space<hbm>>
      tpu.wait_dma2 semaphore(%arg26 : memref<!tpu.dma_semaphore, #tpu.memory_space<semaphore_mem>>) src(%dma_wait3A_296 : memref<128xi32, #tpu.memory_space<hbm>>) dst(%arg8 : memref<128xi32, #tpu.memory_space<vmem>>)
      %dma_wait3A_297 = tpu.memref_slice %arg3[%mul3A_2] : memref<800000xi32, #tpu.memory_space<hbm>> -> memref<128xi32, #tpu.memory_space<hbm>>
      %dma_wait3A_298 = tpu.memref_slice %arg3[%mul3A_2] : memref<800000xi32, #tpu.memory_space<hbm>> -> memref<128xi32, #tpu.memory_space<hbm>>
      tpu.wait_dma2 semaphore(%arg26 : memref<!tpu.dma_semaphore, #tpu.memory_space<semaphore_mem>>) src(%dma_wait3A_298 : memref<128xi32, #tpu.memory_space<hbm>>) dst(%arg9 : memref<128xi32, #tpu.memory_space<vmem>>)
      %dma_wait3A_299 = tpu.memref_slice %arg4[%mul3A_2] : memref<800000xi32, #tpu.memory_space<hbm>> -> memref<128xi32, #tpu.memory_space<hbm>>
      %dma_wait3A_300 = tpu.memref_slice %arg4[%mul3A_2] : memref<800000xi32, #tpu.memory_space<hbm>> -> memref<128xi32, #tpu.memory_space<hbm>>
      tpu.wait_dma2 semaphore(%arg26 : memref<!tpu.dma_semaphore, #tpu.memory_space<semaphore_mem>>) src(%dma_wait3A_300 : memref<128xi32, #tpu.memory_space<hbm>>) dst(%arg10 : memref<128xi32, #tpu.memory_space<vmem>>)
      %get3A_301 = arith.constant 0 : index
      %get3A_302 = tpu.vector_load %arg8[%get3A_301] {strides = array<i32>} : memref<128xi32, #tpu.memory_space<vmem>>, vector<16xi32>,
      %get3A_303 = vector.shape_cast %get3A_302 : vector<16xi32> to vector<16xi32>
      %mul3A_304 = arith.constant 12 : i32
      %mul3A_305 = vector.broadcast %mul3A_304 : i32 to vector<16xi32>
      %mul3A_306 = arith.muli %get3A_303, %mul3A_305 : vector<16xi32>
      %get3A_307 = arith.constant 0 : index
      %get3A_308 = tpu.vector_load %arg9[%get3A_307] {strides = array<i32>} : memref<128xi32, #tpu.memory_space<vmem>>, vector<16xi32>,
      %get3A_309 = vector.shape_cast %get3A_308 : vector<16xi32> to vector<16xi32>
      %mul3A_310 = arith.constant 2 : i32
      %mul3A_311 = vector.broadcast %mul3A_310 : i32 to vector<16xi32>
      %mul3A_312 = arith.muli %get3A_309, %mul3A_311 : vector<16xi32>
      %add3A_313 = arith.addi %mul3A_306, %mul3A_312 : vector<16xi32>
      %get3A_314 = arith.constant 0 : index
      %get3A_315 = tpu.vector_load %arg10[%get3A_314] {strides = array<i32>} : memref<128xi32, #tpu.memory_space<vmem>>, vector<16xi32>,
      %get3A_316 = vector.shape_cast %get3A_315 : vector<16xi32> to vector<16xi32>
      %add3A_317 = arith.addi %add3A_313, %get3A_316 : vector<16xi32>
      %max3A_318 = arith.constant 0 : i32
      %max3A_319 = vector.broadcast %max3A_318 : i32 to vector<16xi32>
      %max3A_320 = arith.maxsi %add3A_317, %max3A_319 : vector<16xi32>
      %min3A_321 = arith.constant 59 : i32
      %min3A_322 = vector.broadcast %min3A_321 : i32 to vector<16xi32>
      %min3A_323 = arith.minsi %max3A_320, %min3A_322 : vector<16xi32>
      %swap3A_324 = arith.constant 0 : index
      %swap3A_325 = tpu.vector_load %arg17[%swap3A_324] {strides = array<i32>} : memref<128xi32, #tpu.memory_space<vmem>>, vector<16xi32>,
      %swap3A_326 = vector.shape_cast %swap3A_325 : vector<16xi32> to vector<16xi32>
      %swap3A_327 = vector.shape_cast %min3A_323 : vector<16xi32> to vector<16xi32>
      tpu.vector_store %arg17[%swap3A_324], %swap3A_327 {strides = array<i32>} : memref<128xi32, #tpu.memory_space<vmem>>, vector<16xi32>,
      %get3A_328 = arith.constant 16 : index
      %get3A_329 = tpu.vector_load %arg8[%get3A_328] {strides = array<i32>} : memref<128xi32, #tpu.memory_space<vmem>>, vector<16xi32>,
      %get3A_330 = vector.shape_cast %get3A_329 : vector<16xi32> to vector<16xi32>
      %mul3A_331 = arith.constant 12 : i32
      %mul3A_332 = vector.broadcast %mul3A_331 : i32 to vector<16xi32>
      %mul3A_333 = arith.muli %get3A_330, %mul3A_332 : vector<16xi32>
      %get3A_334 = arith.constant 16 : index
      %get3A_335 = tpu.vector_load %arg9[%get3A_334] {strides = array<i32>} : memref<128xi32, #tpu.memory_space<vmem>>, vector<16xi32>,
      %get3A_336 = vector.shape_cast %get3A_335 : vector<16xi32> to vector<16xi32>
      %mul3A_337 = arith.constant 2 : i32
      %mul3A_338 = vector.broadcast %mul3A_337 : i32 to vector<16xi32>
      %mul3A_339 = arith.muli %get3A_336, %mul3A_338 : vector<16xi32>
      %add3A_340 = arith.addi %mul3A_333, %mul3A_339 : vector<16xi32>
      %get3A_341 = arith.constant 16 : index
      %get3A_342 = tpu.vector_load %arg10[%get3A_341] {strides = array<i32>} : memref<128xi32, #tpu.memory_space<vmem>>, vector<16xi32>,
      %get3A_343 = vector.shape_cast %get3A_342 : vector<16xi32> to vector<16xi32>
      %add3A_344 = arith.addi %add3A_340, %get3A_343 : vector<16xi32>
      %max3A_345 = arith.constant 0 : i32
      %max3A_346 = vector.broadcast %max3A_345 : i32 to vector<16xi32>
      %max3A_347 = arith.maxsi %add3A_344, %max3A_346 : vector<16xi32>
      %min3A_348 = arith.constant 59 : i32
      %min3A_349 = vector.broadcast %min3A_348 : i32 to vector<16xi32>
      %min3A_350 = arith.minsi %max3A_347, %min3A_349 : vector<16xi32>
      %swap3A_351 = arith.constant 16 : index
      %swap3A_352 = tpu.vector_load %arg17[%swap3A_351] {strides = array<i32>} : memref<128xi32, #tpu.memory_space<vmem>>, vector<16xi32>,
      %swap3A_353 = vector.shape_cast %swap3A_352 : vector<16xi32> to vector<16xi32>
      %swap3A_354 = vector.shape_cast %min3A_350 : vector<16xi32> to vector<16xi32>
      tpu.vector_store %arg17[%swap3A_351], %swap3A_354 {strides = array<i32>} : memref<128xi32, #tpu.memory_space<vmem>>, vector<16xi32>,
      %get3A_355 = arith.constant 32 : index
      %get3A_356 = tpu.vector_load %arg8[%get3A_355] {strides = array<i32>} : memref<128xi32, #tpu.memory_space<vmem>>, vector<16xi32>,
      %get3A_357 = vector.shape_cast %get3A_356 : vector<16xi32> to vector<16xi32>
      %mul3A_358 = arith.constant 12 : i32
      %mul3A_359 = vector.broadcast %mul3A_358 : i32 to vector<16xi32>
      %mul3A_360 = arith.muli %get3A_357, %mul3A_359 : vector<16xi32>
      %get3A_361 = arith.constant 32 : index
      %get3A_362 = tpu.vector_load %arg9[%get3A_361] {strides = array<i32>} : memref<128xi32, #tpu.memory_space<vmem>>, vector<16xi32>,
      %get3A_363 = vector.shape_cast %get3A_362 : vector<16xi32> to vector<16xi32>
      %mul3A_364 = arith.constant 2 : i32
      %mul3A_365 = vector.broadcast %mul3A_364 : i32 to vector<16xi32>
      %mul3A_366 = arith.muli %get3A_363, %mul3A_365 : vector<16xi32>
      %add3A_367 = arith.addi %mul3A_360, %mul3A_366 : vector<16xi32>
      %get3A_368 = arith.constant 32 : index
      %get3A_369 = tpu.vector_load %arg10[%get3A_368] {strides = array<i32>} : memref<128xi32, #tpu.memory_space<vmem>>, vector<16xi32>,
      %get3A_370 = vector.shape_cast %get3A_369 : vector<16xi32> to vector<16xi32>
      %add3A_371 = arith.addi %add3A_367, %get3A_370 : vector<16xi32>
      %max3A_372 = arith.constant 0 : i32
      %max3A_373 = vector.broadcast %max3A_372 : i32 to vector<16xi32>
      %max3A_374 = arith.maxsi %add3A_371, %max3A_373 : vector<16xi32>
      %min3A_375 = arith.constant 59 : i32
      %min3A_376 = vector.broadcast %min3A_375 : i32 to vector<16xi32>
      %min3A_377 = arith.minsi %max3A_374, %min3A_376 : vector<16xi32>
      %swap3A_378 = arith.constant 32 : index
      %swap3A_379 = tpu.vector_load %arg17[%swap3A_378] {strides = array<i32>} : memref<128xi32, #tpu.memory_space<vmem>>, vector<16xi32>,
      %swap3A_380 = vector.shape_cast %swap3A_379 : vector<16xi32> to vector<16xi32>
      %swap3A_381 = vector.shape_cast %min3A_377 : vector<16xi32> to vector<16xi32>
      tpu.vector_store %arg17[%swap3A_378], %swap3A_381 {strides = array<i32>} : memref<128xi32, #tpu.memory_space<vmem>>, vector<16xi32>,
      %get3A_382 = arith.constant 48 : index
      %get3A_383 = tpu.vector_load %arg8[%get3A_382] {strides = array<i32>} : memref<128xi32, #tpu.memory_space<vmem>>, vector<16xi32>,
      %get3A_384 = vector.shape_cast %get3A_383 : vector<16xi32> to vector<16xi32>
      %mul3A_385 = arith.constant 12 : i32
      %mul3A_386 = vector.broadcast %mul3A_385 : i32 to vector<16xi32>
      %mul3A_387 = arith.muli %get3A_384, %mul3A_386 : vector<16xi32>
      %get3A_388 = arith.constant 48 : index
      %get3A_389 = tpu.vector_load %arg9[%get3A_388] {strides = array<i32>} : memref<128xi32, #tpu.memory_space<vmem>>, vector<16xi32>,
      %get3A_390 = vector.shape_cast %get3A_389 : vector<16xi32> to vector<16xi32>
      %mul3A_391 = arith.constant 2 : i32
      %mul3A_392 = vector.broadcast %mul3A_391 : i32 to vector<16xi32>
      %mul3A_393 = arith.muli %get3A_390, %mul3A_392 : vector<16xi32>
      %add3A_394 = arith.addi %mul3A_387, %mul3A_393 : vector<16xi32>
      %get3A_395 = arith.constant 48 : index
      %get3A_396 = tpu.vector_load %arg10[%get3A_395] {strides = array<i32>} : memref<128xi32, #tpu.memory_space<vmem>>, vector<16xi32>,
      %get3A_397 = vector.shape_cast %get3A_396 : vector<16xi32> to vector<16xi32>
      %add3A_398 = arith.addi %add3A_394, %get3A_397 : vector<16xi32>
      %max3A_399 = arith.constant 0 : i32
      %max3A_400 = vector.broadcast %max3A_399 : i32 to vector<16xi32>
      %max3A_401 = arith.maxsi %add3A_398, %max3A_400 : vector<16xi32>
      %min3A_402 = arith.constant 59 : i32
      %min3A_403 = vector.broadcast %min3A_402 : i32 to vector<16xi32>
      %min3A_404 = arith.minsi %max3A_401, %min3A_403 : vector<16xi32>
      %swap3A_405 = arith.constant 48 : index
      %swap3A_406 = tpu.vector_load %arg17[%swap3A_405] {strides = array<i32>} : memref<128xi32, #tpu.memory_space<vmem>>, vector<16xi32>,
      %swap3A_407 = vector.shape_cast %swap3A_406 : vector<16xi32> to vector<16xi32>
      %swap3A_408 = vector.shape_cast %min3A_404 : vector<16xi32> to vector<16xi32>
      tpu.vector_store %arg17[%swap3A_405], %swap3A_408 {strides = array<i32>} : memref<128xi32, #tpu.memory_space<vmem>>, vector<16xi32>,
      %get3A_409 = arith.constant 64 : index
      %get3A_410 = tpu.vector_load %arg8[%get3A_409] {strides = array<i32>} : memref<128xi32, #tpu.memory_space<vmem>>, vector<16xi32>,
      %get3A_411 = vector.shape_cast %get3A_410 : vector<16xi32> to vector<16xi32>
      %mul3A_412 = arith.constant 12 : i32
      %mul3A_413 = vector.broadcast %mul3A_412 : i32 to vector<16xi32>
      %mul3A_414 = arith.muli %get3A_411, %mul3A_413 : vector<16xi32>
      %get3A_415 = arith.constant 64 : index
      %get3A_416 = tpu.vector_load %arg9[%get3A_415] {strides = array<i32>} : memref<128xi32, #tpu.memory_space<vmem>>, vector<16xi32>,
      %get3A_417 = vector.shape_cast %get3A_416 : vector<16xi32> to vector<16xi32>
      %mul3A_418 = arith.constant 2 : i32
      %mul3A_419 = vector.broadcast %mul3A_418 : i32 to vector<16xi32>
      %mul3A_420 = arith.muli %get3A_417, %mul3A_419 : vector<16xi32>
      %add3A_421 = arith.addi %mul3A_414, %mul3A_420 : vector<16xi32>
      %get3A_422 = arith.constant 64 : index
      %get3A_423 = tpu.vector_load %arg10[%get3A_422] {strides = array<i32>} : memref<128xi32, #tpu.memory_space<vmem>>, vector<16xi32>,
      %get3A_424 = vector.shape_cast %get3A_423 : vector<16xi32> to vector<16xi32>
      %add3A_425 = arith.addi %add3A_421, %get3A_424 : vector<16xi32>
      %max3A_426 = arith.constant 0 : i32
      %max3A_427 = vector.broadcast %max3A_426 : i32 to vector<16xi32>
      %max3A_428 = arith.maxsi %add3A_425, %max3A_427 : vector<16xi32>
      %min3A_429 = arith.constant 59 : i32
      %min3A_430 = vector.broadcast %min3A_429 : i32 to vector<16xi32>
      %min3A_431 = arith.minsi %max3A_428, %min3A_430 : vector<16xi32>
      %swap3A_432 = arith.constant 64 : index
      %swap3A_433 = tpu.vector_load %arg17[%swap3A_432] {strides = array<i32>} : memref<128xi32, #tpu.memory_space<vmem>>, vector<16xi32>,
      %swap3A_434 = vector.shape_cast %swap3A_433 : vector<16xi32> to vector<16xi32>
      %swap3A_435 = vector.shape_cast %min3A_431 : vector<16xi32> to vector<16xi32>
      tpu.vector_store %arg17[%swap3A_432], %swap3A_435 {strides = array<i32>} : memref<128xi32, #tpu.memory_space<vmem>>, vector<16xi32>,
      %get3A_436 = arith.constant 80 : index
      %get3A_437 = tpu.vector_load %arg8[%get3A_436] {strides = array<i32>} : memref<128xi32, #tpu.memory_space<vmem>>, vector<16xi32>,
      %get3A_438 = vector.shape_cast %get3A_437 : vector<16xi32> to vector<16xi32>
      %mul3A_439 = arith.constant 12 : i32
      %mul3A_440 = vector.broadcast %mul3A_439 : i32 to vector<16xi32>
      %mul3A_441 = arith.muli %get3A_438, %mul3A_440 : vector<16xi32>
      %get3A_442 = arith.constant 80 : index
      %get3A_443 = tpu.vector_load %arg9[%get3A_442] {strides = array<i32>} : memref<128xi32, #tpu.memory_space<vmem>>, vector<16xi32>,
      %get3A_444 = vector.shape_cast %get3A_443 : vector<16xi32> to vector<16xi32>
      %mul3A_445 = arith.constant 2 : i32
      %mul3A_446 = vector.broadcast %mul3A_445 : i32 to vector<16xi32>
      %mul3A_447 = arith.muli %get3A_444, %mul3A_446 : vector<16xi32>
      %add3A_448 = arith.addi %mul3A_441, %mul3A_447 : vector<16xi32>
      %get3A_449 = arith.constant 80 : index
      %get3A_450 = tpu.vector_load %arg10[%get3A_449] {strides = array<i32>} : memref<128xi32, #tpu.memory_space<vmem>>, vector<16xi32>,
      %get3A_451 = vector.shape_cast %get3A_450 : vector<16xi32> to vector<16xi32>
      %add3A_452 = arith.addi %add3A_448, %get3A_451 : vector<16xi32>
      %max3A_453 = arith.constant 0 : i32
      %max3A_454 = vector.broadcast %max3A_453 : i32 to vector<16xi32>
      %max3A_455 = arith.maxsi %add3A_452, %max3A_454 : vector<16xi32>
      %min3A_456 = arith.constant 59 : i32
      %min3A_457 = vector.broadcast %min3A_456 : i32 to vector<16xi32>
      %min3A_458 = arith.minsi %max3A_455, %min3A_457 : vector<16xi32>
      %swap3A_459 = arith.constant 80 : index
      %swap3A_460 = tpu.vector_load %arg17[%swap3A_459] {strides = array<i32>} : memref<128xi32, #tpu.memory_space<vmem>>, vector<16xi32>,
      %swap3A_461 = vector.shape_cast %swap3A_460 : vector<16xi32> to vector<16xi32>
      %swap3A_462 = vector.shape_cast %min3A_458 : vector<16xi32> to vector<16xi32>
      tpu.vector_store %arg17[%swap3A_459], %swap3A_462 {strides = array<i32>} : memref<128xi32, #tpu.memory_space<vmem>>, vector<16xi32>,
      %get3A_463 = arith.constant 96 : index
      %get3A_464 = tpu.vector_load %arg8[%get3A_463] {strides = array<i32>} : memref<128xi32, #tpu.memory_space<vmem>>, vector<16xi32>,
      %get3A_465 = vector.shape_cast %get3A_464 : vector<16xi32> to vector<16xi32>
      %mul3A_466 = arith.constant 12 : i32
      %mul3A_467 = vector.broadcast %mul3A_466 : i32 to vector<16xi32>
      %mul3A_468 = arith.muli %get3A_465, %mul3A_467 : vector<16xi32>
      %get3A_469 = arith.constant 96 : index
      %get3A_470 = tpu.vector_load %arg9[%get3A_469] {strides = array<i32>} : memref<128xi32, #tpu.memory_space<vmem>>, vector<16xi32>,
      %get3A_471 = vector.shape_cast %get3A_470 : vector<16xi32> to vector<16xi32>
      %mul3A_472 = arith.constant 2 : i32
      %mul3A_473 = vector.broadcast %mul3A_472 : i32 to vector<16xi32>
      %mul3A_474 = arith.muli %get3A_471, %mul3A_473 : vector<16xi32>
      %add3A_475 = arith.addi %mul3A_468, %mul3A_474 : vector<16xi32>
      %get3A_476 = arith.constant 96 : index
      %get3A_477 = tpu.vector_load %arg10[%get3A_476] {strides = array<i32>} : memref<128xi32, #tpu.memory_space<vmem>>, vector<16xi32>,
      %get3A_478 = vector.shape_cast %get3A_477 : vector<16xi32> to vector<16xi32>
      %add3A_479 = arith.addi %add3A_475, %get3A_478 : vector<16xi32>
      %max3A_480 = arith.constant 0 : i32
      %max3A_481 = vector.broadcast %max3A_480 : i32 to vector<16xi32>
      %max3A_482 = arith.maxsi %add3A_479, %max3A_481 : vector<16xi32>
      %min3A_483 = arith.constant 59 : i32
      %min3A_484 = vector.broadcast %min3A_483 : i32 to vector<16xi32>
      %min3A_485 = arith.minsi %max3A_482, %min3A_484 : vector<16xi32>
      %swap3A_486 = arith.constant 96 : index
      %swap3A_487 = tpu.vector_load %arg17[%swap3A_486] {strides = array<i32>} : memref<128xi32, #tpu.memory_space<vmem>>, vector<16xi32>,
      %swap3A_488 = vector.shape_cast %swap3A_487 : vector<16xi32> to vector<16xi32>
      %swap3A_489 = vector.shape_cast %min3A_485 : vector<16xi32> to vector<16xi32>
      tpu.vector_store %arg17[%swap3A_486], %swap3A_489 {strides = array<i32>} : memref<128xi32, #tpu.memory_space<vmem>>, vector<16xi32>,
      %get3A_490 = arith.constant 112 : index
      %get3A_491 = tpu.vector_load %arg8[%get3A_490] {strides = array<i32>} : memref<128xi32, #tpu.memory_space<vmem>>, vector<16xi32>,
      %get3A_492 = vector.shape_cast %get3A_491 : vector<16xi32> to vector<16xi32>
      %mul3A_493 = arith.constant 12 : i32
      %mul3A_494 = vector.broadcast %mul3A_493 : i32 to vector<16xi32>
      %mul3A_495 = arith.muli %get3A_492, %mul3A_494 : vector<16xi32>
      %get3A_496 = arith.constant 112 : index
      %get3A_497 = tpu.vector_load %arg9[%get3A_496] {strides = array<i32>} : memref<128xi32, #tpu.memory_space<vmem>>, vector<16xi32>,
      %get3A_498 = vector.shape_cast %get3A_497 : vector<16xi32> to vector<16xi32>
      %mul3A_499 = arith.constant 2 : i32
      %mul3A_500 = vector.broadcast %mul3A_499 : i32 to vector<16xi32>
      %mul3A_501 = arith.muli %get3A_498, %mul3A_500 : vector<16xi32>
      %add3A_502 = arith.addi %mul3A_495, %mul3A_501 : vector<16xi32>
      %get3A_503 = arith.constant 112 : index
      %get3A_504 = tpu.vector_load %arg10[%get3A_503] {strides = array<i32>} : memref<128xi32, #tpu.memory_space<vmem>>, vector<16xi32>,
      %get3A_505 = vector.shape_cast %get3A_504 : vector<16xi32> to vector<16xi32>
      %add3A_506 = arith.addi %add3A_502, %get3A_505 : vector<16xi32>
      %max3A_507 = arith.constant 0 : i32
      %max3A_508 = vector.broadcast %max3A_507 : i32 to vector<16xi32>
      %max3A_509 = arith.maxsi %add3A_506, %max3A_508 : vector<16xi32>
      %min3A_510 = arith.constant 59 : i32
      %min3A_511 = vector.broadcast %min3A_510 : i32 to vector<16xi32>
      %min3A_512 = arith.minsi %max3A_509, %min3A_511 : vector<16xi32>
      %swap3A_513 = arith.constant 112 : index
      %swap3A_514 = tpu.vector_load %arg17[%swap3A_513] {strides = array<i32>} : memref<128xi32, #tpu.memory_space<vmem>>, vector<16xi32>,
      %swap3A_515 = vector.shape_cast %swap3A_514 : vector<16xi32> to vector<16xi32>
      %swap3A_516 = vector.shape_cast %min3A_512 : vector<16xi32> to vector<16xi32>
      tpu.vector_store %arg17[%swap3A_513], %swap3A_516 {strides = array<i32>} : memref<128xi32, #tpu.memory_space<vmem>>, vector<16xi32>,
      %dma_start3A_517 = arith.constant 0 : i32
      %dma_start3A_518 = arith.constant 0 : i32
      %dma_start3A_519 = tpu.memref_slice %arg7[%dma_start3A_517, %dma_start3A_518] : memref<60x128xf32, #tpu.memory_space<vmem_shared>> -> memref<60x128xf32, #tpu.memory_space<vmem_shared>>
      tpu.enqueue_indirect_dma source(%dma_start3A_519 : memref<60x128xf32, #tpu.memory_space<vmem_shared>>) target(%arg20 : memref<128x128xf32, #tpu.memory_space<vmem>>) offsets(%arg17 : memref<128xi32, #tpu.memory_space<vmem>>) semaphore(%arg29 : memref<!tpu.dma_semaphore, #tpu.memory_space<semaphore_mem>>)
      %ge3A_520 = arith.constant 1 : i32
      %ge3A_521 = arith.cmpi sge, %mul3A_294, %ge3A_520 : i32
      %convert_element_type3A_522 = arith.extui %ge3A_521 : i1 to i32
      %cond3A_523 = arith.constant 0 : i32
      %cond3A_524 = arith.cmpi ne, %convert_element_type3A_522, %cond3A_523 : i32
      scf.if %cond3A_524 {
        %sub3A = arith.constant 1 : i32
        %sub3A_1013 = arith.subi %mul3A_294, %sub3A : i32
        %dma_wait3A_1014 = arith.constant 0 : i32
        %dma_wait3A_1015 = arith.constant 0 : i32
        %dma_wait3A_1016 = tpu.memref_slice %arg7[%dma_wait3A_1014, %dma_wait3A_1015] : memref<60x128xf32, #tpu.memory_space<vmem_shared>> -> memref<60x128xf32, #tpu.memory_space<vmem_shared>>
        tpu.wait_indirect_dma semaphore(%arg31 : memref<!tpu.dma_semaphore, #tpu.memory_space<semaphore_mem>>) src(%dma_wait3A_1016 : memref<60x128xf32, #tpu.memory_space<vmem_shared>>) dst(%arg22 : memref<128x128xf32, #tpu.memory_space<vmem>>)
        %ge3A_1017 = arith.constant 3 : i32
        %ge3A_1018 = arith.cmpi sge, %sub3A_1013, %ge3A_1017 : i32
        %convert_element_type3A_1019 = arith.extui %ge3A_1018 : i1 to i32
        %cond3A_1020 = arith.constant 0 : i32
        %cond3A_1021 = arith.cmpi ne, %convert_element_type3A_1019, %cond3A_1020 : i32
        scf.if %cond3A_1021 {
          %dma_wait3A_1035 = arith.constant 0 : i32
          %dma_wait3A_1036 = tpu.memref_slice %arg6[%mul3A_2, %dma_wait3A_1035] : memref<800000x64xf32, #tpu.memory_space<hbm>> -> memref<128x64xf32, #tpu.memory_space<hbm>>
          %dma_wait3A_1037 = arith.constant 0 : i32
          %dma_wait3A_1038 = tpu.memref_slice %arg6[%mul3A_2, %dma_wait3A_1037] : memref<800000x64xf32, #tpu.memory_space<hbm>> -> memref<128x64xf32, #tpu.memory_space<hbm>>
          tpu.wait_dma2 semaphore(%arg34 : memref<!tpu.dma_semaphore, #tpu.memory_space<semaphore_mem>>) src(%arg25 : memref<128x64xf32, #tpu.memory_space<vmem>>) dst(%dma_wait3A_1038 : memref<128x64xf32, #tpu.memory_space<hbm>>)
        } else {
        }
        %scan3A_1022 = arith.constant 0 : i32
        %scan3A_1023 = arith.constant 0 : i32
        %scan3A_1024 = arith.constant 16 : i32
        %scan3A_1025 = arith.addi %scan3A_1023, %scan3A_1024 : i32
        %scan3A_1026 = arith.constant 1 : i32
        scf.for %scan3A_1035 = %scan3A_1023 to %scan3A_1025 step %scan3A_1026  : i32 {
          %mul3A_1036 = arith.constant 8 : i32
          %mul3A_1037 = arith.muli %scan3A_1035, %mul3A_1036 : i32
          %add3A_1038 = arith.constant 0 : i32
          %add3A_1039 = arith.addi %mul3A_1037, %add3A_1038 : i32
          %get3A_1040 = arith.index_cast %add3A_1039 : i32 to index
          %get3A_1041 = arith.constant 0 : index
          %get3A_1042 = tpu.vector_load %arg22[%get3A_1040, %get3A_1041] {strides = array<i32>} : memref<128x128xf32, #tpu.memory_space<vmem>>, vector<1x16xf32>,
          %get3A_1043 = vector.shape_cast %get3A_1042 : vector<1x16xf32> to vector<16xf32>
          %swap3A_1044 = arith.index_cast %add3A_1039 : i32 to index
          %swap3A_1045 = arith.constant 0 : index
          %swap3A_1046 = tpu.vector_load %arg25[%swap3A_1044, %swap3A_1045] {strides = array<i32>} : memref<128x64xf32, #tpu.memory_space<vmem>>, vector<1x16xf32>,
          %swap3A_1047 = vector.shape_cast %swap3A_1046 : vector<1x16xf32> to vector<16xf32>
          %swap3A_1048 = vector.shape_cast %get3A_1043 : vector<16xf32> to vector<1x16xf32>
          tpu.vector_store %arg25[%swap3A_1044, %swap3A_1045], %swap3A_1048 {strides = array<i32>} : memref<128x64xf32, #tpu.memory_space<vmem>>, vector<1x16xf32>,
          %get3A_1049 = arith.index_cast %add3A_1039 : i32 to index
          %get3A_1050 = arith.constant 16 : index
          %get3A_1051 = tpu.vector_load %arg22[%get3A_1049, %get3A_1050] {strides = array<i32>} : memref<128x128xf32, #tpu.memory_space<vmem>>, vector<1x16xf32>,
          %get3A_1052 = vector.shape_cast %get3A_1051 : vector<1x16xf32> to vector<16xf32>
          %swap3A_1053 = arith.index_cast %add3A_1039 : i32 to index
          %swap3A_1054 = arith.constant 16 : index
          %swap3A_1055 = tpu.vector_load %arg25[%swap3A_1053, %swap3A_1054] {strides = array<i32>} : memref<128x64xf32, #tpu.memory_space<vmem>>, vector<1x16xf32>,
          %swap3A_1056 = vector.shape_cast %swap3A_1055 : vector<1x16xf32> to vector<16xf32>
          %swap3A_1057 = vector.shape_cast %get3A_1052 : vector<16xf32> to vector<1x16xf32>
          tpu.vector_store %arg25[%swap3A_1053, %swap3A_1054], %swap3A_1057 {strides = array<i32>} : memref<128x64xf32, #tpu.memory_space<vmem>>, vector<1x16xf32>,
          %get3A_1058 = arith.index_cast %add3A_1039 : i32 to index
          %get3A_1059 = arith.constant 32 : index
          %get3A_1060 = tpu.vector_load %arg22[%get3A_1058, %get3A_1059] {strides = array<i32>} : memref<128x128xf32, #tpu.memory_space<vmem>>, vector<1x16xf32>,
          %get3A_1061 = vector.shape_cast %get3A_1060 : vector<1x16xf32> to vector<16xf32>
          %swap3A_1062 = arith.index_cast %add3A_1039 : i32 to index
          %swap3A_1063 = arith.constant 32 : index
          %swap3A_1064 = tpu.vector_load %arg25[%swap3A_1062, %swap3A_1063] {strides = array<i32>} : memref<128x64xf32, #tpu.memory_space<vmem>>, vector<1x16xf32>,
          %swap3A_1065 = vector.shape_cast %swap3A_1064 : vector<1x16xf32> to vector<16xf32>
          %swap3A_1066 = vector.shape_cast %get3A_1061 : vector<16xf32> to vector<1x16xf32>
          tpu.vector_store %arg25[%swap3A_1062, %swap3A_1063], %swap3A_1066 {strides = array<i32>} : memref<128x64xf32, #tpu.memory_space<vmem>>, vector<1x16xf32>,
          %get3A_1067 = arith.index_cast %add3A_1039 : i32 to index
          %get3A_1068 = arith.constant 48 : index
          %get3A_1069 = tpu.vector_load %arg22[%get3A_1067, %get3A_1068] {strides = array<i32>} : memref<128x128xf32, #tpu.memory_space<vmem>>, vector<1x16xf32>,
          %get3A_1070 = vector.shape_cast %get3A_1069 : vector<1x16xf32> to vector<16xf32>
          %swap3A_1071 = arith.index_cast %add3A_1039 : i32 to index
          %swap3A_1072 = arith.constant 48 : index
          %swap3A_1073 = tpu.vector_load %arg25[%swap3A_1071, %swap3A_1072] {strides = array<i32>} : memref<128x64xf32, #tpu.memory_space<vmem>>, vector<1x16xf32>,
          %swap3A_1074 = vector.shape_cast %swap3A_1073 : vector<1x16xf32> to vector<16xf32>
          %swap3A_1075 = vector.shape_cast %get3A_1070 : vector<16xf32> to vector<1x16xf32>
          tpu.vector_store %arg25[%swap3A_1071, %swap3A_1072], %swap3A_1075 {strides = array<i32>} : memref<128x64xf32, #tpu.memory_space<vmem>>, vector<1x16xf32>,
          %mul3A_1076 = arith.constant 8 : i32
          %mul3A_1077 = arith.muli %scan3A_1035, %mul3A_1076 : i32
          %add3A_1078 = arith.constant 1 : i32
          %add3A_1079 = arith.addi %mul3A_1077, %add3A_1078 : i32
          %get3A_1080 = arith.index_cast %add3A_1079 : i32 to index
          %get3A_1081 = arith.constant 0 : index
          %get3A_1082 = tpu.vector_load %arg22[%get3A_1080, %get3A_1081] {strides = array<i32>} : memref<128x128xf32, #tpu.memory_space<vmem>>, vector<1x16xf32>,
          %get3A_1083 = vector.shape_cast %get3A_1082 : vector<1x16xf32> to vector<16xf32>
          %swap3A_1084 = arith.index_cast %add3A_1079 : i32 to index
          %swap3A_1085 = arith.constant 0 : index
          %swap3A_1086 = tpu.vector_load %arg25[%swap3A_1084, %swap3A_1085] {strides = array<i32>} : memref<128x64xf32, #tpu.memory_space<vmem>>, vector<1x16xf32>,
          %swap3A_1087 = vector.shape_cast %swap3A_1086 : vector<1x16xf32> to vector<16xf32>
          %swap3A_1088 = vector.shape_cast %get3A_1083 : vector<16xf32> to vector<1x16xf32>
          tpu.vector_store %arg25[%swap3A_1084, %swap3A_1085], %swap3A_1088 {strides = array<i32>} : memref<128x64xf32, #tpu.memory_space<vmem>>, vector<1x16xf32>,
          %get3A_1089 = arith.index_cast %add3A_1079 : i32 to index
          %get3A_1090 = arith.constant 16 : index
          %get3A_1091 = tpu.vector_load %arg22[%get3A_1089, %get3A_1090] {strides = array<i32>} : memref<128x128xf32, #tpu.memory_space<vmem>>, vector<1x16xf32>,
          %get3A_1092 = vector.shape_cast %get3A_1091 : vector<1x16xf32> to vector<16xf32>
          %swap3A_1093 = arith.index_cast %add3A_1079 : i32 to index
          %swap3A_1094 = arith.constant 16 : index
          %swap3A_1095 = tpu.vector_load %arg25[%swap3A_1093, %swap3A_1094] {strides = array<i32>} : memref<128x64xf32, #tpu.memory_space<vmem>>, vector<1x16xf32>,
          %swap3A_1096 = vector.shape_cast %swap3A_1095 : vector<1x16xf32> to vector<16xf32>
          %swap3A_1097 = vector.shape_cast %get3A_1092 : vector<16xf32> to vector<1x16xf32>
          tpu.vector_store %arg25[%swap3A_1093, %swap3A_1094], %swap3A_1097 {strides = array<i32>} : memref<128x64xf32, #tpu.memory_space<vmem>>, vector<1x16xf32>,
          %get3A_1098 = arith.index_cast %add3A_1079 : i32 to index
          %get3A_1099 = arith.constant 32 : index
          %get3A_1100 = tpu.vector_load %arg22[%get3A_1098, %get3A_1099] {strides = array<i32>} : memref<128x128xf32, #tpu.memory_space<vmem>>, vector<1x16xf32>,
          %get3A_1101 = vector.shape_cast %get3A_1100 : vector<1x16xf32> to vector<16xf32>
          %swap3A_1102 = arith.index_cast %add3A_1079 : i32 to index
          %swap3A_1103 = arith.constant 32 : index
          %swap3A_1104 = tpu.vector_load %arg25[%swap3A_1102, %swap3A_1103] {strides = array<i32>} : memref<128x64xf32, #tpu.memory_space<vmem>>, vector<1x16xf32>,
          %swap3A_1105 = vector.shape_cast %swap3A_1104 : vector<1x16xf32> to vector<16xf32>
          %swap3A_1106 = vector.shape_cast %get3A_1101 : vector<16xf32> to vector<1x16xf32>
          tpu.vector_store %arg25[%swap3A_1102, %swap3A_1103], %swap3A_1106 {strides = array<i32>} : memref<128x64xf32, #tpu.memory_space<vmem>>, vector<1x16xf32>,
          %get3A_1107 = arith.index_cast %add3A_1079 : i32 to index
          %get3A_1108 = arith.constant 48 : index
          %get3A_1109 = tpu.vector_load %arg22[%get3A_1107, %get3A_1108] {strides = array<i32>} : memref<128x128xf32, #tpu.memory_space<vmem>>, vector<1x16xf32>,
          %get3A_1110 = vector.shape_cast %get3A_1109 : vector<1x16xf32> to vector<16xf32>
          %swap3A_1111 = arith.index_cast %add3A_1079 : i32 to index
          %swap3A_1112 = arith.constant 48 : index
          %swap3A_1113 = tpu.vector_load %arg25[%swap3A_1111, %swap3A_1112] {strides = array<i32>} : memref<128x64xf32, #tpu.memory_space<vmem>>, vector<1x16xf32>,
          %swap3A_1114 = vector.shape_cast %swap3A_1113 : vector<1x16xf32> to vector<16xf32>
          %swap3A_1115 = vector.shape_cast %get3A_1110 : vector<16xf32> to vector<1x16xf32>
          tpu.vector_store %arg25[%swap3A_1111, %swap3A_1112], %swap3A_1115 {strides = array<i32>} : memref<128x64xf32, #tpu.memory_space<vmem>>, vector<1x16xf32>,
          %mul3A_1116 = arith.constant 8 : i32
          %mul3A_1117 = arith.muli %scan3A_1035, %mul3A_1116 : i32
          %add3A_1118 = arith.constant 2 : i32
          %add3A_1119 = arith.addi %mul3A_1117, %add3A_1118 : i32
          %get3A_1120 = arith.index_cast %add3A_1119 : i32 to index
          %get3A_1121 = arith.constant 0 : index
          %get3A_1122 = tpu.vector_load %arg22[%get3A_1120, %get3A_1121] {strides = array<i32>} : memref<128x128xf32, #tpu.memory_space<vmem>>, vector<1x16xf32>,
          %get3A_1123 = vector.shape_cast %get3A_1122 : vector<1x16xf32> to vector<16xf32>
          %swap3A_1124 = arith.index_cast %add3A_1119 : i32 to index
          %swap3A_1125 = arith.constant 0 : index
          %swap3A_1126 = tpu.vector_load %arg25[%swap3A_1124, %swap3A_1125] {strides = array<i32>} : memref<128x64xf32, #tpu.memory_space<vmem>>, vector<1x16xf32>,
          %swap3A_1127 = vector.shape_cast %swap3A_1126 : vector<1x16xf32> to vector<16xf32>
          %swap3A_1128 = vector.shape_cast %get3A_1123 : vector<16xf32> to vector<1x16xf32>
          tpu.vector_store %arg25[%swap3A_1124, %swap3A_1125], %swap3A_1128 {strides = array<i32>} : memref<128x64xf32, #tpu.memory_space<vmem>>, vector<1x16xf32>,
          %get3A_1129 = arith.index_cast %add3A_1119 : i32 to index
          %get3A_1130 = arith.constant 16 : index
          %get3A_1131 = tpu.vector_load %arg22[%get3A_1129, %get3A_1130] {strides = array<i32>} : memref<128x128xf32, #tpu.memory_space<vmem>>, vector<1x16xf32>,
          %get3A_1132 = vector.shape_cast %get3A_1131 : vector<1x16xf32> to vector<16xf32>
          %swap3A_1133 = arith.index_cast %add3A_1119 : i32 to index
          %swap3A_1134 = arith.constant 16 : index
          %swap3A_1135 = tpu.vector_load %arg25[%swap3A_1133, %swap3A_1134] {strides = array<i32>} : memref<128x64xf32, #tpu.memory_space<vmem>>, vector<1x16xf32>,
          %swap3A_1136 = vector.shape_cast %swap3A_1135 : vector<1x16xf32> to vector<16xf32>
          %swap3A_1137 = vector.shape_cast %get3A_1132 : vector<16xf32> to vector<1x16xf32>
          tpu.vector_store %arg25[%swap3A_1133, %swap3A_1134], %swap3A_1137 {strides = array<i32>} : memref<128x64xf32, #tpu.memory_space<vmem>>, vector<1x16xf32>,
          %get3A_1138 = arith.index_cast %add3A_1119 : i32 to index
          %get3A_1139 = arith.constant 32 : index
          %get3A_1140 = tpu.vector_load %arg22[%get3A_1138, %get3A_1139] {strides = array<i32>} : memref<128x128xf32, #tpu.memory_space<vmem>>, vector<1x16xf32>,
          %get3A_1141 = vector.shape_cast %get3A_1140 : vector<1x16xf32> to vector<16xf32>
          %swap3A_1142 = arith.index_cast %add3A_1119 : i32 to index
          %swap3A_1143 = arith.constant 32 : index
          %swap3A_1144 = tpu.vector_load %arg25[%swap3A_1142, %swap3A_1143] {strides = array<i32>} : memref<128x64xf32, #tpu.memory_space<vmem>>, vector<1x16xf32>,
          %swap3A_1145 = vector.shape_cast %swap3A_1144 : vector<1x16xf32> to vector<16xf32>
          %swap3A_1146 = vector.shape_cast %get3A_1141 : vector<16xf32> to vector<1x16xf32>
          tpu.vector_store %arg25[%swap3A_1142, %swap3A_1143], %swap3A_1146 {strides = array<i32>} : memref<128x64xf32, #tpu.memory_space<vmem>>, vector<1x16xf32>,
          %get3A_1147 = arith.index_cast %add3A_1119 : i32 to index
          %get3A_1148 = arith.constant 48 : index
          %get3A_1149 = tpu.vector_load %arg22[%get3A_1147, %get3A_1148] {strides = array<i32>} : memref<128x128xf32, #tpu.memory_space<vmem>>, vector<1x16xf32>,
          %get3A_1150 = vector.shape_cast %get3A_1149 : vector<1x16xf32> to vector<16xf32>
          %swap3A_1151 = arith.index_cast %add3A_1119 : i32 to index
          %swap3A_1152 = arith.constant 48 : index
          %swap3A_1153 = tpu.vector_load %arg25[%swap3A_1151, %swap3A_1152] {strides = array<i32>} : memref<128x64xf32, #tpu.memory_space<vmem>>, vector<1x16xf32>,
          %swap3A_1154 = vector.shape_cast %swap3A_1153 : vector<1x16xf32> to vector<16xf32>
          %swap3A_1155 = vector.shape_cast %get3A_1150 : vector<16xf32> to vector<1x16xf32>
          tpu.vector_store %arg25[%swap3A_1151, %swap3A_1152], %swap3A_1155 {strides = array<i32>} : memref<128x64xf32, #tpu.memory_space<vmem>>, vector<1x16xf32>,
          %mul3A_1156 = arith.constant 8 : i32
          %mul3A_1157 = arith.muli %scan3A_1035, %mul3A_1156 : i32
          %add3A_1158 = arith.constant 3 : i32
          %add3A_1159 = arith.addi %mul3A_1157, %add3A_1158 : i32
          %get3A_1160 = arith.index_cast %add3A_1159 : i32 to index
          %get3A_1161 = arith.constant 0 : index
          %get3A_1162 = tpu.vector_load %arg22[%get3A_1160, %get3A_1161] {strides = array<i32>} : memref<128x128xf32, #tpu.memory_space<vmem>>, vector<1x16xf32>,
          %get3A_1163 = vector.shape_cast %get3A_1162 : vector<1x16xf32> to vector<16xf32>
          %swap3A_1164 = arith.index_cast %add3A_1159 : i32 to index
          %swap3A_1165 = arith.constant 0 : index
          %swap3A_1166 = tpu.vector_load %arg25[%swap3A_1164, %swap3A_1165] {strides = array<i32>} : memref<128x64xf32, #tpu.memory_space<vmem>>, vector<1x16xf32>,
          %swap3A_1167 = vector.shape_cast %swap3A_1166 : vector<1x16xf32> to vector<16xf32>
          %swap3A_1168 = vector.shape_cast %get3A_1163 : vector<16xf32> to vector<1x16xf32>
          tpu.vector_store %arg25[%swap3A_1164, %swap3A_1165], %swap3A_1168 {strides = array<i32>} : memref<128x64xf32, #tpu.memory_space<vmem>>, vector<1x16xf32>,
          %get3A_1169 = arith.index_cast %add3A_1159 : i32 to index
          %get3A_1170 = arith.constant 16 : index
          %get3A_1171 = tpu.vector_load %arg22[%get3A_1169, %get3A_1170] {strides = array<i32>} : memref<128x128xf32, #tpu.memory_space<vmem>>, vector<1x16xf32>,
          %get3A_1172 = vector.shape_cast %get3A_1171 : vector<1x16xf32> to vector<16xf32>
          %swap3A_1173 = arith.index_cast %add3A_1159 : i32 to index
          %swap3A_1174 = arith.constant 16 : index
          %swap3A_1175 = tpu.vector_load %arg25[%swap3A_1173, %swap3A_1174] {strides = array<i32>} : memref<128x64xf32, #tpu.memory_space<vmem>>, vector<1x16xf32>,
          %swap3A_1176 = vector.shape_cast %swap3A_1175 : vector<1x16xf32> to vector<16xf32>
          %swap3A_1177 = vector.shape_cast %get3A_1172 : vector<16xf32> to vector<1x16xf32>
          tpu.vector_store %arg25[%swap3A_1173, %swap3A_1174], %swap3A_1177 {strides = array<i32>} : memref<128x64xf32, #tpu.memory_space<vmem>>, vector<1x16xf32>,
          %get3A_1178 = arith.index_cast %add3A_1159 : i32 to index
          %get3A_1179 = arith.constant 32 : index
          %get3A_1180 = tpu.vector_load %arg22[%get3A_1178, %get3A_1179] {strides = array<i32>} : memref<128x128xf32, #tpu.memory_space<vmem>>, vector<1x16xf32>,
          %get3A_1181 = vector.shape_cast %get3A_1180 : vector<1x16xf32> to vector<16xf32>
          %swap3A_1182 = arith.index_cast %add3A_1159 : i32 to index
          %swap3A_1183 = arith.constant 32 : index
          %swap3A_1184 = tpu.vector_load %arg25[%swap3A_1182, %swap3A_1183] {strides = array<i32>} : memref<128x64xf32, #tpu.memory_space<vmem>>, vector<1x16xf32>,
          %swap3A_1185 = vector.shape_cast %swap3A_1184 : vector<1x16xf32> to vector<16xf32>
          %swap3A_1186 = vector.shape_cast %get3A_1181 : vector<16xf32> to vector<1x16xf32>
          tpu.vector_store %arg25[%swap3A_1182, %swap3A_1183], %swap3A_1186 {strides = array<i32>} : memref<128x64xf32, #tpu.memory_space<vmem>>, vector<1x16xf32>,
          %get3A_1187 = arith.index_cast %add3A_1159 : i32 to index
          %get3A_1188 = arith.constant 48 : index
          %get3A_1189 = tpu.vector_load %arg22[%get3A_1187, %get3A_1188] {strides = array<i32>} : memref<128x128xf32, #tpu.memory_space<vmem>>, vector<1x16xf32>,
          %get3A_1190 = vector.shape_cast %get3A_1189 : vector<1x16xf32> to vector<16xf32>
          %swap3A_1191 = arith.index_cast %add3A_1159 : i32 to index
          %swap3A_1192 = arith.constant 48 : index
          %swap3A_1193 = tpu.vector_load %arg25[%swap3A_1191, %swap3A_1192] {strides = array<i32>} : memref<128x64xf32, #tpu.memory_space<vmem>>, vector<1x16xf32>,
          %swap3A_1194 = vector.shape_cast %swap3A_1193 : vector<1x16xf32> to vector<16xf32>
          %swap3A_1195 = vector.shape_cast %get3A_1190 : vector<16xf32> to vector<1x16xf32>
          tpu.vector_store %arg25[%swap3A_1191, %swap3A_1192], %swap3A_1195 {strides = array<i32>} : memref<128x64xf32, #tpu.memory_space<vmem>>, vector<1x16xf32>,
          %mul3A_1196 = arith.constant 8 : i32
          %mul3A_1197 = arith.muli %scan3A_1035, %mul3A_1196 : i32
          %add3A_1198 = arith.constant 4 : i32
          %add3A_1199 = arith.addi %mul3A_1197, %add3A_1198 : i32
          %get3A_1200 = arith.index_cast %add3A_1199 : i32 to index
          %get3A_1201 = arith.constant 0 : index
          %get3A_1202 = tpu.vector_load %arg22[%get3A_1200, %get3A_1201] {strides = array<i32>} : memref<128x128xf32, #tpu.memory_space<vmem>>, vector<1x16xf32>,
          %get3A_1203 = vector.shape_cast %get3A_1202 : vector<1x16xf32> to vector<16xf32>
          %swap3A_1204 = arith.index_cast %add3A_1199 : i32 to index
          %swap3A_1205 = arith.constant 0 : index
          %swap3A_1206 = tpu.vector_load %arg25[%swap3A_1204, %swap3A_1205] {strides = array<i32>} : memref<128x64xf32, #tpu.memory_space<vmem>>, vector<1x16xf32>,
          %swap3A_1207 = vector.shape_cast %swap3A_1206 : vector<1x16xf32> to vector<16xf32>
          %swap3A_1208 = vector.shape_cast %get3A_1203 : vector<16xf32> to vector<1x16xf32>
          tpu.vector_store %arg25[%swap3A_1204, %swap3A_1205], %swap3A_1208 {strides = array<i32>} : memref<128x64xf32, #tpu.memory_space<vmem>>, vector<1x16xf32>,
          %get3A_1209 = arith.index_cast %add3A_1199 : i32 to index
          %get3A_1210 = arith.constant 16 : index
          %get3A_1211 = tpu.vector_load %arg22[%get3A_1209, %get3A_1210] {strides = array<i32>} : memref<128x128xf32, #tpu.memory_space<vmem>>, vector<1x16xf32>,
          %get3A_1212 = vector.shape_cast %get3A_1211 : vector<1x16xf32> to vector<16xf32>
          %swap3A_1213 = arith.index_cast %add3A_1199 : i32 to index
          %swap3A_1214 = arith.constant 16 : index
          %swap3A_1215 = tpu.vector_load %arg25[%swap3A_1213, %swap3A_1214] {strides = array<i32>} : memref<128x64xf32, #tpu.memory_space<vmem>>, vector<1x16xf32>,
          %swap3A_1216 = vector.shape_cast %swap3A_1215 : vector<1x16xf32> to vector<16xf32>
          %swap3A_1217 = vector.shape_cast %get3A_1212 : vector<16xf32> to vector<1x16xf32>
          tpu.vector_store %arg25[%swap3A_1213, %swap3A_1214], %swap3A_1217 {strides = array<i32>} : memref<128x64xf32, #tpu.memory_space<vmem>>, vector<1x16xf32>,
          %get3A_1218 = arith.index_cast %add3A_1199 : i32 to index
          %get3A_1219 = arith.constant 32 : index
          %get3A_1220 = tpu.vector_load %arg22[%get3A_1218, %get3A_1219] {strides = array<i32>} : memref<128x128xf32, #tpu.memory_space<vmem>>, vector<1x16xf32>,
          %get3A_1221 = vector.shape_cast %get3A_1220 : vector<1x16xf32> to vector<16xf32>
          %swap3A_1222 = arith.index_cast %add3A_1199 : i32 to index
          %swap3A_1223 = arith.constant 32 : index
          %swap3A_1224 = tpu.vector_load %arg25[%swap3A_1222, %swap3A_1223] {strides = array<i32>} : memref<128x64xf32, #tpu.memory_space<vmem>>, vector<1x16xf32>,
          %swap3A_1225 = vector.shape_cast %swap3A_1224 : vector<1x16xf32> to vector<16xf32>
          %swap3A_1226 = vector.shape_cast %get3A_1221 : vector<16xf32> to vector<1x16xf32>
          tpu.vector_store %arg25[%swap3A_1222, %swap3A_1223], %swap3A_1226 {strides = array<i32>} : memref<128x64xf32, #tpu.memory_space<vmem>>, vector<1x16xf32>,
          %get3A_1227 = arith.index_cast %add3A_1199 : i32 to index
          %get3A_1228 = arith.constant 48 : index
          %get3A_1229 = tpu.vector_load %arg22[%get3A_1227, %get3A_1228] {strides = array<i32>} : memref<128x128xf32, #tpu.memory_space<vmem>>, vector<1x16xf32>,
          %get3A_1230 = vector.shape_cast %get3A_1229 : vector<1x16xf32> to vector<16xf32>
          %swap3A_1231 = arith.index_cast %add3A_1199 : i32 to index
          %swap3A_1232 = arith.constant 48 : index
          %swap3A_1233 = tpu.vector_load %arg25[%swap3A_1231, %swap3A_1232] {strides = array<i32>} : memref<128x64xf32, #tpu.memory_space<vmem>>, vector<1x16xf32>,
          %swap3A_1234 = vector.shape_cast %swap3A_1233 : vector<1x16xf32> to vector<16xf32>
          %swap3A_1235 = vector.shape_cast %get3A_1230 : vector<16xf32> to vector<1x16xf32>
          tpu.vector_store %arg25[%swap3A_1231, %swap3A_1232], %swap3A_1235 {strides = array<i32>} : memref<128x64xf32, #tpu.memory_space<vmem>>, vector<1x16xf32>,
          %mul3A_1236 = arith.constant 8 : i32
          %mul3A_1237 = arith.muli %scan3A_1035, %mul3A_1236 : i32
          %add3A_1238 = arith.constant 5 : i32
          %add3A_1239 = arith.addi %mul3A_1237, %add3A_1238 : i32
          %get3A_1240 = arith.index_cast %add3A_1239 : i32 to index
          %get3A_1241 = arith.constant 0 : index
          %get3A_1242 = tpu.vector_load %arg22[%get3A_1240, %get3A_1241] {strides = array<i32>} : memref<128x128xf32, #tpu.memory_space<vmem>>, vector<1x16xf32>,
          %get3A_1243 = vector.shape_cast %get3A_1242 : vector<1x16xf32> to vector<16xf32>
          %swap3A_1244 = arith.index_cast %add3A_1239 : i32 to index
          %swap3A_1245 = arith.constant 0 : index
          %swap3A_1246 = tpu.vector_load %arg25[%swap3A_1244, %swap3A_1245] {strides = array<i32>} : memref<128x64xf32, #tpu.memory_space<vmem>>, vector<1x16xf32>,
          %swap3A_1247 = vector.shape_cast %swap3A_1246 : vector<1x16xf32> to vector<16xf32>
          %swap3A_1248 = vector.shape_cast %get3A_1243 : vector<16xf32> to vector<1x16xf32>
          tpu.vector_store %arg25[%swap3A_1244, %swap3A_1245], %swap3A_1248 {strides = array<i32>} : memref<128x64xf32, #tpu.memory_space<vmem>>, vector<1x16xf32>,
          %get3A_1249 = arith.index_cast %add3A_1239 : i32 to index
          %get3A_1250 = arith.constant 16 : index
          %get3A_1251 = tpu.vector_load %arg22[%get3A_1249, %get3A_1250] {strides = array<i32>} : memref<128x128xf32, #tpu.memory_space<vmem>>, vector<1x16xf32>,
          %get3A_1252 = vector.shape_cast %get3A_1251 : vector<1x16xf32> to vector<16xf32>
          %swap3A_1253 = arith.index_cast %add3A_1239 : i32 to index
          %swap3A_1254 = arith.constant 16 : index
          %swap3A_1255 = tpu.vector_load %arg25[%swap3A_1253, %swap3A_1254] {strides = array<i32>} : memref<128x64xf32, #tpu.memory_space<vmem>>, vector<1x16xf32>,
          %swap3A_1256 = vector.shape_cast %swap3A_1255 : vector<1x16xf32> to vector<16xf32>
          %swap3A_1257 = vector.shape_cast %get3A_1252 : vector<16xf32> to vector<1x16xf32>
          tpu.vector_store %arg25[%swap3A_1253, %swap3A_1254], %swap3A_1257 {strides = array<i32>} : memref<128x64xf32, #tpu.memory_space<vmem>>, vector<1x16xf32>,
          %get3A_1258 = arith.index_cast %add3A_1239 : i32 to index
          %get3A_1259 = arith.constant 32 : index
          %get3A_1260 = tpu.vector_load %arg22[%get3A_1258, %get3A_1259] {strides = array<i32>} : memref<128x128xf32, #tpu.memory_space<vmem>>, vector<1x16xf32>,
          %get3A_1261 = vector.shape_cast %get3A_1260 : vector<1x16xf32> to vector<16xf32>
          %swap3A_1262 = arith.index_cast %add3A_1239 : i32 to index
          %swap3A_1263 = arith.constant 32 : index
          %swap3A_1264 = tpu.vector_load %arg25[%swap3A_1262, %swap3A_1263] {strides = array<i32>} : memref<128x64xf32, #tpu.memory_space<vmem>>, vector<1x16xf32>,
          %swap3A_1265 = vector.shape_cast %swap3A_1264 : vector<1x16xf32> to vector<16xf32>
          %swap3A_1266 = vector.shape_cast %get3A_1261 : vector<16xf32> to vector<1x16xf32>
          tpu.vector_store %arg25[%swap3A_1262, %swap3A_1263], %swap3A_1266 {strides = array<i32>} : memref<128x64xf32, #tpu.memory_space<vmem>>, vector<1x16xf32>,
          %get3A_1267 = arith.index_cast %add3A_1239 : i32 to index
          %get3A_1268 = arith.constant 48 : index
          %get3A_1269 = tpu.vector_load %arg22[%get3A_1267, %get3A_1268] {strides = array<i32>} : memref<128x128xf32, #tpu.memory_space<vmem>>, vector<1x16xf32>,
          %get3A_1270 = vector.shape_cast %get3A_1269 : vector<1x16xf32> to vector<16xf32>
          %swap3A_1271 = arith.index_cast %add3A_1239 : i32 to index
          %swap3A_1272 = arith.constant 48 : index
          %swap3A_1273 = tpu.vector_load %arg25[%swap3A_1271, %swap3A_1272] {strides = array<i32>} : memref<128x64xf32, #tpu.memory_space<vmem>>, vector<1x16xf32>,
          %swap3A_1274 = vector.shape_cast %swap3A_1273 : vector<1x16xf32> to vector<16xf32>
          %swap3A_1275 = vector.shape_cast %get3A_1270 : vector<16xf32> to vector<1x16xf32>
          tpu.vector_store %arg25[%swap3A_1271, %swap3A_1272], %swap3A_1275 {strides = array<i32>} : memref<128x64xf32, #tpu.memory_space<vmem>>, vector<1x16xf32>,
          %mul3A_1276 = arith.constant 8 : i32
          %mul3A_1277 = arith.muli %scan3A_1035, %mul3A_1276 : i32
          %add3A_1278 = arith.constant 6 : i32
          %add3A_1279 = arith.addi %mul3A_1277, %add3A_1278 : i32
          %get3A_1280 = arith.index_cast %add3A_1279 : i32 to index
          %get3A_1281 = arith.constant 0 : index
          %get3A_1282 = tpu.vector_load %arg22[%get3A_1280, %get3A_1281] {strides = array<i32>} : memref<128x128xf32, #tpu.memory_space<vmem>>, vector<1x16xf32>,
          %get3A_1283 = vector.shape_cast %get3A_1282 : vector<1x16xf32> to vector<16xf32>
          %swap3A_1284 = arith.index_cast %add3A_1279 : i32 to index
          %swap3A_1285 = arith.constant 0 : index
          %swap3A_1286 = tpu.vector_load %arg25[%swap3A_1284, %swap3A_1285] {strides = array<i32>} : memref<128x64xf32, #tpu.memory_space<vmem>>, vector<1x16xf32>,
          %swap3A_1287 = vector.shape_cast %swap3A_1286 : vector<1x16xf32> to vector<16xf32>
          %swap3A_1288 = vector.shape_cast %get3A_1283 : vector<16xf32> to vector<1x16xf32>
          tpu.vector_store %arg25[%swap3A_1284, %swap3A_1285], %swap3A_1288 {strides = array<i32>} : memref<128x64xf32, #tpu.memory_space<vmem>>, vector<1x16xf32>,
          %get3A_1289 = arith.index_cast %add3A_1279 : i32 to index
          %get3A_1290 = arith.constant 16 : index
          %get3A_1291 = tpu.vector_load %arg22[%get3A_1289, %get3A_1290] {strides = array<i32>} : memref<128x128xf32, #tpu.memory_space<vmem>>, vector<1x16xf32>,
          %get3A_1292 = vector.shape_cast %get3A_1291 : vector<1x16xf32> to vector<16xf32>
          %swap3A_1293 = arith.index_cast %add3A_1279 : i32 to index
          %swap3A_1294 = arith.constant 16 : index
          %swap3A_1295 = tpu.vector_load %arg25[%swap3A_1293, %swap3A_1294] {strides = array<i32>} : memref<128x64xf32, #tpu.memory_space<vmem>>, vector<1x16xf32>,
          %swap3A_1296 = vector.shape_cast %swap3A_1295 : vector<1x16xf32> to vector<16xf32>
          %swap3A_1297 = vector.shape_cast %get3A_1292 : vector<16xf32> to vector<1x16xf32>
          tpu.vector_store %arg25[%swap3A_1293, %swap3A_1294], %swap3A_1297 {strides = array<i32>} : memref<128x64xf32, #tpu.memory_space<vmem>>, vector<1x16xf32>,
          %get3A_1298 = arith.index_cast %add3A_1279 : i32 to index
          %get3A_1299 = arith.constant 32 : index
          %get3A_1300 = tpu.vector_load %arg22[%get3A_1298, %get3A_1299] {strides = array<i32>} : memref<128x128xf32, #tpu.memory_space<vmem>>, vector<1x16xf32>,
          %get3A_1301 = vector.shape_cast %get3A_1300 : vector<1x16xf32> to vector<16xf32>
          %swap3A_1302 = arith.index_cast %add3A_1279 : i32 to index
          %swap3A_1303 = arith.constant 32 : index
          %swap3A_1304 = tpu.vector_load %arg25[%swap3A_1302, %swap3A_1303] {strides = array<i32>} : memref<128x64xf32, #tpu.memory_space<vmem>>, vector<1x16xf32>,
          %swap3A_1305 = vector.shape_cast %swap3A_1304 : vector<1x16xf32> to vector<16xf32>
          %swap3A_1306 = vector.shape_cast %get3A_1301 : vector<16xf32> to vector<1x16xf32>
          tpu.vector_store %arg25[%swap3A_1302, %swap3A_1303], %swap3A_1306 {strides = array<i32>} : memref<128x64xf32, #tpu.memory_space<vmem>>, vector<1x16xf32>,
          %get3A_1307 = arith.index_cast %add3A_1279 : i32 to index
          %get3A_1308 = arith.constant 48 : index
          %get3A_1309 = tpu.vector_load %arg22[%get3A_1307, %get3A_1308] {strides = array<i32>} : memref<128x128xf32, #tpu.memory_space<vmem>>, vector<1x16xf32>,
          %get3A_1310 = vector.shape_cast %get3A_1309 : vector<1x16xf32> to vector<16xf32>
          %swap3A_1311 = arith.index_cast %add3A_1279 : i32 to index
          %swap3A_1312 = arith.constant 48 : index
          %swap3A_1313 = tpu.vector_load %arg25[%swap3A_1311, %swap3A_1312] {strides = array<i32>} : memref<128x64xf32, #tpu.memory_space<vmem>>, vector<1x16xf32>,
          %swap3A_1314 = vector.shape_cast %swap3A_1313 : vector<1x16xf32> to vector<16xf32>
          %swap3A_1315 = vector.shape_cast %get3A_1310 : vector<16xf32> to vector<1x16xf32>
          tpu.vector_store %arg25[%swap3A_1311, %swap3A_1312], %swap3A_1315 {strides = array<i32>} : memref<128x64xf32, #tpu.memory_space<vmem>>, vector<1x16xf32>,
          %mul3A_1316 = arith.constant 8 : i32
          %mul3A_1317 = arith.muli %scan3A_1035, %mul3A_1316 : i32
          %add3A_1318 = arith.constant 7 : i32
          %add3A_1319 = arith.addi %mul3A_1317, %add3A_1318 : i32
          %get3A_1320 = arith.index_cast %add3A_1319 : i32 to index
          %get3A_1321 = arith.constant 0 : index
          %get3A_1322 = tpu.vector_load %arg22[%get3A_1320, %get3A_1321] {strides = array<i32>} : memref<128x128xf32, #tpu.memory_space<vmem>>, vector<1x16xf32>,
          %get3A_1323 = vector.shape_cast %get3A_1322 : vector<1x16xf32> to vector<16xf32>
          %swap3A_1324 = arith.index_cast %add3A_1319 : i32 to index
          %swap3A_1325 = arith.constant 0 : index
          %swap3A_1326 = tpu.vector_load %arg25[%swap3A_1324, %swap3A_1325] {strides = array<i32>} : memref<128x64xf32, #tpu.memory_space<vmem>>, vector<1x16xf32>,
          %swap3A_1327 = vector.shape_cast %swap3A_1326 : vector<1x16xf32> to vector<16xf32>
          %swap3A_1328 = vector.shape_cast %get3A_1323 : vector<16xf32> to vector<1x16xf32>
          tpu.vector_store %arg25[%swap3A_1324, %swap3A_1325], %swap3A_1328 {strides = array<i32>} : memref<128x64xf32, #tpu.memory_space<vmem>>, vector<1x16xf32>,
          %get3A_1329 = arith.index_cast %add3A_1319 : i32 to index
          %get3A_1330 = arith.constant 16 : index
          %get3A_1331 = tpu.vector_load %arg22[%get3A_1329, %get3A_1330] {strides = array<i32>} : memref<128x128xf32, #tpu.memory_space<vmem>>, vector<1x16xf32>,
          %get3A_1332 = vector.shape_cast %get3A_1331 : vector<1x16xf32> to vector<16xf32>
          %swap3A_1333 = arith.index_cast %add3A_1319 : i32 to index
          %swap3A_1334 = arith.constant 16 : index
          %swap3A_1335 = tpu.vector_load %arg25[%swap3A_1333, %swap3A_1334] {strides = array<i32>} : memref<128x64xf32, #tpu.memory_space<vmem>>, vector<1x16xf32>,
          %swap3A_1336 = vector.shape_cast %swap3A_1335 : vector<1x16xf32> to vector<16xf32>
          %swap3A_1337 = vector.shape_cast %get3A_1332 : vector<16xf32> to vector<1x16xf32>
          tpu.vector_store %arg25[%swap3A_1333, %swap3A_1334], %swap3A_1337 {strides = array<i32>} : memref<128x64xf32, #tpu.memory_space<vmem>>, vector<1x16xf32>,
          %get3A_1338 = arith.index_cast %add3A_1319 : i32 to index
          %get3A_1339 = arith.constant 32 : index
          %get3A_1340 = tpu.vector_load %arg22[%get3A_1338, %get3A_1339] {strides = array<i32>} : memref<128x128xf32, #tpu.memory_space<vmem>>, vector<1x16xf32>,
          %get3A_1341 = vector.shape_cast %get3A_1340 : vector<1x16xf32> to vector<16xf32>
          %swap3A_1342 = arith.index_cast %add3A_1319 : i32 to index
          %swap3A_1343 = arith.constant 32 : index
          %swap3A_1344 = tpu.vector_load %arg25[%swap3A_1342, %swap3A_1343] {strides = array<i32>} : memref<128x64xf32, #tpu.memory_space<vmem>>, vector<1x16xf32>,
          %swap3A_1345 = vector.shape_cast %swap3A_1344 : vector<1x16xf32> to vector<16xf32>
          %swap3A_1346 = vector.shape_cast %get3A_1341 : vector<16xf32> to vector<1x16xf32>
          tpu.vector_store %arg25[%swap3A_1342, %swap3A_1343], %swap3A_1346 {strides = array<i32>} : memref<128x64xf32, #tpu.memory_space<vmem>>, vector<1x16xf32>,
          %get3A_1347 = arith.index_cast %add3A_1319 : i32 to index
          %get3A_1348 = arith.constant 48 : index
          %get3A_1349 = tpu.vector_load %arg22[%get3A_1347, %get3A_1348] {strides = array<i32>} : memref<128x128xf32, #tpu.memory_space<vmem>>, vector<1x16xf32>,
          %get3A_1350 = vector.shape_cast %get3A_1349 : vector<1x16xf32> to vector<16xf32>
          %swap3A_1351 = arith.index_cast %add3A_1319 : i32 to index
          %swap3A_1352 = arith.constant 48 : index
          %swap3A_1353 = tpu.vector_load %arg25[%swap3A_1351, %swap3A_1352] {strides = array<i32>} : memref<128x64xf32, #tpu.memory_space<vmem>>, vector<1x16xf32>,
          %swap3A_1354 = vector.shape_cast %swap3A_1353 : vector<1x16xf32> to vector<16xf32>
          %swap3A_1355 = vector.shape_cast %get3A_1350 : vector<16xf32> to vector<1x16xf32>
          tpu.vector_store %arg25[%swap3A_1351, %swap3A_1352], %swap3A_1355 {strides = array<i32>} : memref<128x64xf32, #tpu.memory_space<vmem>>, vector<1x16xf32>,
        }
        %scan3A_1027 = arith.constant 16 : i32
        %mul3A_1028 = arith.constant 128 : i32
        %mul3A_1029 = arith.muli %sub3A_1013, %mul3A_1028 : i32
        %add3A_1030 = arith.addi %mul3A_2, %mul3A_1029 : i32
        %dma_start3A_1031 = arith.constant 0 : i32
        %dma_start3A_1032 = tpu.memref_slice %arg6[%add3A_1030, %dma_start3A_1031] : memref<800000x64xf32, #tpu.memory_space<hbm>> -> memref<128x64xf32, #tpu.memory_space<hbm>>
        %dma_start3A_1033 = arith.constant 0 : i32
        %dma_start3A_1034 = tpu.memref_slice %arg6[%add3A_1030, %dma_start3A_1033] : memref<800000x64xf32, #tpu.memory_space<hbm>> -> memref<128x64xf32, #tpu.memory_space<hbm>>
        tpu.enqueue_dma source(%arg25 : memref<128x64xf32, #tpu.memory_space<vmem>>) target(%dma_start3A_1034 : memref<128x64xf32, #tpu.memory_space<hbm>>) target_semaphore(%arg34 : memref<!tpu.dma_semaphore, #tpu.memory_space<semaphore_mem>>)
      } else {
      }
      %add3A_525 = arith.constant 3 : i32
      %add3A_526 = arith.addi %mul3A_294, %add3A_525 : i32
      %lt3A = arith.constant 195 : i32
      %lt3A_527 = arith.cmpi slt, %add3A_526, %lt3A : i32
      %convert_element_type3A_528 = arith.extui %lt3A_527 : i1 to i32
      %cond3A_529 = arith.constant 0 : i32
      %cond3A_530 = arith.cmpi ne, %convert_element_type3A_528, %cond3A_529 : i32
      scf.if %cond3A_530 {
        %add3A_1013 = arith.constant 3 : i32
        %add3A_1014 = arith.addi %mul3A_294, %add3A_1013 : i32
        %mul3A_1015 = arith.constant 128 : i32
        %mul3A_1016 = arith.muli %add3A_1014, %mul3A_1015 : i32
        %add3A_1017 = arith.addi %mul3A_2, %mul3A_1016 : i32
        %dma_start3A_1018 = tpu.memref_slice %arg2[%add3A_1017] : memref<800000xi32, #tpu.memory_space<hbm>> -> memref<128xi32, #tpu.memory_space<hbm>>
        %dma_start3A_1019 = tpu.memref_slice %arg2[%add3A_1017] : memref<800000xi32, #tpu.memory_space<hbm>> -> memref<128xi32, #tpu.memory_space<hbm>>
        tpu.enqueue_dma source(%dma_start3A_1019 : memref<128xi32, #tpu.memory_space<hbm>>) target(%arg8 : memref<128xi32, #tpu.memory_space<vmem>>) target_semaphore(%arg26 : memref<!tpu.dma_semaphore, #tpu.memory_space<semaphore_mem>>)
        %dma_start3A_1020 = tpu.memref_slice %arg3[%add3A_1017] : memref<800000xi32, #tpu.memory_space<hbm>> -> memref<128xi32, #tpu.memory_space<hbm>>
        %dma_start3A_1021 = tpu.memref_slice %arg3[%add3A_1017] : memref<800000xi32, #tpu.memory_space<hbm>> -> memref<128xi32, #tpu.memory_space<hbm>>
        tpu.enqueue_dma source(%dma_start3A_1021 : memref<128xi32, #tpu.memory_space<hbm>>) target(%arg9 : memref<128xi32, #tpu.memory_space<vmem>>) target_semaphore(%arg26 : memref<!tpu.dma_semaphore, #tpu.memory_space<semaphore_mem>>)
        %dma_start3A_1022 = tpu.memref_slice %arg4[%add3A_1017] : memref<800000xi32, #tpu.memory_space<hbm>> -> memref<128xi32, #tpu.memory_space<hbm>>
        %dma_start3A_1023 = tpu.memref_slice %arg4[%add3A_1017] : memref<800000xi32, #tpu.memory_space<hbm>> -> memref<128xi32, #tpu.memory_space<hbm>>
        tpu.enqueue_dma source(%dma_start3A_1023 : memref<128xi32, #tpu.memory_space<hbm>>) target(%arg10 : memref<128xi32, #tpu.memory_space<vmem>>) target_semaphore(%arg26 : memref<!tpu.dma_semaphore, #tpu.memory_space<semaphore_mem>>)
      } else {
      }
      %mul3A_531 = arith.constant 3 : i32
      %mul3A_532 = arith.muli %mul3A_531, %scan3A_292 : i32
      %add3A_533 = arith.constant 1 : i32
      %add3A_534 = arith.addi %mul3A_532, %add3A_533 : i32
      %dma_wait3A_535 = tpu.memref_slice %arg2[%mul3A_2] : memref<800000xi32, #tpu.memory_space<hbm>> -> memref<128xi32, #tpu.memory_space<hbm>>
      %dma_wait3A_536 = tpu.memref_slice %arg2[%mul3A_2] : memref<800000xi32, #tpu.memory_space<hbm>> -> memref<128xi32, #tpu.memory_space<hbm>>
      tpu.wait_dma2 semaphore(%arg27 : memref<!tpu.dma_semaphore, #tpu.memory_space<semaphore_mem>>) src(%dma_wait3A_536 : memref<128xi32, #tpu.memory_space<hbm>>) dst(%arg11 : memref<128xi32, #tpu.memory_space<vmem>>)
      %dma_wait3A_537 = tpu.memref_slice %arg3[%mul3A_2] : memref<800000xi32, #tpu.memory_space<hbm>> -> memref<128xi32, #tpu.memory_space<hbm>>
      %dma_wait3A_538 = tpu.memref_slice %arg3[%mul3A_2] : memref<800000xi32, #tpu.memory_space<hbm>> -> memref<128xi32, #tpu.memory_space<hbm>>
      tpu.wait_dma2 semaphore(%arg27 : memref<!tpu.dma_semaphore, #tpu.memory_space<semaphore_mem>>) src(%dma_wait3A_538 : memref<128xi32, #tpu.memory_space<hbm>>) dst(%arg12 : memref<128xi32, #tpu.memory_space<vmem>>)
      %dma_wait3A_539 = tpu.memref_slice %arg4[%mul3A_2] : memref<800000xi32, #tpu.memory_space<hbm>> -> memref<128xi32, #tpu.memory_space<hbm>>
      %dma_wait3A_540 = tpu.memref_slice %arg4[%mul3A_2] : memref<800000xi32, #tpu.memory_space<hbm>> -> memref<128xi32, #tpu.memory_space<hbm>>
      tpu.wait_dma2 semaphore(%arg27 : memref<!tpu.dma_semaphore, #tpu.memory_space<semaphore_mem>>) src(%dma_wait3A_540 : memref<128xi32, #tpu.memory_space<hbm>>) dst(%arg13 : memref<128xi32, #tpu.memory_space<vmem>>)
      %get3A_541 = arith.constant 0 : index
      %get3A_542 = tpu.vector_load %arg11[%get3A_541] {strides = array<i32>} : memref<128xi32, #tpu.memory_space<vmem>>, vector<16xi32>,
      %get3A_543 = vector.shape_cast %get3A_542 : vector<16xi32> to vector<16xi32>
      %mul3A_544 = arith.constant 12 : i32
      %mul3A_545 = vector.broadcast %mul3A_544 : i32 to vector<16xi32>
      %mul3A_546 = arith.muli %get3A_543, %mul3A_545 : vector<16xi32>
      %get3A_547 = arith.constant 0 : index
      %get3A_548 = tpu.vector_load %arg12[%get3A_547] {strides = array<i32>} : memref<128xi32, #tpu.memory_space<vmem>>, vector<16xi32>,
      %get3A_549 = vector.shape_cast %get3A_548 : vector<16xi32> to vector<16xi32>
      %mul3A_550 = arith.constant 2 : i32
      %mul3A_551 = vector.broadcast %mul3A_550 : i32 to vector<16xi32>
      %mul3A_552 = arith.muli %get3A_549, %mul3A_551 : vector<16xi32>
      %add3A_553 = arith.addi %mul3A_546, %mul3A_552 : vector<16xi32>
      %get3A_554 = arith.constant 0 : index
      %get3A_555 = tpu.vector_load %arg13[%get3A_554] {strides = array<i32>} : memref<128xi32, #tpu.memory_space<vmem>>, vector<16xi32>,
      %get3A_556 = vector.shape_cast %get3A_555 : vector<16xi32> to vector<16xi32>
      %add3A_557 = arith.addi %add3A_553, %get3A_556 : vector<16xi32>
      %max3A_558 = arith.constant 0 : i32
      %max3A_559 = vector.broadcast %max3A_558 : i32 to vector<16xi32>
      %max3A_560 = arith.maxsi %add3A_557, %max3A_559 : vector<16xi32>
      %min3A_561 = arith.constant 59 : i32
      %min3A_562 = vector.broadcast %min3A_561 : i32 to vector<16xi32>
      %min3A_563 = arith.minsi %max3A_560, %min3A_562 : vector<16xi32>
      %swap3A_564 = arith.constant 0 : index
      %swap3A_565 = tpu.vector_load %arg18[%swap3A_564] {strides = array<i32>} : memref<128xi32, #tpu.memory_space<vmem>>, vector<16xi32>,
      %swap3A_566 = vector.shape_cast %swap3A_565 : vector<16xi32> to vector<16xi32>
      %swap3A_567 = vector.shape_cast %min3A_563 : vector<16xi32> to vector<16xi32>
      tpu.vector_store %arg18[%swap3A_564], %swap3A_567 {strides = array<i32>} : memref<128xi32, #tpu.memory_space<vmem>>, vector<16xi32>,
      %get3A_568 = arith.constant 16 : index
      %get3A_569 = tpu.vector_load %arg11[%get3A_568] {strides = array<i32>} : memref<128xi32, #tpu.memory_space<vmem>>, vector<16xi32>,
      %get3A_570 = vector.shape_cast %get3A_569 : vector<16xi32> to vector<16xi32>
      %mul3A_571 = arith.constant 12 : i32
      %mul3A_572 = vector.broadcast %mul3A_571 : i32 to vector<16xi32>
      %mul3A_573 = arith.muli %get3A_570, %mul3A_572 : vector<16xi32>
      %get3A_574 = arith.constant 16 : index
      %get3A_575 = tpu.vector_load %arg12[%get3A_574] {strides = array<i32>} : memref<128xi32, #tpu.memory_space<vmem>>, vector<16xi32>,
      %get3A_576 = vector.shape_cast %get3A_575 : vector<16xi32> to vector<16xi32>
      %mul3A_577 = arith.constant 2 : i32
      %mul3A_578 = vector.broadcast %mul3A_577 : i32 to vector<16xi32>
      %mul3A_579 = arith.muli %get3A_576, %mul3A_578 : vector<16xi32>
      %add3A_580 = arith.addi %mul3A_573, %mul3A_579 : vector<16xi32>
      %get3A_581 = arith.constant 16 : index
      %get3A_582 = tpu.vector_load %arg13[%get3A_581] {strides = array<i32>} : memref<128xi32, #tpu.memory_space<vmem>>, vector<16xi32>,
      %get3A_583 = vector.shape_cast %get3A_582 : vector<16xi32> to vector<16xi32>
      %add3A_584 = arith.addi %add3A_580, %get3A_583 : vector<16xi32>
      %max3A_585 = arith.constant 0 : i32
      %max3A_586 = vector.broadcast %max3A_585 : i32 to vector<16xi32>
      %max3A_587 = arith.maxsi %add3A_584, %max3A_586 : vector<16xi32>
      %min3A_588 = arith.constant 59 : i32
      %min3A_589 = vector.broadcast %min3A_588 : i32 to vector<16xi32>
      %min3A_590 = arith.minsi %max3A_587, %min3A_589 : vector<16xi32>
      %swap3A_591 = arith.constant 16 : index
      %swap3A_592 = tpu.vector_load %arg18[%swap3A_591] {strides = array<i32>} : memref<128xi32, #tpu.memory_space<vmem>>, vector<16xi32>,
      %swap3A_593 = vector.shape_cast %swap3A_592 : vector<16xi32> to vector<16xi32>
      %swap3A_594 = vector.shape_cast %min3A_590 : vector<16xi32> to vector<16xi32>
      tpu.vector_store %arg18[%swap3A_591], %swap3A_594 {strides = array<i32>} : memref<128xi32, #tpu.memory_space<vmem>>, vector<16xi32>,
      %get3A_595 = arith.constant 32 : index
      %get3A_596 = tpu.vector_load %arg11[%get3A_595] {strides = array<i32>} : memref<128xi32, #tpu.memory_space<vmem>>, vector<16xi32>,
      %get3A_597 = vector.shape_cast %get3A_596 : vector<16xi32> to vector<16xi32>
      %mul3A_598 = arith.constant 12 : i32
      %mul3A_599 = vector.broadcast %mul3A_598 : i32 to vector<16xi32>
      %mul3A_600 = arith.muli %get3A_597, %mul3A_599 : vector<16xi32>
      %get3A_601 = arith.constant 32 : index
      %get3A_602 = tpu.vector_load %arg12[%get3A_601] {strides = array<i32>} : memref<128xi32, #tpu.memory_space<vmem>>, vector<16xi32>,
      %get3A_603 = vector.shape_cast %get3A_602 : vector<16xi32> to vector<16xi32>
      %mul3A_604 = arith.constant 2 : i32
      %mul3A_605 = vector.broadcast %mul3A_604 : i32 to vector<16xi32>
      %mul3A_606 = arith.muli %get3A_603, %mul3A_605 : vector<16xi32>
      %add3A_607 = arith.addi %mul3A_600, %mul3A_606 : vector<16xi32>
      %get3A_608 = arith.constant 32 : index
      %get3A_609 = tpu.vector_load %arg13[%get3A_608] {strides = array<i32>} : memref<128xi32, #tpu.memory_space<vmem>>, vector<16xi32>,
      %get3A_610 = vector.shape_cast %get3A_609 : vector<16xi32> to vector<16xi32>
      %add3A_611 = arith.addi %add3A_607, %get3A_610 : vector<16xi32>
      %max3A_612 = arith.constant 0 : i32
      %max3A_613 = vector.broadcast %max3A_612 : i32 to vector<16xi32>
      %max3A_614 = arith.maxsi %add3A_611, %max3A_613 : vector<16xi32>
      %min3A_615 = arith.constant 59 : i32
      %min3A_616 = vector.broadcast %min3A_615 : i32 to vector<16xi32>
      %min3A_617 = arith.minsi %max3A_614, %min3A_616 : vector<16xi32>
      %swap3A_618 = arith.constant 32 : index
      %swap3A_619 = tpu.vector_load %arg18[%swap3A_618] {strides = array<i32>} : memref<128xi32, #tpu.memory_space<vmem>>, vector<16xi32>,
      %swap3A_620 = vector.shape_cast %swap3A_619 : vector<16xi32> to vector<16xi32>
      %swap3A_621 = vector.shape_cast %min3A_617 : vector<16xi32> to vector<16xi32>
      tpu.vector_store %arg18[%swap3A_618], %swap3A_621 {strides = array<i32>} : memref<128xi32, #tpu.memory_space<vmem>>, vector<16xi32>,
      %get3A_622 = arith.constant 48 : index
      %get3A_623 = tpu.vector_load %arg11[%get3A_622] {strides = array<i32>} : memref<128xi32, #tpu.memory_space<vmem>>, vector<16xi32>,
      %get3A_624 = vector.shape_cast %get3A_623 : vector<16xi32> to vector<16xi32>
      %mul3A_625 = arith.constant 12 : i32
      %mul3A_626 = vector.broadcast %mul3A_625 : i32 to vector<16xi32>
      %mul3A_627 = arith.muli %get3A_624, %mul3A_626 : vector<16xi32>
      %get3A_628 = arith.constant 48 : index
      %get3A_629 = tpu.vector_load %arg12[%get3A_628] {strides = array<i32>} : memref<128xi32, #tpu.memory_space<vmem>>, vector<16xi32>,
      %get3A_630 = vector.shape_cast %get3A_629 : vector<16xi32> to vector<16xi32>
      %mul3A_631 = arith.constant 2 : i32
      %mul3A_632 = vector.broadcast %mul3A_631 : i32 to vector<16xi32>
      %mul3A_633 = arith.muli %get3A_630, %mul3A_632 : vector<16xi32>
      %add3A_634 = arith.addi %mul3A_627, %mul3A_633 : vector<16xi32>
      %get3A_635 = arith.constant 48 : index
      %get3A_636 = tpu.vector_load %arg13[%get3A_635] {strides = array<i32>} : memref<128xi32, #tpu.memory_space<vmem>>, vector<16xi32>,
      %get3A_637 = vector.shape_cast %get3A_636 : vector<16xi32> to vector<16xi32>
      %add3A_638 = arith.addi %add3A_634, %get3A_637 : vector<16xi32>
      %max3A_639 = arith.constant 0 : i32
      %max3A_640 = vector.broadcast %max3A_639 : i32 to vector<16xi32>
      %max3A_641 = arith.maxsi %add3A_638, %max3A_640 : vector<16xi32>
      %min3A_642 = arith.constant 59 : i32
      %min3A_643 = vector.broadcast %min3A_642 : i32 to vector<16xi32>
      %min3A_644 = arith.minsi %max3A_641, %min3A_643 : vector<16xi32>
      %swap3A_645 = arith.constant 48 : index
      %swap3A_646 = tpu.vector_load %arg18[%swap3A_645] {strides = array<i32>} : memref<128xi32, #tpu.memory_space<vmem>>, vector<16xi32>,
      %swap3A_647 = vector.shape_cast %swap3A_646 : vector<16xi32> to vector<16xi32>
      %swap3A_648 = vector.shape_cast %min3A_644 : vector<16xi32> to vector<16xi32>
      tpu.vector_store %arg18[%swap3A_645], %swap3A_648 {strides = array<i32>} : memref<128xi32, #tpu.memory_space<vmem>>, vector<16xi32>,
      %get3A_649 = arith.constant 64 : index
      %get3A_650 = tpu.vector_load %arg11[%get3A_649] {strides = array<i32>} : memref<128xi32, #tpu.memory_space<vmem>>, vector<16xi32>,
      %get3A_651 = vector.shape_cast %get3A_650 : vector<16xi32> to vector<16xi32>
      %mul3A_652 = arith.constant 12 : i32
      %mul3A_653 = vector.broadcast %mul3A_652 : i32 to vector<16xi32>
      %mul3A_654 = arith.muli %get3A_651, %mul3A_653 : vector<16xi32>
      %get3A_655 = arith.constant 64 : index
      %get3A_656 = tpu.vector_load %arg12[%get3A_655] {strides = array<i32>} : memref<128xi32, #tpu.memory_space<vmem>>, vector<16xi32>,
      %get3A_657 = vector.shape_cast %get3A_656 : vector<16xi32> to vector<16xi32>
      %mul3A_658 = arith.constant 2 : i32
      %mul3A_659 = vector.broadcast %mul3A_658 : i32 to vector<16xi32>
      %mul3A_660 = arith.muli %get3A_657, %mul3A_659 : vector<16xi32>
      %add3A_661 = arith.addi %mul3A_654, %mul3A_660 : vector<16xi32>
      %get3A_662 = arith.constant 64 : index
      %get3A_663 = tpu.vector_load %arg13[%get3A_662] {strides = array<i32>} : memref<128xi32, #tpu.memory_space<vmem>>, vector<16xi32>,
      %get3A_664 = vector.shape_cast %get3A_663 : vector<16xi32> to vector<16xi32>
      %add3A_665 = arith.addi %add3A_661, %get3A_664 : vector<16xi32>
      %max3A_666 = arith.constant 0 : i32
      %max3A_667 = vector.broadcast %max3A_666 : i32 to vector<16xi32>
      %max3A_668 = arith.maxsi %add3A_665, %max3A_667 : vector<16xi32>
      %min3A_669 = arith.constant 59 : i32
      %min3A_670 = vector.broadcast %min3A_669 : i32 to vector<16xi32>
      %min3A_671 = arith.minsi %max3A_668, %min3A_670 : vector<16xi32>
      %swap3A_672 = arith.constant 64 : index
      %swap3A_673 = tpu.vector_load %arg18[%swap3A_672] {strides = array<i32>} : memref<128xi32, #tpu.memory_space<vmem>>, vector<16xi32>,
      %swap3A_674 = vector.shape_cast %swap3A_673 : vector<16xi32> to vector<16xi32>
      %swap3A_675 = vector.shape_cast %min3A_671 : vector<16xi32> to vector<16xi32>
      tpu.vector_store %arg18[%swap3A_672], %swap3A_675 {strides = array<i32>} : memref<128xi32, #tpu.memory_space<vmem>>, vector<16xi32>,
      %get3A_676 = arith.constant 80 : index
      %get3A_677 = tpu.vector_load %arg11[%get3A_676] {strides = array<i32>} : memref<128xi32, #tpu.memory_space<vmem>>, vector<16xi32>,
      %get3A_678 = vector.shape_cast %get3A_677 : vector<16xi32> to vector<16xi32>
      %mul3A_679 = arith.constant 12 : i32
      %mul3A_680 = vector.broadcast %mul3A_679 : i32 to vector<16xi32>
      %mul3A_681 = arith.muli %get3A_678, %mul3A_680 : vector<16xi32>
      %get3A_682 = arith.constant 80 : index
      %get3A_683 = tpu.vector_load %arg12[%get3A_682] {strides = array<i32>} : memref<128xi32, #tpu.memory_space<vmem>>, vector<16xi32>,
      %get3A_684 = vector.shape_cast %get3A_683 : vector<16xi32> to vector<16xi32>
      %mul3A_685 = arith.constant 2 : i32
      %mul3A_686 = vector.broadcast %mul3A_685 : i32 to vector<16xi32>
      %mul3A_687 = arith.muli %get3A_684, %mul3A_686 : vector<16xi32>
      %add3A_688 = arith.addi %mul3A_681, %mul3A_687 : vector<16xi32>
      %get3A_689 = arith.constant 80 : index
      %get3A_690 = tpu.vector_load %arg13[%get3A_689] {strides = array<i32>} : memref<128xi32, #tpu.memory_space<vmem>>, vector<16xi32>,
      %get3A_691 = vector.shape_cast %get3A_690 : vector<16xi32> to vector<16xi32>
      %add3A_692 = arith.addi %add3A_688, %get3A_691 : vector<16xi32>
      %max3A_693 = arith.constant 0 : i32
      %max3A_694 = vector.broadcast %max3A_693 : i32 to vector<16xi32>
      %max3A_695 = arith.maxsi %add3A_692, %max3A_694 : vector<16xi32>
      %min3A_696 = arith.constant 59 : i32
      %min3A_697 = vector.broadcast %min3A_696 : i32 to vector<16xi32>
      %min3A_698 = arith.minsi %max3A_695, %min3A_697 : vector<16xi32>
      %swap3A_699 = arith.constant 80 : index
      %swap3A_700 = tpu.vector_load %arg18[%swap3A_699] {strides = array<i32>} : memref<128xi32, #tpu.memory_space<vmem>>, vector<16xi32>,
      %swap3A_701 = vector.shape_cast %swap3A_700 : vector<16xi32> to vector<16xi32>
      %swap3A_702 = vector.shape_cast %min3A_698 : vector<16xi32> to vector<16xi32>
      tpu.vector_store %arg18[%swap3A_699], %swap3A_702 {strides = array<i32>} : memref<128xi32, #tpu.memory_space<vmem>>, vector<16xi32>,
      %get3A_703 = arith.constant 96 : index
      %get3A_704 = tpu.vector_load %arg11[%get3A_703] {strides = array<i32>} : memref<128xi32, #tpu.memory_space<vmem>>, vector<16xi32>,
      %get3A_705 = vector.shape_cast %get3A_704 : vector<16xi32> to vector<16xi32>
      %mul3A_706 = arith.constant 12 : i32
      %mul3A_707 = vector.broadcast %mul3A_706 : i32 to vector<16xi32>
      %mul3A_708 = arith.muli %get3A_705, %mul3A_707 : vector<16xi32>
      %get3A_709 = arith.constant 96 : index
      %get3A_710 = tpu.vector_load %arg12[%get3A_709] {strides = array<i32>} : memref<128xi32, #tpu.memory_space<vmem>>, vector<16xi32>,
      %get3A_711 = vector.shape_cast %get3A_710 : vector<16xi32> to vector<16xi32>
      %mul3A_712 = arith.constant 2 : i32
      %mul3A_713 = vector.broadcast %mul3A_712 : i32 to vector<16xi32>
      %mul3A_714 = arith.muli %get3A_711, %mul3A_713 : vector<16xi32>
      %add3A_715 = arith.addi %mul3A_708, %mul3A_714 : vector<16xi32>
      %get3A_716 = arith.constant 96 : index
      %get3A_717 = tpu.vector_load %arg13[%get3A_716] {strides = array<i32>} : memref<128xi32, #tpu.memory_space<vmem>>, vector<16xi32>,
      %get3A_718 = vector.shape_cast %get3A_717 : vector<16xi32> to vector<16xi32>
      %add3A_719 = arith.addi %add3A_715, %get3A_718 : vector<16xi32>
      %max3A_720 = arith.constant 0 : i32
      %max3A_721 = vector.broadcast %max3A_720 : i32 to vector<16xi32>
      %max3A_722 = arith.maxsi %add3A_719, %max3A_721 : vector<16xi32>
      %min3A_723 = arith.constant 59 : i32
      %min3A_724 = vector.broadcast %min3A_723 : i32 to vector<16xi32>
      %min3A_725 = arith.minsi %max3A_722, %min3A_724 : vector<16xi32>
      %swap3A_726 = arith.constant 96 : index
      %swap3A_727 = tpu.vector_load %arg18[%swap3A_726] {strides = array<i32>} : memref<128xi32, #tpu.memory_space<vmem>>, vector<16xi32>,
      %swap3A_728 = vector.shape_cast %swap3A_727 : vector<16xi32> to vector<16xi32>
      %swap3A_729 = vector.shape_cast %min3A_725 : vector<16xi32> to vector<16xi32>
      tpu.vector_store %arg18[%swap3A_726], %swap3A_729 {strides = array<i32>} : memref<128xi32, #tpu.memory_space<vmem>>, vector<16xi32>,
      %get3A_730 = arith.constant 112 : index
      %get3A_731 = tpu.vector_load %arg11[%get3A_730] {strides = array<i32>} : memref<128xi32, #tpu.memory_space<vmem>>, vector<16xi32>,
      %get3A_732 = vector.shape_cast %get3A_731 : vector<16xi32> to vector<16xi32>
      %mul3A_733 = arith.constant 12 : i32
      %mul3A_734 = vector.broadcast %mul3A_733 : i32 to vector<16xi32>
      %mul3A_735 = arith.muli %get3A_732, %mul3A_734 : vector<16xi32>
      %get3A_736 = arith.constant 112 : index
      %get3A_737 = tpu.vector_load %arg12[%get3A_736] {strides = array<i32>} : memref<128xi32, #tpu.memory_space<vmem>>, vector<16xi32>,
      %get3A_738 = vector.shape_cast %get3A_737 : vector<16xi32> to vector<16xi32>
      %mul3A_739 = arith.constant 2 : i32
      %mul3A_740 = vector.broadcast %mul3A_739 : i32 to vector<16xi32>
      %mul3A_741 = arith.muli %get3A_738, %mul3A_740 : vector<16xi32>
      %add3A_742 = arith.addi %mul3A_735, %mul3A_741 : vector<16xi32>
      %get3A_743 = arith.constant 112 : index
      %get3A_744 = tpu.vector_load %arg13[%get3A_743] {strides = array<i32>} : memref<128xi32, #tpu.memory_space<vmem>>, vector<16xi32>,
      %get3A_745 = vector.shape_cast %get3A_744 : vector<16xi32> to vector<16xi32>
      %add3A_746 = arith.addi %add3A_742, %get3A_745 : vector<16xi32>
      %max3A_747 = arith.constant 0 : i32
      %max3A_748 = vector.broadcast %max3A_747 : i32 to vector<16xi32>
      %max3A_749 = arith.maxsi %add3A_746, %max3A_748 : vector<16xi32>
      %min3A_750 = arith.constant 59 : i32
      %min3A_751 = vector.broadcast %min3A_750 : i32 to vector<16xi32>
      %min3A_752 = arith.minsi %max3A_749, %min3A_751 : vector<16xi32>
      %swap3A_753 = arith.constant 112 : index
      %swap3A_754 = tpu.vector_load %arg18[%swap3A_753] {strides = array<i32>} : memref<128xi32, #tpu.memory_space<vmem>>, vector<16xi32>,
      %swap3A_755 = vector.shape_cast %swap3A_754 : vector<16xi32> to vector<16xi32>
      %swap3A_756 = vector.shape_cast %min3A_752 : vector<16xi32> to vector<16xi32>
      tpu.vector_store %arg18[%swap3A_753], %swap3A_756 {strides = array<i32>} : memref<128xi32, #tpu.memory_space<vmem>>, vector<16xi32>,
      %dma_start3A_757 = arith.constant 0 : i32
      %dma_start3A_758 = arith.constant 0 : i32
      %dma_start3A_759 = tpu.memref_slice %arg7[%dma_start3A_757, %dma_start3A_758] : memref<60x128xf32, #tpu.memory_space<vmem_shared>> -> memref<60x128xf32, #tpu.memory_space<vmem_shared>>
      tpu.enqueue_indirect_dma source(%dma_start3A_759 : memref<60x128xf32, #tpu.memory_space<vmem_shared>>) target(%arg21 : memref<128x128xf32, #tpu.memory_space<vmem>>) offsets(%arg18 : memref<128xi32, #tpu.memory_space<vmem>>) semaphore(%arg30 : memref<!tpu.dma_semaphore, #tpu.memory_space<semaphore_mem>>)
      %ge3A_760 = arith.constant 1 : i32
      %ge3A_761 = arith.cmpi sge, %add3A_534, %ge3A_760 : i32
      %convert_element_type3A_762 = arith.extui %ge3A_761 : i1 to i32
      %cond3A_763 = arith.constant 0 : i32
      %cond3A_764 = arith.cmpi ne, %convert_element_type3A_762, %cond3A_763 : i32
      scf.if %cond3A_764 {
        %sub3A = arith.constant 1 : i32
        %sub3A_1013 = arith.subi %add3A_534, %sub3A : i32
        %dma_wait3A_1014 = arith.constant 0 : i32
        %dma_wait3A_1015 = arith.constant 0 : i32
        %dma_wait3A_1016 = tpu.memref_slice %arg7[%dma_wait3A_1014, %dma_wait3A_1015] : memref<60x128xf32, #tpu.memory_space<vmem_shared>> -> memref<60x128xf32, #tpu.memory_space<vmem_shared>>
        tpu.wait_indirect_dma semaphore(%arg29 : memref<!tpu.dma_semaphore, #tpu.memory_space<semaphore_mem>>) src(%dma_wait3A_1016 : memref<60x128xf32, #tpu.memory_space<vmem_shared>>) dst(%arg20 : memref<128x128xf32, #tpu.memory_space<vmem>>)
        %ge3A_1017 = arith.constant 3 : i32
        %ge3A_1018 = arith.cmpi sge, %sub3A_1013, %ge3A_1017 : i32
        %convert_element_type3A_1019 = arith.extui %ge3A_1018 : i1 to i32
        %cond3A_1020 = arith.constant 0 : i32
        %cond3A_1021 = arith.cmpi ne, %convert_element_type3A_1019, %cond3A_1020 : i32
        scf.if %cond3A_1021 {
          %dma_wait3A_1035 = arith.constant 0 : i32
          %dma_wait3A_1036 = tpu.memref_slice %arg6[%mul3A_2, %dma_wait3A_1035] : memref<800000x64xf32, #tpu.memory_space<hbm>> -> memref<128x64xf32, #tpu.memory_space<hbm>>
          %dma_wait3A_1037 = arith.constant 0 : i32
          %dma_wait3A_1038 = tpu.memref_slice %arg6[%mul3A_2, %dma_wait3A_1037] : memref<800000x64xf32, #tpu.memory_space<hbm>> -> memref<128x64xf32, #tpu.memory_space<hbm>>
          tpu.wait_dma2 semaphore(%arg32 : memref<!tpu.dma_semaphore, #tpu.memory_space<semaphore_mem>>) src(%arg23 : memref<128x64xf32, #tpu.memory_space<vmem>>) dst(%dma_wait3A_1038 : memref<128x64xf32, #tpu.memory_space<hbm>>)
        } else {
        }
        %scan3A_1022 = arith.constant 0 : i32
        %scan3A_1023 = arith.constant 0 : i32
        %scan3A_1024 = arith.constant 16 : i32
        %scan3A_1025 = arith.addi %scan3A_1023, %scan3A_1024 : i32
        %scan3A_1026 = arith.constant 1 : i32
        scf.for %scan3A_1035 = %scan3A_1023 to %scan3A_1025 step %scan3A_1026  : i32 {
          %mul3A_1036 = arith.constant 8 : i32
          %mul3A_1037 = arith.muli %scan3A_1035, %mul3A_1036 : i32
          %add3A_1038 = arith.constant 0 : i32
          %add3A_1039 = arith.addi %mul3A_1037, %add3A_1038 : i32
          %get3A_1040 = arith.index_cast %add3A_1039 : i32 to index
          %get3A_1041 = arith.constant 0 : index
          %get3A_1042 = tpu.vector_load %arg20[%get3A_1040, %get3A_1041] {strides = array<i32>} : memref<128x128xf32, #tpu.memory_space<vmem>>, vector<1x16xf32>,
          %get3A_1043 = vector.shape_cast %get3A_1042 : vector<1x16xf32> to vector<16xf32>
          %swap3A_1044 = arith.index_cast %add3A_1039 : i32 to index
          %swap3A_1045 = arith.constant 0 : index
          %swap3A_1046 = tpu.vector_load %arg23[%swap3A_1044, %swap3A_1045] {strides = array<i32>} : memref<128x64xf32, #tpu.memory_space<vmem>>, vector<1x16xf32>,
          %swap3A_1047 = vector.shape_cast %swap3A_1046 : vector<1x16xf32> to vector<16xf32>
          %swap3A_1048 = vector.shape_cast %get3A_1043 : vector<16xf32> to vector<1x16xf32>
          tpu.vector_store %arg23[%swap3A_1044, %swap3A_1045], %swap3A_1048 {strides = array<i32>} : memref<128x64xf32, #tpu.memory_space<vmem>>, vector<1x16xf32>,
          %get3A_1049 = arith.index_cast %add3A_1039 : i32 to index
          %get3A_1050 = arith.constant 16 : index
          %get3A_1051 = tpu.vector_load %arg20[%get3A_1049, %get3A_1050] {strides = array<i32>} : memref<128x128xf32, #tpu.memory_space<vmem>>, vector<1x16xf32>,
          %get3A_1052 = vector.shape_cast %get3A_1051 : vector<1x16xf32> to vector<16xf32>
          %swap3A_1053 = arith.index_cast %add3A_1039 : i32 to index
          %swap3A_1054 = arith.constant 16 : index
          %swap3A_1055 = tpu.vector_load %arg23[%swap3A_1053, %swap3A_1054] {strides = array<i32>} : memref<128x64xf32, #tpu.memory_space<vmem>>, vector<1x16xf32>,
          %swap3A_1056 = vector.shape_cast %swap3A_1055 : vector<1x16xf32> to vector<16xf32>
          %swap3A_1057 = vector.shape_cast %get3A_1052 : vector<16xf32> to vector<1x16xf32>
          tpu.vector_store %arg23[%swap3A_1053, %swap3A_1054], %swap3A_1057 {strides = array<i32>} : memref<128x64xf32, #tpu.memory_space<vmem>>, vector<1x16xf32>,
          %get3A_1058 = arith.index_cast %add3A_1039 : i32 to index
          %get3A_1059 = arith.constant 32 : index
          %get3A_1060 = tpu.vector_load %arg20[%get3A_1058, %get3A_1059] {strides = array<i32>} : memref<128x128xf32, #tpu.memory_space<vmem>>, vector<1x16xf32>,
          %get3A_1061 = vector.shape_cast %get3A_1060 : vector<1x16xf32> to vector<16xf32>
          %swap3A_1062 = arith.index_cast %add3A_1039 : i32 to index
          %swap3A_1063 = arith.constant 32 : index
          %swap3A_1064 = tpu.vector_load %arg23[%swap3A_1062, %swap3A_1063] {strides = array<i32>} : memref<128x64xf32, #tpu.memory_space<vmem>>, vector<1x16xf32>,
          %swap3A_1065 = vector.shape_cast %swap3A_1064 : vector<1x16xf32> to vector<16xf32>
          %swap3A_1066 = vector.shape_cast %get3A_1061 : vector<16xf32> to vector<1x16xf32>
          tpu.vector_store %arg23[%swap3A_1062, %swap3A_1063], %swap3A_1066 {strides = array<i32>} : memref<128x64xf32, #tpu.memory_space<vmem>>, vector<1x16xf32>,
          %get3A_1067 = arith.index_cast %add3A_1039 : i32 to index
          %get3A_1068 = arith.constant 48 : index
          %get3A_1069 = tpu.vector_load %arg20[%get3A_1067, %get3A_1068] {strides = array<i32>} : memref<128x128xf32, #tpu.memory_space<vmem>>, vector<1x16xf32>,
          %get3A_1070 = vector.shape_cast %get3A_1069 : vector<1x16xf32> to vector<16xf32>
          %swap3A_1071 = arith.index_cast %add3A_1039 : i32 to index
          %swap3A_1072 = arith.constant 48 : index
          %swap3A_1073 = tpu.vector_load %arg23[%swap3A_1071, %swap3A_1072] {strides = array<i32>} : memref<128x64xf32, #tpu.memory_space<vmem>>, vector<1x16xf32>,
          %swap3A_1074 = vector.shape_cast %swap3A_1073 : vector<1x16xf32> to vector<16xf32>
          %swap3A_1075 = vector.shape_cast %get3A_1070 : vector<16xf32> to vector<1x16xf32>
          tpu.vector_store %arg23[%swap3A_1071, %swap3A_1072], %swap3A_1075 {strides = array<i32>} : memref<128x64xf32, #tpu.memory_space<vmem>>, vector<1x16xf32>,
          %mul3A_1076 = arith.constant 8 : i32
          %mul3A_1077 = arith.muli %scan3A_1035, %mul3A_1076 : i32
          %add3A_1078 = arith.constant 1 : i32
          %add3A_1079 = arith.addi %mul3A_1077, %add3A_1078 : i32
          %get3A_1080 = arith.index_cast %add3A_1079 : i32 to index
          %get3A_1081 = arith.constant 0 : index
          %get3A_1082 = tpu.vector_load %arg20[%get3A_1080, %get3A_1081] {strides = array<i32>} : memref<128x128xf32, #tpu.memory_space<vmem>>, vector<1x16xf32>,
          %get3A_1083 = vector.shape_cast %get3A_1082 : vector<1x16xf32> to vector<16xf32>
          %swap3A_1084 = arith.index_cast %add3A_1079 : i32 to index
          %swap3A_1085 = arith.constant 0 : index
          %swap3A_1086 = tpu.vector_load %arg23[%swap3A_1084, %swap3A_1085] {strides = array<i32>} : memref<128x64xf32, #tpu.memory_space<vmem>>, vector<1x16xf32>,
          %swap3A_1087 = vector.shape_cast %swap3A_1086 : vector<1x16xf32> to vector<16xf32>
          %swap3A_1088 = vector.shape_cast %get3A_1083 : vector<16xf32> to vector<1x16xf32>
          tpu.vector_store %arg23[%swap3A_1084, %swap3A_1085], %swap3A_1088 {strides = array<i32>} : memref<128x64xf32, #tpu.memory_space<vmem>>, vector<1x16xf32>,
          %get3A_1089 = arith.index_cast %add3A_1079 : i32 to index
          %get3A_1090 = arith.constant 16 : index
          %get3A_1091 = tpu.vector_load %arg20[%get3A_1089, %get3A_1090] {strides = array<i32>} : memref<128x128xf32, #tpu.memory_space<vmem>>, vector<1x16xf32>,
          %get3A_1092 = vector.shape_cast %get3A_1091 : vector<1x16xf32> to vector<16xf32>
          %swap3A_1093 = arith.index_cast %add3A_1079 : i32 to index
          %swap3A_1094 = arith.constant 16 : index
          %swap3A_1095 = tpu.vector_load %arg23[%swap3A_1093, %swap3A_1094] {strides = array<i32>} : memref<128x64xf32, #tpu.memory_space<vmem>>, vector<1x16xf32>,
          %swap3A_1096 = vector.shape_cast %swap3A_1095 : vector<1x16xf32> to vector<16xf32>
          %swap3A_1097 = vector.shape_cast %get3A_1092 : vector<16xf32> to vector<1x16xf32>
          tpu.vector_store %arg23[%swap3A_1093, %swap3A_1094], %swap3A_1097 {strides = array<i32>} : memref<128x64xf32, #tpu.memory_space<vmem>>, vector<1x16xf32>,
          %get3A_1098 = arith.index_cast %add3A_1079 : i32 to index
          %get3A_1099 = arith.constant 32 : index
          %get3A_1100 = tpu.vector_load %arg20[%get3A_1098, %get3A_1099] {strides = array<i32>} : memref<128x128xf32, #tpu.memory_space<vmem>>, vector<1x16xf32>,
          %get3A_1101 = vector.shape_cast %get3A_1100 : vector<1x16xf32> to vector<16xf32>
          %swap3A_1102 = arith.index_cast %add3A_1079 : i32 to index
          %swap3A_1103 = arith.constant 32 : index
          %swap3A_1104 = tpu.vector_load %arg23[%swap3A_1102, %swap3A_1103] {strides = array<i32>} : memref<128x64xf32, #tpu.memory_space<vmem>>, vector<1x16xf32>,
          %swap3A_1105 = vector.shape_cast %swap3A_1104 : vector<1x16xf32> to vector<16xf32>
          %swap3A_1106 = vector.shape_cast %get3A_1101 : vector<16xf32> to vector<1x16xf32>
          tpu.vector_store %arg23[%swap3A_1102, %swap3A_1103], %swap3A_1106 {strides = array<i32>} : memref<128x64xf32, #tpu.memory_space<vmem>>, vector<1x16xf32>,
          %get3A_1107 = arith.index_cast %add3A_1079 : i32 to index
          %get3A_1108 = arith.constant 48 : index
          %get3A_1109 = tpu.vector_load %arg20[%get3A_1107, %get3A_1108] {strides = array<i32>} : memref<128x128xf32, #tpu.memory_space<vmem>>, vector<1x16xf32>,
          %get3A_1110 = vector.shape_cast %get3A_1109 : vector<1x16xf32> to vector<16xf32>
          %swap3A_1111 = arith.index_cast %add3A_1079 : i32 to index
          %swap3A_1112 = arith.constant 48 : index
          %swap3A_1113 = tpu.vector_load %arg23[%swap3A_1111, %swap3A_1112] {strides = array<i32>} : memref<128x64xf32, #tpu.memory_space<vmem>>, vector<1x16xf32>,
          %swap3A_1114 = vector.shape_cast %swap3A_1113 : vector<1x16xf32> to vector<16xf32>
          %swap3A_1115 = vector.shape_cast %get3A_1110 : vector<16xf32> to vector<1x16xf32>
          tpu.vector_store %arg23[%swap3A_1111, %swap3A_1112], %swap3A_1115 {strides = array<i32>} : memref<128x64xf32, #tpu.memory_space<vmem>>, vector<1x16xf32>,
          %mul3A_1116 = arith.constant 8 : i32
          %mul3A_1117 = arith.muli %scan3A_1035, %mul3A_1116 : i32
          %add3A_1118 = arith.constant 2 : i32
          %add3A_1119 = arith.addi %mul3A_1117, %add3A_1118 : i32
          %get3A_1120 = arith.index_cast %add3A_1119 : i32 to index
          %get3A_1121 = arith.constant 0 : index
          %get3A_1122 = tpu.vector_load %arg20[%get3A_1120, %get3A_1121] {strides = array<i32>} : memref<128x128xf32, #tpu.memory_space<vmem>>, vector<1x16xf32>,
          %get3A_1123 = vector.shape_cast %get3A_1122 : vector<1x16xf32> to vector<16xf32>
          %swap3A_1124 = arith.index_cast %add3A_1119 : i32 to index
          %swap3A_1125 = arith.constant 0 : index
          %swap3A_1126 = tpu.vector_load %arg23[%swap3A_1124, %swap3A_1125] {strides = array<i32>} : memref<128x64xf32, #tpu.memory_space<vmem>>, vector<1x16xf32>,
          %swap3A_1127 = vector.shape_cast %swap3A_1126 : vector<1x16xf32> to vector<16xf32>
          %swap3A_1128 = vector.shape_cast %get3A_1123 : vector<16xf32> to vector<1x16xf32>
          tpu.vector_store %arg23[%swap3A_1124, %swap3A_1125], %swap3A_1128 {strides = array<i32>} : memref<128x64xf32, #tpu.memory_space<vmem>>, vector<1x16xf32>,
          %get3A_1129 = arith.index_cast %add3A_1119 : i32 to index
          %get3A_1130 = arith.constant 16 : index
          %get3A_1131 = tpu.vector_load %arg20[%get3A_1129, %get3A_1130] {strides = array<i32>} : memref<128x128xf32, #tpu.memory_space<vmem>>, vector<1x16xf32>,
          %get3A_1132 = vector.shape_cast %get3A_1131 : vector<1x16xf32> to vector<16xf32>
          %swap3A_1133 = arith.index_cast %add3A_1119 : i32 to index
          %swap3A_1134 = arith.constant 16 : index
          %swap3A_1135 = tpu.vector_load %arg23[%swap3A_1133, %swap3A_1134] {strides = array<i32>} : memref<128x64xf32, #tpu.memory_space<vmem>>, vector<1x16xf32>,
          %swap3A_1136 = vector.shape_cast %swap3A_1135 : vector<1x16xf32> to vector<16xf32>
          %swap3A_1137 = vector.shape_cast %get3A_1132 : vector<16xf32> to vector<1x16xf32>
          tpu.vector_store %arg23[%swap3A_1133, %swap3A_1134], %swap3A_1137 {strides = array<i32>} : memref<128x64xf32, #tpu.memory_space<vmem>>, vector<1x16xf32>,
          %get3A_1138 = arith.index_cast %add3A_1119 : i32 to index
          %get3A_1139 = arith.constant 32 : index
          %get3A_1140 = tpu.vector_load %arg20[%get3A_1138, %get3A_1139] {strides = array<i32>} : memref<128x128xf32, #tpu.memory_space<vmem>>, vector<1x16xf32>,
          %get3A_1141 = vector.shape_cast %get3A_1140 : vector<1x16xf32> to vector<16xf32>
          %swap3A_1142 = arith.index_cast %add3A_1119 : i32 to index
          %swap3A_1143 = arith.constant 32 : index
          %swap3A_1144 = tpu.vector_load %arg23[%swap3A_1142, %swap3A_1143] {strides = array<i32>} : memref<128x64xf32, #tpu.memory_space<vmem>>, vector<1x16xf32>,
          %swap3A_1145 = vector.shape_cast %swap3A_1144 : vector<1x16xf32> to vector<16xf32>
          %swap3A_1146 = vector.shape_cast %get3A_1141 : vector<16xf32> to vector<1x16xf32>
          tpu.vector_store %arg23[%swap3A_1142, %swap3A_1143], %swap3A_1146 {strides = array<i32>} : memref<128x64xf32, #tpu.memory_space<vmem>>, vector<1x16xf32>,
          %get3A_1147 = arith.index_cast %add3A_1119 : i32 to index
          %get3A_1148 = arith.constant 48 : index
          %get3A_1149 = tpu.vector_load %arg20[%get3A_1147, %get3A_1148] {strides = array<i32>} : memref<128x128xf32, #tpu.memory_space<vmem>>, vector<1x16xf32>,
          %get3A_1150 = vector.shape_cast %get3A_1149 : vector<1x16xf32> to vector<16xf32>
          %swap3A_1151 = arith.index_cast %add3A_1119 : i32 to index
          %swap3A_1152 = arith.constant 48 : index
          %swap3A_1153 = tpu.vector_load %arg23[%swap3A_1151, %swap3A_1152] {strides = array<i32>} : memref<128x64xf32, #tpu.memory_space<vmem>>, vector<1x16xf32>,
          %swap3A_1154 = vector.shape_cast %swap3A_1153 : vector<1x16xf32> to vector<16xf32>
          %swap3A_1155 = vector.shape_cast %get3A_1150 : vector<16xf32> to vector<1x16xf32>
          tpu.vector_store %arg23[%swap3A_1151, %swap3A_1152], %swap3A_1155 {strides = array<i32>} : memref<128x64xf32, #tpu.memory_space<vmem>>, vector<1x16xf32>,
          %mul3A_1156 = arith.constant 8 : i32
          %mul3A_1157 = arith.muli %scan3A_1035, %mul3A_1156 : i32
          %add3A_1158 = arith.constant 3 : i32
          %add3A_1159 = arith.addi %mul3A_1157, %add3A_1158 : i32
          %get3A_1160 = arith.index_cast %add3A_1159 : i32 to index
          %get3A_1161 = arith.constant 0 : index
          %get3A_1162 = tpu.vector_load %arg20[%get3A_1160, %get3A_1161] {strides = array<i32>} : memref<128x128xf32, #tpu.memory_space<vmem>>, vector<1x16xf32>,
          %get3A_1163 = vector.shape_cast %get3A_1162 : vector<1x16xf32> to vector<16xf32>
          %swap3A_1164 = arith.index_cast %add3A_1159 : i32 to index
          %swap3A_1165 = arith.constant 0 : index
          %swap3A_1166 = tpu.vector_load %arg23[%swap3A_1164, %swap3A_1165] {strides = array<i32>} : memref<128x64xf32, #tpu.memory_space<vmem>>, vector<1x16xf32>,
          %swap3A_1167 = vector.shape_cast %swap3A_1166 : vector<1x16xf32> to vector<16xf32>
          %swap3A_1168 = vector.shape_cast %get3A_1163 : vector<16xf32> to vector<1x16xf32>
          tpu.vector_store %arg23[%swap3A_1164, %swap3A_1165], %swap3A_1168 {strides = array<i32>} : memref<128x64xf32, #tpu.memory_space<vmem>>, vector<1x16xf32>,
          %get3A_1169 = arith.index_cast %add3A_1159 : i32 to index
          %get3A_1170 = arith.constant 16 : index
          %get3A_1171 = tpu.vector_load %arg20[%get3A_1169, %get3A_1170] {strides = array<i32>} : memref<128x128xf32, #tpu.memory_space<vmem>>, vector<1x16xf32>,
          %get3A_1172 = vector.shape_cast %get3A_1171 : vector<1x16xf32> to vector<16xf32>
          %swap3A_1173 = arith.index_cast %add3A_1159 : i32 to index
          %swap3A_1174 = arith.constant 16 : index
          %swap3A_1175 = tpu.vector_load %arg23[%swap3A_1173, %swap3A_1174] {strides = array<i32>} : memref<128x64xf32, #tpu.memory_space<vmem>>, vector<1x16xf32>,
          %swap3A_1176 = vector.shape_cast %swap3A_1175 : vector<1x16xf32> to vector<16xf32>
          %swap3A_1177 = vector.shape_cast %get3A_1172 : vector<16xf32> to vector<1x16xf32>
          tpu.vector_store %arg23[%swap3A_1173, %swap3A_1174], %swap3A_1177 {strides = array<i32>} : memref<128x64xf32, #tpu.memory_space<vmem>>, vector<1x16xf32>,
          %get3A_1178 = arith.index_cast %add3A_1159 : i32 to index
          %get3A_1179 = arith.constant 32 : index
          %get3A_1180 = tpu.vector_load %arg20[%get3A_1178, %get3A_1179] {strides = array<i32>} : memref<128x128xf32, #tpu.memory_space<vmem>>, vector<1x16xf32>,
          %get3A_1181 = vector.shape_cast %get3A_1180 : vector<1x16xf32> to vector<16xf32>
          %swap3A_1182 = arith.index_cast %add3A_1159 : i32 to index
          %swap3A_1183 = arith.constant 32 : index
          %swap3A_1184 = tpu.vector_load %arg23[%swap3A_1182, %swap3A_1183] {strides = array<i32>} : memref<128x64xf32, #tpu.memory_space<vmem>>, vector<1x16xf32>,
          %swap3A_1185 = vector.shape_cast %swap3A_1184 : vector<1x16xf32> to vector<16xf32>
          %swap3A_1186 = vector.shape_cast %get3A_1181 : vector<16xf32> to vector<1x16xf32>
          tpu.vector_store %arg23[%swap3A_1182, %swap3A_1183], %swap3A_1186 {strides = array<i32>} : memref<128x64xf32, #tpu.memory_space<vmem>>, vector<1x16xf32>,
          %get3A_1187 = arith.index_cast %add3A_1159 : i32 to index
          %get3A_1188 = arith.constant 48 : index
          %get3A_1189 = tpu.vector_load %arg20[%get3A_1187, %get3A_1188] {strides = array<i32>} : memref<128x128xf32, #tpu.memory_space<vmem>>, vector<1x16xf32>,
          %get3A_1190 = vector.shape_cast %get3A_1189 : vector<1x16xf32> to vector<16xf32>
          %swap3A_1191 = arith.index_cast %add3A_1159 : i32 to index
          %swap3A_1192 = arith.constant 48 : index
          %swap3A_1193 = tpu.vector_load %arg23[%swap3A_1191, %swap3A_1192] {strides = array<i32>} : memref<128x64xf32, #tpu.memory_space<vmem>>, vector<1x16xf32>,
          %swap3A_1194 = vector.shape_cast %swap3A_1193 : vector<1x16xf32> to vector<16xf32>
          %swap3A_1195 = vector.shape_cast %get3A_1190 : vector<16xf32> to vector<1x16xf32>
          tpu.vector_store %arg23[%swap3A_1191, %swap3A_1192], %swap3A_1195 {strides = array<i32>} : memref<128x64xf32, #tpu.memory_space<vmem>>, vector<1x16xf32>,
          %mul3A_1196 = arith.constant 8 : i32
          %mul3A_1197 = arith.muli %scan3A_1035, %mul3A_1196 : i32
          %add3A_1198 = arith.constant 4 : i32
          %add3A_1199 = arith.addi %mul3A_1197, %add3A_1198 : i32
          %get3A_1200 = arith.index_cast %add3A_1199 : i32 to index
          %get3A_1201 = arith.constant 0 : index
          %get3A_1202 = tpu.vector_load %arg20[%get3A_1200, %get3A_1201] {strides = array<i32>} : memref<128x128xf32, #tpu.memory_space<vmem>>, vector<1x16xf32>,
          %get3A_1203 = vector.shape_cast %get3A_1202 : vector<1x16xf32> to vector<16xf32>
          %swap3A_1204 = arith.index_cast %add3A_1199 : i32 to index
          %swap3A_1205 = arith.constant 0 : index
          %swap3A_1206 = tpu.vector_load %arg23[%swap3A_1204, %swap3A_1205] {strides = array<i32>} : memref<128x64xf32, #tpu.memory_space<vmem>>, vector<1x16xf32>,
          %swap3A_1207 = vector.shape_cast %swap3A_1206 : vector<1x16xf32> to vector<16xf32>
          %swap3A_1208 = vector.shape_cast %get3A_1203 : vector<16xf32> to vector<1x16xf32>
          tpu.vector_store %arg23[%swap3A_1204, %swap3A_1205], %swap3A_1208 {strides = array<i32>} : memref<128x64xf32, #tpu.memory_space<vmem>>, vector<1x16xf32>,
          %get3A_1209 = arith.index_cast %add3A_1199 : i32 to index
          %get3A_1210 = arith.constant 16 : index
          %get3A_1211 = tpu.vector_load %arg20[%get3A_1209, %get3A_1210] {strides = array<i32>} : memref<128x128xf32, #tpu.memory_space<vmem>>, vector<1x16xf32>,
          %get3A_1212 = vector.shape_cast %get3A_1211 : vector<1x16xf32> to vector<16xf32>
          %swap3A_1213 = arith.index_cast %add3A_1199 : i32 to index
          %swap3A_1214 = arith.constant 16 : index
          %swap3A_1215 = tpu.vector_load %arg23[%swap3A_1213, %swap3A_1214] {strides = array<i32>} : memref<128x64xf32, #tpu.memory_space<vmem>>, vector<1x16xf32>,
          %swap3A_1216 = vector.shape_cast %swap3A_1215 : vector<1x16xf32> to vector<16xf32>
          %swap3A_1217 = vector.shape_cast %get3A_1212 : vector<16xf32> to vector<1x16xf32>
          tpu.vector_store %arg23[%swap3A_1213, %swap3A_1214], %swap3A_1217 {strides = array<i32>} : memref<128x64xf32, #tpu.memory_space<vmem>>, vector<1x16xf32>,
          %get3A_1218 = arith.index_cast %add3A_1199 : i32 to index
          %get3A_1219 = arith.constant 32 : index
          %get3A_1220 = tpu.vector_load %arg20[%get3A_1218, %get3A_1219] {strides = array<i32>} : memref<128x128xf32, #tpu.memory_space<vmem>>, vector<1x16xf32>,
          %get3A_1221 = vector.shape_cast %get3A_1220 : vector<1x16xf32> to vector<16xf32>
          %swap3A_1222 = arith.index_cast %add3A_1199 : i32 to index
          %swap3A_1223 = arith.constant 32 : index
          %swap3A_1224 = tpu.vector_load %arg23[%swap3A_1222, %swap3A_1223] {strides = array<i32>} : memref<128x64xf32, #tpu.memory_space<vmem>>, vector<1x16xf32>,
          %swap3A_1225 = vector.shape_cast %swap3A_1224 : vector<1x16xf32> to vector<16xf32>
          %swap3A_1226 = vector.shape_cast %get3A_1221 : vector<16xf32> to vector<1x16xf32>
          tpu.vector_store %arg23[%swap3A_1222, %swap3A_1223], %swap3A_1226 {strides = array<i32>} : memref<128x64xf32, #tpu.memory_space<vmem>>, vector<1x16xf32>,
          %get3A_1227 = arith.index_cast %add3A_1199 : i32 to index
          %get3A_1228 = arith.constant 48 : index
          %get3A_1229 = tpu.vector_load %arg20[%get3A_1227, %get3A_1228] {strides = array<i32>} : memref<128x128xf32, #tpu.memory_space<vmem>>, vector<1x16xf32>,
          %get3A_1230 = vector.shape_cast %get3A_1229 : vector<1x16xf32> to vector<16xf32>
          %swap3A_1231 = arith.index_cast %add3A_1199 : i32 to index
          %swap3A_1232 = arith.constant 48 : index
          %swap3A_1233 = tpu.vector_load %arg23[%swap3A_1231, %swap3A_1232] {strides = array<i32>} : memref<128x64xf32, #tpu.memory_space<vmem>>, vector<1x16xf32>,
          %swap3A_1234 = vector.shape_cast %swap3A_1233 : vector<1x16xf32> to vector<16xf32>
          %swap3A_1235 = vector.shape_cast %get3A_1230 : vector<16xf32> to vector<1x16xf32>
          tpu.vector_store %arg23[%swap3A_1231, %swap3A_1232], %swap3A_1235 {strides = array<i32>} : memref<128x64xf32, #tpu.memory_space<vmem>>, vector<1x16xf32>,
          %mul3A_1236 = arith.constant 8 : i32
          %mul3A_1237 = arith.muli %scan3A_1035, %mul3A_1236 : i32
          %add3A_1238 = arith.constant 5 : i32
          %add3A_1239 = arith.addi %mul3A_1237, %add3A_1238 : i32
          %get3A_1240 = arith.index_cast %add3A_1239 : i32 to index
          %get3A_1241 = arith.constant 0 : index
          %get3A_1242 = tpu.vector_load %arg20[%get3A_1240, %get3A_1241] {strides = array<i32>} : memref<128x128xf32, #tpu.memory_space<vmem>>, vector<1x16xf32>,
          %get3A_1243 = vector.shape_cast %get3A_1242 : vector<1x16xf32> to vector<16xf32>
          %swap3A_1244 = arith.index_cast %add3A_1239 : i32 to index
          %swap3A_1245 = arith.constant 0 : index
          %swap3A_1246 = tpu.vector_load %arg23[%swap3A_1244, %swap3A_1245] {strides = array<i32>} : memref<128x64xf32, #tpu.memory_space<vmem>>, vector<1x16xf32>,
          %swap3A_1247 = vector.shape_cast %swap3A_1246 : vector<1x16xf32> to vector<16xf32>
          %swap3A_1248 = vector.shape_cast %get3A_1243 : vector<16xf32> to vector<1x16xf32>
          tpu.vector_store %arg23[%swap3A_1244, %swap3A_1245], %swap3A_1248 {strides = array<i32>} : memref<128x64xf32, #tpu.memory_space<vmem>>, vector<1x16xf32>,
          %get3A_1249 = arith.index_cast %add3A_1239 : i32 to index
          %get3A_1250 = arith.constant 16 : index
          %get3A_1251 = tpu.vector_load %arg20[%get3A_1249, %get3A_1250] {strides = array<i32>} : memref<128x128xf32, #tpu.memory_space<vmem>>, vector<1x16xf32>,
          %get3A_1252 = vector.shape_cast %get3A_1251 : vector<1x16xf32> to vector<16xf32>
          %swap3A_1253 = arith.index_cast %add3A_1239 : i32 to index
          %swap3A_1254 = arith.constant 16 : index
          %swap3A_1255 = tpu.vector_load %arg23[%swap3A_1253, %swap3A_1254] {strides = array<i32>} : memref<128x64xf32, #tpu.memory_space<vmem>>, vector<1x16xf32>,
          %swap3A_1256 = vector.shape_cast %swap3A_1255 : vector<1x16xf32> to vector<16xf32>
          %swap3A_1257 = vector.shape_cast %get3A_1252 : vector<16xf32> to vector<1x16xf32>
          tpu.vector_store %arg23[%swap3A_1253, %swap3A_1254], %swap3A_1257 {strides = array<i32>} : memref<128x64xf32, #tpu.memory_space<vmem>>, vector<1x16xf32>,
          %get3A_1258 = arith.index_cast %add3A_1239 : i32 to index
          %get3A_1259 = arith.constant 32 : index
          %get3A_1260 = tpu.vector_load %arg20[%get3A_1258, %get3A_1259] {strides = array<i32>} : memref<128x128xf32, #tpu.memory_space<vmem>>, vector<1x16xf32>,
          %get3A_1261 = vector.shape_cast %get3A_1260 : vector<1x16xf32> to vector<16xf32>
          %swap3A_1262 = arith.index_cast %add3A_1239 : i32 to index
          %swap3A_1263 = arith.constant 32 : index
          %swap3A_1264 = tpu.vector_load %arg23[%swap3A_1262, %swap3A_1263] {strides = array<i32>} : memref<128x64xf32, #tpu.memory_space<vmem>>, vector<1x16xf32>,
          %swap3A_1265 = vector.shape_cast %swap3A_1264 : vector<1x16xf32> to vector<16xf32>
          %swap3A_1266 = vector.shape_cast %get3A_1261 : vector<16xf32> to vector<1x16xf32>
          tpu.vector_store %arg23[%swap3A_1262, %swap3A_1263], %swap3A_1266 {strides = array<i32>} : memref<128x64xf32, #tpu.memory_space<vmem>>, vector<1x16xf32>,
          %get3A_1267 = arith.index_cast %add3A_1239 : i32 to index
          %get3A_1268 = arith.constant 48 : index
          %get3A_1269 = tpu.vector_load %arg20[%get3A_1267, %get3A_1268] {strides = array<i32>} : memref<128x128xf32, #tpu.memory_space<vmem>>, vector<1x16xf32>,
          %get3A_1270 = vector.shape_cast %get3A_1269 : vector<1x16xf32> to vector<16xf32>
          %swap3A_1271 = arith.index_cast %add3A_1239 : i32 to index
          %swap3A_1272 = arith.constant 48 : index
          %swap3A_1273 = tpu.vector_load %arg23[%swap3A_1271, %swap3A_1272] {strides = array<i32>} : memref<128x64xf32, #tpu.memory_space<vmem>>, vector<1x16xf32>,
          %swap3A_1274 = vector.shape_cast %swap3A_1273 : vector<1x16xf32> to vector<16xf32>
          %swap3A_1275 = vector.shape_cast %get3A_1270 : vector<16xf32> to vector<1x16xf32>
          tpu.vector_store %arg23[%swap3A_1271, %swap3A_1272], %swap3A_1275 {strides = array<i32>} : memref<128x64xf32, #tpu.memory_space<vmem>>, vector<1x16xf32>,
          %mul3A_1276 = arith.constant 8 : i32
          %mul3A_1277 = arith.muli %scan3A_1035, %mul3A_1276 : i32
          %add3A_1278 = arith.constant 6 : i32
          %add3A_1279 = arith.addi %mul3A_1277, %add3A_1278 : i32
          %get3A_1280 = arith.index_cast %add3A_1279 : i32 to index
          %get3A_1281 = arith.constant 0 : index
          %get3A_1282 = tpu.vector_load %arg20[%get3A_1280, %get3A_1281] {strides = array<i32>} : memref<128x128xf32, #tpu.memory_space<vmem>>, vector<1x16xf32>,
          %get3A_1283 = vector.shape_cast %get3A_1282 : vector<1x16xf32> to vector<16xf32>
          %swap3A_1284 = arith.index_cast %add3A_1279 : i32 to index
          %swap3A_1285 = arith.constant 0 : index
          %swap3A_1286 = tpu.vector_load %arg23[%swap3A_1284, %swap3A_1285] {strides = array<i32>} : memref<128x64xf32, #tpu.memory_space<vmem>>, vector<1x16xf32>,
          %swap3A_1287 = vector.shape_cast %swap3A_1286 : vector<1x16xf32> to vector<16xf32>
          %swap3A_1288 = vector.shape_cast %get3A_1283 : vector<16xf32> to vector<1x16xf32>
          tpu.vector_store %arg23[%swap3A_1284, %swap3A_1285], %swap3A_1288 {strides = array<i32>} : memref<128x64xf32, #tpu.memory_space<vmem>>, vector<1x16xf32>,
          %get3A_1289 = arith.index_cast %add3A_1279 : i32 to index
          %get3A_1290 = arith.constant 16 : index
          %get3A_1291 = tpu.vector_load %arg20[%get3A_1289, %get3A_1290] {strides = array<i32>} : memref<128x128xf32, #tpu.memory_space<vmem>>, vector<1x16xf32>,
          %get3A_1292 = vector.shape_cast %get3A_1291 : vector<1x16xf32> to vector<16xf32>
          %swap3A_1293 = arith.index_cast %add3A_1279 : i32 to index
          %swap3A_1294 = arith.constant 16 : index
          %swap3A_1295 = tpu.vector_load %arg23[%swap3A_1293, %swap3A_1294] {strides = array<i32>} : memref<128x64xf32, #tpu.memory_space<vmem>>, vector<1x16xf32>,
          %swap3A_1296 = vector.shape_cast %swap3A_1295 : vector<1x16xf32> to vector<16xf32>
          %swap3A_1297 = vector.shape_cast %get3A_1292 : vector<16xf32> to vector<1x16xf32>
          tpu.vector_store %arg23[%swap3A_1293, %swap3A_1294], %swap3A_1297 {strides = array<i32>} : memref<128x64xf32, #tpu.memory_space<vmem>>, vector<1x16xf32>,
          %get3A_1298 = arith.index_cast %add3A_1279 : i32 to index
          %get3A_1299 = arith.constant 32 : index
          %get3A_1300 = tpu.vector_load %arg20[%get3A_1298, %get3A_1299] {strides = array<i32>} : memref<128x128xf32, #tpu.memory_space<vmem>>, vector<1x16xf32>,
          %get3A_1301 = vector.shape_cast %get3A_1300 : vector<1x16xf32> to vector<16xf32>
          %swap3A_1302 = arith.index_cast %add3A_1279 : i32 to index
          %swap3A_1303 = arith.constant 32 : index
          %swap3A_1304 = tpu.vector_load %arg23[%swap3A_1302, %swap3A_1303] {strides = array<i32>} : memref<128x64xf32, #tpu.memory_space<vmem>>, vector<1x16xf32>,
          %swap3A_1305 = vector.shape_cast %swap3A_1304 : vector<1x16xf32> to vector<16xf32>
          %swap3A_1306 = vector.shape_cast %get3A_1301 : vector<16xf32> to vector<1x16xf32>
          tpu.vector_store %arg23[%swap3A_1302, %swap3A_1303], %swap3A_1306 {strides = array<i32>} : memref<128x64xf32, #tpu.memory_space<vmem>>, vector<1x16xf32>,
          %get3A_1307 = arith.index_cast %add3A_1279 : i32 to index
          %get3A_1308 = arith.constant 48 : index
          %get3A_1309 = tpu.vector_load %arg20[%get3A_1307, %get3A_1308] {strides = array<i32>} : memref<128x128xf32, #tpu.memory_space<vmem>>, vector<1x16xf32>,
          %get3A_1310 = vector.shape_cast %get3A_1309 : vector<1x16xf32> to vector<16xf32>
          %swap3A_1311 = arith.index_cast %add3A_1279 : i32 to index
          %swap3A_1312 = arith.constant 48 : index
          %swap3A_1313 = tpu.vector_load %arg23[%swap3A_1311, %swap3A_1312] {strides = array<i32>} : memref<128x64xf32, #tpu.memory_space<vmem>>, vector<1x16xf32>,
          %swap3A_1314 = vector.shape_cast %swap3A_1313 : vector<1x16xf32> to vector<16xf32>
          %swap3A_1315 = vector.shape_cast %get3A_1310 : vector<16xf32> to vector<1x16xf32>
          tpu.vector_store %arg23[%swap3A_1311, %swap3A_1312], %swap3A_1315 {strides = array<i32>} : memref<128x64xf32, #tpu.memory_space<vmem>>, vector<1x16xf32>,
          %mul3A_1316 = arith.constant 8 : i32
          %mul3A_1317 = arith.muli %scan3A_1035, %mul3A_1316 : i32
          %add3A_1318 = arith.constant 7 : i32
          %add3A_1319 = arith.addi %mul3A_1317, %add3A_1318 : i32
          %get3A_1320 = arith.index_cast %add3A_1319 : i32 to index
          %get3A_1321 = arith.constant 0 : index
          %get3A_1322 = tpu.vector_load %arg20[%get3A_1320, %get3A_1321] {strides = array<i32>} : memref<128x128xf32, #tpu.memory_space<vmem>>, vector<1x16xf32>,
          %get3A_1323 = vector.shape_cast %get3A_1322 : vector<1x16xf32> to vector<16xf32>
          %swap3A_1324 = arith.index_cast %add3A_1319 : i32 to index
          %swap3A_1325 = arith.constant 0 : index
          %swap3A_1326 = tpu.vector_load %arg23[%swap3A_1324, %swap3A_1325] {strides = array<i32>} : memref<128x64xf32, #tpu.memory_space<vmem>>, vector<1x16xf32>,
          %swap3A_1327 = vector.shape_cast %swap3A_1326 : vector<1x16xf32> to vector<16xf32>
          %swap3A_1328 = vector.shape_cast %get3A_1323 : vector<16xf32> to vector<1x16xf32>
          tpu.vector_store %arg23[%swap3A_1324, %swap3A_1325], %swap3A_1328 {strides = array<i32>} : memref<128x64xf32, #tpu.memory_space<vmem>>, vector<1x16xf32>,
          %get3A_1329 = arith.index_cast %add3A_1319 : i32 to index
          %get3A_1330 = arith.constant 16 : index
          %get3A_1331 = tpu.vector_load %arg20[%get3A_1329, %get3A_1330] {strides = array<i32>} : memref<128x128xf32, #tpu.memory_space<vmem>>, vector<1x16xf32>,
          %get3A_1332 = vector.shape_cast %get3A_1331 : vector<1x16xf32> to vector<16xf32>
          %swap3A_1333 = arith.index_cast %add3A_1319 : i32 to index
          %swap3A_1334 = arith.constant 16 : index
          %swap3A_1335 = tpu.vector_load %arg23[%swap3A_1333, %swap3A_1334] {strides = array<i32>} : memref<128x64xf32, #tpu.memory_space<vmem>>, vector<1x16xf32>,
          %swap3A_1336 = vector.shape_cast %swap3A_1335 : vector<1x16xf32> to vector<16xf32>
          %swap3A_1337 = vector.shape_cast %get3A_1332 : vector<16xf32> to vector<1x16xf32>
          tpu.vector_store %arg23[%swap3A_1333, %swap3A_1334], %swap3A_1337 {strides = array<i32>} : memref<128x64xf32, #tpu.memory_space<vmem>>, vector<1x16xf32>,
          %get3A_1338 = arith.index_cast %add3A_1319 : i32 to index
          %get3A_1339 = arith.constant 32 : index
          %get3A_1340 = tpu.vector_load %arg20[%get3A_1338, %get3A_1339] {strides = array<i32>} : memref<128x128xf32, #tpu.memory_space<vmem>>, vector<1x16xf32>,
          %get3A_1341 = vector.shape_cast %get3A_1340 : vector<1x16xf32> to vector<16xf32>
          %swap3A_1342 = arith.index_cast %add3A_1319 : i32 to index
          %swap3A_1343 = arith.constant 32 : index
          %swap3A_1344 = tpu.vector_load %arg23[%swap3A_1342, %swap3A_1343] {strides = array<i32>} : memref<128x64xf32, #tpu.memory_space<vmem>>, vector<1x16xf32>,
          %swap3A_1345 = vector.shape_cast %swap3A_1344 : vector<1x16xf32> to vector<16xf32>
          %swap3A_1346 = vector.shape_cast %get3A_1341 : vector<16xf32> to vector<1x16xf32>
          tpu.vector_store %arg23[%swap3A_1342, %swap3A_1343], %swap3A_1346 {strides = array<i32>} : memref<128x64xf32, #tpu.memory_space<vmem>>, vector<1x16xf32>,
          %get3A_1347 = arith.index_cast %add3A_1319 : i32 to index
          %get3A_1348 = arith.constant 48 : index
          %get3A_1349 = tpu.vector_load %arg20[%get3A_1347, %get3A_1348] {strides = array<i32>} : memref<128x128xf32, #tpu.memory_space<vmem>>, vector<1x16xf32>,
          %get3A_1350 = vector.shape_cast %get3A_1349 : vector<1x16xf32> to vector<16xf32>
          %swap3A_1351 = arith.index_cast %add3A_1319 : i32 to index
          %swap3A_1352 = arith.constant 48 : index
          %swap3A_1353 = tpu.vector_load %arg23[%swap3A_1351, %swap3A_1352] {strides = array<i32>} : memref<128x64xf32, #tpu.memory_space<vmem>>, vector<1x16xf32>,
          %swap3A_1354 = vector.shape_cast %swap3A_1353 : vector<1x16xf32> to vector<16xf32>
          %swap3A_1355 = vector.shape_cast %get3A_1350 : vector<16xf32> to vector<1x16xf32>
          tpu.vector_store %arg23[%swap3A_1351, %swap3A_1352], %swap3A_1355 {strides = array<i32>} : memref<128x64xf32, #tpu.memory_space<vmem>>, vector<1x16xf32>,
        }
        %scan3A_1027 = arith.constant 16 : i32
        %mul3A_1028 = arith.constant 128 : i32
        %mul3A_1029 = arith.muli %sub3A_1013, %mul3A_1028 : i32
        %add3A_1030 = arith.addi %mul3A_2, %mul3A_1029 : i32
        %dma_start3A_1031 = arith.constant 0 : i32
        %dma_start3A_1032 = tpu.memref_slice %arg6[%add3A_1030, %dma_start3A_1031] : memref<800000x64xf32, #tpu.memory_space<hbm>> -> memref<128x64xf32, #tpu.memory_space<hbm>>
        %dma_start3A_1033 = arith.constant 0 : i32
        %dma_start3A_1034 = tpu.memref_slice %arg6[%add3A_1030, %dma_start3A_1033] : memref<800000x64xf32, #tpu.memory_space<hbm>> -> memref<128x64xf32, #tpu.memory_space<hbm>>
        tpu.enqueue_dma source(%arg23 : memref<128x64xf32, #tpu.memory_space<vmem>>) target(%dma_start3A_1034 : memref<128x64xf32, #tpu.memory_space<hbm>>) target_semaphore(%arg32 : memref<!tpu.dma_semaphore, #tpu.memory_space<semaphore_mem>>)
      } else {
      }
      %add3A_765 = arith.constant 3 : i32
      %add3A_766 = arith.addi %add3A_534, %add3A_765 : i32
      %lt3A_767 = arith.constant 195 : i32
      %lt3A_768 = arith.cmpi slt, %add3A_766, %lt3A_767 : i32
      %convert_element_type3A_769 = arith.extui %lt3A_768 : i1 to i32
      %cond3A_770 = arith.constant 0 : i32
      %cond3A_771 = arith.cmpi ne, %convert_element_type3A_769, %cond3A_770 : i32
      scf.if %cond3A_771 {
        %add3A_1013 = arith.constant 3 : i32
        %add3A_1014 = arith.addi %add3A_534, %add3A_1013 : i32
        %mul3A_1015 = arith.constant 128 : i32
        %mul3A_1016 = arith.muli %add3A_1014, %mul3A_1015 : i32
        %add3A_1017 = arith.addi %mul3A_2, %mul3A_1016 : i32
        %dma_start3A_1018 = tpu.memref_slice %arg2[%add3A_1017] : memref<800000xi32, #tpu.memory_space<hbm>> -> memref<128xi32, #tpu.memory_space<hbm>>
        %dma_start3A_1019 = tpu.memref_slice %arg2[%add3A_1017] : memref<800000xi32, #tpu.memory_space<hbm>> -> memref<128xi32, #tpu.memory_space<hbm>>
        tpu.enqueue_dma source(%dma_start3A_1019 : memref<128xi32, #tpu.memory_space<hbm>>) target(%arg11 : memref<128xi32, #tpu.memory_space<vmem>>) target_semaphore(%arg27 : memref<!tpu.dma_semaphore, #tpu.memory_space<semaphore_mem>>)
        %dma_start3A_1020 = tpu.memref_slice %arg3[%add3A_1017] : memref<800000xi32, #tpu.memory_space<hbm>> -> memref<128xi32, #tpu.memory_space<hbm>>
        %dma_start3A_1021 = tpu.memref_slice %arg3[%add3A_1017] : memref<800000xi32, #tpu.memory_space<hbm>> -> memref<128xi32, #tpu.memory_space<hbm>>
        tpu.enqueue_dma source(%dma_start3A_1021 : memref<128xi32, #tpu.memory_space<hbm>>) target(%arg12 : memref<128xi32, #tpu.memory_space<vmem>>) target_semaphore(%arg27 : memref<!tpu.dma_semaphore, #tpu.memory_space<semaphore_mem>>)
        %dma_start3A_1022 = tpu.memref_slice %arg4[%add3A_1017] : memref<800000xi32, #tpu.memory_space<hbm>> -> memref<128xi32, #tpu.memory_space<hbm>>
        %dma_start3A_1023 = tpu.memref_slice %arg4[%add3A_1017] : memref<800000xi32, #tpu.memory_space<hbm>> -> memref<128xi32, #tpu.memory_space<hbm>>
        tpu.enqueue_dma source(%dma_start3A_1023 : memref<128xi32, #tpu.memory_space<hbm>>) target(%arg13 : memref<128xi32, #tpu.memory_space<vmem>>) target_semaphore(%arg27 : memref<!tpu.dma_semaphore, #tpu.memory_space<semaphore_mem>>)
      } else {
      }
      %mul3A_772 = arith.constant 3 : i32
      %mul3A_773 = arith.muli %mul3A_772, %scan3A_292 : i32
      %add3A_774 = arith.constant 2 : i32
      %add3A_775 = arith.addi %mul3A_773, %add3A_774 : i32
      %dma_wait3A_776 = tpu.memref_slice %arg2[%mul3A_2] : memref<800000xi32, #tpu.memory_space<hbm>> -> memref<128xi32, #tpu.memory_space<hbm>>
      %dma_wait3A_777 = tpu.memref_slice %arg2[%mul3A_2] : memref<800000xi32, #tpu.memory_space<hbm>> -> memref<128xi32, #tpu.memory_space<hbm>>
      tpu.wait_dma2 semaphore(%arg28 : memref<!tpu.dma_semaphore, #tpu.memory_space<semaphore_mem>>) src(%dma_wait3A_777 : memref<128xi32, #tpu.memory_space<hbm>>) dst(%arg14 : memref<128xi32, #tpu.memory_space<vmem>>)
      %dma_wait3A_778 = tpu.memref_slice %arg3[%mul3A_2] : memref<800000xi32, #tpu.memory_space<hbm>> -> memref<128xi32, #tpu.memory_space<hbm>>
      %dma_wait3A_779 = tpu.memref_slice %arg3[%mul3A_2] : memref<800000xi32, #tpu.memory_space<hbm>> -> memref<128xi32, #tpu.memory_space<hbm>>
      tpu.wait_dma2 semaphore(%arg28 : memref<!tpu.dma_semaphore, #tpu.memory_space<semaphore_mem>>) src(%dma_wait3A_779 : memref<128xi32, #tpu.memory_space<hbm>>) dst(%arg15 : memref<128xi32, #tpu.memory_space<vmem>>)
      %dma_wait3A_780 = tpu.memref_slice %arg4[%mul3A_2] : memref<800000xi32, #tpu.memory_space<hbm>> -> memref<128xi32, #tpu.memory_space<hbm>>
      %dma_wait3A_781 = tpu.memref_slice %arg4[%mul3A_2] : memref<800000xi32, #tpu.memory_space<hbm>> -> memref<128xi32, #tpu.memory_space<hbm>>
      tpu.wait_dma2 semaphore(%arg28 : memref<!tpu.dma_semaphore, #tpu.memory_space<semaphore_mem>>) src(%dma_wait3A_781 : memref<128xi32, #tpu.memory_space<hbm>>) dst(%arg16 : memref<128xi32, #tpu.memory_space<vmem>>)
      %get3A_782 = arith.constant 0 : index
      %get3A_783 = tpu.vector_load %arg14[%get3A_782] {strides = array<i32>} : memref<128xi32, #tpu.memory_space<vmem>>, vector<16xi32>,
      %get3A_784 = vector.shape_cast %get3A_783 : vector<16xi32> to vector<16xi32>
      %mul3A_785 = arith.constant 12 : i32
      %mul3A_786 = vector.broadcast %mul3A_785 : i32 to vector<16xi32>
      %mul3A_787 = arith.muli %get3A_784, %mul3A_786 : vector<16xi32>
      %get3A_788 = arith.constant 0 : index
      %get3A_789 = tpu.vector_load %arg15[%get3A_788] {strides = array<i32>} : memref<128xi32, #tpu.memory_space<vmem>>, vector<16xi32>,
      %get3A_790 = vector.shape_cast %get3A_789 : vector<16xi32> to vector<16xi32>
      %mul3A_791 = arith.constant 2 : i32
      %mul3A_792 = vector.broadcast %mul3A_791 : i32 to vector<16xi32>
      %mul3A_793 = arith.muli %get3A_790, %mul3A_792 : vector<16xi32>
      %add3A_794 = arith.addi %mul3A_787, %mul3A_793 : vector<16xi32>
      %get3A_795 = arith.constant 0 : index
      %get3A_796 = tpu.vector_load %arg16[%get3A_795] {strides = array<i32>} : memref<128xi32, #tpu.memory_space<vmem>>, vector<16xi32>,
      %get3A_797 = vector.shape_cast %get3A_796 : vector<16xi32> to vector<16xi32>
      %add3A_798 = arith.addi %add3A_794, %get3A_797 : vector<16xi32>
      %max3A_799 = arith.constant 0 : i32
      %max3A_800 = vector.broadcast %max3A_799 : i32 to vector<16xi32>
      %max3A_801 = arith.maxsi %add3A_798, %max3A_800 : vector<16xi32>
      %min3A_802 = arith.constant 59 : i32
      %min3A_803 = vector.broadcast %min3A_802 : i32 to vector<16xi32>
      %min3A_804 = arith.minsi %max3A_801, %min3A_803 : vector<16xi32>
      %swap3A_805 = arith.constant 0 : index
      %swap3A_806 = tpu.vector_load %arg19[%swap3A_805] {strides = array<i32>} : memref<128xi32, #tpu.memory_space<vmem>>, vector<16xi32>,
      %swap3A_807 = vector.shape_cast %swap3A_806 : vector<16xi32> to vector<16xi32>
      %swap3A_808 = vector.shape_cast %min3A_804 : vector<16xi32> to vector<16xi32>
      tpu.vector_store %arg19[%swap3A_805], %swap3A_808 {strides = array<i32>} : memref<128xi32, #tpu.memory_space<vmem>>, vector<16xi32>,
      %get3A_809 = arith.constant 16 : index
      %get3A_810 = tpu.vector_load %arg14[%get3A_809] {strides = array<i32>} : memref<128xi32, #tpu.memory_space<vmem>>, vector<16xi32>,
      %get3A_811 = vector.shape_cast %get3A_810 : vector<16xi32> to vector<16xi32>
      %mul3A_812 = arith.constant 12 : i32
      %mul3A_813 = vector.broadcast %mul3A_812 : i32 to vector<16xi32>
      %mul3A_814 = arith.muli %get3A_811, %mul3A_813 : vector<16xi32>
      %get3A_815 = arith.constant 16 : index
      %get3A_816 = tpu.vector_load %arg15[%get3A_815] {strides = array<i32>} : memref<128xi32, #tpu.memory_space<vmem>>, vector<16xi32>,
      %get3A_817 = vector.shape_cast %get3A_816 : vector<16xi32> to vector<16xi32>
      %mul3A_818 = arith.constant 2 : i32
      %mul3A_819 = vector.broadcast %mul3A_818 : i32 to vector<16xi32>
      %mul3A_820 = arith.muli %get3A_817, %mul3A_819 : vector<16xi32>
      %add3A_821 = arith.addi %mul3A_814, %mul3A_820 : vector<16xi32>
      %get3A_822 = arith.constant 16 : index
      %get3A_823 = tpu.vector_load %arg16[%get3A_822] {strides = array<i32>} : memref<128xi32, #tpu.memory_space<vmem>>, vector<16xi32>,
      %get3A_824 = vector.shape_cast %get3A_823 : vector<16xi32> to vector<16xi32>
      %add3A_825 = arith.addi %add3A_821, %get3A_824 : vector<16xi32>
      %max3A_826 = arith.constant 0 : i32
      %max3A_827 = vector.broadcast %max3A_826 : i32 to vector<16xi32>
      %max3A_828 = arith.maxsi %add3A_825, %max3A_827 : vector<16xi32>
      %min3A_829 = arith.constant 59 : i32
      %min3A_830 = vector.broadcast %min3A_829 : i32 to vector<16xi32>
      %min3A_831 = arith.minsi %max3A_828, %min3A_830 : vector<16xi32>
      %swap3A_832 = arith.constant 16 : index
      %swap3A_833 = tpu.vector_load %arg19[%swap3A_832] {strides = array<i32>} : memref<128xi32, #tpu.memory_space<vmem>>, vector<16xi32>,
      %swap3A_834 = vector.shape_cast %swap3A_833 : vector<16xi32> to vector<16xi32>
      %swap3A_835 = vector.shape_cast %min3A_831 : vector<16xi32> to vector<16xi32>
      tpu.vector_store %arg19[%swap3A_832], %swap3A_835 {strides = array<i32>} : memref<128xi32, #tpu.memory_space<vmem>>, vector<16xi32>,
      %get3A_836 = arith.constant 32 : index
      %get3A_837 = tpu.vector_load %arg14[%get3A_836] {strides = array<i32>} : memref<128xi32, #tpu.memory_space<vmem>>, vector<16xi32>,
      %get3A_838 = vector.shape_cast %get3A_837 : vector<16xi32> to vector<16xi32>
      %mul3A_839 = arith.constant 12 : i32
      %mul3A_840 = vector.broadcast %mul3A_839 : i32 to vector<16xi32>
      %mul3A_841 = arith.muli %get3A_838, %mul3A_840 : vector<16xi32>
      %get3A_842 = arith.constant 32 : index
      %get3A_843 = tpu.vector_load %arg15[%get3A_842] {strides = array<i32>} : memref<128xi32, #tpu.memory_space<vmem>>, vector<16xi32>,
      %get3A_844 = vector.shape_cast %get3A_843 : vector<16xi32> to vector<16xi32>
      %mul3A_845 = arith.constant 2 : i32
      %mul3A_846 = vector.broadcast %mul3A_845 : i32 to vector<16xi32>
      %mul3A_847 = arith.muli %get3A_844, %mul3A_846 : vector<16xi32>
      %add3A_848 = arith.addi %mul3A_841, %mul3A_847 : vector<16xi32>
      %get3A_849 = arith.constant 32 : index
      %get3A_850 = tpu.vector_load %arg16[%get3A_849] {strides = array<i32>} : memref<128xi32, #tpu.memory_space<vmem>>, vector<16xi32>,
      %get3A_851 = vector.shape_cast %get3A_850 : vector<16xi32> to vector<16xi32>
      %add3A_852 = arith.addi %add3A_848, %get3A_851 : vector<16xi32>
      %max3A_853 = arith.constant 0 : i32
      %max3A_854 = vector.broadcast %max3A_853 : i32 to vector<16xi32>
      %max3A_855 = arith.maxsi %add3A_852, %max3A_854 : vector<16xi32>
      %min3A_856 = arith.constant 59 : i32
      %min3A_857 = vector.broadcast %min3A_856 : i32 to vector<16xi32>
      %min3A_858 = arith.minsi %max3A_855, %min3A_857 : vector<16xi32>
      %swap3A_859 = arith.constant 32 : index
      %swap3A_860 = tpu.vector_load %arg19[%swap3A_859] {strides = array<i32>} : memref<128xi32, #tpu.memory_space<vmem>>, vector<16xi32>,
      %swap3A_861 = vector.shape_cast %swap3A_860 : vector<16xi32> to vector<16xi32>
      %swap3A_862 = vector.shape_cast %min3A_858 : vector<16xi32> to vector<16xi32>
      tpu.vector_store %arg19[%swap3A_859], %swap3A_862 {strides = array<i32>} : memref<128xi32, #tpu.memory_space<vmem>>, vector<16xi32>,
      %get3A_863 = arith.constant 48 : index
      %get3A_864 = tpu.vector_load %arg14[%get3A_863] {strides = array<i32>} : memref<128xi32, #tpu.memory_space<vmem>>, vector<16xi32>,
      %get3A_865 = vector.shape_cast %get3A_864 : vector<16xi32> to vector<16xi32>
      %mul3A_866 = arith.constant 12 : i32
      %mul3A_867 = vector.broadcast %mul3A_866 : i32 to vector<16xi32>
      %mul3A_868 = arith.muli %get3A_865, %mul3A_867 : vector<16xi32>
      %get3A_869 = arith.constant 48 : index
      %get3A_870 = tpu.vector_load %arg15[%get3A_869] {strides = array<i32>} : memref<128xi32, #tpu.memory_space<vmem>>, vector<16xi32>,
      %get3A_871 = vector.shape_cast %get3A_870 : vector<16xi32> to vector<16xi32>
      %mul3A_872 = arith.constant 2 : i32
      %mul3A_873 = vector.broadcast %mul3A_872 : i32 to vector<16xi32>
      %mul3A_874 = arith.muli %get3A_871, %mul3A_873 : vector<16xi32>
      %add3A_875 = arith.addi %mul3A_868, %mul3A_874 : vector<16xi32>
      %get3A_876 = arith.constant 48 : index
      %get3A_877 = tpu.vector_load %arg16[%get3A_876] {strides = array<i32>} : memref<128xi32, #tpu.memory_space<vmem>>, vector<16xi32>,
      %get3A_878 = vector.shape_cast %get3A_877 : vector<16xi32> to vector<16xi32>
      %add3A_879 = arith.addi %add3A_875, %get3A_878 : vector<16xi32>
      %max3A_880 = arith.constant 0 : i32
      %max3A_881 = vector.broadcast %max3A_880 : i32 to vector<16xi32>
      %max3A_882 = arith.maxsi %add3A_879, %max3A_881 : vector<16xi32>
      %min3A_883 = arith.constant 59 : i32
      %min3A_884 = vector.broadcast %min3A_883 : i32 to vector<16xi32>
      %min3A_885 = arith.minsi %max3A_882, %min3A_884 : vector<16xi32>
      %swap3A_886 = arith.constant 48 : index
      %swap3A_887 = tpu.vector_load %arg19[%swap3A_886] {strides = array<i32>} : memref<128xi32, #tpu.memory_space<vmem>>, vector<16xi32>,
      %swap3A_888 = vector.shape_cast %swap3A_887 : vector<16xi32> to vector<16xi32>
      %swap3A_889 = vector.shape_cast %min3A_885 : vector<16xi32> to vector<16xi32>
      tpu.vector_store %arg19[%swap3A_886], %swap3A_889 {strides = array<i32>} : memref<128xi32, #tpu.memory_space<vmem>>, vector<16xi32>,
      %get3A_890 = arith.constant 64 : index
      %get3A_891 = tpu.vector_load %arg14[%get3A_890] {strides = array<i32>} : memref<128xi32, #tpu.memory_space<vmem>>, vector<16xi32>,
      %get3A_892 = vector.shape_cast %get3A_891 : vector<16xi32> to vector<16xi32>
      %mul3A_893 = arith.constant 12 : i32
      %mul3A_894 = vector.broadcast %mul3A_893 : i32 to vector<16xi32>
      %mul3A_895 = arith.muli %get3A_892, %mul3A_894 : vector<16xi32>
      %get3A_896 = arith.constant 64 : index
      %get3A_897 = tpu.vector_load %arg15[%get3A_896] {strides = array<i32>} : memref<128xi32, #tpu.memory_space<vmem>>, vector<16xi32>,
      %get3A_898 = vector.shape_cast %get3A_897 : vector<16xi32> to vector<16xi32>
      %mul3A_899 = arith.constant 2 : i32
      %mul3A_900 = vector.broadcast %mul3A_899 : i32 to vector<16xi32>
      %mul3A_901 = arith.muli %get3A_898, %mul3A_900 : vector<16xi32>
      %add3A_902 = arith.addi %mul3A_895, %mul3A_901 : vector<16xi32>
      %get3A_903 = arith.constant 64 : index
      %get3A_904 = tpu.vector_load %arg16[%get3A_903] {strides = array<i32>} : memref<128xi32, #tpu.memory_space<vmem>>, vector<16xi32>,
      %get3A_905 = vector.shape_cast %get3A_904 : vector<16xi32> to vector<16xi32>
      %add3A_906 = arith.addi %add3A_902, %get3A_905 : vector<16xi32>
      %max3A_907 = arith.constant 0 : i32
      %max3A_908 = vector.broadcast %max3A_907 : i32 to vector<16xi32>
      %max3A_909 = arith.maxsi %add3A_906, %max3A_908 : vector<16xi32>
      %min3A_910 = arith.constant 59 : i32
      %min3A_911 = vector.broadcast %min3A_910 : i32 to vector<16xi32>
      %min3A_912 = arith.minsi %max3A_909, %min3A_911 : vector<16xi32>
      %swap3A_913 = arith.constant 64 : index
      %swap3A_914 = tpu.vector_load %arg19[%swap3A_913] {strides = array<i32>} : memref<128xi32, #tpu.memory_space<vmem>>, vector<16xi32>,
      %swap3A_915 = vector.shape_cast %swap3A_914 : vector<16xi32> to vector<16xi32>
      %swap3A_916 = vector.shape_cast %min3A_912 : vector<16xi32> to vector<16xi32>
      tpu.vector_store %arg19[%swap3A_913], %swap3A_916 {strides = array<i32>} : memref<128xi32, #tpu.memory_space<vmem>>, vector<16xi32>,
      %get3A_917 = arith.constant 80 : index
      %get3A_918 = tpu.vector_load %arg14[%get3A_917] {strides = array<i32>} : memref<128xi32, #tpu.memory_space<vmem>>, vector<16xi32>,
      %get3A_919 = vector.shape_cast %get3A_918 : vector<16xi32> to vector<16xi32>
      %mul3A_920 = arith.constant 12 : i32
      %mul3A_921 = vector.broadcast %mul3A_920 : i32 to vector<16xi32>
      %mul3A_922 = arith.muli %get3A_919, %mul3A_921 : vector<16xi32>
      %get3A_923 = arith.constant 80 : index
      %get3A_924 = tpu.vector_load %arg15[%get3A_923] {strides = array<i32>} : memref<128xi32, #tpu.memory_space<vmem>>, vector<16xi32>,
      %get3A_925 = vector.shape_cast %get3A_924 : vector<16xi32> to vector<16xi32>
      %mul3A_926 = arith.constant 2 : i32
      %mul3A_927 = vector.broadcast %mul3A_926 : i32 to vector<16xi32>
      %mul3A_928 = arith.muli %get3A_925, %mul3A_927 : vector<16xi32>
      %add3A_929 = arith.addi %mul3A_922, %mul3A_928 : vector<16xi32>
      %get3A_930 = arith.constant 80 : index
      %get3A_931 = tpu.vector_load %arg16[%get3A_930] {strides = array<i32>} : memref<128xi32, #tpu.memory_space<vmem>>, vector<16xi32>,
      %get3A_932 = vector.shape_cast %get3A_931 : vector<16xi32> to vector<16xi32>
      %add3A_933 = arith.addi %add3A_929, %get3A_932 : vector<16xi32>
      %max3A_934 = arith.constant 0 : i32
      %max3A_935 = vector.broadcast %max3A_934 : i32 to vector<16xi32>
      %max3A_936 = arith.maxsi %add3A_933, %max3A_935 : vector<16xi32>
      %min3A_937 = arith.constant 59 : i32
      %min3A_938 = vector.broadcast %min3A_937 : i32 to vector<16xi32>
      %min3A_939 = arith.minsi %max3A_936, %min3A_938 : vector<16xi32>
      %swap3A_940 = arith.constant 80 : index
      %swap3A_941 = tpu.vector_load %arg19[%swap3A_940] {strides = array<i32>} : memref<128xi32, #tpu.memory_space<vmem>>, vector<16xi32>,
      %swap3A_942 = vector.shape_cast %swap3A_941 : vector<16xi32> to vector<16xi32>
      %swap3A_943 = vector.shape_cast %min3A_939 : vector<16xi32> to vector<16xi32>
      tpu.vector_store %arg19[%swap3A_940], %swap3A_943 {strides = array<i32>} : memref<128xi32, #tpu.memory_space<vmem>>, vector<16xi32>,
      %get3A_944 = arith.constant 96 : index
      %get3A_945 = tpu.vector_load %arg14[%get3A_944] {strides = array<i32>} : memref<128xi32, #tpu.memory_space<vmem>>, vector<16xi32>,
      %get3A_946 = vector.shape_cast %get3A_945 : vector<16xi32> to vector<16xi32>
      %mul3A_947 = arith.constant 12 : i32
      %mul3A_948 = vector.broadcast %mul3A_947 : i32 to vector<16xi32>
      %mul3A_949 = arith.muli %get3A_946, %mul3A_948 : vector<16xi32>
      %get3A_950 = arith.constant 96 : index
      %get3A_951 = tpu.vector_load %arg15[%get3A_950] {strides = array<i32>} : memref<128xi32, #tpu.memory_space<vmem>>, vector<16xi32>,
      %get3A_952 = vector.shape_cast %get3A_951 : vector<16xi32> to vector<16xi32>
      %mul3A_953 = arith.constant 2 : i32
      %mul3A_954 = vector.broadcast %mul3A_953 : i32 to vector<16xi32>
      %mul3A_955 = arith.muli %get3A_952, %mul3A_954 : vector<16xi32>
      %add3A_956 = arith.addi %mul3A_949, %mul3A_955 : vector<16xi32>
      %get3A_957 = arith.constant 96 : index
      %get3A_958 = tpu.vector_load %arg16[%get3A_957] {strides = array<i32>} : memref<128xi32, #tpu.memory_space<vmem>>, vector<16xi32>,
      %get3A_959 = vector.shape_cast %get3A_958 : vector<16xi32> to vector<16xi32>
      %add3A_960 = arith.addi %add3A_956, %get3A_959 : vector<16xi32>
      %max3A_961 = arith.constant 0 : i32
      %max3A_962 = vector.broadcast %max3A_961 : i32 to vector<16xi32>
      %max3A_963 = arith.maxsi %add3A_960, %max3A_962 : vector<16xi32>
      %min3A_964 = arith.constant 59 : i32
      %min3A_965 = vector.broadcast %min3A_964 : i32 to vector<16xi32>
      %min3A_966 = arith.minsi %max3A_963, %min3A_965 : vector<16xi32>
      %swap3A_967 = arith.constant 96 : index
      %swap3A_968 = tpu.vector_load %arg19[%swap3A_967] {strides = array<i32>} : memref<128xi32, #tpu.memory_space<vmem>>, vector<16xi32>,
      %swap3A_969 = vector.shape_cast %swap3A_968 : vector<16xi32> to vector<16xi32>
      %swap3A_970 = vector.shape_cast %min3A_966 : vector<16xi32> to vector<16xi32>
      tpu.vector_store %arg19[%swap3A_967], %swap3A_970 {strides = array<i32>} : memref<128xi32, #tpu.memory_space<vmem>>, vector<16xi32>,
      %get3A_971 = arith.constant 112 : index
      %get3A_972 = tpu.vector_load %arg14[%get3A_971] {strides = array<i32>} : memref<128xi32, #tpu.memory_space<vmem>>, vector<16xi32>,
      %get3A_973 = vector.shape_cast %get3A_972 : vector<16xi32> to vector<16xi32>
      %mul3A_974 = arith.constant 12 : i32
      %mul3A_975 = vector.broadcast %mul3A_974 : i32 to vector<16xi32>
      %mul3A_976 = arith.muli %get3A_973, %mul3A_975 : vector<16xi32>
      %get3A_977 = arith.constant 112 : index
      %get3A_978 = tpu.vector_load %arg15[%get3A_977] {strides = array<i32>} : memref<128xi32, #tpu.memory_space<vmem>>, vector<16xi32>,
      %get3A_979 = vector.shape_cast %get3A_978 : vector<16xi32> to vector<16xi32>
      %mul3A_980 = arith.constant 2 : i32
      %mul3A_981 = vector.broadcast %mul3A_980 : i32 to vector<16xi32>
      %mul3A_982 = arith.muli %get3A_979, %mul3A_981 : vector<16xi32>
      %add3A_983 = arith.addi %mul3A_976, %mul3A_982 : vector<16xi32>
      %get3A_984 = arith.constant 112 : index
      %get3A_985 = tpu.vector_load %arg16[%get3A_984] {strides = array<i32>} : memref<128xi32, #tpu.memory_space<vmem>>, vector<16xi32>,
      %get3A_986 = vector.shape_cast %get3A_985 : vector<16xi32> to vector<16xi32>
      %add3A_987 = arith.addi %add3A_983, %get3A_986 : vector<16xi32>
      %max3A_988 = arith.constant 0 : i32
      %max3A_989 = vector.broadcast %max3A_988 : i32 to vector<16xi32>
      %max3A_990 = arith.maxsi %add3A_987, %max3A_989 : vector<16xi32>
      %min3A_991 = arith.constant 59 : i32
      %min3A_992 = vector.broadcast %min3A_991 : i32 to vector<16xi32>
      %min3A_993 = arith.minsi %max3A_990, %min3A_992 : vector<16xi32>
      %swap3A_994 = arith.constant 112 : index
      %swap3A_995 = tpu.vector_load %arg19[%swap3A_994] {strides = array<i32>} : memref<128xi32, #tpu.memory_space<vmem>>, vector<16xi32>,
      %swap3A_996 = vector.shape_cast %swap3A_995 : vector<16xi32> to vector<16xi32>
      %swap3A_997 = vector.shape_cast %min3A_993 : vector<16xi32> to vector<16xi32>
      tpu.vector_store %arg19[%swap3A_994], %swap3A_997 {strides = array<i32>} : memref<128xi32, #tpu.memory_space<vmem>>, vector<16xi32>,
      %dma_start3A_998 = arith.constant 0 : i32
      %dma_start3A_999 = arith.constant 0 : i32
      %dma_start3A_1000 = tpu.memref_slice %arg7[%dma_start3A_998, %dma_start3A_999] : memref<60x128xf32, #tpu.memory_space<vmem_shared>> -> memref<60x128xf32, #tpu.memory_space<vmem_shared>>
      tpu.enqueue_indirect_dma source(%dma_start3A_1000 : memref<60x128xf32, #tpu.memory_space<vmem_shared>>) target(%arg22 : memref<128x128xf32, #tpu.memory_space<vmem>>) offsets(%arg19 : memref<128xi32, #tpu.memory_space<vmem>>) semaphore(%arg31 : memref<!tpu.dma_semaphore, #tpu.memory_space<semaphore_mem>>)
      %ge3A_1001 = arith.constant 1 : i32
      %ge3A_1002 = arith.cmpi sge, %add3A_775, %ge3A_1001 : i32
      %convert_element_type3A_1003 = arith.extui %ge3A_1002 : i1 to i32
      %cond3A_1004 = arith.constant 0 : i32
      %cond3A_1005 = arith.cmpi ne, %convert_element_type3A_1003, %cond3A_1004 : i32
      scf.if %cond3A_1005 {
        %sub3A = arith.constant 1 : i32
        %sub3A_1013 = arith.subi %add3A_775, %sub3A : i32
        %dma_wait3A_1014 = arith.constant 0 : i32
        %dma_wait3A_1015 = arith.constant 0 : i32
        %dma_wait3A_1016 = tpu.memref_slice %arg7[%dma_wait3A_1014, %dma_wait3A_1015] : memref<60x128xf32, #tpu.memory_space<vmem_shared>> -> memref<60x128xf32, #tpu.memory_space<vmem_shared>>
        tpu.wait_indirect_dma semaphore(%arg30 : memref<!tpu.dma_semaphore, #tpu.memory_space<semaphore_mem>>) src(%dma_wait3A_1016 : memref<60x128xf32, #tpu.memory_space<vmem_shared>>) dst(%arg21 : memref<128x128xf32, #tpu.memory_space<vmem>>)
        %ge3A_1017 = arith.constant 3 : i32
        %ge3A_1018 = arith.cmpi sge, %sub3A_1013, %ge3A_1017 : i32
        %convert_element_type3A_1019 = arith.extui %ge3A_1018 : i1 to i32
        %cond3A_1020 = arith.constant 0 : i32
        %cond3A_1021 = arith.cmpi ne, %convert_element_type3A_1019, %cond3A_1020 : i32
        scf.if %cond3A_1021 {
          %dma_wait3A_1035 = arith.constant 0 : i32
          %dma_wait3A_1036 = tpu.memref_slice %arg6[%mul3A_2, %dma_wait3A_1035] : memref<800000x64xf32, #tpu.memory_space<hbm>> -> memref<128x64xf32, #tpu.memory_space<hbm>>
          %dma_wait3A_1037 = arith.constant 0 : i32
          %dma_wait3A_1038 = tpu.memref_slice %arg6[%mul3A_2, %dma_wait3A_1037] : memref<800000x64xf32, #tpu.memory_space<hbm>> -> memref<128x64xf32, #tpu.memory_space<hbm>>
          tpu.wait_dma2 semaphore(%arg33 : memref<!tpu.dma_semaphore, #tpu.memory_space<semaphore_mem>>) src(%arg24 : memref<128x64xf32, #tpu.memory_space<vmem>>) dst(%dma_wait3A_1038 : memref<128x64xf32, #tpu.memory_space<hbm>>)
        } else {
        }
        %scan3A_1022 = arith.constant 0 : i32
        %scan3A_1023 = arith.constant 0 : i32
        %scan3A_1024 = arith.constant 16 : i32
        %scan3A_1025 = arith.addi %scan3A_1023, %scan3A_1024 : i32
        %scan3A_1026 = arith.constant 1 : i32
        scf.for %scan3A_1035 = %scan3A_1023 to %scan3A_1025 step %scan3A_1026  : i32 {
          %mul3A_1036 = arith.constant 8 : i32
          %mul3A_1037 = arith.muli %scan3A_1035, %mul3A_1036 : i32
          %add3A_1038 = arith.constant 0 : i32
          %add3A_1039 = arith.addi %mul3A_1037, %add3A_1038 : i32
          %get3A_1040 = arith.index_cast %add3A_1039 : i32 to index
          %get3A_1041 = arith.constant 0 : index
          %get3A_1042 = tpu.vector_load %arg21[%get3A_1040, %get3A_1041] {strides = array<i32>} : memref<128x128xf32, #tpu.memory_space<vmem>>, vector<1x16xf32>,
          %get3A_1043 = vector.shape_cast %get3A_1042 : vector<1x16xf32> to vector<16xf32>
          %swap3A_1044 = arith.index_cast %add3A_1039 : i32 to index
          %swap3A_1045 = arith.constant 0 : index
          %swap3A_1046 = tpu.vector_load %arg24[%swap3A_1044, %swap3A_1045] {strides = array<i32>} : memref<128x64xf32, #tpu.memory_space<vmem>>, vector<1x16xf32>,
          %swap3A_1047 = vector.shape_cast %swap3A_1046 : vector<1x16xf32> to vector<16xf32>
          %swap3A_1048 = vector.shape_cast %get3A_1043 : vector<16xf32> to vector<1x16xf32>
          tpu.vector_store %arg24[%swap3A_1044, %swap3A_1045], %swap3A_1048 {strides = array<i32>} : memref<128x64xf32, #tpu.memory_space<vmem>>, vector<1x16xf32>,
          %get3A_1049 = arith.index_cast %add3A_1039 : i32 to index
          %get3A_1050 = arith.constant 16 : index
          %get3A_1051 = tpu.vector_load %arg21[%get3A_1049, %get3A_1050] {strides = array<i32>} : memref<128x128xf32, #tpu.memory_space<vmem>>, vector<1x16xf32>,
          %get3A_1052 = vector.shape_cast %get3A_1051 : vector<1x16xf32> to vector<16xf32>
          %swap3A_1053 = arith.index_cast %add3A_1039 : i32 to index
          %swap3A_1054 = arith.constant 16 : index
          %swap3A_1055 = tpu.vector_load %arg24[%swap3A_1053, %swap3A_1054] {strides = array<i32>} : memref<128x64xf32, #tpu.memory_space<vmem>>, vector<1x16xf32>,
          %swap3A_1056 = vector.shape_cast %swap3A_1055 : vector<1x16xf32> to vector<16xf32>
          %swap3A_1057 = vector.shape_cast %get3A_1052 : vector<16xf32> to vector<1x16xf32>
          tpu.vector_store %arg24[%swap3A_1053, %swap3A_1054], %swap3A_1057 {strides = array<i32>} : memref<128x64xf32, #tpu.memory_space<vmem>>, vector<1x16xf32>,
          %get3A_1058 = arith.index_cast %add3A_1039 : i32 to index
          %get3A_1059 = arith.constant 32 : index
          %get3A_1060 = tpu.vector_load %arg21[%get3A_1058, %get3A_1059] {strides = array<i32>} : memref<128x128xf32, #tpu.memory_space<vmem>>, vector<1x16xf32>,
          %get3A_1061 = vector.shape_cast %get3A_1060 : vector<1x16xf32> to vector<16xf32>
          %swap3A_1062 = arith.index_cast %add3A_1039 : i32 to index
          %swap3A_1063 = arith.constant 32 : index
          %swap3A_1064 = tpu.vector_load %arg24[%swap3A_1062, %swap3A_1063] {strides = array<i32>} : memref<128x64xf32, #tpu.memory_space<vmem>>, vector<1x16xf32>,
          %swap3A_1065 = vector.shape_cast %swap3A_1064 : vector<1x16xf32> to vector<16xf32>
          %swap3A_1066 = vector.shape_cast %get3A_1061 : vector<16xf32> to vector<1x16xf32>
          tpu.vector_store %arg24[%swap3A_1062, %swap3A_1063], %swap3A_1066 {strides = array<i32>} : memref<128x64xf32, #tpu.memory_space<vmem>>, vector<1x16xf32>,
          %get3A_1067 = arith.index_cast %add3A_1039 : i32 to index
          %get3A_1068 = arith.constant 48 : index
          %get3A_1069 = tpu.vector_load %arg21[%get3A_1067, %get3A_1068] {strides = array<i32>} : memref<128x128xf32, #tpu.memory_space<vmem>>, vector<1x16xf32>,
          %get3A_1070 = vector.shape_cast %get3A_1069 : vector<1x16xf32> to vector<16xf32>
          %swap3A_1071 = arith.index_cast %add3A_1039 : i32 to index
          %swap3A_1072 = arith.constant 48 : index
          %swap3A_1073 = tpu.vector_load %arg24[%swap3A_1071, %swap3A_1072] {strides = array<i32>} : memref<128x64xf32, #tpu.memory_space<vmem>>, vector<1x16xf32>,
          %swap3A_1074 = vector.shape_cast %swap3A_1073 : vector<1x16xf32> to vector<16xf32>
          %swap3A_1075 = vector.shape_cast %get3A_1070 : vector<16xf32> to vector<1x16xf32>
          tpu.vector_store %arg24[%swap3A_1071, %swap3A_1072], %swap3A_1075 {strides = array<i32>} : memref<128x64xf32, #tpu.memory_space<vmem>>, vector<1x16xf32>,
          %mul3A_1076 = arith.constant 8 : i32
          %mul3A_1077 = arith.muli %scan3A_1035, %mul3A_1076 : i32
          %add3A_1078 = arith.constant 1 : i32
          %add3A_1079 = arith.addi %mul3A_1077, %add3A_1078 : i32
          %get3A_1080 = arith.index_cast %add3A_1079 : i32 to index
          %get3A_1081 = arith.constant 0 : index
          %get3A_1082 = tpu.vector_load %arg21[%get3A_1080, %get3A_1081] {strides = array<i32>} : memref<128x128xf32, #tpu.memory_space<vmem>>, vector<1x16xf32>,
          %get3A_1083 = vector.shape_cast %get3A_1082 : vector<1x16xf32> to vector<16xf32>
          %swap3A_1084 = arith.index_cast %add3A_1079 : i32 to index
          %swap3A_1085 = arith.constant 0 : index
          %swap3A_1086 = tpu.vector_load %arg24[%swap3A_1084, %swap3A_1085] {strides = array<i32>} : memref<128x64xf32, #tpu.memory_space<vmem>>, vector<1x16xf32>,
          %swap3A_1087 = vector.shape_cast %swap3A_1086 : vector<1x16xf32> to vector<16xf32>
          %swap3A_1088 = vector.shape_cast %get3A_1083 : vector<16xf32> to vector<1x16xf32>
          tpu.vector_store %arg24[%swap3A_1084, %swap3A_1085], %swap3A_1088 {strides = array<i32>} : memref<128x64xf32, #tpu.memory_space<vmem>>, vector<1x16xf32>,
          %get3A_1089 = arith.index_cast %add3A_1079 : i32 to index
          %get3A_1090 = arith.constant 16 : index
          %get3A_1091 = tpu.vector_load %arg21[%get3A_1089, %get3A_1090] {strides = array<i32>} : memref<128x128xf32, #tpu.memory_space<vmem>>, vector<1x16xf32>,
          %get3A_1092 = vector.shape_cast %get3A_1091 : vector<1x16xf32> to vector<16xf32>
          %swap3A_1093 = arith.index_cast %add3A_1079 : i32 to index
          %swap3A_1094 = arith.constant 16 : index
          %swap3A_1095 = tpu.vector_load %arg24[%swap3A_1093, %swap3A_1094] {strides = array<i32>} : memref<128x64xf32, #tpu.memory_space<vmem>>, vector<1x16xf32>,
          %swap3A_1096 = vector.shape_cast %swap3A_1095 : vector<1x16xf32> to vector<16xf32>
          %swap3A_1097 = vector.shape_cast %get3A_1092 : vector<16xf32> to vector<1x16xf32>
          tpu.vector_store %arg24[%swap3A_1093, %swap3A_1094], %swap3A_1097 {strides = array<i32>} : memref<128x64xf32, #tpu.memory_space<vmem>>, vector<1x16xf32>,
          %get3A_1098 = arith.index_cast %add3A_1079 : i32 to index
          %get3A_1099 = arith.constant 32 : index
          %get3A_1100 = tpu.vector_load %arg21[%get3A_1098, %get3A_1099] {strides = array<i32>} : memref<128x128xf32, #tpu.memory_space<vmem>>, vector<1x16xf32>,
          %get3A_1101 = vector.shape_cast %get3A_1100 : vector<1x16xf32> to vector<16xf32>
          %swap3A_1102 = arith.index_cast %add3A_1079 : i32 to index
          %swap3A_1103 = arith.constant 32 : index
          %swap3A_1104 = tpu.vector_load %arg24[%swap3A_1102, %swap3A_1103] {strides = array<i32>} : memref<128x64xf32, #tpu.memory_space<vmem>>, vector<1x16xf32>,
          %swap3A_1105 = vector.shape_cast %swap3A_1104 : vector<1x16xf32> to vector<16xf32>
          %swap3A_1106 = vector.shape_cast %get3A_1101 : vector<16xf32> to vector<1x16xf32>
          tpu.vector_store %arg24[%swap3A_1102, %swap3A_1103], %swap3A_1106 {strides = array<i32>} : memref<128x64xf32, #tpu.memory_space<vmem>>, vector<1x16xf32>,
          %get3A_1107 = arith.index_cast %add3A_1079 : i32 to index
          %get3A_1108 = arith.constant 48 : index
          %get3A_1109 = tpu.vector_load %arg21[%get3A_1107, %get3A_1108] {strides = array<i32>} : memref<128x128xf32, #tpu.memory_space<vmem>>, vector<1x16xf32>,
          %get3A_1110 = vector.shape_cast %get3A_1109 : vector<1x16xf32> to vector<16xf32>
          %swap3A_1111 = arith.index_cast %add3A_1079 : i32 to index
          %swap3A_1112 = arith.constant 48 : index
          %swap3A_1113 = tpu.vector_load %arg24[%swap3A_1111, %swap3A_1112] {strides = array<i32>} : memref<128x64xf32, #tpu.memory_space<vmem>>, vector<1x16xf32>,
          %swap3A_1114 = vector.shape_cast %swap3A_1113 : vector<1x16xf32> to vector<16xf32>
          %swap3A_1115 = vector.shape_cast %get3A_1110 : vector<16xf32> to vector<1x16xf32>
          tpu.vector_store %arg24[%swap3A_1111, %swap3A_1112], %swap3A_1115 {strides = array<i32>} : memref<128x64xf32, #tpu.memory_space<vmem>>, vector<1x16xf32>,
          %mul3A_1116 = arith.constant 8 : i32
          %mul3A_1117 = arith.muli %scan3A_1035, %mul3A_1116 : i32
          %add3A_1118 = arith.constant 2 : i32
          %add3A_1119 = arith.addi %mul3A_1117, %add3A_1118 : i32
          %get3A_1120 = arith.index_cast %add3A_1119 : i32 to index
          %get3A_1121 = arith.constant 0 : index
          %get3A_1122 = tpu.vector_load %arg21[%get3A_1120, %get3A_1121] {strides = array<i32>} : memref<128x128xf32, #tpu.memory_space<vmem>>, vector<1x16xf32>,
          %get3A_1123 = vector.shape_cast %get3A_1122 : vector<1x16xf32> to vector<16xf32>
          %swap3A_1124 = arith.index_cast %add3A_1119 : i32 to index
          %swap3A_1125 = arith.constant 0 : index
          %swap3A_1126 = tpu.vector_load %arg24[%swap3A_1124, %swap3A_1125] {strides = array<i32>} : memref<128x64xf32, #tpu.memory_space<vmem>>, vector<1x16xf32>,
          %swap3A_1127 = vector.shape_cast %swap3A_1126 : vector<1x16xf32> to vector<16xf32>
          %swap3A_1128 = vector.shape_cast %get3A_1123 : vector<16xf32> to vector<1x16xf32>
          tpu.vector_store %arg24[%swap3A_1124, %swap3A_1125], %swap3A_1128 {strides = array<i32>} : memref<128x64xf32, #tpu.memory_space<vmem>>, vector<1x16xf32>,
          %get3A_1129 = arith.index_cast %add3A_1119 : i32 to index
          %get3A_1130 = arith.constant 16 : index
          %get3A_1131 = tpu.vector_load %arg21[%get3A_1129, %get3A_1130] {strides = array<i32>} : memref<128x128xf32, #tpu.memory_space<vmem>>, vector<1x16xf32>,
          %get3A_1132 = vector.shape_cast %get3A_1131 : vector<1x16xf32> to vector<16xf32>
          %swap3A_1133 = arith.index_cast %add3A_1119 : i32 to index
          %swap3A_1134 = arith.constant 16 : index
          %swap3A_1135 = tpu.vector_load %arg24[%swap3A_1133, %swap3A_1134] {strides = array<i32>} : memref<128x64xf32, #tpu.memory_space<vmem>>, vector<1x16xf32>,
          %swap3A_1136 = vector.shape_cast %swap3A_1135 : vector<1x16xf32> to vector<16xf32>
          %swap3A_1137 = vector.shape_cast %get3A_1132 : vector<16xf32> to vector<1x16xf32>
          tpu.vector_store %arg24[%swap3A_1133, %swap3A_1134], %swap3A_1137 {strides = array<i32>} : memref<128x64xf32, #tpu.memory_space<vmem>>, vector<1x16xf32>,
          %get3A_1138 = arith.index_cast %add3A_1119 : i32 to index
          %get3A_1139 = arith.constant 32 : index
          %get3A_1140 = tpu.vector_load %arg21[%get3A_1138, %get3A_1139] {strides = array<i32>} : memref<128x128xf32, #tpu.memory_space<vmem>>, vector<1x16xf32>,
          %get3A_1141 = vector.shape_cast %get3A_1140 : vector<1x16xf32> to vector<16xf32>
          %swap3A_1142 = arith.index_cast %add3A_1119 : i32 to index
          %swap3A_1143 = arith.constant 32 : index
          %swap3A_1144 = tpu.vector_load %arg24[%swap3A_1142, %swap3A_1143] {strides = array<i32>} : memref<128x64xf32, #tpu.memory_space<vmem>>, vector<1x16xf32>,
          %swap3A_1145 = vector.shape_cast %swap3A_1144 : vector<1x16xf32> to vector<16xf32>
          %swap3A_1146 = vector.shape_cast %get3A_1141 : vector<16xf32> to vector<1x16xf32>
          tpu.vector_store %arg24[%swap3A_1142, %swap3A_1143], %swap3A_1146 {strides = array<i32>} : memref<128x64xf32, #tpu.memory_space<vmem>>, vector<1x16xf32>,
          %get3A_1147 = arith.index_cast %add3A_1119 : i32 to index
          %get3A_1148 = arith.constant 48 : index
          %get3A_1149 = tpu.vector_load %arg21[%get3A_1147, %get3A_1148] {strides = array<i32>} : memref<128x128xf32, #tpu.memory_space<vmem>>, vector<1x16xf32>,
          %get3A_1150 = vector.shape_cast %get3A_1149 : vector<1x16xf32> to vector<16xf32>
          %swap3A_1151 = arith.index_cast %add3A_1119 : i32 to index
          %swap3A_1152 = arith.constant 48 : index
          %swap3A_1153 = tpu.vector_load %arg24[%swap3A_1151, %swap3A_1152] {strides = array<i32>} : memref<128x64xf32, #tpu.memory_space<vmem>>, vector<1x16xf32>,
          %swap3A_1154 = vector.shape_cast %swap3A_1153 : vector<1x16xf32> to vector<16xf32>
          %swap3A_1155 = vector.shape_cast %get3A_1150 : vector<16xf32> to vector<1x16xf32>
          tpu.vector_store %arg24[%swap3A_1151, %swap3A_1152], %swap3A_1155 {strides = array<i32>} : memref<128x64xf32, #tpu.memory_space<vmem>>, vector<1x16xf32>,
          %mul3A_1156 = arith.constant 8 : i32
          %mul3A_1157 = arith.muli %scan3A_1035, %mul3A_1156 : i32
          %add3A_1158 = arith.constant 3 : i32
          %add3A_1159 = arith.addi %mul3A_1157, %add3A_1158 : i32
          %get3A_1160 = arith.index_cast %add3A_1159 : i32 to index
          %get3A_1161 = arith.constant 0 : index
          %get3A_1162 = tpu.vector_load %arg21[%get3A_1160, %get3A_1161] {strides = array<i32>} : memref<128x128xf32, #tpu.memory_space<vmem>>, vector<1x16xf32>,
          %get3A_1163 = vector.shape_cast %get3A_1162 : vector<1x16xf32> to vector<16xf32>
          %swap3A_1164 = arith.index_cast %add3A_1159 : i32 to index
          %swap3A_1165 = arith.constant 0 : index
          %swap3A_1166 = tpu.vector_load %arg24[%swap3A_1164, %swap3A_1165] {strides = array<i32>} : memref<128x64xf32, #tpu.memory_space<vmem>>, vector<1x16xf32>,
          %swap3A_1167 = vector.shape_cast %swap3A_1166 : vector<1x16xf32> to vector<16xf32>
          %swap3A_1168 = vector.shape_cast %get3A_1163 : vector<16xf32> to vector<1x16xf32>
          tpu.vector_store %arg24[%swap3A_1164, %swap3A_1165], %swap3A_1168 {strides = array<i32>} : memref<128x64xf32, #tpu.memory_space<vmem>>, vector<1x16xf32>,
          %get3A_1169 = arith.index_cast %add3A_1159 : i32 to index
          %get3A_1170 = arith.constant 16 : index
          %get3A_1171 = tpu.vector_load %arg21[%get3A_1169, %get3A_1170] {strides = array<i32>} : memref<128x128xf32, #tpu.memory_space<vmem>>, vector<1x16xf32>,
          %get3A_1172 = vector.shape_cast %get3A_1171 : vector<1x16xf32> to vector<16xf32>
          %swap3A_1173 = arith.index_cast %add3A_1159 : i32 to index
          %swap3A_1174 = arith.constant 16 : index
          %swap3A_1175 = tpu.vector_load %arg24[%swap3A_1173, %swap3A_1174] {strides = array<i32>} : memref<128x64xf32, #tpu.memory_space<vmem>>, vector<1x16xf32>,
          %swap3A_1176 = vector.shape_cast %swap3A_1175 : vector<1x16xf32> to vector<16xf32>
          %swap3A_1177 = vector.shape_cast %get3A_1172 : vector<16xf32> to vector<1x16xf32>
          tpu.vector_store %arg24[%swap3A_1173, %swap3A_1174], %swap3A_1177 {strides = array<i32>} : memref<128x64xf32, #tpu.memory_space<vmem>>, vector<1x16xf32>,
          %get3A_1178 = arith.index_cast %add3A_1159 : i32 to index
          %get3A_1179 = arith.constant 32 : index
          %get3A_1180 = tpu.vector_load %arg21[%get3A_1178, %get3A_1179] {strides = array<i32>} : memref<128x128xf32, #tpu.memory_space<vmem>>, vector<1x16xf32>,
          %get3A_1181 = vector.shape_cast %get3A_1180 : vector<1x16xf32> to vector<16xf32>
          %swap3A_1182 = arith.index_cast %add3A_1159 : i32 to index
          %swap3A_1183 = arith.constant 32 : index
          %swap3A_1184 = tpu.vector_load %arg24[%swap3A_1182, %swap3A_1183] {strides = array<i32>} : memref<128x64xf32, #tpu.memory_space<vmem>>, vector<1x16xf32>,
          %swap3A_1185 = vector.shape_cast %swap3A_1184 : vector<1x16xf32> to vector<16xf32>
          %swap3A_1186 = vector.shape_cast %get3A_1181 : vector<16xf32> to vector<1x16xf32>
          tpu.vector_store %arg24[%swap3A_1182, %swap3A_1183], %swap3A_1186 {strides = array<i32>} : memref<128x64xf32, #tpu.memory_space<vmem>>, vector<1x16xf32>,
          %get3A_1187 = arith.index_cast %add3A_1159 : i32 to index
          %get3A_1188 = arith.constant 48 : index
          %get3A_1189 = tpu.vector_load %arg21[%get3A_1187, %get3A_1188] {strides = array<i32>} : memref<128x128xf32, #tpu.memory_space<vmem>>, vector<1x16xf32>,
          %get3A_1190 = vector.shape_cast %get3A_1189 : vector<1x16xf32> to vector<16xf32>
          %swap3A_1191 = arith.index_cast %add3A_1159 : i32 to index
          %swap3A_1192 = arith.constant 48 : index
          %swap3A_1193 = tpu.vector_load %arg24[%swap3A_1191, %swap3A_1192] {strides = array<i32>} : memref<128x64xf32, #tpu.memory_space<vmem>>, vector<1x16xf32>,
          %swap3A_1194 = vector.shape_cast %swap3A_1193 : vector<1x16xf32> to vector<16xf32>
          %swap3A_1195 = vector.shape_cast %get3A_1190 : vector<16xf32> to vector<1x16xf32>
          tpu.vector_store %arg24[%swap3A_1191, %swap3A_1192], %swap3A_1195 {strides = array<i32>} : memref<128x64xf32, #tpu.memory_space<vmem>>, vector<1x16xf32>,
          %mul3A_1196 = arith.constant 8 : i32
          %mul3A_1197 = arith.muli %scan3A_1035, %mul3A_1196 : i32
          %add3A_1198 = arith.constant 4 : i32
          %add3A_1199 = arith.addi %mul3A_1197, %add3A_1198 : i32
          %get3A_1200 = arith.index_cast %add3A_1199 : i32 to index
          %get3A_1201 = arith.constant 0 : index
          %get3A_1202 = tpu.vector_load %arg21[%get3A_1200, %get3A_1201] {strides = array<i32>} : memref<128x128xf32, #tpu.memory_space<vmem>>, vector<1x16xf32>,
          %get3A_1203 = vector.shape_cast %get3A_1202 : vector<1x16xf32> to vector<16xf32>
          %swap3A_1204 = arith.index_cast %add3A_1199 : i32 to index
          %swap3A_1205 = arith.constant 0 : index
          %swap3A_1206 = tpu.vector_load %arg24[%swap3A_1204, %swap3A_1205] {strides = array<i32>} : memref<128x64xf32, #tpu.memory_space<vmem>>, vector<1x16xf32>,
          %swap3A_1207 = vector.shape_cast %swap3A_1206 : vector<1x16xf32> to vector<16xf32>
          %swap3A_1208 = vector.shape_cast %get3A_1203 : vector<16xf32> to vector<1x16xf32>
          tpu.vector_store %arg24[%swap3A_1204, %swap3A_1205], %swap3A_1208 {strides = array<i32>} : memref<128x64xf32, #tpu.memory_space<vmem>>, vector<1x16xf32>,
          %get3A_1209 = arith.index_cast %add3A_1199 : i32 to index
          %get3A_1210 = arith.constant 16 : index
          %get3A_1211 = tpu.vector_load %arg21[%get3A_1209, %get3A_1210] {strides = array<i32>} : memref<128x128xf32, #tpu.memory_space<vmem>>, vector<1x16xf32>,
          %get3A_1212 = vector.shape_cast %get3A_1211 : vector<1x16xf32> to vector<16xf32>
          %swap3A_1213 = arith.index_cast %add3A_1199 : i32 to index
          %swap3A_1214 = arith.constant 16 : index
          %swap3A_1215 = tpu.vector_load %arg24[%swap3A_1213, %swap3A_1214] {strides = array<i32>} : memref<128x64xf32, #tpu.memory_space<vmem>>, vector<1x16xf32>,
          %swap3A_1216 = vector.shape_cast %swap3A_1215 : vector<1x16xf32> to vector<16xf32>
          %swap3A_1217 = vector.shape_cast %get3A_1212 : vector<16xf32> to vector<1x16xf32>
          tpu.vector_store %arg24[%swap3A_1213, %swap3A_1214], %swap3A_1217 {strides = array<i32>} : memref<128x64xf32, #tpu.memory_space<vmem>>, vector<1x16xf32>,
          %get3A_1218 = arith.index_cast %add3A_1199 : i32 to index
          %get3A_1219 = arith.constant 32 : index
          %get3A_1220 = tpu.vector_load %arg21[%get3A_1218, %get3A_1219] {strides = array<i32>} : memref<128x128xf32, #tpu.memory_space<vmem>>, vector<1x16xf32>,
          %get3A_1221 = vector.shape_cast %get3A_1220 : vector<1x16xf32> to vector<16xf32>
          %swap3A_1222 = arith.index_cast %add3A_1199 : i32 to index
          %swap3A_1223 = arith.constant 32 : index
          %swap3A_1224 = tpu.vector_load %arg24[%swap3A_1222, %swap3A_1223] {strides = array<i32>} : memref<128x64xf32, #tpu.memory_space<vmem>>, vector<1x16xf32>,
          %swap3A_1225 = vector.shape_cast %swap3A_1224 : vector<1x16xf32> to vector<16xf32>
          %swap3A_1226 = vector.shape_cast %get3A_1221 : vector<16xf32> to vector<1x16xf32>
          tpu.vector_store %arg24[%swap3A_1222, %swap3A_1223], %swap3A_1226 {strides = array<i32>} : memref<128x64xf32, #tpu.memory_space<vmem>>, vector<1x16xf32>,
          %get3A_1227 = arith.index_cast %add3A_1199 : i32 to index
          %get3A_1228 = arith.constant 48 : index
          %get3A_1229 = tpu.vector_load %arg21[%get3A_1227, %get3A_1228] {strides = array<i32>} : memref<128x128xf32, #tpu.memory_space<vmem>>, vector<1x16xf32>,
          %get3A_1230 = vector.shape_cast %get3A_1229 : vector<1x16xf32> to vector<16xf32>
          %swap3A_1231 = arith.index_cast %add3A_1199 : i32 to index
          %swap3A_1232 = arith.constant 48 : index
          %swap3A_1233 = tpu.vector_load %arg24[%swap3A_1231, %swap3A_1232] {strides = array<i32>} : memref<128x64xf32, #tpu.memory_space<vmem>>, vector<1x16xf32>,
          %swap3A_1234 = vector.shape_cast %swap3A_1233 : vector<1x16xf32> to vector<16xf32>
          %swap3A_1235 = vector.shape_cast %get3A_1230 : vector<16xf32> to vector<1x16xf32>
          tpu.vector_store %arg24[%swap3A_1231, %swap3A_1232], %swap3A_1235 {strides = array<i32>} : memref<128x64xf32, #tpu.memory_space<vmem>>, vector<1x16xf32>,
          %mul3A_1236 = arith.constant 8 : i32
          %mul3A_1237 = arith.muli %scan3A_1035, %mul3A_1236 : i32
          %add3A_1238 = arith.constant 5 : i32
          %add3A_1239 = arith.addi %mul3A_1237, %add3A_1238 : i32
          %get3A_1240 = arith.index_cast %add3A_1239 : i32 to index
          %get3A_1241 = arith.constant 0 : index
          %get3A_1242 = tpu.vector_load %arg21[%get3A_1240, %get3A_1241] {strides = array<i32>} : memref<128x128xf32, #tpu.memory_space<vmem>>, vector<1x16xf32>,
          %get3A_1243 = vector.shape_cast %get3A_1242 : vector<1x16xf32> to vector<16xf32>
          %swap3A_1244 = arith.index_cast %add3A_1239 : i32 to index
          %swap3A_1245 = arith.constant 0 : index
          %swap3A_1246 = tpu.vector_load %arg24[%swap3A_1244, %swap3A_1245] {strides = array<i32>} : memref<128x64xf32, #tpu.memory_space<vmem>>, vector<1x16xf32>,
          %swap3A_1247 = vector.shape_cast %swap3A_1246 : vector<1x16xf32> to vector<16xf32>
          %swap3A_1248 = vector.shape_cast %get3A_1243 : vector<16xf32> to vector<1x16xf32>
          tpu.vector_store %arg24[%swap3A_1244, %swap3A_1245], %swap3A_1248 {strides = array<i32>} : memref<128x64xf32, #tpu.memory_space<vmem>>, vector<1x16xf32>,
          %get3A_1249 = arith.index_cast %add3A_1239 : i32 to index
          %get3A_1250 = arith.constant 16 : index
          %get3A_1251 = tpu.vector_load %arg21[%get3A_1249, %get3A_1250] {strides = array<i32>} : memref<128x128xf32, #tpu.memory_space<vmem>>, vector<1x16xf32>,
          %get3A_1252 = vector.shape_cast %get3A_1251 : vector<1x16xf32> to vector<16xf32>
          %swap3A_1253 = arith.index_cast %add3A_1239 : i32 to index
          %swap3A_1254 = arith.constant 16 : index
          %swap3A_1255 = tpu.vector_load %arg24[%swap3A_1253, %swap3A_1254] {strides = array<i32>} : memref<128x64xf32, #tpu.memory_space<vmem>>, vector<1x16xf32>,
          %swap3A_1256 = vector.shape_cast %swap3A_1255 : vector<1x16xf32> to vector<16xf32>
          %swap3A_1257 = vector.shape_cast %get3A_1252 : vector<16xf32> to vector<1x16xf32>
          tpu.vector_store %arg24[%swap3A_1253, %swap3A_1254], %swap3A_1257 {strides = array<i32>} : memref<128x64xf32, #tpu.memory_space<vmem>>, vector<1x16xf32>,
          %get3A_1258 = arith.index_cast %add3A_1239 : i32 to index
          %get3A_1259 = arith.constant 32 : index
          %get3A_1260 = tpu.vector_load %arg21[%get3A_1258, %get3A_1259] {strides = array<i32>} : memref<128x128xf32, #tpu.memory_space<vmem>>, vector<1x16xf32>,
          %get3A_1261 = vector.shape_cast %get3A_1260 : vector<1x16xf32> to vector<16xf32>
          %swap3A_1262 = arith.index_cast %add3A_1239 : i32 to index
          %swap3A_1263 = arith.constant 32 : index
          %swap3A_1264 = tpu.vector_load %arg24[%swap3A_1262, %swap3A_1263] {strides = array<i32>} : memref<128x64xf32, #tpu.memory_space<vmem>>, vector<1x16xf32>,
          %swap3A_1265 = vector.shape_cast %swap3A_1264 : vector<1x16xf32> to vector<16xf32>
          %swap3A_1266 = vector.shape_cast %get3A_1261 : vector<16xf32> to vector<1x16xf32>
          tpu.vector_store %arg24[%swap3A_1262, %swap3A_1263], %swap3A_1266 {strides = array<i32>} : memref<128x64xf32, #tpu.memory_space<vmem>>, vector<1x16xf32>,
          %get3A_1267 = arith.index_cast %add3A_1239 : i32 to index
          %get3A_1268 = arith.constant 48 : index
          %get3A_1269 = tpu.vector_load %arg21[%get3A_1267, %get3A_1268] {strides = array<i32>} : memref<128x128xf32, #tpu.memory_space<vmem>>, vector<1x16xf32>,
          %get3A_1270 = vector.shape_cast %get3A_1269 : vector<1x16xf32> to vector<16xf32>
          %swap3A_1271 = arith.index_cast %add3A_1239 : i32 to index
          %swap3A_1272 = arith.constant 48 : index
          %swap3A_1273 = tpu.vector_load %arg24[%swap3A_1271, %swap3A_1272] {strides = array<i32>} : memref<128x64xf32, #tpu.memory_space<vmem>>, vector<1x16xf32>,
          %swap3A_1274 = vector.shape_cast %swap3A_1273 : vector<1x16xf32> to vector<16xf32>
          %swap3A_1275 = vector.shape_cast %get3A_1270 : vector<16xf32> to vector<1x16xf32>
          tpu.vector_store %arg24[%swap3A_1271, %swap3A_1272], %swap3A_1275 {strides = array<i32>} : memref<128x64xf32, #tpu.memory_space<vmem>>, vector<1x16xf32>,
          %mul3A_1276 = arith.constant 8 : i32
          %mul3A_1277 = arith.muli %scan3A_1035, %mul3A_1276 : i32
          %add3A_1278 = arith.constant 6 : i32
          %add3A_1279 = arith.addi %mul3A_1277, %add3A_1278 : i32
          %get3A_1280 = arith.index_cast %add3A_1279 : i32 to index
          %get3A_1281 = arith.constant 0 : index
          %get3A_1282 = tpu.vector_load %arg21[%get3A_1280, %get3A_1281] {strides = array<i32>} : memref<128x128xf32, #tpu.memory_space<vmem>>, vector<1x16xf32>,
          %get3A_1283 = vector.shape_cast %get3A_1282 : vector<1x16xf32> to vector<16xf32>
          %swap3A_1284 = arith.index_cast %add3A_1279 : i32 to index
          %swap3A_1285 = arith.constant 0 : index
          %swap3A_1286 = tpu.vector_load %arg24[%swap3A_1284, %swap3A_1285] {strides = array<i32>} : memref<128x64xf32, #tpu.memory_space<vmem>>, vector<1x16xf32>,
          %swap3A_1287 = vector.shape_cast %swap3A_1286 : vector<1x16xf32> to vector<16xf32>
          %swap3A_1288 = vector.shape_cast %get3A_1283 : vector<16xf32> to vector<1x16xf32>
          tpu.vector_store %arg24[%swap3A_1284, %swap3A_1285], %swap3A_1288 {strides = array<i32>} : memref<128x64xf32, #tpu.memory_space<vmem>>, vector<1x16xf32>,
          %get3A_1289 = arith.index_cast %add3A_1279 : i32 to index
          %get3A_1290 = arith.constant 16 : index
          %get3A_1291 = tpu.vector_load %arg21[%get3A_1289, %get3A_1290] {strides = array<i32>} : memref<128x128xf32, #tpu.memory_space<vmem>>, vector<1x16xf32>,
          %get3A_1292 = vector.shape_cast %get3A_1291 : vector<1x16xf32> to vector<16xf32>
          %swap3A_1293 = arith.index_cast %add3A_1279 : i32 to index
          %swap3A_1294 = arith.constant 16 : index
          %swap3A_1295 = tpu.vector_load %arg24[%swap3A_1293, %swap3A_1294] {strides = array<i32>} : memref<128x64xf32, #tpu.memory_space<vmem>>, vector<1x16xf32>,
          %swap3A_1296 = vector.shape_cast %swap3A_1295 : vector<1x16xf32> to vector<16xf32>
          %swap3A_1297 = vector.shape_cast %get3A_1292 : vector<16xf32> to vector<1x16xf32>
          tpu.vector_store %arg24[%swap3A_1293, %swap3A_1294], %swap3A_1297 {strides = array<i32>} : memref<128x64xf32, #tpu.memory_space<vmem>>, vector<1x16xf32>,
          %get3A_1298 = arith.index_cast %add3A_1279 : i32 to index
          %get3A_1299 = arith.constant 32 : index
          %get3A_1300 = tpu.vector_load %arg21[%get3A_1298, %get3A_1299] {strides = array<i32>} : memref<128x128xf32, #tpu.memory_space<vmem>>, vector<1x16xf32>,
          %get3A_1301 = vector.shape_cast %get3A_1300 : vector<1x16xf32> to vector<16xf32>
          %swap3A_1302 = arith.index_cast %add3A_1279 : i32 to index
          %swap3A_1303 = arith.constant 32 : index
          %swap3A_1304 = tpu.vector_load %arg24[%swap3A_1302, %swap3A_1303] {strides = array<i32>} : memref<128x64xf32, #tpu.memory_space<vmem>>, vector<1x16xf32>,
          %swap3A_1305 = vector.shape_cast %swap3A_1304 : vector<1x16xf32> to vector<16xf32>
          %swap3A_1306 = vector.shape_cast %get3A_1301 : vector<16xf32> to vector<1x16xf32>
          tpu.vector_store %arg24[%swap3A_1302, %swap3A_1303], %swap3A_1306 {strides = array<i32>} : memref<128x64xf32, #tpu.memory_space<vmem>>, vector<1x16xf32>,
          %get3A_1307 = arith.index_cast %add3A_1279 : i32 to index
          %get3A_1308 = arith.constant 48 : index
          %get3A_1309 = tpu.vector_load %arg21[%get3A_1307, %get3A_1308] {strides = array<i32>} : memref<128x128xf32, #tpu.memory_space<vmem>>, vector<1x16xf32>,
          %get3A_1310 = vector.shape_cast %get3A_1309 : vector<1x16xf32> to vector<16xf32>
          %swap3A_1311 = arith.index_cast %add3A_1279 : i32 to index
          %swap3A_1312 = arith.constant 48 : index
          %swap3A_1313 = tpu.vector_load %arg24[%swap3A_1311, %swap3A_1312] {strides = array<i32>} : memref<128x64xf32, #tpu.memory_space<vmem>>, vector<1x16xf32>,
          %swap3A_1314 = vector.shape_cast %swap3A_1313 : vector<1x16xf32> to vector<16xf32>
          %swap3A_1315 = vector.shape_cast %get3A_1310 : vector<16xf32> to vector<1x16xf32>
          tpu.vector_store %arg24[%swap3A_1311, %swap3A_1312], %swap3A_1315 {strides = array<i32>} : memref<128x64xf32, #tpu.memory_space<vmem>>, vector<1x16xf32>,
          %mul3A_1316 = arith.constant 8 : i32
          %mul3A_1317 = arith.muli %scan3A_1035, %mul3A_1316 : i32
          %add3A_1318 = arith.constant 7 : i32
          %add3A_1319 = arith.addi %mul3A_1317, %add3A_1318 : i32
          %get3A_1320 = arith.index_cast %add3A_1319 : i32 to index
          %get3A_1321 = arith.constant 0 : index
          %get3A_1322 = tpu.vector_load %arg21[%get3A_1320, %get3A_1321] {strides = array<i32>} : memref<128x128xf32, #tpu.memory_space<vmem>>, vector<1x16xf32>,
          %get3A_1323 = vector.shape_cast %get3A_1322 : vector<1x16xf32> to vector<16xf32>
          %swap3A_1324 = arith.index_cast %add3A_1319 : i32 to index
          %swap3A_1325 = arith.constant 0 : index
          %swap3A_1326 = tpu.vector_load %arg24[%swap3A_1324, %swap3A_1325] {strides = array<i32>} : memref<128x64xf32, #tpu.memory_space<vmem>>, vector<1x16xf32>,
          %swap3A_1327 = vector.shape_cast %swap3A_1326 : vector<1x16xf32> to vector<16xf32>
          %swap3A_1328 = vector.shape_cast %get3A_1323 : vector<16xf32> to vector<1x16xf32>
          tpu.vector_store %arg24[%swap3A_1324, %swap3A_1325], %swap3A_1328 {strides = array<i32>} : memref<128x64xf32, #tpu.memory_space<vmem>>, vector<1x16xf32>,
          %get3A_1329 = arith.index_cast %add3A_1319 : i32 to index
          %get3A_1330 = arith.constant 16 : index
          %get3A_1331 = tpu.vector_load %arg21[%get3A_1329, %get3A_1330] {strides = array<i32>} : memref<128x128xf32, #tpu.memory_space<vmem>>, vector<1x16xf32>,
          %get3A_1332 = vector.shape_cast %get3A_1331 : vector<1x16xf32> to vector<16xf32>
          %swap3A_1333 = arith.index_cast %add3A_1319 : i32 to index
          %swap3A_1334 = arith.constant 16 : index
          %swap3A_1335 = tpu.vector_load %arg24[%swap3A_1333, %swap3A_1334] {strides = array<i32>} : memref<128x64xf32, #tpu.memory_space<vmem>>, vector<1x16xf32>,
          %swap3A_1336 = vector.shape_cast %swap3A_1335 : vector<1x16xf32> to vector<16xf32>
          %swap3A_1337 = vector.shape_cast %get3A_1332 : vector<16xf32> to vector<1x16xf32>
          tpu.vector_store %arg24[%swap3A_1333, %swap3A_1334], %swap3A_1337 {strides = array<i32>} : memref<128x64xf32, #tpu.memory_space<vmem>>, vector<1x16xf32>,
          %get3A_1338 = arith.index_cast %add3A_1319 : i32 to index
          %get3A_1339 = arith.constant 32 : index
          %get3A_1340 = tpu.vector_load %arg21[%get3A_1338, %get3A_1339] {strides = array<i32>} : memref<128x128xf32, #tpu.memory_space<vmem>>, vector<1x16xf32>,
          %get3A_1341 = vector.shape_cast %get3A_1340 : vector<1x16xf32> to vector<16xf32>
          %swap3A_1342 = arith.index_cast %add3A_1319 : i32 to index
          %swap3A_1343 = arith.constant 32 : index
          %swap3A_1344 = tpu.vector_load %arg24[%swap3A_1342, %swap3A_1343] {strides = array<i32>} : memref<128x64xf32, #tpu.memory_space<vmem>>, vector<1x16xf32>,
          %swap3A_1345 = vector.shape_cast %swap3A_1344 : vector<1x16xf32> to vector<16xf32>
          %swap3A_1346 = vector.shape_cast %get3A_1341 : vector<16xf32> to vector<1x16xf32>
          tpu.vector_store %arg24[%swap3A_1342, %swap3A_1343], %swap3A_1346 {strides = array<i32>} : memref<128x64xf32, #tpu.memory_space<vmem>>, vector<1x16xf32>,
          %get3A_1347 = arith.index_cast %add3A_1319 : i32 to index
          %get3A_1348 = arith.constant 48 : index
          %get3A_1349 = tpu.vector_load %arg21[%get3A_1347, %get3A_1348] {strides = array<i32>} : memref<128x128xf32, #tpu.memory_space<vmem>>, vector<1x16xf32>,
          %get3A_1350 = vector.shape_cast %get3A_1349 : vector<1x16xf32> to vector<16xf32>
          %swap3A_1351 = arith.index_cast %add3A_1319 : i32 to index
          %swap3A_1352 = arith.constant 48 : index
          %swap3A_1353 = tpu.vector_load %arg24[%swap3A_1351, %swap3A_1352] {strides = array<i32>} : memref<128x64xf32, #tpu.memory_space<vmem>>, vector<1x16xf32>,
          %swap3A_1354 = vector.shape_cast %swap3A_1353 : vector<1x16xf32> to vector<16xf32>
          %swap3A_1355 = vector.shape_cast %get3A_1350 : vector<16xf32> to vector<1x16xf32>
          tpu.vector_store %arg24[%swap3A_1351, %swap3A_1352], %swap3A_1355 {strides = array<i32>} : memref<128x64xf32, #tpu.memory_space<vmem>>, vector<1x16xf32>,
        }
        %scan3A_1027 = arith.constant 16 : i32
        %mul3A_1028 = arith.constant 128 : i32
        %mul3A_1029 = arith.muli %sub3A_1013, %mul3A_1028 : i32
        %add3A_1030 = arith.addi %mul3A_2, %mul3A_1029 : i32
        %dma_start3A_1031 = arith.constant 0 : i32
        %dma_start3A_1032 = tpu.memref_slice %arg6[%add3A_1030, %dma_start3A_1031] : memref<800000x64xf32, #tpu.memory_space<hbm>> -> memref<128x64xf32, #tpu.memory_space<hbm>>
        %dma_start3A_1033 = arith.constant 0 : i32
        %dma_start3A_1034 = tpu.memref_slice %arg6[%add3A_1030, %dma_start3A_1033] : memref<800000x64xf32, #tpu.memory_space<hbm>> -> memref<128x64xf32, #tpu.memory_space<hbm>>
        tpu.enqueue_dma source(%arg24 : memref<128x64xf32, #tpu.memory_space<vmem>>) target(%dma_start3A_1034 : memref<128x64xf32, #tpu.memory_space<hbm>>) target_semaphore(%arg33 : memref<!tpu.dma_semaphore, #tpu.memory_space<semaphore_mem>>)
      } else {
      }
      %add3A_1006 = arith.constant 3 : i32
      %add3A_1007 = arith.addi %add3A_775, %add3A_1006 : i32
      %lt3A_1008 = arith.constant 195 : i32
      %lt3A_1009 = arith.cmpi slt, %add3A_1007, %lt3A_1008 : i32
      %convert_element_type3A_1010 = arith.extui %lt3A_1009 : i1 to i32
      %cond3A_1011 = arith.constant 0 : i32
      %cond3A_1012 = arith.cmpi ne, %convert_element_type3A_1010, %cond3A_1011 : i32
      scf.if %cond3A_1012 {
        %add3A_1013 = arith.constant 3 : i32
        %add3A_1014 = arith.addi %add3A_775, %add3A_1013 : i32
        %mul3A_1015 = arith.constant 128 : i32
        %mul3A_1016 = arith.muli %add3A_1014, %mul3A_1015 : i32
        %add3A_1017 = arith.addi %mul3A_2, %mul3A_1016 : i32
        %dma_start3A_1018 = tpu.memref_slice %arg2[%add3A_1017] : memref<800000xi32, #tpu.memory_space<hbm>> -> memref<128xi32, #tpu.memory_space<hbm>>
        %dma_start3A_1019 = tpu.memref_slice %arg2[%add3A_1017] : memref<800000xi32, #tpu.memory_space<hbm>> -> memref<128xi32, #tpu.memory_space<hbm>>
        tpu.enqueue_dma source(%dma_start3A_1019 : memref<128xi32, #tpu.memory_space<hbm>>) target(%arg14 : memref<128xi32, #tpu.memory_space<vmem>>) target_semaphore(%arg28 : memref<!tpu.dma_semaphore, #tpu.memory_space<semaphore_mem>>)
        %dma_start3A_1020 = tpu.memref_slice %arg3[%add3A_1017] : memref<800000xi32, #tpu.memory_space<hbm>> -> memref<128xi32, #tpu.memory_space<hbm>>
        %dma_start3A_1021 = tpu.memref_slice %arg3[%add3A_1017] : memref<800000xi32, #tpu.memory_space<hbm>> -> memref<128xi32, #tpu.memory_space<hbm>>
        tpu.enqueue_dma source(%dma_start3A_1021 : memref<128xi32, #tpu.memory_space<hbm>>) target(%arg15 : memref<128xi32, #tpu.memory_space<vmem>>) target_semaphore(%arg28 : memref<!tpu.dma_semaphore, #tpu.memory_space<semaphore_mem>>)
        %dma_start3A_1022 = tpu.memref_slice %arg4[%add3A_1017] : memref<800000xi32, #tpu.memory_space<hbm>> -> memref<128xi32, #tpu.memory_space<hbm>>
        %dma_start3A_1023 = tpu.memref_slice %arg4[%add3A_1017] : memref<800000xi32, #tpu.memory_space<hbm>> -> memref<128xi32, #tpu.memory_space<hbm>>
        tpu.enqueue_dma source(%dma_start3A_1023 : memref<128xi32, #tpu.memory_space<hbm>>) target(%arg16 : memref<128xi32, #tpu.memory_space<vmem>>) target_semaphore(%arg28 : memref<!tpu.dma_semaphore, #tpu.memory_space<semaphore_mem>>)
      } else {
      }
    }
    %scan3A_32 = arith.constant 65 : i32
    %dma_wait3A = arith.constant 0 : i32
    %dma_wait3A_33 = arith.constant 0 : i32
    %dma_wait3A_34 = tpu.memref_slice %arg7[%dma_wait3A, %dma_wait3A_33] : memref<60x128xf32, #tpu.memory_space<vmem_shared>> -> memref<60x128xf32, #tpu.memory_space<vmem_shared>>
    tpu.wait_indirect_dma semaphore(%arg31 : memref<!tpu.dma_semaphore, #tpu.memory_space<semaphore_mem>>) src(%dma_wait3A_34 : memref<60x128xf32, #tpu.memory_space<vmem_shared>>) dst(%arg22 : memref<128x128xf32, #tpu.memory_space<vmem>>)
    %ge3A = arith.constant 194 : i32
    %ge3A_35 = arith.constant 3 : i32
    %ge3A_36 = arith.cmpi sge, %ge3A, %ge3A_35 : i32
    %convert_element_type3A_37 = arith.extui %ge3A_36 : i1 to i32
    %cond3A_38 = arith.constant 0 : i32
    %cond3A_39 = arith.cmpi ne, %convert_element_type3A_37, %cond3A_38 : i32
    scf.if %cond3A_39 {
      %dma_wait3A_292 = arith.constant 0 : i32
      %dma_wait3A_293 = tpu.memref_slice %arg6[%mul3A_2, %dma_wait3A_292] : memref<800000x64xf32, #tpu.memory_space<hbm>> -> memref<128x64xf32, #tpu.memory_space<hbm>>
      %dma_wait3A_294 = arith.constant 0 : i32
      %dma_wait3A_295 = tpu.memref_slice %arg6[%mul3A_2, %dma_wait3A_294] : memref<800000x64xf32, #tpu.memory_space<hbm>> -> memref<128x64xf32, #tpu.memory_space<hbm>>
      tpu.wait_dma2 semaphore(%arg34 : memref<!tpu.dma_semaphore, #tpu.memory_space<semaphore_mem>>) src(%arg25 : memref<128x64xf32, #tpu.memory_space<vmem>>) dst(%dma_wait3A_295 : memref<128x64xf32, #tpu.memory_space<hbm>>)
    } else {
    }
    %scan3A_40 = arith.constant 0 : i32
    %scan3A_41 = arith.constant 0 : i32
    %scan3A_42 = arith.constant 16 : i32
    %scan3A_43 = arith.addi %scan3A_41, %scan3A_42 : i32
    %scan3A_44 = arith.constant 1 : i32
    scf.for %scan3A_292 = %scan3A_41 to %scan3A_43 step %scan3A_44  : i32 {
      %mul3A_293 = arith.constant 8 : i32
      %mul3A_294 = arith.muli %scan3A_292, %mul3A_293 : i32
      %add3A_295 = arith.constant 0 : i32
      %add3A_296 = arith.addi %mul3A_294, %add3A_295 : i32
      %get3A_297 = arith.index_cast %add3A_296 : i32 to index
      %get3A_298 = arith.constant 0 : index
      %get3A_299 = tpu.vector_load %arg22[%get3A_297, %get3A_298] {strides = array<i32>} : memref<128x128xf32, #tpu.memory_space<vmem>>, vector<1x16xf32>,
      %get3A_300 = vector.shape_cast %get3A_299 : vector<1x16xf32> to vector<16xf32>
      %swap3A_301 = arith.index_cast %add3A_296 : i32 to index
      %swap3A_302 = arith.constant 0 : index
      %swap3A_303 = tpu.vector_load %arg25[%swap3A_301, %swap3A_302] {strides = array<i32>} : memref<128x64xf32, #tpu.memory_space<vmem>>, vector<1x16xf32>,
      %swap3A_304 = vector.shape_cast %swap3A_303 : vector<1x16xf32> to vector<16xf32>
      %swap3A_305 = vector.shape_cast %get3A_300 : vector<16xf32> to vector<1x16xf32>
      tpu.vector_store %arg25[%swap3A_301, %swap3A_302], %swap3A_305 {strides = array<i32>} : memref<128x64xf32, #tpu.memory_space<vmem>>, vector<1x16xf32>,
      %get3A_306 = arith.index_cast %add3A_296 : i32 to index
      %get3A_307 = arith.constant 16 : index
      %get3A_308 = tpu.vector_load %arg22[%get3A_306, %get3A_307] {strides = array<i32>} : memref<128x128xf32, #tpu.memory_space<vmem>>, vector<1x16xf32>,
      %get3A_309 = vector.shape_cast %get3A_308 : vector<1x16xf32> to vector<16xf32>
      %swap3A_310 = arith.index_cast %add3A_296 : i32 to index
      %swap3A_311 = arith.constant 16 : index
      %swap3A_312 = tpu.vector_load %arg25[%swap3A_310, %swap3A_311] {strides = array<i32>} : memref<128x64xf32, #tpu.memory_space<vmem>>, vector<1x16xf32>,
      %swap3A_313 = vector.shape_cast %swap3A_312 : vector<1x16xf32> to vector<16xf32>
      %swap3A_314 = vector.shape_cast %get3A_309 : vector<16xf32> to vector<1x16xf32>
      tpu.vector_store %arg25[%swap3A_310, %swap3A_311], %swap3A_314 {strides = array<i32>} : memref<128x64xf32, #tpu.memory_space<vmem>>, vector<1x16xf32>,
      %get3A_315 = arith.index_cast %add3A_296 : i32 to index
      %get3A_316 = arith.constant 32 : index
      %get3A_317 = tpu.vector_load %arg22[%get3A_315, %get3A_316] {strides = array<i32>} : memref<128x128xf32, #tpu.memory_space<vmem>>, vector<1x16xf32>,
      %get3A_318 = vector.shape_cast %get3A_317 : vector<1x16xf32> to vector<16xf32>
      %swap3A_319 = arith.index_cast %add3A_296 : i32 to index
      %swap3A_320 = arith.constant 32 : index
      %swap3A_321 = tpu.vector_load %arg25[%swap3A_319, %swap3A_320] {strides = array<i32>} : memref<128x64xf32, #tpu.memory_space<vmem>>, vector<1x16xf32>,
      %swap3A_322 = vector.shape_cast %swap3A_321 : vector<1x16xf32> to vector<16xf32>
      %swap3A_323 = vector.shape_cast %get3A_318 : vector<16xf32> to vector<1x16xf32>
      tpu.vector_store %arg25[%swap3A_319, %swap3A_320], %swap3A_323 {strides = array<i32>} : memref<128x64xf32, #tpu.memory_space<vmem>>, vector<1x16xf32>,
      %get3A_324 = arith.index_cast %add3A_296 : i32 to index
      %get3A_325 = arith.constant 48 : index
      %get3A_326 = tpu.vector_load %arg22[%get3A_324, %get3A_325] {strides = array<i32>} : memref<128x128xf32, #tpu.memory_space<vmem>>, vector<1x16xf32>,
      %get3A_327 = vector.shape_cast %get3A_326 : vector<1x16xf32> to vector<16xf32>
      %swap3A_328 = arith.index_cast %add3A_296 : i32 to index
      %swap3A_329 = arith.constant 48 : index
      %swap3A_330 = tpu.vector_load %arg25[%swap3A_328, %swap3A_329] {strides = array<i32>} : memref<128x64xf32, #tpu.memory_space<vmem>>, vector<1x16xf32>,
      %swap3A_331 = vector.shape_cast %swap3A_330 : vector<1x16xf32> to vector<16xf32>
      %swap3A_332 = vector.shape_cast %get3A_327 : vector<16xf32> to vector<1x16xf32>
      tpu.vector_store %arg25[%swap3A_328, %swap3A_329], %swap3A_332 {strides = array<i32>} : memref<128x64xf32, #tpu.memory_space<vmem>>, vector<1x16xf32>,
      %mul3A_333 = arith.constant 8 : i32
      %mul3A_334 = arith.muli %scan3A_292, %mul3A_333 : i32
      %add3A_335 = arith.constant 1 : i32
      %add3A_336 = arith.addi %mul3A_334, %add3A_335 : i32
      %get3A_337 = arith.index_cast %add3A_336 : i32 to index
      %get3A_338 = arith.constant 0 : index
      %get3A_339 = tpu.vector_load %arg22[%get3A_337, %get3A_338] {strides = array<i32>} : memref<128x128xf32, #tpu.memory_space<vmem>>, vector<1x16xf32>,
      %get3A_340 = vector.shape_cast %get3A_339 : vector<1x16xf32> to vector<16xf32>
      %swap3A_341 = arith.index_cast %add3A_336 : i32 to index
      %swap3A_342 = arith.constant 0 : index
      %swap3A_343 = tpu.vector_load %arg25[%swap3A_341, %swap3A_342] {strides = array<i32>} : memref<128x64xf32, #tpu.memory_space<vmem>>, vector<1x16xf32>,
      %swap3A_344 = vector.shape_cast %swap3A_343 : vector<1x16xf32> to vector<16xf32>
      %swap3A_345 = vector.shape_cast %get3A_340 : vector<16xf32> to vector<1x16xf32>
      tpu.vector_store %arg25[%swap3A_341, %swap3A_342], %swap3A_345 {strides = array<i32>} : memref<128x64xf32, #tpu.memory_space<vmem>>, vector<1x16xf32>,
      %get3A_346 = arith.index_cast %add3A_336 : i32 to index
      %get3A_347 = arith.constant 16 : index
      %get3A_348 = tpu.vector_load %arg22[%get3A_346, %get3A_347] {strides = array<i32>} : memref<128x128xf32, #tpu.memory_space<vmem>>, vector<1x16xf32>,
      %get3A_349 = vector.shape_cast %get3A_348 : vector<1x16xf32> to vector<16xf32>
      %swap3A_350 = arith.index_cast %add3A_336 : i32 to index
      %swap3A_351 = arith.constant 16 : index
      %swap3A_352 = tpu.vector_load %arg25[%swap3A_350, %swap3A_351] {strides = array<i32>} : memref<128x64xf32, #tpu.memory_space<vmem>>, vector<1x16xf32>,
      %swap3A_353 = vector.shape_cast %swap3A_352 : vector<1x16xf32> to vector<16xf32>
      %swap3A_354 = vector.shape_cast %get3A_349 : vector<16xf32> to vector<1x16xf32>
      tpu.vector_store %arg25[%swap3A_350, %swap3A_351], %swap3A_354 {strides = array<i32>} : memref<128x64xf32, #tpu.memory_space<vmem>>, vector<1x16xf32>,
      %get3A_355 = arith.index_cast %add3A_336 : i32 to index
      %get3A_356 = arith.constant 32 : index
      %get3A_357 = tpu.vector_load %arg22[%get3A_355, %get3A_356] {strides = array<i32>} : memref<128x128xf32, #tpu.memory_space<vmem>>, vector<1x16xf32>,
      %get3A_358 = vector.shape_cast %get3A_357 : vector<1x16xf32> to vector<16xf32>
      %swap3A_359 = arith.index_cast %add3A_336 : i32 to index
      %swap3A_360 = arith.constant 32 : index
      %swap3A_361 = tpu.vector_load %arg25[%swap3A_359, %swap3A_360] {strides = array<i32>} : memref<128x64xf32, #tpu.memory_space<vmem>>, vector<1x16xf32>,
      %swap3A_362 = vector.shape_cast %swap3A_361 : vector<1x16xf32> to vector<16xf32>
      %swap3A_363 = vector.shape_cast %get3A_358 : vector<16xf32> to vector<1x16xf32>
      tpu.vector_store %arg25[%swap3A_359, %swap3A_360], %swap3A_363 {strides = array<i32>} : memref<128x64xf32, #tpu.memory_space<vmem>>, vector<1x16xf32>,
      %get3A_364 = arith.index_cast %add3A_336 : i32 to index
      %get3A_365 = arith.constant 48 : index
      %get3A_366 = tpu.vector_load %arg22[%get3A_364, %get3A_365] {strides = array<i32>} : memref<128x128xf32, #tpu.memory_space<vmem>>, vector<1x16xf32>,
      %get3A_367 = vector.shape_cast %get3A_366 : vector<1x16xf32> to vector<16xf32>
      %swap3A_368 = arith.index_cast %add3A_336 : i32 to index
      %swap3A_369 = arith.constant 48 : index
      %swap3A_370 = tpu.vector_load %arg25[%swap3A_368, %swap3A_369] {strides = array<i32>} : memref<128x64xf32, #tpu.memory_space<vmem>>, vector<1x16xf32>,
      %swap3A_371 = vector.shape_cast %swap3A_370 : vector<1x16xf32> to vector<16xf32>
      %swap3A_372 = vector.shape_cast %get3A_367 : vector<16xf32> to vector<1x16xf32>
      tpu.vector_store %arg25[%swap3A_368, %swap3A_369], %swap3A_372 {strides = array<i32>} : memref<128x64xf32, #tpu.memory_space<vmem>>, vector<1x16xf32>,
      %mul3A_373 = arith.constant 8 : i32
      %mul3A_374 = arith.muli %scan3A_292, %mul3A_373 : i32
      %add3A_375 = arith.constant 2 : i32
      %add3A_376 = arith.addi %mul3A_374, %add3A_375 : i32
      %get3A_377 = arith.index_cast %add3A_376 : i32 to index
      %get3A_378 = arith.constant 0 : index
      %get3A_379 = tpu.vector_load %arg22[%get3A_377, %get3A_378] {strides = array<i32>} : memref<128x128xf32, #tpu.memory_space<vmem>>, vector<1x16xf32>,
      %get3A_380 = vector.shape_cast %get3A_379 : vector<1x16xf32> to vector<16xf32>
      %swap3A_381 = arith.index_cast %add3A_376 : i32 to index
      %swap3A_382 = arith.constant 0 : index
      %swap3A_383 = tpu.vector_load %arg25[%swap3A_381, %swap3A_382] {strides = array<i32>} : memref<128x64xf32, #tpu.memory_space<vmem>>, vector<1x16xf32>,
      %swap3A_384 = vector.shape_cast %swap3A_383 : vector<1x16xf32> to vector<16xf32>
      %swap3A_385 = vector.shape_cast %get3A_380 : vector<16xf32> to vector<1x16xf32>
      tpu.vector_store %arg25[%swap3A_381, %swap3A_382], %swap3A_385 {strides = array<i32>} : memref<128x64xf32, #tpu.memory_space<vmem>>, vector<1x16xf32>,
      %get3A_386 = arith.index_cast %add3A_376 : i32 to index
      %get3A_387 = arith.constant 16 : index
      %get3A_388 = tpu.vector_load %arg22[%get3A_386, %get3A_387] {strides = array<i32>} : memref<128x128xf32, #tpu.memory_space<vmem>>, vector<1x16xf32>,
      %get3A_389 = vector.shape_cast %get3A_388 : vector<1x16xf32> to vector<16xf32>
      %swap3A_390 = arith.index_cast %add3A_376 : i32 to index
      %swap3A_391 = arith.constant 16 : index
      %swap3A_392 = tpu.vector_load %arg25[%swap3A_390, %swap3A_391] {strides = array<i32>} : memref<128x64xf32, #tpu.memory_space<vmem>>, vector<1x16xf32>,
      %swap3A_393 = vector.shape_cast %swap3A_392 : vector<1x16xf32> to vector<16xf32>
      %swap3A_394 = vector.shape_cast %get3A_389 : vector<16xf32> to vector<1x16xf32>
      tpu.vector_store %arg25[%swap3A_390, %swap3A_391], %swap3A_394 {strides = array<i32>} : memref<128x64xf32, #tpu.memory_space<vmem>>, vector<1x16xf32>,
      %get3A_395 = arith.index_cast %add3A_376 : i32 to index
      %get3A_396 = arith.constant 32 : index
      %get3A_397 = tpu.vector_load %arg22[%get3A_395, %get3A_396] {strides = array<i32>} : memref<128x128xf32, #tpu.memory_space<vmem>>, vector<1x16xf32>,
      %get3A_398 = vector.shape_cast %get3A_397 : vector<1x16xf32> to vector<16xf32>
      %swap3A_399 = arith.index_cast %add3A_376 : i32 to index
      %swap3A_400 = arith.constant 32 : index
      %swap3A_401 = tpu.vector_load %arg25[%swap3A_399, %swap3A_400] {strides = array<i32>} : memref<128x64xf32, #tpu.memory_space<vmem>>, vector<1x16xf32>,
      %swap3A_402 = vector.shape_cast %swap3A_401 : vector<1x16xf32> to vector<16xf32>
      %swap3A_403 = vector.shape_cast %get3A_398 : vector<16xf32> to vector<1x16xf32>
      tpu.vector_store %arg25[%swap3A_399, %swap3A_400], %swap3A_403 {strides = array<i32>} : memref<128x64xf32, #tpu.memory_space<vmem>>, vector<1x16xf32>,
      %get3A_404 = arith.index_cast %add3A_376 : i32 to index
      %get3A_405 = arith.constant 48 : index
      %get3A_406 = tpu.vector_load %arg22[%get3A_404, %get3A_405] {strides = array<i32>} : memref<128x128xf32, #tpu.memory_space<vmem>>, vector<1x16xf32>,
      %get3A_407 = vector.shape_cast %get3A_406 : vector<1x16xf32> to vector<16xf32>
      %swap3A_408 = arith.index_cast %add3A_376 : i32 to index
      %swap3A_409 = arith.constant 48 : index
      %swap3A_410 = tpu.vector_load %arg25[%swap3A_408, %swap3A_409] {strides = array<i32>} : memref<128x64xf32, #tpu.memory_space<vmem>>, vector<1x16xf32>,
      %swap3A_411 = vector.shape_cast %swap3A_410 : vector<1x16xf32> to vector<16xf32>
      %swap3A_412 = vector.shape_cast %get3A_407 : vector<16xf32> to vector<1x16xf32>
      tpu.vector_store %arg25[%swap3A_408, %swap3A_409], %swap3A_412 {strides = array<i32>} : memref<128x64xf32, #tpu.memory_space<vmem>>, vector<1x16xf32>,
      %mul3A_413 = arith.constant 8 : i32
      %mul3A_414 = arith.muli %scan3A_292, %mul3A_413 : i32
      %add3A_415 = arith.constant 3 : i32
      %add3A_416 = arith.addi %mul3A_414, %add3A_415 : i32
      %get3A_417 = arith.index_cast %add3A_416 : i32 to index
      %get3A_418 = arith.constant 0 : index
      %get3A_419 = tpu.vector_load %arg22[%get3A_417, %get3A_418] {strides = array<i32>} : memref<128x128xf32, #tpu.memory_space<vmem>>, vector<1x16xf32>,
      %get3A_420 = vector.shape_cast %get3A_419 : vector<1x16xf32> to vector<16xf32>
      %swap3A_421 = arith.index_cast %add3A_416 : i32 to index
      %swap3A_422 = arith.constant 0 : index
      %swap3A_423 = tpu.vector_load %arg25[%swap3A_421, %swap3A_422] {strides = array<i32>} : memref<128x64xf32, #tpu.memory_space<vmem>>, vector<1x16xf32>,
      %swap3A_424 = vector.shape_cast %swap3A_423 : vector<1x16xf32> to vector<16xf32>
      %swap3A_425 = vector.shape_cast %get3A_420 : vector<16xf32> to vector<1x16xf32>
      tpu.vector_store %arg25[%swap3A_421, %swap3A_422], %swap3A_425 {strides = array<i32>} : memref<128x64xf32, #tpu.memory_space<vmem>>, vector<1x16xf32>,
      %get3A_426 = arith.index_cast %add3A_416 : i32 to index
      %get3A_427 = arith.constant 16 : index
      %get3A_428 = tpu.vector_load %arg22[%get3A_426, %get3A_427] {strides = array<i32>} : memref<128x128xf32, #tpu.memory_space<vmem>>, vector<1x16xf32>,
      %get3A_429 = vector.shape_cast %get3A_428 : vector<1x16xf32> to vector<16xf32>
      %swap3A_430 = arith.index_cast %add3A_416 : i32 to index
      %swap3A_431 = arith.constant 16 : index
      %swap3A_432 = tpu.vector_load %arg25[%swap3A_430, %swap3A_431] {strides = array<i32>} : memref<128x64xf32, #tpu.memory_space<vmem>>, vector<1x16xf32>,
      %swap3A_433 = vector.shape_cast %swap3A_432 : vector<1x16xf32> to vector<16xf32>
      %swap3A_434 = vector.shape_cast %get3A_429 : vector<16xf32> to vector<1x16xf32>
      tpu.vector_store %arg25[%swap3A_430, %swap3A_431], %swap3A_434 {strides = array<i32>} : memref<128x64xf32, #tpu.memory_space<vmem>>, vector<1x16xf32>,
      %get3A_435 = arith.index_cast %add3A_416 : i32 to index
      %get3A_436 = arith.constant 32 : index
      %get3A_437 = tpu.vector_load %arg22[%get3A_435, %get3A_436] {strides = array<i32>} : memref<128x128xf32, #tpu.memory_space<vmem>>, vector<1x16xf32>,
      %get3A_438 = vector.shape_cast %get3A_437 : vector<1x16xf32> to vector<16xf32>
      %swap3A_439 = arith.index_cast %add3A_416 : i32 to index
      %swap3A_440 = arith.constant 32 : index
      %swap3A_441 = tpu.vector_load %arg25[%swap3A_439, %swap3A_440] {strides = array<i32>} : memref<128x64xf32, #tpu.memory_space<vmem>>, vector<1x16xf32>,
      %swap3A_442 = vector.shape_cast %swap3A_441 : vector<1x16xf32> to vector<16xf32>
      %swap3A_443 = vector.shape_cast %get3A_438 : vector<16xf32> to vector<1x16xf32>
      tpu.vector_store %arg25[%swap3A_439, %swap3A_440], %swap3A_443 {strides = array<i32>} : memref<128x64xf32, #tpu.memory_space<vmem>>, vector<1x16xf32>,
      %get3A_444 = arith.index_cast %add3A_416 : i32 to index
      %get3A_445 = arith.constant 48 : index
      %get3A_446 = tpu.vector_load %arg22[%get3A_444, %get3A_445] {strides = array<i32>} : memref<128x128xf32, #tpu.memory_space<vmem>>, vector<1x16xf32>,
      %get3A_447 = vector.shape_cast %get3A_446 : vector<1x16xf32> to vector<16xf32>
      %swap3A_448 = arith.index_cast %add3A_416 : i32 to index
      %swap3A_449 = arith.constant 48 : index
      %swap3A_450 = tpu.vector_load %arg25[%swap3A_448, %swap3A_449] {strides = array<i32>} : memref<128x64xf32, #tpu.memory_space<vmem>>, vector<1x16xf32>,
      %swap3A_451 = vector.shape_cast %swap3A_450 : vector<1x16xf32> to vector<16xf32>
      %swap3A_452 = vector.shape_cast %get3A_447 : vector<16xf32> to vector<1x16xf32>
      tpu.vector_store %arg25[%swap3A_448, %swap3A_449], %swap3A_452 {strides = array<i32>} : memref<128x64xf32, #tpu.memory_space<vmem>>, vector<1x16xf32>,
      %mul3A_453 = arith.constant 8 : i32
      %mul3A_454 = arith.muli %scan3A_292, %mul3A_453 : i32
      %add3A_455 = arith.constant 4 : i32
      %add3A_456 = arith.addi %mul3A_454, %add3A_455 : i32
      %get3A_457 = arith.index_cast %add3A_456 : i32 to index
      %get3A_458 = arith.constant 0 : index
      %get3A_459 = tpu.vector_load %arg22[%get3A_457, %get3A_458] {strides = array<i32>} : memref<128x128xf32, #tpu.memory_space<vmem>>, vector<1x16xf32>,
      %get3A_460 = vector.shape_cast %get3A_459 : vector<1x16xf32> to vector<16xf32>
      %swap3A_461 = arith.index_cast %add3A_456 : i32 to index
      %swap3A_462 = arith.constant 0 : index
      %swap3A_463 = tpu.vector_load %arg25[%swap3A_461, %swap3A_462] {strides = array<i32>} : memref<128x64xf32, #tpu.memory_space<vmem>>, vector<1x16xf32>,
      %swap3A_464 = vector.shape_cast %swap3A_463 : vector<1x16xf32> to vector<16xf32>
      %swap3A_465 = vector.shape_cast %get3A_460 : vector<16xf32> to vector<1x16xf32>
      tpu.vector_store %arg25[%swap3A_461, %swap3A_462], %swap3A_465 {strides = array<i32>} : memref<128x64xf32, #tpu.memory_space<vmem>>, vector<1x16xf32>,
      %get3A_466 = arith.index_cast %add3A_456 : i32 to index
      %get3A_467 = arith.constant 16 : index
      %get3A_468 = tpu.vector_load %arg22[%get3A_466, %get3A_467] {strides = array<i32>} : memref<128x128xf32, #tpu.memory_space<vmem>>, vector<1x16xf32>,
      %get3A_469 = vector.shape_cast %get3A_468 : vector<1x16xf32> to vector<16xf32>
      %swap3A_470 = arith.index_cast %add3A_456 : i32 to index
      %swap3A_471 = arith.constant 16 : index
      %swap3A_472 = tpu.vector_load %arg25[%swap3A_470, %swap3A_471] {strides = array<i32>} : memref<128x64xf32, #tpu.memory_space<vmem>>, vector<1x16xf32>,
      %swap3A_473 = vector.shape_cast %swap3A_472 : vector<1x16xf32> to vector<16xf32>
      %swap3A_474 = vector.shape_cast %get3A_469 : vector<16xf32> to vector<1x16xf32>
      tpu.vector_store %arg25[%swap3A_470, %swap3A_471], %swap3A_474 {strides = array<i32>} : memref<128x64xf32, #tpu.memory_space<vmem>>, vector<1x16xf32>,
      %get3A_475 = arith.index_cast %add3A_456 : i32 to index
      %get3A_476 = arith.constant 32 : index
      %get3A_477 = tpu.vector_load %arg22[%get3A_475, %get3A_476] {strides = array<i32>} : memref<128x128xf32, #tpu.memory_space<vmem>>, vector<1x16xf32>,
      %get3A_478 = vector.shape_cast %get3A_477 : vector<1x16xf32> to vector<16xf32>
      %swap3A_479 = arith.index_cast %add3A_456 : i32 to index
      %swap3A_480 = arith.constant 32 : index
      %swap3A_481 = tpu.vector_load %arg25[%swap3A_479, %swap3A_480] {strides = array<i32>} : memref<128x64xf32, #tpu.memory_space<vmem>>, vector<1x16xf32>,
      %swap3A_482 = vector.shape_cast %swap3A_481 : vector<1x16xf32> to vector<16xf32>
      %swap3A_483 = vector.shape_cast %get3A_478 : vector<16xf32> to vector<1x16xf32>
      tpu.vector_store %arg25[%swap3A_479, %swap3A_480], %swap3A_483 {strides = array<i32>} : memref<128x64xf32, #tpu.memory_space<vmem>>, vector<1x16xf32>,
      %get3A_484 = arith.index_cast %add3A_456 : i32 to index
      %get3A_485 = arith.constant 48 : index
      %get3A_486 = tpu.vector_load %arg22[%get3A_484, %get3A_485] {strides = array<i32>} : memref<128x128xf32, #tpu.memory_space<vmem>>, vector<1x16xf32>,
      %get3A_487 = vector.shape_cast %get3A_486 : vector<1x16xf32> to vector<16xf32>
      %swap3A_488 = arith.index_cast %add3A_456 : i32 to index
      %swap3A_489 = arith.constant 48 : index
      %swap3A_490 = tpu.vector_load %arg25[%swap3A_488, %swap3A_489] {strides = array<i32>} : memref<128x64xf32, #tpu.memory_space<vmem>>, vector<1x16xf32>,
      %swap3A_491 = vector.shape_cast %swap3A_490 : vector<1x16xf32> to vector<16xf32>
      %swap3A_492 = vector.shape_cast %get3A_487 : vector<16xf32> to vector<1x16xf32>
      tpu.vector_store %arg25[%swap3A_488, %swap3A_489], %swap3A_492 {strides = array<i32>} : memref<128x64xf32, #tpu.memory_space<vmem>>, vector<1x16xf32>,
      %mul3A_493 = arith.constant 8 : i32
      %mul3A_494 = arith.muli %scan3A_292, %mul3A_493 : i32
      %add3A_495 = arith.constant 5 : i32
      %add3A_496 = arith.addi %mul3A_494, %add3A_495 : i32
      %get3A_497 = arith.index_cast %add3A_496 : i32 to index
      %get3A_498 = arith.constant 0 : index
      %get3A_499 = tpu.vector_load %arg22[%get3A_497, %get3A_498] {strides = array<i32>} : memref<128x128xf32, #tpu.memory_space<vmem>>, vector<1x16xf32>,
      %get3A_500 = vector.shape_cast %get3A_499 : vector<1x16xf32> to vector<16xf32>
      %swap3A_501 = arith.index_cast %add3A_496 : i32 to index
      %swap3A_502 = arith.constant 0 : index
      %swap3A_503 = tpu.vector_load %arg25[%swap3A_501, %swap3A_502] {strides = array<i32>} : memref<128x64xf32, #tpu.memory_space<vmem>>, vector<1x16xf32>,
      %swap3A_504 = vector.shape_cast %swap3A_503 : vector<1x16xf32> to vector<16xf32>
      %swap3A_505 = vector.shape_cast %get3A_500 : vector<16xf32> to vector<1x16xf32>
      tpu.vector_store %arg25[%swap3A_501, %swap3A_502], %swap3A_505 {strides = array<i32>} : memref<128x64xf32, #tpu.memory_space<vmem>>, vector<1x16xf32>,
      %get3A_506 = arith.index_cast %add3A_496 : i32 to index
      %get3A_507 = arith.constant 16 : index
      %get3A_508 = tpu.vector_load %arg22[%get3A_506, %get3A_507] {strides = array<i32>} : memref<128x128xf32, #tpu.memory_space<vmem>>, vector<1x16xf32>,
      %get3A_509 = vector.shape_cast %get3A_508 : vector<1x16xf32> to vector<16xf32>
      %swap3A_510 = arith.index_cast %add3A_496 : i32 to index
      %swap3A_511 = arith.constant 16 : index
      %swap3A_512 = tpu.vector_load %arg25[%swap3A_510, %swap3A_511] {strides = array<i32>} : memref<128x64xf32, #tpu.memory_space<vmem>>, vector<1x16xf32>,
      %swap3A_513 = vector.shape_cast %swap3A_512 : vector<1x16xf32> to vector<16xf32>
      %swap3A_514 = vector.shape_cast %get3A_509 : vector<16xf32> to vector<1x16xf32>
      tpu.vector_store %arg25[%swap3A_510, %swap3A_511], %swap3A_514 {strides = array<i32>} : memref<128x64xf32, #tpu.memory_space<vmem>>, vector<1x16xf32>,
      %get3A_515 = arith.index_cast %add3A_496 : i32 to index
      %get3A_516 = arith.constant 32 : index
      %get3A_517 = tpu.vector_load %arg22[%get3A_515, %get3A_516] {strides = array<i32>} : memref<128x128xf32, #tpu.memory_space<vmem>>, vector<1x16xf32>,
      %get3A_518 = vector.shape_cast %get3A_517 : vector<1x16xf32> to vector<16xf32>
      %swap3A_519 = arith.index_cast %add3A_496 : i32 to index
      %swap3A_520 = arith.constant 32 : index
      %swap3A_521 = tpu.vector_load %arg25[%swap3A_519, %swap3A_520] {strides = array<i32>} : memref<128x64xf32, #tpu.memory_space<vmem>>, vector<1x16xf32>,
      %swap3A_522 = vector.shape_cast %swap3A_521 : vector<1x16xf32> to vector<16xf32>
      %swap3A_523 = vector.shape_cast %get3A_518 : vector<16xf32> to vector<1x16xf32>
      tpu.vector_store %arg25[%swap3A_519, %swap3A_520], %swap3A_523 {strides = array<i32>} : memref<128x64xf32, #tpu.memory_space<vmem>>, vector<1x16xf32>,
      %get3A_524 = arith.index_cast %add3A_496 : i32 to index
      %get3A_525 = arith.constant 48 : index
      %get3A_526 = tpu.vector_load %arg22[%get3A_524, %get3A_525] {strides = array<i32>} : memref<128x128xf32, #tpu.memory_space<vmem>>, vector<1x16xf32>,
      %get3A_527 = vector.shape_cast %get3A_526 : vector<1x16xf32> to vector<16xf32>
      %swap3A_528 = arith.index_cast %add3A_496 : i32 to index
      %swap3A_529 = arith.constant 48 : index
      %swap3A_530 = tpu.vector_load %arg25[%swap3A_528, %swap3A_529] {strides = array<i32>} : memref<128x64xf32, #tpu.memory_space<vmem>>, vector<1x16xf32>,
      %swap3A_531 = vector.shape_cast %swap3A_530 : vector<1x16xf32> to vector<16xf32>
      %swap3A_532 = vector.shape_cast %get3A_527 : vector<16xf32> to vector<1x16xf32>
      tpu.vector_store %arg25[%swap3A_528, %swap3A_529], %swap3A_532 {strides = array<i32>} : memref<128x64xf32, #tpu.memory_space<vmem>>, vector<1x16xf32>,
      %mul3A_533 = arith.constant 8 : i32
      %mul3A_534 = arith.muli %scan3A_292, %mul3A_533 : i32
      %add3A_535 = arith.constant 6 : i32
      %add3A_536 = arith.addi %mul3A_534, %add3A_535 : i32
      %get3A_537 = arith.index_cast %add3A_536 : i32 to index
      %get3A_538 = arith.constant 0 : index
      %get3A_539 = tpu.vector_load %arg22[%get3A_537, %get3A_538] {strides = array<i32>} : memref<128x128xf32, #tpu.memory_space<vmem>>, vector<1x16xf32>,
      %get3A_540 = vector.shape_cast %get3A_539 : vector<1x16xf32> to vector<16xf32>
      %swap3A_541 = arith.index_cast %add3A_536 : i32 to index
      %swap3A_542 = arith.constant 0 : index
      %swap3A_543 = tpu.vector_load %arg25[%swap3A_541, %swap3A_542] {strides = array<i32>} : memref<128x64xf32, #tpu.memory_space<vmem>>, vector<1x16xf32>,
      %swap3A_544 = vector.shape_cast %swap3A_543 : vector<1x16xf32> to vector<16xf32>
      %swap3A_545 = vector.shape_cast %get3A_540 : vector<16xf32> to vector<1x16xf32>
      tpu.vector_store %arg25[%swap3A_541, %swap3A_542], %swap3A_545 {strides = array<i32>} : memref<128x64xf32, #tpu.memory_space<vmem>>, vector<1x16xf32>,
      %get3A_546 = arith.index_cast %add3A_536 : i32 to index
      %get3A_547 = arith.constant 16 : index
      %get3A_548 = tpu.vector_load %arg22[%get3A_546, %get3A_547] {strides = array<i32>} : memref<128x128xf32, #tpu.memory_space<vmem>>, vector<1x16xf32>,
      %get3A_549 = vector.shape_cast %get3A_548 : vector<1x16xf32> to vector<16xf32>
      %swap3A_550 = arith.index_cast %add3A_536 : i32 to index
      %swap3A_551 = arith.constant 16 : index
      %swap3A_552 = tpu.vector_load %arg25[%swap3A_550, %swap3A_551] {strides = array<i32>} : memref<128x64xf32, #tpu.memory_space<vmem>>, vector<1x16xf32>,
      %swap3A_553 = vector.shape_cast %swap3A_552 : vector<1x16xf32> to vector<16xf32>
      %swap3A_554 = vector.shape_cast %get3A_549 : vector<16xf32> to vector<1x16xf32>
      tpu.vector_store %arg25[%swap3A_550, %swap3A_551], %swap3A_554 {strides = array<i32>} : memref<128x64xf32, #tpu.memory_space<vmem>>, vector<1x16xf32>,
      %get3A_555 = arith.index_cast %add3A_536 : i32 to index
      %get3A_556 = arith.constant 32 : index
      %get3A_557 = tpu.vector_load %arg22[%get3A_555, %get3A_556] {strides = array<i32>} : memref<128x128xf32, #tpu.memory_space<vmem>>, vector<1x16xf32>,
      %get3A_558 = vector.shape_cast %get3A_557 : vector<1x16xf32> to vector<16xf32>
      %swap3A_559 = arith.index_cast %add3A_536 : i32 to index
      %swap3A_560 = arith.constant 32 : index
      %swap3A_561 = tpu.vector_load %arg25[%swap3A_559, %swap3A_560] {strides = array<i32>} : memref<128x64xf32, #tpu.memory_space<vmem>>, vector<1x16xf32>,
      %swap3A_562 = vector.shape_cast %swap3A_561 : vector<1x16xf32> to vector<16xf32>
      %swap3A_563 = vector.shape_cast %get3A_558 : vector<16xf32> to vector<1x16xf32>
      tpu.vector_store %arg25[%swap3A_559, %swap3A_560], %swap3A_563 {strides = array<i32>} : memref<128x64xf32, #tpu.memory_space<vmem>>, vector<1x16xf32>,
      %get3A_564 = arith.index_cast %add3A_536 : i32 to index
      %get3A_565 = arith.constant 48 : index
      %get3A_566 = tpu.vector_load %arg22[%get3A_564, %get3A_565] {strides = array<i32>} : memref<128x128xf32, #tpu.memory_space<vmem>>, vector<1x16xf32>,
      %get3A_567 = vector.shape_cast %get3A_566 : vector<1x16xf32> to vector<16xf32>
      %swap3A_568 = arith.index_cast %add3A_536 : i32 to index
      %swap3A_569 = arith.constant 48 : index
      %swap3A_570 = tpu.vector_load %arg25[%swap3A_568, %swap3A_569] {strides = array<i32>} : memref<128x64xf32, #tpu.memory_space<vmem>>, vector<1x16xf32>,
      %swap3A_571 = vector.shape_cast %swap3A_570 : vector<1x16xf32> to vector<16xf32>
      %swap3A_572 = vector.shape_cast %get3A_567 : vector<16xf32> to vector<1x16xf32>
      tpu.vector_store %arg25[%swap3A_568, %swap3A_569], %swap3A_572 {strides = array<i32>} : memref<128x64xf32, #tpu.memory_space<vmem>>, vector<1x16xf32>,
      %mul3A_573 = arith.constant 8 : i32
      %mul3A_574 = arith.muli %scan3A_292, %mul3A_573 : i32
      %add3A_575 = arith.constant 7 : i32
      %add3A_576 = arith.addi %mul3A_574, %add3A_575 : i32
      %get3A_577 = arith.index_cast %add3A_576 : i32 to index
      %get3A_578 = arith.constant 0 : index
      %get3A_579 = tpu.vector_load %arg22[%get3A_577, %get3A_578] {strides = array<i32>} : memref<128x128xf32, #tpu.memory_space<vmem>>, vector<1x16xf32>,
      %get3A_580 = vector.shape_cast %get3A_579 : vector<1x16xf32> to vector<16xf32>
      %swap3A_581 = arith.index_cast %add3A_576 : i32 to index
      %swap3A_582 = arith.constant 0 : index
      %swap3A_583 = tpu.vector_load %arg25[%swap3A_581, %swap3A_582] {strides = array<i32>} : memref<128x64xf32, #tpu.memory_space<vmem>>, vector<1x16xf32>,
      %swap3A_584 = vector.shape_cast %swap3A_583 : vector<1x16xf32> to vector<16xf32>
      %swap3A_585 = vector.shape_cast %get3A_580 : vector<16xf32> to vector<1x16xf32>
      tpu.vector_store %arg25[%swap3A_581, %swap3A_582], %swap3A_585 {strides = array<i32>} : memref<128x64xf32, #tpu.memory_space<vmem>>, vector<1x16xf32>,
      %get3A_586 = arith.index_cast %add3A_576 : i32 to index
      %get3A_587 = arith.constant 16 : index
      %get3A_588 = tpu.vector_load %arg22[%get3A_586, %get3A_587] {strides = array<i32>} : memref<128x128xf32, #tpu.memory_space<vmem>>, vector<1x16xf32>,
      %get3A_589 = vector.shape_cast %get3A_588 : vector<1x16xf32> to vector<16xf32>
      %swap3A_590 = arith.index_cast %add3A_576 : i32 to index
      %swap3A_591 = arith.constant 16 : index
      %swap3A_592 = tpu.vector_load %arg25[%swap3A_590, %swap3A_591] {strides = array<i32>} : memref<128x64xf32, #tpu.memory_space<vmem>>, vector<1x16xf32>,
      %swap3A_593 = vector.shape_cast %swap3A_592 : vector<1x16xf32> to vector<16xf32>
      %swap3A_594 = vector.shape_cast %get3A_589 : vector<16xf32> to vector<1x16xf32>
      tpu.vector_store %arg25[%swap3A_590, %swap3A_591], %swap3A_594 {strides = array<i32>} : memref<128x64xf32, #tpu.memory_space<vmem>>, vector<1x16xf32>,
      %get3A_595 = arith.index_cast %add3A_576 : i32 to index
      %get3A_596 = arith.constant 32 : index
      %get3A_597 = tpu.vector_load %arg22[%get3A_595, %get3A_596] {strides = array<i32>} : memref<128x128xf32, #tpu.memory_space<vmem>>, vector<1x16xf32>,
      %get3A_598 = vector.shape_cast %get3A_597 : vector<1x16xf32> to vector<16xf32>
      %swap3A_599 = arith.index_cast %add3A_576 : i32 to index
      %swap3A_600 = arith.constant 32 : index
      %swap3A_601 = tpu.vector_load %arg25[%swap3A_599, %swap3A_600] {strides = array<i32>} : memref<128x64xf32, #tpu.memory_space<vmem>>, vector<1x16xf32>,
      %swap3A_602 = vector.shape_cast %swap3A_601 : vector<1x16xf32> to vector<16xf32>
      %swap3A_603 = vector.shape_cast %get3A_598 : vector<16xf32> to vector<1x16xf32>
      tpu.vector_store %arg25[%swap3A_599, %swap3A_600], %swap3A_603 {strides = array<i32>} : memref<128x64xf32, #tpu.memory_space<vmem>>, vector<1x16xf32>,
      %get3A_604 = arith.index_cast %add3A_576 : i32 to index
      %get3A_605 = arith.constant 48 : index
      %get3A_606 = tpu.vector_load %arg22[%get3A_604, %get3A_605] {strides = array<i32>} : memref<128x128xf32, #tpu.memory_space<vmem>>, vector<1x16xf32>,
      %get3A_607 = vector.shape_cast %get3A_606 : vector<1x16xf32> to vector<16xf32>
      %swap3A_608 = arith.index_cast %add3A_576 : i32 to index
      %swap3A_609 = arith.constant 48 : index
      %swap3A_610 = tpu.vector_load %arg25[%swap3A_608, %swap3A_609] {strides = array<i32>} : memref<128x64xf32, #tpu.memory_space<vmem>>, vector<1x16xf32>,
      %swap3A_611 = vector.shape_cast %swap3A_610 : vector<1x16xf32> to vector<16xf32>
      %swap3A_612 = vector.shape_cast %get3A_607 : vector<16xf32> to vector<1x16xf32>
      tpu.vector_store %arg25[%swap3A_608, %swap3A_609], %swap3A_612 {strides = array<i32>} : memref<128x64xf32, #tpu.memory_space<vmem>>, vector<1x16xf32>,
    }
    %scan3A_45 = arith.constant 16 : i32
    %mul3A_46 = arith.constant 194 : i32
    %mul3A_47 = arith.constant 128 : i32
    %mul3A_48 = arith.muli %mul3A_46, %mul3A_47 : i32
    %add3A_49 = arith.addi %mul3A_2, %mul3A_48 : i32
    %dma_start3A_50 = arith.constant 0 : i32
    %dma_start3A_51 = tpu.memref_slice %arg6[%add3A_49, %dma_start3A_50] : memref<800000x64xf32, #tpu.memory_space<hbm>> -> memref<128x64xf32, #tpu.memory_space<hbm>>
    %dma_start3A_52 = arith.constant 0 : i32
    %dma_start3A_53 = tpu.memref_slice %arg6[%add3A_49, %dma_start3A_52] : memref<800000x64xf32, #tpu.memory_space<hbm>> -> memref<128x64xf32, #tpu.memory_space<hbm>>
    tpu.enqueue_dma source(%arg25 : memref<128x64xf32, #tpu.memory_space<vmem>>) target(%dma_start3A_53 : memref<128x64xf32, #tpu.memory_space<hbm>>) target_semaphore(%arg34 : memref<!tpu.dma_semaphore, #tpu.memory_space<semaphore_mem>>)
    %dma_wait3A_54 = arith.constant 0 : i32
    %dma_wait3A_55 = tpu.memref_slice %arg6[%mul3A_2, %dma_wait3A_54] : memref<800000x64xf32, #tpu.memory_space<hbm>> -> memref<128x64xf32, #tpu.memory_space<hbm>>
    %dma_wait3A_56 = arith.constant 0 : i32
    %dma_wait3A_57 = tpu.memref_slice %arg6[%mul3A_2, %dma_wait3A_56] : memref<800000x64xf32, #tpu.memory_space<hbm>> -> memref<128x64xf32, #tpu.memory_space<hbm>>
    tpu.wait_dma2 semaphore(%arg32 : memref<!tpu.dma_semaphore, #tpu.memory_space<semaphore_mem>>) src(%arg23 : memref<128x64xf32, #tpu.memory_space<vmem>>) dst(%dma_wait3A_57 : memref<128x64xf32, #tpu.memory_space<hbm>>)
    %add3A_58 = arith.constant 24960 : i32
    %add3A_59 = arith.addi %mul3A_2, %add3A_58 : i32
    "tpu.region"() ({
      %run_scoped3A = tpu.sem_alloc : memref<!tpu.dma_semaphore, #tpu.memory_space<semaphore_mem>>
      %dma_start3A_292 = arith.constant 0 : i32
      %dma_start3A_293 = tpu.memref_slice %arg8[%dma_start3A_292] : memref<128xi32, #tpu.memory_space<vmem>> -> memref<40xi32, #tpu.memory_space<vmem>>
      %dma_start3A_294 = tpu.memref_slice %arg2[%add3A_59] : memref<800000xi32, #tpu.memory_space<hbm>> -> memref<40xi32, #tpu.memory_space<hbm>>
      %dma_start3A_295 = arith.constant 0 : i32
      %dma_start3A_296 = tpu.memref_slice %arg8[%dma_start3A_295] : memref<128xi32, #tpu.memory_space<vmem>> -> memref<40xi32, #tpu.memory_space<vmem>>
      %dma_start3A_297 = tpu.memref_slice %arg2[%add3A_59] : memref<800000xi32, #tpu.memory_space<hbm>> -> memref<40xi32, #tpu.memory_space<hbm>>
      tpu.enqueue_dma source(%dma_start3A_297 : memref<40xi32, #tpu.memory_space<hbm>>) target(%dma_start3A_296 : memref<40xi32, #tpu.memory_space<vmem>>) target_semaphore(%run_scoped3A : memref<!tpu.dma_semaphore, #tpu.memory_space<semaphore_mem>>)
      %dma_wait3A_298 = arith.constant 0 : i32
      %dma_wait3A_299 = tpu.memref_slice %arg8[%dma_wait3A_298] : memref<128xi32, #tpu.memory_space<vmem>> -> memref<40xi32, #tpu.memory_space<vmem>>
      %dma_wait3A_300 = tpu.memref_slice %arg2[%add3A_59] : memref<800000xi32, #tpu.memory_space<hbm>> -> memref<40xi32, #tpu.memory_space<hbm>>
      %dma_wait3A_301 = arith.constant 0 : i32
      %dma_wait3A_302 = tpu.memref_slice %arg8[%dma_wait3A_301] : memref<128xi32, #tpu.memory_space<vmem>> -> memref<40xi32, #tpu.memory_space<vmem>>
      %dma_wait3A_303 = tpu.memref_slice %arg2[%add3A_59] : memref<800000xi32, #tpu.memory_space<hbm>> -> memref<40xi32, #tpu.memory_space<hbm>>
      tpu.wait_dma2 semaphore(%run_scoped3A : memref<!tpu.dma_semaphore, #tpu.memory_space<semaphore_mem>>) src(%dma_wait3A_303 : memref<40xi32, #tpu.memory_space<hbm>>) dst(%dma_wait3A_302 : memref<40xi32, #tpu.memory_space<vmem>>)
      tpu.yield
    }) : () -> ()
    "tpu.region"() ({
      %run_scoped3A = tpu.sem_alloc : memref<!tpu.dma_semaphore, #tpu.memory_space<semaphore_mem>>
      %dma_start3A_292 = arith.constant 0 : i32
      %dma_start3A_293 = tpu.memref_slice %arg9[%dma_start3A_292] : memref<128xi32, #tpu.memory_space<vmem>> -> memref<40xi32, #tpu.memory_space<vmem>>
      %dma_start3A_294 = tpu.memref_slice %arg3[%add3A_59] : memref<800000xi32, #tpu.memory_space<hbm>> -> memref<40xi32, #tpu.memory_space<hbm>>
      %dma_start3A_295 = arith.constant 0 : i32
      %dma_start3A_296 = tpu.memref_slice %arg9[%dma_start3A_295] : memref<128xi32, #tpu.memory_space<vmem>> -> memref<40xi32, #tpu.memory_space<vmem>>
      %dma_start3A_297 = tpu.memref_slice %arg3[%add3A_59] : memref<800000xi32, #tpu.memory_space<hbm>> -> memref<40xi32, #tpu.memory_space<hbm>>
      tpu.enqueue_dma source(%dma_start3A_297 : memref<40xi32, #tpu.memory_space<hbm>>) target(%dma_start3A_296 : memref<40xi32, #tpu.memory_space<vmem>>) target_semaphore(%run_scoped3A : memref<!tpu.dma_semaphore, #tpu.memory_space<semaphore_mem>>)
      %dma_wait3A_298 = arith.constant 0 : i32
      %dma_wait3A_299 = tpu.memref_slice %arg9[%dma_wait3A_298] : memref<128xi32, #tpu.memory_space<vmem>> -> memref<40xi32, #tpu.memory_space<vmem>>
      %dma_wait3A_300 = tpu.memref_slice %arg3[%add3A_59] : memref<800000xi32, #tpu.memory_space<hbm>> -> memref<40xi32, #tpu.memory_space<hbm>>
      %dma_wait3A_301 = arith.constant 0 : i32
      %dma_wait3A_302 = tpu.memref_slice %arg9[%dma_wait3A_301] : memref<128xi32, #tpu.memory_space<vmem>> -> memref<40xi32, #tpu.memory_space<vmem>>
      %dma_wait3A_303 = tpu.memref_slice %arg3[%add3A_59] : memref<800000xi32, #tpu.memory_space<hbm>> -> memref<40xi32, #tpu.memory_space<hbm>>
      tpu.wait_dma2 semaphore(%run_scoped3A : memref<!tpu.dma_semaphore, #tpu.memory_space<semaphore_mem>>) src(%dma_wait3A_303 : memref<40xi32, #tpu.memory_space<hbm>>) dst(%dma_wait3A_302 : memref<40xi32, #tpu.memory_space<vmem>>)
      tpu.yield
    }) : () -> ()
    "tpu.region"() ({
      %run_scoped3A = tpu.sem_alloc : memref<!tpu.dma_semaphore, #tpu.memory_space<semaphore_mem>>
      %dma_start3A_292 = arith.constant 0 : i32
      %dma_start3A_293 = tpu.memref_slice %arg10[%dma_start3A_292] : memref<128xi32, #tpu.memory_space<vmem>> -> memref<40xi32, #tpu.memory_space<vmem>>
      %dma_start3A_294 = tpu.memref_slice %arg4[%add3A_59] : memref<800000xi32, #tpu.memory_space<hbm>> -> memref<40xi32, #tpu.memory_space<hbm>>
      %dma_start3A_295 = arith.constant 0 : i32
      %dma_start3A_296 = tpu.memref_slice %arg10[%dma_start3A_295] : memref<128xi32, #tpu.memory_space<vmem>> -> memref<40xi32, #tpu.memory_space<vmem>>
      %dma_start3A_297 = tpu.memref_slice %arg4[%add3A_59] : memref<800000xi32, #tpu.memory_space<hbm>> -> memref<40xi32, #tpu.memory_space<hbm>>
      tpu.enqueue_dma source(%dma_start3A_297 : memref<40xi32, #tpu.memory_space<hbm>>) target(%dma_start3A_296 : memref<40xi32, #tpu.memory_space<vmem>>) target_semaphore(%run_scoped3A : memref<!tpu.dma_semaphore, #tpu.memory_space<semaphore_mem>>)
      %dma_wait3A_298 = arith.constant 0 : i32
      %dma_wait3A_299 = tpu.memref_slice %arg10[%dma_wait3A_298] : memref<128xi32, #tpu.memory_space<vmem>> -> memref<40xi32, #tpu.memory_space<vmem>>
      %dma_wait3A_300 = tpu.memref_slice %arg4[%add3A_59] : memref<800000xi32, #tpu.memory_space<hbm>> -> memref<40xi32, #tpu.memory_space<hbm>>
      %dma_wait3A_301 = arith.constant 0 : i32
      %dma_wait3A_302 = tpu.memref_slice %arg10[%dma_wait3A_301] : memref<128xi32, #tpu.memory_space<vmem>> -> memref<40xi32, #tpu.memory_space<vmem>>
      %dma_wait3A_303 = tpu.memref_slice %arg4[%add3A_59] : memref<800000xi32, #tpu.memory_space<hbm>> -> memref<40xi32, #tpu.memory_space<hbm>>
      tpu.wait_dma2 semaphore(%run_scoped3A : memref<!tpu.dma_semaphore, #tpu.memory_space<semaphore_mem>>) src(%dma_wait3A_303 : memref<40xi32, #tpu.memory_space<hbm>>) dst(%dma_wait3A_302 : memref<40xi32, #tpu.memory_space<vmem>>)
      tpu.yield
    }) : () -> ()
    %get3A = arith.constant 0 : index
    %get3A_60 = tpu.vector_load %arg8[%get3A] {strides = array<i32>} : memref<128xi32, #tpu.memory_space<vmem>>, vector<16xi32>,
    %get3A_61 = vector.shape_cast %get3A_60 : vector<16xi32> to vector<16xi32>
    %mul3A_62 = arith.constant 12 : i32
    %mul3A_63 = vector.broadcast %mul3A_62 : i32 to vector<16xi32>
    %mul3A_64 = arith.muli %get3A_61, %mul3A_63 : vector<16xi32>
    %get3A_65 = arith.constant 0 : index
    %get3A_66 = tpu.vector_load %arg9[%get3A_65] {strides = array<i32>} : memref<128xi32, #tpu.memory_space<vmem>>, vector<16xi32>,
    %get3A_67 = vector.shape_cast %get3A_66 : vector<16xi32> to vector<16xi32>
    %mul3A_68 = arith.constant 2 : i32
    %mul3A_69 = vector.broadcast %mul3A_68 : i32 to vector<16xi32>
    %mul3A_70 = arith.muli %get3A_67, %mul3A_69 : vector<16xi32>
    %add3A_71 = arith.addi %mul3A_64, %mul3A_70 : vector<16xi32>
    %get3A_72 = arith.constant 0 : index
    %get3A_73 = tpu.vector_load %arg10[%get3A_72] {strides = array<i32>} : memref<128xi32, #tpu.memory_space<vmem>>, vector<16xi32>,
    %get3A_74 = vector.shape_cast %get3A_73 : vector<16xi32> to vector<16xi32>
    %add3A_75 = arith.addi %add3A_71, %get3A_74 : vector<16xi32>
    %max3A = arith.constant 0 : i32
    %max3A_76 = vector.broadcast %max3A : i32 to vector<16xi32>
    %max3A_77 = arith.maxsi %add3A_75, %max3A_76 : vector<16xi32>
    %min3A = arith.constant 59 : i32
    %min3A_78 = vector.broadcast %min3A : i32 to vector<16xi32>
    %min3A_79 = arith.minsi %max3A_77, %min3A_78 : vector<16xi32>
    %swap3A = arith.constant 0 : index
    %swap3A_80 = tpu.vector_load %arg17[%swap3A] {strides = array<i32>} : memref<128xi32, #tpu.memory_space<vmem>>, vector<16xi32>,
    %swap3A_81 = vector.shape_cast %swap3A_80 : vector<16xi32> to vector<16xi32>
    %swap3A_82 = vector.shape_cast %min3A_79 : vector<16xi32> to vector<16xi32>
    tpu.vector_store %arg17[%swap3A], %swap3A_82 {strides = array<i32>} : memref<128xi32, #tpu.memory_space<vmem>>, vector<16xi32>,
    %get3A_83 = arith.constant 16 : index
    %get3A_84 = tpu.vector_load %arg8[%get3A_83] {strides = array<i32>} : memref<128xi32, #tpu.memory_space<vmem>>, vector<16xi32>,
    %get3A_85 = vector.shape_cast %get3A_84 : vector<16xi32> to vector<16xi32>
    %mul3A_86 = arith.constant 12 : i32
    %mul3A_87 = vector.broadcast %mul3A_86 : i32 to vector<16xi32>
    %mul3A_88 = arith.muli %get3A_85, %mul3A_87 : vector<16xi32>
    %get3A_89 = arith.constant 16 : index
    %get3A_90 = tpu.vector_load %arg9[%get3A_89] {strides = array<i32>} : memref<128xi32, #tpu.memory_space<vmem>>, vector<16xi32>,
    %get3A_91 = vector.shape_cast %get3A_90 : vector<16xi32> to vector<16xi32>
    %mul3A_92 = arith.constant 2 : i32
    %mul3A_93 = vector.broadcast %mul3A_92 : i32 to vector<16xi32>
    %mul3A_94 = arith.muli %get3A_91, %mul3A_93 : vector<16xi32>
    %add3A_95 = arith.addi %mul3A_88, %mul3A_94 : vector<16xi32>
    %get3A_96 = arith.constant 16 : index
    %get3A_97 = tpu.vector_load %arg10[%get3A_96] {strides = array<i32>} : memref<128xi32, #tpu.memory_space<vmem>>, vector<16xi32>,
    %get3A_98 = vector.shape_cast %get3A_97 : vector<16xi32> to vector<16xi32>
    %add3A_99 = arith.addi %add3A_95, %get3A_98 : vector<16xi32>
    %max3A_100 = arith.constant 0 : i32
    %max3A_101 = vector.broadcast %max3A_100 : i32 to vector<16xi32>
    %max3A_102 = arith.maxsi %add3A_99, %max3A_101 : vector<16xi32>
    %min3A_103 = arith.constant 59 : i32
    %min3A_104 = vector.broadcast %min3A_103 : i32 to vector<16xi32>
    %min3A_105 = arith.minsi %max3A_102, %min3A_104 : vector<16xi32>
    %swap3A_106 = arith.constant 16 : index
    %swap3A_107 = tpu.vector_load %arg17[%swap3A_106] {strides = array<i32>} : memref<128xi32, #tpu.memory_space<vmem>>, vector<16xi32>,
    %swap3A_108 = vector.shape_cast %swap3A_107 : vector<16xi32> to vector<16xi32>
    %swap3A_109 = vector.shape_cast %min3A_105 : vector<16xi32> to vector<16xi32>
    tpu.vector_store %arg17[%swap3A_106], %swap3A_109 {strides = array<i32>} : memref<128xi32, #tpu.memory_space<vmem>>, vector<16xi32>,
    %get3A_110 = arith.constant 32 : index
    %get3A_111 = tpu.vector_load %arg8[%get3A_110] {strides = array<i32>} : memref<128xi32, #tpu.memory_space<vmem>>, vector<16xi32>,
    %get3A_112 = vector.shape_cast %get3A_111 : vector<16xi32> to vector<16xi32>
    %mul3A_113 = arith.constant 12 : i32
    %mul3A_114 = vector.broadcast %mul3A_113 : i32 to vector<16xi32>
    %mul3A_115 = arith.muli %get3A_112, %mul3A_114 : vector<16xi32>
    %get3A_116 = arith.constant 32 : index
    %get3A_117 = tpu.vector_load %arg9[%get3A_116] {strides = array<i32>} : memref<128xi32, #tpu.memory_space<vmem>>, vector<16xi32>,
    %get3A_118 = vector.shape_cast %get3A_117 : vector<16xi32> to vector<16xi32>
    %mul3A_119 = arith.constant 2 : i32
    %mul3A_120 = vector.broadcast %mul3A_119 : i32 to vector<16xi32>
    %mul3A_121 = arith.muli %get3A_118, %mul3A_120 : vector<16xi32>
    %add3A_122 = arith.addi %mul3A_115, %mul3A_121 : vector<16xi32>
    %get3A_123 = arith.constant 32 : index
    %get3A_124 = tpu.vector_load %arg10[%get3A_123] {strides = array<i32>} : memref<128xi32, #tpu.memory_space<vmem>>, vector<16xi32>,
    %get3A_125 = vector.shape_cast %get3A_124 : vector<16xi32> to vector<16xi32>
    %add3A_126 = arith.addi %add3A_122, %get3A_125 : vector<16xi32>
    %max3A_127 = arith.constant 0 : i32
    %max3A_128 = vector.broadcast %max3A_127 : i32 to vector<16xi32>
    %max3A_129 = arith.maxsi %add3A_126, %max3A_128 : vector<16xi32>
    %min3A_130 = arith.constant 59 : i32
    %min3A_131 = vector.broadcast %min3A_130 : i32 to vector<16xi32>
    %min3A_132 = arith.minsi %max3A_129, %min3A_131 : vector<16xi32>
    %swap3A_133 = arith.constant 32 : index
    %swap3A_134 = tpu.vector_load %arg17[%swap3A_133] {strides = array<i32>} : memref<128xi32, #tpu.memory_space<vmem>>, vector<16xi32>,
    %swap3A_135 = vector.shape_cast %swap3A_134 : vector<16xi32> to vector<16xi32>
    %swap3A_136 = vector.shape_cast %min3A_132 : vector<16xi32> to vector<16xi32>
    tpu.vector_store %arg17[%swap3A_133], %swap3A_136 {strides = array<i32>} : memref<128xi32, #tpu.memory_space<vmem>>, vector<16xi32>,
    %get3A_137 = arith.constant 48 : index
    %get3A_138 = tpu.vector_load %arg8[%get3A_137] {strides = array<i32>} : memref<128xi32, #tpu.memory_space<vmem>>, vector<16xi32>,
    %get3A_139 = vector.shape_cast %get3A_138 : vector<16xi32> to vector<16xi32>
    %mul3A_140 = arith.constant 12 : i32
    %mul3A_141 = vector.broadcast %mul3A_140 : i32 to vector<16xi32>
    %mul3A_142 = arith.muli %get3A_139, %mul3A_141 : vector<16xi32>
    %get3A_143 = arith.constant 48 : index
    %get3A_144 = tpu.vector_load %arg9[%get3A_143] {strides = array<i32>} : memref<128xi32, #tpu.memory_space<vmem>>, vector<16xi32>,
    %get3A_145 = vector.shape_cast %get3A_144 : vector<16xi32> to vector<16xi32>
    %mul3A_146 = arith.constant 2 : i32
    %mul3A_147 = vector.broadcast %mul3A_146 : i32 to vector<16xi32>
    %mul3A_148 = arith.muli %get3A_145, %mul3A_147 : vector<16xi32>
    %add3A_149 = arith.addi %mul3A_142, %mul3A_148 : vector<16xi32>
    %get3A_150 = arith.constant 48 : index
    %get3A_151 = tpu.vector_load %arg10[%get3A_150] {strides = array<i32>} : memref<128xi32, #tpu.memory_space<vmem>>, vector<16xi32>,
    %get3A_152 = vector.shape_cast %get3A_151 : vector<16xi32> to vector<16xi32>
    %add3A_153 = arith.addi %add3A_149, %get3A_152 : vector<16xi32>
    %max3A_154 = arith.constant 0 : i32
    %max3A_155 = vector.broadcast %max3A_154 : i32 to vector<16xi32>
    %max3A_156 = arith.maxsi %add3A_153, %max3A_155 : vector<16xi32>
    %min3A_157 = arith.constant 59 : i32
    %min3A_158 = vector.broadcast %min3A_157 : i32 to vector<16xi32>
    %min3A_159 = arith.minsi %max3A_156, %min3A_158 : vector<16xi32>
    %swap3A_160 = arith.constant 48 : index
    %swap3A_161 = tpu.vector_load %arg17[%swap3A_160] {strides = array<i32>} : memref<128xi32, #tpu.memory_space<vmem>>, vector<16xi32>,
    %swap3A_162 = vector.shape_cast %swap3A_161 : vector<16xi32> to vector<16xi32>
    %swap3A_163 = vector.shape_cast %min3A_159 : vector<16xi32> to vector<16xi32>
    tpu.vector_store %arg17[%swap3A_160], %swap3A_163 {strides = array<i32>} : memref<128xi32, #tpu.memory_space<vmem>>, vector<16xi32>,
    %get3A_164 = arith.constant 64 : index
    %get3A_165 = tpu.vector_load %arg8[%get3A_164] {strides = array<i32>} : memref<128xi32, #tpu.memory_space<vmem>>, vector<16xi32>,
    %get3A_166 = vector.shape_cast %get3A_165 : vector<16xi32> to vector<16xi32>
    %mul3A_167 = arith.constant 12 : i32
    %mul3A_168 = vector.broadcast %mul3A_167 : i32 to vector<16xi32>
    %mul3A_169 = arith.muli %get3A_166, %mul3A_168 : vector<16xi32>
    %get3A_170 = arith.constant 64 : index
    %get3A_171 = tpu.vector_load %arg9[%get3A_170] {strides = array<i32>} : memref<128xi32, #tpu.memory_space<vmem>>, vector<16xi32>,
    %get3A_172 = vector.shape_cast %get3A_171 : vector<16xi32> to vector<16xi32>
    %mul3A_173 = arith.constant 2 : i32
    %mul3A_174 = vector.broadcast %mul3A_173 : i32 to vector<16xi32>
    %mul3A_175 = arith.muli %get3A_172, %mul3A_174 : vector<16xi32>
    %add3A_176 = arith.addi %mul3A_169, %mul3A_175 : vector<16xi32>
    %get3A_177 = arith.constant 64 : index
    %get3A_178 = tpu.vector_load %arg10[%get3A_177] {strides = array<i32>} : memref<128xi32, #tpu.memory_space<vmem>>, vector<16xi32>,
    %get3A_179 = vector.shape_cast %get3A_178 : vector<16xi32> to vector<16xi32>
    %add3A_180 = arith.addi %add3A_176, %get3A_179 : vector<16xi32>
    %max3A_181 = arith.constant 0 : i32
    %max3A_182 = vector.broadcast %max3A_181 : i32 to vector<16xi32>
    %max3A_183 = arith.maxsi %add3A_180, %max3A_182 : vector<16xi32>
    %min3A_184 = arith.constant 59 : i32
    %min3A_185 = vector.broadcast %min3A_184 : i32 to vector<16xi32>
    %min3A_186 = arith.minsi %max3A_183, %min3A_185 : vector<16xi32>
    %swap3A_187 = arith.constant 64 : index
    %swap3A_188 = tpu.vector_load %arg17[%swap3A_187] {strides = array<i32>} : memref<128xi32, #tpu.memory_space<vmem>>, vector<16xi32>,
    %swap3A_189 = vector.shape_cast %swap3A_188 : vector<16xi32> to vector<16xi32>
    %swap3A_190 = vector.shape_cast %min3A_186 : vector<16xi32> to vector<16xi32>
    tpu.vector_store %arg17[%swap3A_187], %swap3A_190 {strides = array<i32>} : memref<128xi32, #tpu.memory_space<vmem>>, vector<16xi32>,
    %get3A_191 = arith.constant 80 : index
    %get3A_192 = tpu.vector_load %arg8[%get3A_191] {strides = array<i32>} : memref<128xi32, #tpu.memory_space<vmem>>, vector<16xi32>,
    %get3A_193 = vector.shape_cast %get3A_192 : vector<16xi32> to vector<16xi32>
    %mul3A_194 = arith.constant 12 : i32
    %mul3A_195 = vector.broadcast %mul3A_194 : i32 to vector<16xi32>
    %mul3A_196 = arith.muli %get3A_193, %mul3A_195 : vector<16xi32>
    %get3A_197 = arith.constant 80 : index
    %get3A_198 = tpu.vector_load %arg9[%get3A_197] {strides = array<i32>} : memref<128xi32, #tpu.memory_space<vmem>>, vector<16xi32>,
    %get3A_199 = vector.shape_cast %get3A_198 : vector<16xi32> to vector<16xi32>
    %mul3A_200 = arith.constant 2 : i32
    %mul3A_201 = vector.broadcast %mul3A_200 : i32 to vector<16xi32>
    %mul3A_202 = arith.muli %get3A_199, %mul3A_201 : vector<16xi32>
    %add3A_203 = arith.addi %mul3A_196, %mul3A_202 : vector<16xi32>
    %get3A_204 = arith.constant 80 : index
    %get3A_205 = tpu.vector_load %arg10[%get3A_204] {strides = array<i32>} : memref<128xi32, #tpu.memory_space<vmem>>, vector<16xi32>,
    %get3A_206 = vector.shape_cast %get3A_205 : vector<16xi32> to vector<16xi32>
    %add3A_207 = arith.addi %add3A_203, %get3A_206 : vector<16xi32>
    %max3A_208 = arith.constant 0 : i32
    %max3A_209 = vector.broadcast %max3A_208 : i32 to vector<16xi32>
    %max3A_210 = arith.maxsi %add3A_207, %max3A_209 : vector<16xi32>
    %min3A_211 = arith.constant 59 : i32
    %min3A_212 = vector.broadcast %min3A_211 : i32 to vector<16xi32>
    %min3A_213 = arith.minsi %max3A_210, %min3A_212 : vector<16xi32>
    %swap3A_214 = arith.constant 80 : index
    %swap3A_215 = tpu.vector_load %arg17[%swap3A_214] {strides = array<i32>} : memref<128xi32, #tpu.memory_space<vmem>>, vector<16xi32>,
    %swap3A_216 = vector.shape_cast %swap3A_215 : vector<16xi32> to vector<16xi32>
    %swap3A_217 = vector.shape_cast %min3A_213 : vector<16xi32> to vector<16xi32>
    tpu.vector_store %arg17[%swap3A_214], %swap3A_217 {strides = array<i32>} : memref<128xi32, #tpu.memory_space<vmem>>, vector<16xi32>,
    %get3A_218 = arith.constant 96 : index
    %get3A_219 = tpu.vector_load %arg8[%get3A_218] {strides = array<i32>} : memref<128xi32, #tpu.memory_space<vmem>>, vector<16xi32>,
    %get3A_220 = vector.shape_cast %get3A_219 : vector<16xi32> to vector<16xi32>
    %mul3A_221 = arith.constant 12 : i32
    %mul3A_222 = vector.broadcast %mul3A_221 : i32 to vector<16xi32>
    %mul3A_223 = arith.muli %get3A_220, %mul3A_222 : vector<16xi32>
    %get3A_224 = arith.constant 96 : index
    %get3A_225 = tpu.vector_load %arg9[%get3A_224] {strides = array<i32>} : memref<128xi32, #tpu.memory_space<vmem>>, vector<16xi32>,
    %get3A_226 = vector.shape_cast %get3A_225 : vector<16xi32> to vector<16xi32>
    %mul3A_227 = arith.constant 2 : i32
    %mul3A_228 = vector.broadcast %mul3A_227 : i32 to vector<16xi32>
    %mul3A_229 = arith.muli %get3A_226, %mul3A_228 : vector<16xi32>
    %add3A_230 = arith.addi %mul3A_223, %mul3A_229 : vector<16xi32>
    %get3A_231 = arith.constant 96 : index
    %get3A_232 = tpu.vector_load %arg10[%get3A_231] {strides = array<i32>} : memref<128xi32, #tpu.memory_space<vmem>>, vector<16xi32>,
    %get3A_233 = vector.shape_cast %get3A_232 : vector<16xi32> to vector<16xi32>
    %add3A_234 = arith.addi %add3A_230, %get3A_233 : vector<16xi32>
    %max3A_235 = arith.constant 0 : i32
    %max3A_236 = vector.broadcast %max3A_235 : i32 to vector<16xi32>
    %max3A_237 = arith.maxsi %add3A_234, %max3A_236 : vector<16xi32>
    %min3A_238 = arith.constant 59 : i32
    %min3A_239 = vector.broadcast %min3A_238 : i32 to vector<16xi32>
    %min3A_240 = arith.minsi %max3A_237, %min3A_239 : vector<16xi32>
    %swap3A_241 = arith.constant 96 : index
    %swap3A_242 = tpu.vector_load %arg17[%swap3A_241] {strides = array<i32>} : memref<128xi32, #tpu.memory_space<vmem>>, vector<16xi32>,
    %swap3A_243 = vector.shape_cast %swap3A_242 : vector<16xi32> to vector<16xi32>
    %swap3A_244 = vector.shape_cast %min3A_240 : vector<16xi32> to vector<16xi32>
    tpu.vector_store %arg17[%swap3A_241], %swap3A_244 {strides = array<i32>} : memref<128xi32, #tpu.memory_space<vmem>>, vector<16xi32>,
    %get3A_245 = arith.constant 112 : index
    %get3A_246 = tpu.vector_load %arg8[%get3A_245] {strides = array<i32>} : memref<128xi32, #tpu.memory_space<vmem>>, vector<16xi32>,
    %get3A_247 = vector.shape_cast %get3A_246 : vector<16xi32> to vector<16xi32>
    %mul3A_248 = arith.constant 12 : i32
    %mul3A_249 = vector.broadcast %mul3A_248 : i32 to vector<16xi32>
    %mul3A_250 = arith.muli %get3A_247, %mul3A_249 : vector<16xi32>
    %get3A_251 = arith.constant 112 : index
    %get3A_252 = tpu.vector_load %arg9[%get3A_251] {strides = array<i32>} : memref<128xi32, #tpu.memory_space<vmem>>, vector<16xi32>,
    %get3A_253 = vector.shape_cast %get3A_252 : vector<16xi32> to vector<16xi32>
    %mul3A_254 = arith.constant 2 : i32
    %mul3A_255 = vector.broadcast %mul3A_254 : i32 to vector<16xi32>
    %mul3A_256 = arith.muli %get3A_253, %mul3A_255 : vector<16xi32>
    %add3A_257 = arith.addi %mul3A_250, %mul3A_256 : vector<16xi32>
    %get3A_258 = arith.constant 112 : index
    %get3A_259 = tpu.vector_load %arg10[%get3A_258] {strides = array<i32>} : memref<128xi32, #tpu.memory_space<vmem>>, vector<16xi32>,
    %get3A_260 = vector.shape_cast %get3A_259 : vector<16xi32> to vector<16xi32>
    %add3A_261 = arith.addi %add3A_257, %get3A_260 : vector<16xi32>
    %max3A_262 = arith.constant 0 : i32
    %max3A_263 = vector.broadcast %max3A_262 : i32 to vector<16xi32>
    %max3A_264 = arith.maxsi %add3A_261, %max3A_263 : vector<16xi32>
    %min3A_265 = arith.constant 59 : i32
    %min3A_266 = vector.broadcast %min3A_265 : i32 to vector<16xi32>
    %min3A_267 = arith.minsi %max3A_264, %min3A_266 : vector<16xi32>
    %swap3A_268 = arith.constant 112 : index
    %swap3A_269 = tpu.vector_load %arg17[%swap3A_268] {strides = array<i32>} : memref<128xi32, #tpu.memory_space<vmem>>, vector<16xi32>,
    %swap3A_270 = vector.shape_cast %swap3A_269 : vector<16xi32> to vector<16xi32>
    %swap3A_271 = vector.shape_cast %min3A_267 : vector<16xi32> to vector<16xi32>
    tpu.vector_store %arg17[%swap3A_268], %swap3A_271 {strides = array<i32>} : memref<128xi32, #tpu.memory_space<vmem>>, vector<16xi32>,
    %dma_start3A_272 = arith.constant 0 : i32
    %dma_start3A_273 = arith.constant 0 : i32
    %dma_start3A_274 = tpu.memref_slice %arg7[%dma_start3A_272, %dma_start3A_273] : memref<60x128xf32, #tpu.memory_space<vmem_shared>> -> memref<60x128xf32, #tpu.memory_space<vmem_shared>>
    tpu.enqueue_indirect_dma source(%dma_start3A_274 : memref<60x128xf32, #tpu.memory_space<vmem_shared>>) target(%arg20 : memref<128x128xf32, #tpu.memory_space<vmem>>) offsets(%arg17 : memref<128xi32, #tpu.memory_space<vmem>>) semaphore(%arg29 : memref<!tpu.dma_semaphore, #tpu.memory_space<semaphore_mem>>)
    %dma_wait3A_275 = arith.constant 0 : i32
    %dma_wait3A_276 = arith.constant 0 : i32
    %dma_wait3A_277 = tpu.memref_slice %arg7[%dma_wait3A_275, %dma_wait3A_276] : memref<60x128xf32, #tpu.memory_space<vmem_shared>> -> memref<60x128xf32, #tpu.memory_space<vmem_shared>>
    tpu.wait_indirect_dma semaphore(%arg29 : memref<!tpu.dma_semaphore, #tpu.memory_space<semaphore_mem>>) src(%dma_wait3A_277 : memref<60x128xf32, #tpu.memory_space<vmem_shared>>) dst(%arg20 : memref<128x128xf32, #tpu.memory_space<vmem>>)
    %scan3A_278 = arith.constant 0 : i32
    %scan3A_279 = arith.constant 0 : i32
    %scan3A_280 = arith.constant 5 : i32
    %scan3A_281 = arith.addi %scan3A_279, %scan3A_280 : i32
    %scan3A_282 = arith.constant 1 : i32
    scf.for %scan3A_292 = %scan3A_279 to %scan3A_281 step %scan3A_282  : i32 {
      %mul3A_293 = arith.constant 8 : i32
      %mul3A_294 = arith.muli %scan3A_292, %mul3A_293 : i32
      %add3A_295 = arith.constant 0 : i32
      %add3A_296 = arith.addi %mul3A_294, %add3A_295 : i32
      %get3A_297 = arith.index_cast %add3A_296 : i32 to index
      %get3A_298 = arith.constant 0 : index
      %get3A_299 = tpu.vector_load %arg20[%get3A_297, %get3A_298] {strides = array<i32>} : memref<128x128xf32, #tpu.memory_space<vmem>>, vector<1x16xf32>,
      %get3A_300 = vector.shape_cast %get3A_299 : vector<1x16xf32> to vector<16xf32>
      %swap3A_301 = arith.index_cast %add3A_296 : i32 to index
      %swap3A_302 = arith.constant 0 : index
      %swap3A_303 = tpu.vector_load %arg23[%swap3A_301, %swap3A_302] {strides = array<i32>} : memref<128x64xf32, #tpu.memory_space<vmem>>, vector<1x16xf32>,
      %swap3A_304 = vector.shape_cast %swap3A_303 : vector<1x16xf32> to vector<16xf32>
      %swap3A_305 = vector.shape_cast %get3A_300 : vector<16xf32> to vector<1x16xf32>
      tpu.vector_store %arg23[%swap3A_301, %swap3A_302], %swap3A_305 {strides = array<i32>} : memref<128x64xf32, #tpu.memory_space<vmem>>, vector<1x16xf32>,
      %get3A_306 = arith.index_cast %add3A_296 : i32 to index
      %get3A_307 = arith.constant 16 : index
      %get3A_308 = tpu.vector_load %arg20[%get3A_306, %get3A_307] {strides = array<i32>} : memref<128x128xf32, #tpu.memory_space<vmem>>, vector<1x16xf32>,
      %get3A_309 = vector.shape_cast %get3A_308 : vector<1x16xf32> to vector<16xf32>
      %swap3A_310 = arith.index_cast %add3A_296 : i32 to index
      %swap3A_311 = arith.constant 16 : index
      %swap3A_312 = tpu.vector_load %arg23[%swap3A_310, %swap3A_311] {strides = array<i32>} : memref<128x64xf32, #tpu.memory_space<vmem>>, vector<1x16xf32>,
      %swap3A_313 = vector.shape_cast %swap3A_312 : vector<1x16xf32> to vector<16xf32>
      %swap3A_314 = vector.shape_cast %get3A_309 : vector<16xf32> to vector<1x16xf32>
      tpu.vector_store %arg23[%swap3A_310, %swap3A_311], %swap3A_314 {strides = array<i32>} : memref<128x64xf32, #tpu.memory_space<vmem>>, vector<1x16xf32>,
      %get3A_315 = arith.index_cast %add3A_296 : i32 to index
      %get3A_316 = arith.constant 32 : index
      %get3A_317 = tpu.vector_load %arg20[%get3A_315, %get3A_316] {strides = array<i32>} : memref<128x128xf32, #tpu.memory_space<vmem>>, vector<1x16xf32>,
      %get3A_318 = vector.shape_cast %get3A_317 : vector<1x16xf32> to vector<16xf32>
      %swap3A_319 = arith.index_cast %add3A_296 : i32 to index
      %swap3A_320 = arith.constant 32 : index
      %swap3A_321 = tpu.vector_load %arg23[%swap3A_319, %swap3A_320] {strides = array<i32>} : memref<128x64xf32, #tpu.memory_space<vmem>>, vector<1x16xf32>,
      %swap3A_322 = vector.shape_cast %swap3A_321 : vector<1x16xf32> to vector<16xf32>
      %swap3A_323 = vector.shape_cast %get3A_318 : vector<16xf32> to vector<1x16xf32>
      tpu.vector_store %arg23[%swap3A_319, %swap3A_320], %swap3A_323 {strides = array<i32>} : memref<128x64xf32, #tpu.memory_space<vmem>>, vector<1x16xf32>,
      %get3A_324 = arith.index_cast %add3A_296 : i32 to index
      %get3A_325 = arith.constant 48 : index
      %get3A_326 = tpu.vector_load %arg20[%get3A_324, %get3A_325] {strides = array<i32>} : memref<128x128xf32, #tpu.memory_space<vmem>>, vector<1x16xf32>,
      %get3A_327 = vector.shape_cast %get3A_326 : vector<1x16xf32> to vector<16xf32>
      %swap3A_328 = arith.index_cast %add3A_296 : i32 to index
      %swap3A_329 = arith.constant 48 : index
      %swap3A_330 = tpu.vector_load %arg23[%swap3A_328, %swap3A_329] {strides = array<i32>} : memref<128x64xf32, #tpu.memory_space<vmem>>, vector<1x16xf32>,
      %swap3A_331 = vector.shape_cast %swap3A_330 : vector<1x16xf32> to vector<16xf32>
      %swap3A_332 = vector.shape_cast %get3A_327 : vector<16xf32> to vector<1x16xf32>
      tpu.vector_store %arg23[%swap3A_328, %swap3A_329], %swap3A_332 {strides = array<i32>} : memref<128x64xf32, #tpu.memory_space<vmem>>, vector<1x16xf32>,
      %mul3A_333 = arith.constant 8 : i32
      %mul3A_334 = arith.muli %scan3A_292, %mul3A_333 : i32
      %add3A_335 = arith.constant 1 : i32
      %add3A_336 = arith.addi %mul3A_334, %add3A_335 : i32
      %get3A_337 = arith.index_cast %add3A_336 : i32 to index
      %get3A_338 = arith.constant 0 : index
      %get3A_339 = tpu.vector_load %arg20[%get3A_337, %get3A_338] {strides = array<i32>} : memref<128x128xf32, #tpu.memory_space<vmem>>, vector<1x16xf32>,
      %get3A_340 = vector.shape_cast %get3A_339 : vector<1x16xf32> to vector<16xf32>
      %swap3A_341 = arith.index_cast %add3A_336 : i32 to index
      %swap3A_342 = arith.constant 0 : index
      %swap3A_343 = tpu.vector_load %arg23[%swap3A_341, %swap3A_342] {strides = array<i32>} : memref<128x64xf32, #tpu.memory_space<vmem>>, vector<1x16xf32>,
      %swap3A_344 = vector.shape_cast %swap3A_343 : vector<1x16xf32> to vector<16xf32>
      %swap3A_345 = vector.shape_cast %get3A_340 : vector<16xf32> to vector<1x16xf32>
      tpu.vector_store %arg23[%swap3A_341, %swap3A_342], %swap3A_345 {strides = array<i32>} : memref<128x64xf32, #tpu.memory_space<vmem>>, vector<1x16xf32>,
      %get3A_346 = arith.index_cast %add3A_336 : i32 to index
      %get3A_347 = arith.constant 16 : index
      %get3A_348 = tpu.vector_load %arg20[%get3A_346, %get3A_347] {strides = array<i32>} : memref<128x128xf32, #tpu.memory_space<vmem>>, vector<1x16xf32>,
      %get3A_349 = vector.shape_cast %get3A_348 : vector<1x16xf32> to vector<16xf32>
      %swap3A_350 = arith.index_cast %add3A_336 : i32 to index
      %swap3A_351 = arith.constant 16 : index
      %swap3A_352 = tpu.vector_load %arg23[%swap3A_350, %swap3A_351] {strides = array<i32>} : memref<128x64xf32, #tpu.memory_space<vmem>>, vector<1x16xf32>,
      %swap3A_353 = vector.shape_cast %swap3A_352 : vector<1x16xf32> to vector<16xf32>
      %swap3A_354 = vector.shape_cast %get3A_349 : vector<16xf32> to vector<1x16xf32>
      tpu.vector_store %arg23[%swap3A_350, %swap3A_351], %swap3A_354 {strides = array<i32>} : memref<128x64xf32, #tpu.memory_space<vmem>>, vector<1x16xf32>,
      %get3A_355 = arith.index_cast %add3A_336 : i32 to index
      %get3A_356 = arith.constant 32 : index
      %get3A_357 = tpu.vector_load %arg20[%get3A_355, %get3A_356] {strides = array<i32>} : memref<128x128xf32, #tpu.memory_space<vmem>>, vector<1x16xf32>,
      %get3A_358 = vector.shape_cast %get3A_357 : vector<1x16xf32> to vector<16xf32>
      %swap3A_359 = arith.index_cast %add3A_336 : i32 to index
      %swap3A_360 = arith.constant 32 : index
      %swap3A_361 = tpu.vector_load %arg23[%swap3A_359, %swap3A_360] {strides = array<i32>} : memref<128x64xf32, #tpu.memory_space<vmem>>, vector<1x16xf32>,
      %swap3A_362 = vector.shape_cast %swap3A_361 : vector<1x16xf32> to vector<16xf32>
      %swap3A_363 = vector.shape_cast %get3A_358 : vector<16xf32> to vector<1x16xf32>
      tpu.vector_store %arg23[%swap3A_359, %swap3A_360], %swap3A_363 {strides = array<i32>} : memref<128x64xf32, #tpu.memory_space<vmem>>, vector<1x16xf32>,
      %get3A_364 = arith.index_cast %add3A_336 : i32 to index
      %get3A_365 = arith.constant 48 : index
      %get3A_366 = tpu.vector_load %arg20[%get3A_364, %get3A_365] {strides = array<i32>} : memref<128x128xf32, #tpu.memory_space<vmem>>, vector<1x16xf32>,
      %get3A_367 = vector.shape_cast %get3A_366 : vector<1x16xf32> to vector<16xf32>
      %swap3A_368 = arith.index_cast %add3A_336 : i32 to index
      %swap3A_369 = arith.constant 48 : index
      %swap3A_370 = tpu.vector_load %arg23[%swap3A_368, %swap3A_369] {strides = array<i32>} : memref<128x64xf32, #tpu.memory_space<vmem>>, vector<1x16xf32>,
      %swap3A_371 = vector.shape_cast %swap3A_370 : vector<1x16xf32> to vector<16xf32>
      %swap3A_372 = vector.shape_cast %get3A_367 : vector<16xf32> to vector<1x16xf32>
      tpu.vector_store %arg23[%swap3A_368, %swap3A_369], %swap3A_372 {strides = array<i32>} : memref<128x64xf32, #tpu.memory_space<vmem>>, vector<1x16xf32>,
      %mul3A_373 = arith.constant 8 : i32
      %mul3A_374 = arith.muli %scan3A_292, %mul3A_373 : i32
      %add3A_375 = arith.constant 2 : i32
      %add3A_376 = arith.addi %mul3A_374, %add3A_375 : i32
      %get3A_377 = arith.index_cast %add3A_376 : i32 to index
      %get3A_378 = arith.constant 0 : index
      %get3A_379 = tpu.vector_load %arg20[%get3A_377, %get3A_378] {strides = array<i32>} : memref<128x128xf32, #tpu.memory_space<vmem>>, vector<1x16xf32>,
      %get3A_380 = vector.shape_cast %get3A_379 : vector<1x16xf32> to vector<16xf32>
      %swap3A_381 = arith.index_cast %add3A_376 : i32 to index
      %swap3A_382 = arith.constant 0 : index
      %swap3A_383 = tpu.vector_load %arg23[%swap3A_381, %swap3A_382] {strides = array<i32>} : memref<128x64xf32, #tpu.memory_space<vmem>>, vector<1x16xf32>,
      %swap3A_384 = vector.shape_cast %swap3A_383 : vector<1x16xf32> to vector<16xf32>
      %swap3A_385 = vector.shape_cast %get3A_380 : vector<16xf32> to vector<1x16xf32>
      tpu.vector_store %arg23[%swap3A_381, %swap3A_382], %swap3A_385 {strides = array<i32>} : memref<128x64xf32, #tpu.memory_space<vmem>>, vector<1x16xf32>,
      %get3A_386 = arith.index_cast %add3A_376 : i32 to index
      %get3A_387 = arith.constant 16 : index
      %get3A_388 = tpu.vector_load %arg20[%get3A_386, %get3A_387] {strides = array<i32>} : memref<128x128xf32, #tpu.memory_space<vmem>>, vector<1x16xf32>,
      %get3A_389 = vector.shape_cast %get3A_388 : vector<1x16xf32> to vector<16xf32>
      %swap3A_390 = arith.index_cast %add3A_376 : i32 to index
      %swap3A_391 = arith.constant 16 : index
      %swap3A_392 = tpu.vector_load %arg23[%swap3A_390, %swap3A_391] {strides = array<i32>} : memref<128x64xf32, #tpu.memory_space<vmem>>, vector<1x16xf32>,
      %swap3A_393 = vector.shape_cast %swap3A_392 : vector<1x16xf32> to vector<16xf32>
      %swap3A_394 = vector.shape_cast %get3A_389 : vector<16xf32> to vector<1x16xf32>
      tpu.vector_store %arg23[%swap3A_390, %swap3A_391], %swap3A_394 {strides = array<i32>} : memref<128x64xf32, #tpu.memory_space<vmem>>, vector<1x16xf32>,
      %get3A_395 = arith.index_cast %add3A_376 : i32 to index
      %get3A_396 = arith.constant 32 : index
      %get3A_397 = tpu.vector_load %arg20[%get3A_395, %get3A_396] {strides = array<i32>} : memref<128x128xf32, #tpu.memory_space<vmem>>, vector<1x16xf32>,
      %get3A_398 = vector.shape_cast %get3A_397 : vector<1x16xf32> to vector<16xf32>
      %swap3A_399 = arith.index_cast %add3A_376 : i32 to index
      %swap3A_400 = arith.constant 32 : index
      %swap3A_401 = tpu.vector_load %arg23[%swap3A_399, %swap3A_400] {strides = array<i32>} : memref<128x64xf32, #tpu.memory_space<vmem>>, vector<1x16xf32>,
      %swap3A_402 = vector.shape_cast %swap3A_401 : vector<1x16xf32> to vector<16xf32>
      %swap3A_403 = vector.shape_cast %get3A_398 : vector<16xf32> to vector<1x16xf32>
      tpu.vector_store %arg23[%swap3A_399, %swap3A_400], %swap3A_403 {strides = array<i32>} : memref<128x64xf32, #tpu.memory_space<vmem>>, vector<1x16xf32>,
      %get3A_404 = arith.index_cast %add3A_376 : i32 to index
      %get3A_405 = arith.constant 48 : index
      %get3A_406 = tpu.vector_load %arg20[%get3A_404, %get3A_405] {strides = array<i32>} : memref<128x128xf32, #tpu.memory_space<vmem>>, vector<1x16xf32>,
      %get3A_407 = vector.shape_cast %get3A_406 : vector<1x16xf32> to vector<16xf32>
      %swap3A_408 = arith.index_cast %add3A_376 : i32 to index
      %swap3A_409 = arith.constant 48 : index
      %swap3A_410 = tpu.vector_load %arg23[%swap3A_408, %swap3A_409] {strides = array<i32>} : memref<128x64xf32, #tpu.memory_space<vmem>>, vector<1x16xf32>,
      %swap3A_411 = vector.shape_cast %swap3A_410 : vector<1x16xf32> to vector<16xf32>
      %swap3A_412 = vector.shape_cast %get3A_407 : vector<16xf32> to vector<1x16xf32>
      tpu.vector_store %arg23[%swap3A_408, %swap3A_409], %swap3A_412 {strides = array<i32>} : memref<128x64xf32, #tpu.memory_space<vmem>>, vector<1x16xf32>,
      %mul3A_413 = arith.constant 8 : i32
      %mul3A_414 = arith.muli %scan3A_292, %mul3A_413 : i32
      %add3A_415 = arith.constant 3 : i32
      %add3A_416 = arith.addi %mul3A_414, %add3A_415 : i32
      %get3A_417 = arith.index_cast %add3A_416 : i32 to index
      %get3A_418 = arith.constant 0 : index
      %get3A_419 = tpu.vector_load %arg20[%get3A_417, %get3A_418] {strides = array<i32>} : memref<128x128xf32, #tpu.memory_space<vmem>>, vector<1x16xf32>,
      %get3A_420 = vector.shape_cast %get3A_419 : vector<1x16xf32> to vector<16xf32>
      %swap3A_421 = arith.index_cast %add3A_416 : i32 to index
      %swap3A_422 = arith.constant 0 : index
      %swap3A_423 = tpu.vector_load %arg23[%swap3A_421, %swap3A_422] {strides = array<i32>} : memref<128x64xf32, #tpu.memory_space<vmem>>, vector<1x16xf32>,
      %swap3A_424 = vector.shape_cast %swap3A_423 : vector<1x16xf32> to vector<16xf32>
      %swap3A_425 = vector.shape_cast %get3A_420 : vector<16xf32> to vector<1x16xf32>
      tpu.vector_store %arg23[%swap3A_421, %swap3A_422], %swap3A_425 {strides = array<i32>} : memref<128x64xf32, #tpu.memory_space<vmem>>, vector<1x16xf32>,
      %get3A_426 = arith.index_cast %add3A_416 : i32 to index
      %get3A_427 = arith.constant 16 : index
      %get3A_428 = tpu.vector_load %arg20[%get3A_426, %get3A_427] {strides = array<i32>} : memref<128x128xf32, #tpu.memory_space<vmem>>, vector<1x16xf32>,
      %get3A_429 = vector.shape_cast %get3A_428 : vector<1x16xf32> to vector<16xf32>
      %swap3A_430 = arith.index_cast %add3A_416 : i32 to index
      %swap3A_431 = arith.constant 16 : index
      %swap3A_432 = tpu.vector_load %arg23[%swap3A_430, %swap3A_431] {strides = array<i32>} : memref<128x64xf32, #tpu.memory_space<vmem>>, vector<1x16xf32>,
      %swap3A_433 = vector.shape_cast %swap3A_432 : vector<1x16xf32> to vector<16xf32>
      %swap3A_434 = vector.shape_cast %get3A_429 : vector<16xf32> to vector<1x16xf32>
      tpu.vector_store %arg23[%swap3A_430, %swap3A_431], %swap3A_434 {strides = array<i32>} : memref<128x64xf32, #tpu.memory_space<vmem>>, vector<1x16xf32>,
      %get3A_435 = arith.index_cast %add3A_416 : i32 to index
      %get3A_436 = arith.constant 32 : index
      %get3A_437 = tpu.vector_load %arg20[%get3A_435, %get3A_436] {strides = array<i32>} : memref<128x128xf32, #tpu.memory_space<vmem>>, vector<1x16xf32>,
      %get3A_438 = vector.shape_cast %get3A_437 : vector<1x16xf32> to vector<16xf32>
      %swap3A_439 = arith.index_cast %add3A_416 : i32 to index
      %swap3A_440 = arith.constant 32 : index
      %swap3A_441 = tpu.vector_load %arg23[%swap3A_439, %swap3A_440] {strides = array<i32>} : memref<128x64xf32, #tpu.memory_space<vmem>>, vector<1x16xf32>,
      %swap3A_442 = vector.shape_cast %swap3A_441 : vector<1x16xf32> to vector<16xf32>
      %swap3A_443 = vector.shape_cast %get3A_438 : vector<16xf32> to vector<1x16xf32>
      tpu.vector_store %arg23[%swap3A_439, %swap3A_440], %swap3A_443 {strides = array<i32>} : memref<128x64xf32, #tpu.memory_space<vmem>>, vector<1x16xf32>,
      %get3A_444 = arith.index_cast %add3A_416 : i32 to index
      %get3A_445 = arith.constant 48 : index
      %get3A_446 = tpu.vector_load %arg20[%get3A_444, %get3A_445] {strides = array<i32>} : memref<128x128xf32, #tpu.memory_space<vmem>>, vector<1x16xf32>,
      %get3A_447 = vector.shape_cast %get3A_446 : vector<1x16xf32> to vector<16xf32>
      %swap3A_448 = arith.index_cast %add3A_416 : i32 to index
      %swap3A_449 = arith.constant 48 : index
      %swap3A_450 = tpu.vector_load %arg23[%swap3A_448, %swap3A_449] {strides = array<i32>} : memref<128x64xf32, #tpu.memory_space<vmem>>, vector<1x16xf32>,
      %swap3A_451 = vector.shape_cast %swap3A_450 : vector<1x16xf32> to vector<16xf32>
      %swap3A_452 = vector.shape_cast %get3A_447 : vector<16xf32> to vector<1x16xf32>
      tpu.vector_store %arg23[%swap3A_448, %swap3A_449], %swap3A_452 {strides = array<i32>} : memref<128x64xf32, #tpu.memory_space<vmem>>, vector<1x16xf32>,
      %mul3A_453 = arith.constant 8 : i32
      %mul3A_454 = arith.muli %scan3A_292, %mul3A_453 : i32
      %add3A_455 = arith.constant 4 : i32
      %add3A_456 = arith.addi %mul3A_454, %add3A_455 : i32
      %get3A_457 = arith.index_cast %add3A_456 : i32 to index
      %get3A_458 = arith.constant 0 : index
      %get3A_459 = tpu.vector_load %arg20[%get3A_457, %get3A_458] {strides = array<i32>} : memref<128x128xf32, #tpu.memory_space<vmem>>, vector<1x16xf32>,
      %get3A_460 = vector.shape_cast %get3A_459 : vector<1x16xf32> to vector<16xf32>
      %swap3A_461 = arith.index_cast %add3A_456 : i32 to index
      %swap3A_462 = arith.constant 0 : index
      %swap3A_463 = tpu.vector_load %arg23[%swap3A_461, %swap3A_462] {strides = array<i32>} : memref<128x64xf32, #tpu.memory_space<vmem>>, vector<1x16xf32>,
      %swap3A_464 = vector.shape_cast %swap3A_463 : vector<1x16xf32> to vector<16xf32>
      %swap3A_465 = vector.shape_cast %get3A_460 : vector<16xf32> to vector<1x16xf32>
      tpu.vector_store %arg23[%swap3A_461, %swap3A_462], %swap3A_465 {strides = array<i32>} : memref<128x64xf32, #tpu.memory_space<vmem>>, vector<1x16xf32>,
      %get3A_466 = arith.index_cast %add3A_456 : i32 to index
      %get3A_467 = arith.constant 16 : index
      %get3A_468 = tpu.vector_load %arg20[%get3A_466, %get3A_467] {strides = array<i32>} : memref<128x128xf32, #tpu.memory_space<vmem>>, vector<1x16xf32>,
      %get3A_469 = vector.shape_cast %get3A_468 : vector<1x16xf32> to vector<16xf32>
      %swap3A_470 = arith.index_cast %add3A_456 : i32 to index
      %swap3A_471 = arith.constant 16 : index
      %swap3A_472 = tpu.vector_load %arg23[%swap3A_470, %swap3A_471] {strides = array<i32>} : memref<128x64xf32, #tpu.memory_space<vmem>>, vector<1x16xf32>,
      %swap3A_473 = vector.shape_cast %swap3A_472 : vector<1x16xf32> to vector<16xf32>
      %swap3A_474 = vector.shape_cast %get3A_469 : vector<16xf32> to vector<1x16xf32>
      tpu.vector_store %arg23[%swap3A_470, %swap3A_471], %swap3A_474 {strides = array<i32>} : memref<128x64xf32, #tpu.memory_space<vmem>>, vector<1x16xf32>,
      %get3A_475 = arith.index_cast %add3A_456 : i32 to index
      %get3A_476 = arith.constant 32 : index
      %get3A_477 = tpu.vector_load %arg20[%get3A_475, %get3A_476] {strides = array<i32>} : memref<128x128xf32, #tpu.memory_space<vmem>>, vector<1x16xf32>,
      %get3A_478 = vector.shape_cast %get3A_477 : vector<1x16xf32> to vector<16xf32>
      %swap3A_479 = arith.index_cast %add3A_456 : i32 to index
      %swap3A_480 = arith.constant 32 : index
      %swap3A_481 = tpu.vector_load %arg23[%swap3A_479, %swap3A_480] {strides = array<i32>} : memref<128x64xf32, #tpu.memory_space<vmem>>, vector<1x16xf32>,
      %swap3A_482 = vector.shape_cast %swap3A_481 : vector<1x16xf32> to vector<16xf32>
      %swap3A_483 = vector.shape_cast %get3A_478 : vector<16xf32> to vector<1x16xf32>
      tpu.vector_store %arg23[%swap3A_479, %swap3A_480], %swap3A_483 {strides = array<i32>} : memref<128x64xf32, #tpu.memory_space<vmem>>, vector<1x16xf32>,
      %get3A_484 = arith.index_cast %add3A_456 : i32 to index
      %get3A_485 = arith.constant 48 : index
      %get3A_486 = tpu.vector_load %arg20[%get3A_484, %get3A_485] {strides = array<i32>} : memref<128x128xf32, #tpu.memory_space<vmem>>, vector<1x16xf32>,
      %get3A_487 = vector.shape_cast %get3A_486 : vector<1x16xf32> to vector<16xf32>
      %swap3A_488 = arith.index_cast %add3A_456 : i32 to index
      %swap3A_489 = arith.constant 48 : index
      %swap3A_490 = tpu.vector_load %arg23[%swap3A_488, %swap3A_489] {strides = array<i32>} : memref<128x64xf32, #tpu.memory_space<vmem>>, vector<1x16xf32>,
      %swap3A_491 = vector.shape_cast %swap3A_490 : vector<1x16xf32> to vector<16xf32>
      %swap3A_492 = vector.shape_cast %get3A_487 : vector<16xf32> to vector<1x16xf32>
      tpu.vector_store %arg23[%swap3A_488, %swap3A_489], %swap3A_492 {strides = array<i32>} : memref<128x64xf32, #tpu.memory_space<vmem>>, vector<1x16xf32>,
      %mul3A_493 = arith.constant 8 : i32
      %mul3A_494 = arith.muli %scan3A_292, %mul3A_493 : i32
      %add3A_495 = arith.constant 5 : i32
      %add3A_496 = arith.addi %mul3A_494, %add3A_495 : i32
      %get3A_497 = arith.index_cast %add3A_496 : i32 to index
      %get3A_498 = arith.constant 0 : index
      %get3A_499 = tpu.vector_load %arg20[%get3A_497, %get3A_498] {strides = array<i32>} : memref<128x128xf32, #tpu.memory_space<vmem>>, vector<1x16xf32>,
      %get3A_500 = vector.shape_cast %get3A_499 : vector<1x16xf32> to vector<16xf32>
      %swap3A_501 = arith.index_cast %add3A_496 : i32 to index
      %swap3A_502 = arith.constant 0 : index
      %swap3A_503 = tpu.vector_load %arg23[%swap3A_501, %swap3A_502] {strides = array<i32>} : memref<128x64xf32, #tpu.memory_space<vmem>>, vector<1x16xf32>,
      %swap3A_504 = vector.shape_cast %swap3A_503 : vector<1x16xf32> to vector<16xf32>
      %swap3A_505 = vector.shape_cast %get3A_500 : vector<16xf32> to vector<1x16xf32>
      tpu.vector_store %arg23[%swap3A_501, %swap3A_502], %swap3A_505 {strides = array<i32>} : memref<128x64xf32, #tpu.memory_space<vmem>>, vector<1x16xf32>,
      %get3A_506 = arith.index_cast %add3A_496 : i32 to index
      %get3A_507 = arith.constant 16 : index
      %get3A_508 = tpu.vector_load %arg20[%get3A_506, %get3A_507] {strides = array<i32>} : memref<128x128xf32, #tpu.memory_space<vmem>>, vector<1x16xf32>,
      %get3A_509 = vector.shape_cast %get3A_508 : vector<1x16xf32> to vector<16xf32>
      %swap3A_510 = arith.index_cast %add3A_496 : i32 to index
      %swap3A_511 = arith.constant 16 : index
      %swap3A_512 = tpu.vector_load %arg23[%swap3A_510, %swap3A_511] {strides = array<i32>} : memref<128x64xf32, #tpu.memory_space<vmem>>, vector<1x16xf32>,
      %swap3A_513 = vector.shape_cast %swap3A_512 : vector<1x16xf32> to vector<16xf32>
      %swap3A_514 = vector.shape_cast %get3A_509 : vector<16xf32> to vector<1x16xf32>
      tpu.vector_store %arg23[%swap3A_510, %swap3A_511], %swap3A_514 {strides = array<i32>} : memref<128x64xf32, #tpu.memory_space<vmem>>, vector<1x16xf32>,
      %get3A_515 = arith.index_cast %add3A_496 : i32 to index
      %get3A_516 = arith.constant 32 : index
      %get3A_517 = tpu.vector_load %arg20[%get3A_515, %get3A_516] {strides = array<i32>} : memref<128x128xf32, #tpu.memory_space<vmem>>, vector<1x16xf32>,
      %get3A_518 = vector.shape_cast %get3A_517 : vector<1x16xf32> to vector<16xf32>
      %swap3A_519 = arith.index_cast %add3A_496 : i32 to index
      %swap3A_520 = arith.constant 32 : index
      %swap3A_521 = tpu.vector_load %arg23[%swap3A_519, %swap3A_520] {strides = array<i32>} : memref<128x64xf32, #tpu.memory_space<vmem>>, vector<1x16xf32>,
      %swap3A_522 = vector.shape_cast %swap3A_521 : vector<1x16xf32> to vector<16xf32>
      %swap3A_523 = vector.shape_cast %get3A_518 : vector<16xf32> to vector<1x16xf32>
      tpu.vector_store %arg23[%swap3A_519, %swap3A_520], %swap3A_523 {strides = array<i32>} : memref<128x64xf32, #tpu.memory_space<vmem>>, vector<1x16xf32>,
      %get3A_524 = arith.index_cast %add3A_496 : i32 to index
      %get3A_525 = arith.constant 48 : index
      %get3A_526 = tpu.vector_load %arg20[%get3A_524, %get3A_525] {strides = array<i32>} : memref<128x128xf32, #tpu.memory_space<vmem>>, vector<1x16xf32>,
      %get3A_527 = vector.shape_cast %get3A_526 : vector<1x16xf32> to vector<16xf32>
      %swap3A_528 = arith.index_cast %add3A_496 : i32 to index
      %swap3A_529 = arith.constant 48 : index
      %swap3A_530 = tpu.vector_load %arg23[%swap3A_528, %swap3A_529] {strides = array<i32>} : memref<128x64xf32, #tpu.memory_space<vmem>>, vector<1x16xf32>,
      %swap3A_531 = vector.shape_cast %swap3A_530 : vector<1x16xf32> to vector<16xf32>
      %swap3A_532 = vector.shape_cast %get3A_527 : vector<16xf32> to vector<1x16xf32>
      tpu.vector_store %arg23[%swap3A_528, %swap3A_529], %swap3A_532 {strides = array<i32>} : memref<128x64xf32, #tpu.memory_space<vmem>>, vector<1x16xf32>,
      %mul3A_533 = arith.constant 8 : i32
      %mul3A_534 = arith.muli %scan3A_292, %mul3A_533 : i32
      %add3A_535 = arith.constant 6 : i32
      %add3A_536 = arith.addi %mul3A_534, %add3A_535 : i32
      %get3A_537 = arith.index_cast %add3A_536 : i32 to index
      %get3A_538 = arith.constant 0 : index
      %get3A_539 = tpu.vector_load %arg20[%get3A_537, %get3A_538] {strides = array<i32>} : memref<128x128xf32, #tpu.memory_space<vmem>>, vector<1x16xf32>,
      %get3A_540 = vector.shape_cast %get3A_539 : vector<1x16xf32> to vector<16xf32>
      %swap3A_541 = arith.index_cast %add3A_536 : i32 to index
      %swap3A_542 = arith.constant 0 : index
      %swap3A_543 = tpu.vector_load %arg23[%swap3A_541, %swap3A_542] {strides = array<i32>} : memref<128x64xf32, #tpu.memory_space<vmem>>, vector<1x16xf32>,
      %swap3A_544 = vector.shape_cast %swap3A_543 : vector<1x16xf32> to vector<16xf32>
      %swap3A_545 = vector.shape_cast %get3A_540 : vector<16xf32> to vector<1x16xf32>
      tpu.vector_store %arg23[%swap3A_541, %swap3A_542], %swap3A_545 {strides = array<i32>} : memref<128x64xf32, #tpu.memory_space<vmem>>, vector<1x16xf32>,
      %get3A_546 = arith.index_cast %add3A_536 : i32 to index
      %get3A_547 = arith.constant 16 : index
      %get3A_548 = tpu.vector_load %arg20[%get3A_546, %get3A_547] {strides = array<i32>} : memref<128x128xf32, #tpu.memory_space<vmem>>, vector<1x16xf32>,
      %get3A_549 = vector.shape_cast %get3A_548 : vector<1x16xf32> to vector<16xf32>
      %swap3A_550 = arith.index_cast %add3A_536 : i32 to index
      %swap3A_551 = arith.constant 16 : index
      %swap3A_552 = tpu.vector_load %arg23[%swap3A_550, %swap3A_551] {strides = array<i32>} : memref<128x64xf32, #tpu.memory_space<vmem>>, vector<1x16xf32>,
      %swap3A_553 = vector.shape_cast %swap3A_552 : vector<1x16xf32> to vector<16xf32>
      %swap3A_554 = vector.shape_cast %get3A_549 : vector<16xf32> to vector<1x16xf32>
      tpu.vector_store %arg23[%swap3A_550, %swap3A_551], %swap3A_554 {strides = array<i32>} : memref<128x64xf32, #tpu.memory_space<vmem>>, vector<1x16xf32>,
      %get3A_555 = arith.index_cast %add3A_536 : i32 to index
      %get3A_556 = arith.constant 32 : index
      %get3A_557 = tpu.vector_load %arg20[%get3A_555, %get3A_556] {strides = array<i32>} : memref<128x128xf32, #tpu.memory_space<vmem>>, vector<1x16xf32>,
      %get3A_558 = vector.shape_cast %get3A_557 : vector<1x16xf32> to vector<16xf32>
      %swap3A_559 = arith.index_cast %add3A_536 : i32 to index
      %swap3A_560 = arith.constant 32 : index
      %swap3A_561 = tpu.vector_load %arg23[%swap3A_559, %swap3A_560] {strides = array<i32>} : memref<128x64xf32, #tpu.memory_space<vmem>>, vector<1x16xf32>,
      %swap3A_562 = vector.shape_cast %swap3A_561 : vector<1x16xf32> to vector<16xf32>
      %swap3A_563 = vector.shape_cast %get3A_558 : vector<16xf32> to vector<1x16xf32>
      tpu.vector_store %arg23[%swap3A_559, %swap3A_560], %swap3A_563 {strides = array<i32>} : memref<128x64xf32, #tpu.memory_space<vmem>>, vector<1x16xf32>,
      %get3A_564 = arith.index_cast %add3A_536 : i32 to index
      %get3A_565 = arith.constant 48 : index
      %get3A_566 = tpu.vector_load %arg20[%get3A_564, %get3A_565] {strides = array<i32>} : memref<128x128xf32, #tpu.memory_space<vmem>>, vector<1x16xf32>,
      %get3A_567 = vector.shape_cast %get3A_566 : vector<1x16xf32> to vector<16xf32>
      %swap3A_568 = arith.index_cast %add3A_536 : i32 to index
      %swap3A_569 = arith.constant 48 : index
      %swap3A_570 = tpu.vector_load %arg23[%swap3A_568, %swap3A_569] {strides = array<i32>} : memref<128x64xf32, #tpu.memory_space<vmem>>, vector<1x16xf32>,
      %swap3A_571 = vector.shape_cast %swap3A_570 : vector<1x16xf32> to vector<16xf32>
      %swap3A_572 = vector.shape_cast %get3A_567 : vector<16xf32> to vector<1x16xf32>
      tpu.vector_store %arg23[%swap3A_568, %swap3A_569], %swap3A_572 {strides = array<i32>} : memref<128x64xf32, #tpu.memory_space<vmem>>, vector<1x16xf32>,
      %mul3A_573 = arith.constant 8 : i32
      %mul3A_574 = arith.muli %scan3A_292, %mul3A_573 : i32
      %add3A_575 = arith.constant 7 : i32
      %add3A_576 = arith.addi %mul3A_574, %add3A_575 : i32
      %get3A_577 = arith.index_cast %add3A_576 : i32 to index
      %get3A_578 = arith.constant 0 : index
      %get3A_579 = tpu.vector_load %arg20[%get3A_577, %get3A_578] {strides = array<i32>} : memref<128x128xf32, #tpu.memory_space<vmem>>, vector<1x16xf32>,
      %get3A_580 = vector.shape_cast %get3A_579 : vector<1x16xf32> to vector<16xf32>
      %swap3A_581 = arith.index_cast %add3A_576 : i32 to index
      %swap3A_582 = arith.constant 0 : index
      %swap3A_583 = tpu.vector_load %arg23[%swap3A_581, %swap3A_582] {strides = array<i32>} : memref<128x64xf32, #tpu.memory_space<vmem>>, vector<1x16xf32>,
      %swap3A_584 = vector.shape_cast %swap3A_583 : vector<1x16xf32> to vector<16xf32>
      %swap3A_585 = vector.shape_cast %get3A_580 : vector<16xf32> to vector<1x16xf32>
      tpu.vector_store %arg23[%swap3A_581, %swap3A_582], %swap3A_585 {strides = array<i32>} : memref<128x64xf32, #tpu.memory_space<vmem>>, vector<1x16xf32>,
      %get3A_586 = arith.index_cast %add3A_576 : i32 to index
      %get3A_587 = arith.constant 16 : index
      %get3A_588 = tpu.vector_load %arg20[%get3A_586, %get3A_587] {strides = array<i32>} : memref<128x128xf32, #tpu.memory_space<vmem>>, vector<1x16xf32>,
      %get3A_589 = vector.shape_cast %get3A_588 : vector<1x16xf32> to vector<16xf32>
      %swap3A_590 = arith.index_cast %add3A_576 : i32 to index
      %swap3A_591 = arith.constant 16 : index
      %swap3A_592 = tpu.vector_load %arg23[%swap3A_590, %swap3A_591] {strides = array<i32>} : memref<128x64xf32, #tpu.memory_space<vmem>>, vector<1x16xf32>,
      %swap3A_593 = vector.shape_cast %swap3A_592 : vector<1x16xf32> to vector<16xf32>
      %swap3A_594 = vector.shape_cast %get3A_589 : vector<16xf32> to vector<1x16xf32>
      tpu.vector_store %arg23[%swap3A_590, %swap3A_591], %swap3A_594 {strides = array<i32>} : memref<128x64xf32, #tpu.memory_space<vmem>>, vector<1x16xf32>,
      %get3A_595 = arith.index_cast %add3A_576 : i32 to index
      %get3A_596 = arith.constant 32 : index
      %get3A_597 = tpu.vector_load %arg20[%get3A_595, %get3A_596] {strides = array<i32>} : memref<128x128xf32, #tpu.memory_space<vmem>>, vector<1x16xf32>,
      %get3A_598 = vector.shape_cast %get3A_597 : vector<1x16xf32> to vector<16xf32>
      %swap3A_599 = arith.index_cast %add3A_576 : i32 to index
      %swap3A_600 = arith.constant 32 : index
      %swap3A_601 = tpu.vector_load %arg23[%swap3A_599, %swap3A_600] {strides = array<i32>} : memref<128x64xf32, #tpu.memory_space<vmem>>, vector<1x16xf32>,
      %swap3A_602 = vector.shape_cast %swap3A_601 : vector<1x16xf32> to vector<16xf32>
      %swap3A_603 = vector.shape_cast %get3A_598 : vector<16xf32> to vector<1x16xf32>
      tpu.vector_store %arg23[%swap3A_599, %swap3A_600], %swap3A_603 {strides = array<i32>} : memref<128x64xf32, #tpu.memory_space<vmem>>, vector<1x16xf32>,
      %get3A_604 = arith.index_cast %add3A_576 : i32 to index
      %get3A_605 = arith.constant 48 : index
      %get3A_606 = tpu.vector_load %arg20[%get3A_604, %get3A_605] {strides = array<i32>} : memref<128x128xf32, #tpu.memory_space<vmem>>, vector<1x16xf32>,
      %get3A_607 = vector.shape_cast %get3A_606 : vector<1x16xf32> to vector<16xf32>
      %swap3A_608 = arith.index_cast %add3A_576 : i32 to index
      %swap3A_609 = arith.constant 48 : index
      %swap3A_610 = tpu.vector_load %arg23[%swap3A_608, %swap3A_609] {strides = array<i32>} : memref<128x64xf32, #tpu.memory_space<vmem>>, vector<1x16xf32>,
      %swap3A_611 = vector.shape_cast %swap3A_610 : vector<1x16xf32> to vector<16xf32>
      %swap3A_612 = vector.shape_cast %get3A_607 : vector<16xf32> to vector<1x16xf32>
      tpu.vector_store %arg23[%swap3A_608, %swap3A_609], %swap3A_612 {strides = array<i32>} : memref<128x64xf32, #tpu.memory_space<vmem>>, vector<1x16xf32>,
    }
    %scan3A_283 = arith.constant 5 : i32
    "tpu.region"() ({
      %run_scoped3A = tpu.sem_alloc : memref<!tpu.dma_semaphore, #tpu.memory_space<semaphore_mem>>
      %dma_start3A_292 = arith.constant 0 : i32
      %dma_start3A_293 = arith.constant 0 : i32
      %dma_start3A_294 = tpu.memref_slice %arg23[%dma_start3A_292, %dma_start3A_293] : memref<128x64xf32, #tpu.memory_space<vmem>> -> memref<40x64xf32, #tpu.memory_space<vmem>>
      %dma_start3A_295 = arith.constant 0 : i32
      %dma_start3A_296 = tpu.memref_slice %arg6[%add3A_59, %dma_start3A_295] : memref<800000x64xf32, #tpu.memory_space<hbm>> -> memref<40x64xf32, #tpu.memory_space<hbm>>
      %dma_start3A_297 = arith.constant 0 : i32
      %dma_start3A_298 = tpu.memref_slice %arg6[%add3A_59, %dma_start3A_297] : memref<800000x64xf32, #tpu.memory_space<hbm>> -> memref<40x64xf32, #tpu.memory_space<hbm>>
      %dma_start3A_299 = arith.constant 0 : i32
      %dma_start3A_300 = arith.constant 0 : i32
      %dma_start3A_301 = tpu.memref_slice %arg23[%dma_start3A_299, %dma_start3A_300] : memref<128x64xf32, #tpu.memory_space<vmem>> -> memref<40x64xf32, #tpu.memory_space<vmem>>
      tpu.enqueue_dma source(%dma_start3A_301 : memref<40x64xf32, #tpu.memory_space<vmem>>) target(%dma_start3A_298 : memref<40x64xf32, #tpu.memory_space<hbm>>) target_semaphore(%run_scoped3A : memref<!tpu.dma_semaphore, #tpu.memory_space<semaphore_mem>>)
      %dma_wait3A_302 = arith.constant 0 : i32
      %dma_wait3A_303 = arith.constant 0 : i32
      %dma_wait3A_304 = tpu.memref_slice %arg23[%dma_wait3A_302, %dma_wait3A_303] : memref<128x64xf32, #tpu.memory_space<vmem>> -> memref<40x64xf32, #tpu.memory_space<vmem>>
      %dma_wait3A_305 = arith.constant 0 : i32
      %dma_wait3A_306 = tpu.memref_slice %arg6[%add3A_59, %dma_wait3A_305] : memref<800000x64xf32, #tpu.memory_space<hbm>> -> memref<40x64xf32, #tpu.memory_space<hbm>>
      %dma_wait3A_307 = arith.constant 0 : i32
      %dma_wait3A_308 = tpu.memref_slice %arg6[%add3A_59, %dma_wait3A_307] : memref<800000x64xf32, #tpu.memory_space<hbm>> -> memref<40x64xf32, #tpu.memory_space<hbm>>
      %dma_wait3A_309 = arith.constant 0 : i32
      %dma_wait3A_310 = arith.constant 0 : i32
      %dma_wait3A_311 = tpu.memref_slice %arg23[%dma_wait3A_309, %dma_wait3A_310] : memref<128x64xf32, #tpu.memory_space<vmem>> -> memref<40x64xf32, #tpu.memory_space<vmem>>
      tpu.wait_dma2 semaphore(%run_scoped3A : memref<!tpu.dma_semaphore, #tpu.memory_space<semaphore_mem>>) src(%dma_wait3A_311 : memref<40x64xf32, #tpu.memory_space<vmem>>) dst(%dma_wait3A_308 : memref<40x64xf32, #tpu.memory_space<hbm>>)
      tpu.yield
    }) : () -> ()
    %dma_wait3A_284 = arith.constant 0 : i32
    %dma_wait3A_285 = tpu.memref_slice %arg6[%mul3A_2, %dma_wait3A_284] : memref<800000x64xf32, #tpu.memory_space<hbm>> -> memref<128x64xf32, #tpu.memory_space<hbm>>
    %dma_wait3A_286 = arith.constant 0 : i32
    %dma_wait3A_287 = tpu.memref_slice %arg6[%mul3A_2, %dma_wait3A_286] : memref<800000x64xf32, #tpu.memory_space<hbm>> -> memref<128x64xf32, #tpu.memory_space<hbm>>
    tpu.wait_dma2 semaphore(%arg33 : memref<!tpu.dma_semaphore, #tpu.memory_space<semaphore_mem>>) src(%arg24 : memref<128x64xf32, #tpu.memory_space<vmem>>) dst(%dma_wait3A_287 : memref<128x64xf32, #tpu.memory_space<hbm>>)
    %dma_wait3A_288 = arith.constant 0 : i32
    %dma_wait3A_289 = tpu.memref_slice %arg6[%mul3A_2, %dma_wait3A_288] : memref<800000x64xf32, #tpu.memory_space<hbm>> -> memref<128x64xf32, #tpu.memory_space<hbm>>
    %dma_wait3A_290 = arith.constant 0 : i32
    %dma_wait3A_291 = tpu.memref_slice %arg6[%mul3A_2, %dma_wait3A_290] : memref<800000x64xf32, #tpu.memory_space<hbm>> -> memref<128x64xf32, #tpu.memory_space<hbm>>
    tpu.wait_dma2 semaphore(%arg34 : memref<!tpu.dma_semaphore, #tpu.memory_space<semaphore_mem>>) src(%arg25 : memref<128x64xf32, #tpu.memory_space<vmem>>) dst(%dma_wait3A_291 : memref<128x64xf32, #tpu.memory_space<hbm>>)
    return
  }
}

module attributes {stable_mosaic.version = 14 : i64} {
  func.func @_fused_table_body(%arg0: memref<5x64xf32, #tpu.memory_space<vmem>>, %arg1: memref<6x64xf32, #tpu.memory_space<vmem>>, %arg2: memref<2x64xf32, #tpu.memory_space<vmem>>, %arg3: memref<60x128xf32, #tpu.memory_space<vmem>>) attributes {dimension_semantics = [], scalar_prefetch = 0 : i64, scratch_operands = 0 : i64, tpu.core_type = #tpu.core_type<tc>} {
    %iota3A = tpu.iota {dimensions = array<i32: 0>} : vector<60x5xi32>
    %iota3A_0 = tpu.iota {dimensions = array<i32: 1>} : vector<60x5xi32>
    %jit3A = arith.constant 12 : i32
    %div3A = vector.broadcast %jit3A : i32 to vector<60x5xi32>
    %div3A_1 = arith.divsi %iota3A, %div3A : vector<60x5xi32>
    %sign3A = arith.constant 0 : i32
    %sign3A_2 = vector.broadcast %sign3A : i32 to vector<60x5xi32>
    %sign3A_3 = arith.cmpi sgt, %iota3A, %sign3A_2 : vector<60x5xi32>
    %sign3A_4 = arith.extui %sign3A_3 : vector<60x5xi1> to vector<60x5xi32>
    %sign3A_5 = arith.constant 0 : i32
    %sign3A_6 = vector.broadcast %sign3A_5 : i32 to vector<60x5xi32>
    %sign3A_7 = arith.cmpi slt, %iota3A, %sign3A_6 : vector<60x5xi32>
    %sign3A_8 = arith.extui %sign3A_7 : vector<60x5xi1> to vector<60x5xi32>
    %sign3A_9 = arith.subi %sign3A_4, %sign3A_8 : vector<60x5xi32>
    %sign3A_10 = arith.constant 0 : i32
    %sign3A_11 = arith.cmpi sgt, %jit3A, %sign3A_10 : i32
    %sign3A_12 = arith.extui %sign3A_11 : i1 to i32
    %sign3A_13 = arith.constant 0 : i32
    %sign3A_14 = arith.cmpi slt, %jit3A, %sign3A_13 : i32
    %sign3A_15 = arith.extui %sign3A_14 : i1 to i32
    %sign3A_16 = arith.subi %sign3A_12, %sign3A_15 : i32
    %ne3A = vector.broadcast %sign3A_16 : i32 to vector<60x5xi32>
    %ne3A_17 = arith.cmpi ne, %sign3A_9, %ne3A : vector<60x5xi32>
    %rem3A = vector.broadcast %jit3A : i32 to vector<60x5xi32>
    %rem3A_18 = arith.remsi %iota3A, %rem3A : vector<60x5xi32>
    %ne3A_19 = arith.constant 0 : i32
    %ne3A_20 = vector.broadcast %ne3A_19 : i32 to vector<60x5xi32>
    %ne3A_21 = arith.cmpi ne, %rem3A_18, %ne3A_20 : vector<60x5xi32>
    %and3A = arith.andi %ne3A_17, %ne3A_21 : vector<60x5xi1>
    %sub3A = arith.constant 1 : i32
    %sub3A_22 = vector.broadcast %sub3A : i32 to vector<60x5xi32>
    %sub3A_23 = arith.subi %div3A_1, %sub3A_22 : vector<60x5xi32>
    %select_n3A = arith.select %and3A, %sub3A_23, %div3A_1 : vector<60x5xi1>, vector<60x5xi32>
    %eq3A = arith.cmpi eq, %select_n3A, %iota3A_0 : vector<60x5xi32>
    %convert_element_type3A = arith.extui %eq3A : vector<60x5xi1> to vector<60x5xi32>
    %convert_element_type3A_24 = arith.sitofp %convert_element_type3A : vector<60x5xi32> to vector<60x5xf32>
    %iota3A_25 = tpu.iota {dimensions = array<i32: 0>} : vector<60x6xi32>
    %iota3A_26 = tpu.iota {dimensions = array<i32: 1>} : vector<60x6xi32>
    %jit3A_27 = arith.constant 2 : i32
    %div3A_28 = vector.broadcast %jit3A_27 : i32 to vector<60x6xi32>
    %div3A_29 = arith.divsi %iota3A_25, %div3A_28 : vector<60x6xi32>
    %sign3A_30 = arith.constant 0 : i32
    %sign3A_31 = vector.broadcast %sign3A_30 : i32 to vector<60x6xi32>
    %sign3A_32 = arith.cmpi sgt, %iota3A_25, %sign3A_31 : vector<60x6xi32>
    %sign3A_33 = arith.extui %sign3A_32 : vector<60x6xi1> to vector<60x6xi32>
    %sign3A_34 = arith.constant 0 : i32
    %sign3A_35 = vector.broadcast %sign3A_34 : i32 to vector<60x6xi32>
    %sign3A_36 = arith.cmpi slt, %iota3A_25, %sign3A_35 : vector<60x6xi32>
    %sign3A_37 = arith.extui %sign3A_36 : vector<60x6xi1> to vector<60x6xi32>
    %sign3A_38 = arith.subi %sign3A_33, %sign3A_37 : vector<60x6xi32>
    %sign3A_39 = arith.constant 0 : i32
    %sign3A_40 = arith.cmpi sgt, %jit3A_27, %sign3A_39 : i32
    %sign3A_41 = arith.extui %sign3A_40 : i1 to i32
    %sign3A_42 = arith.constant 0 : i32
    %sign3A_43 = arith.cmpi slt, %jit3A_27, %sign3A_42 : i32
    %sign3A_44 = arith.extui %sign3A_43 : i1 to i32
    %sign3A_45 = arith.subi %sign3A_41, %sign3A_44 : i32
    %ne3A_46 = vector.broadcast %sign3A_45 : i32 to vector<60x6xi32>
    %ne3A_47 = arith.cmpi ne, %sign3A_38, %ne3A_46 : vector<60x6xi32>
    %rem3A_48 = vector.broadcast %jit3A_27 : i32 to vector<60x6xi32>
    %rem3A_49 = arith.remsi %iota3A_25, %rem3A_48 : vector<60x6xi32>
    %ne3A_50 = arith.constant 0 : i32
    %ne3A_51 = vector.broadcast %ne3A_50 : i32 to vector<60x6xi32>
    %ne3A_52 = arith.cmpi ne, %rem3A_49, %ne3A_51 : vector<60x6xi32>
    %and3A_53 = arith.andi %ne3A_47, %ne3A_52 : vector<60x6xi1>
    %sub3A_54 = arith.constant 1 : i32
    %sub3A_55 = vector.broadcast %sub3A_54 : i32 to vector<60x6xi32>
    %sub3A_56 = arith.subi %div3A_29, %sub3A_55 : vector<60x6xi32>
    %select_n3A_57 = arith.select %and3A_53, %sub3A_56, %div3A_29 : vector<60x6xi1>, vector<60x6xi32>
    %jit3A_58 = arith.constant 6 : i32
    %eq3A_59 = arith.constant 0 : i32
    %eq3A_60 = arith.cmpi eq, %jit3A_58, %eq3A_59 : i32
    %jit3A_61 = arith.constant 1 : i32
    %select_n3A_62 = arith.select %eq3A_60, %jit3A_61, %jit3A_58 : i32
    %rem3A_63 = vector.broadcast %select_n3A_62 : i32 to vector<60x6xi32>
    %rem3A_64 = arith.remsi %select_n3A_57, %rem3A_63 : vector<60x6xi32>
    %ne3A_65 = arith.constant 0 : i32
    %ne3A_66 = vector.broadcast %ne3A_65 : i32 to vector<60x6xi32>
    %ne3A_67 = arith.cmpi ne, %rem3A_64, %ne3A_66 : vector<60x6xi32>
    %lt3A = arith.constant 0 : i32
    %lt3A_68 = vector.broadcast %lt3A : i32 to vector<60x6xi32>
    %lt3A_69 = arith.cmpi slt, %rem3A_64, %lt3A_68 : vector<60x6xi32>
    %lt3A_70 = arith.constant 0 : i32
    %lt3A_71 = arith.cmpi slt, %select_n3A_62, %lt3A_70 : i32
    %ne3A_72 = vector.broadcast %lt3A_71 : i1 to vector<60x6xi1>
    %ne3A_73 = vector.broadcast %ne3A_72 : vector<60x6xi1> to vector<60x6xi1>
    %ne3A_74 = arith.xori %lt3A_69, %ne3A_73 : vector<60x6xi1>
    %and3A_75 = arith.andi %ne3A_74, %ne3A_67 : vector<60x6xi1>
    %add3A = vector.broadcast %select_n3A_62 : i32 to vector<60x6xi32>
    %add3A_76 = arith.addi %rem3A_64, %add3A : vector<60x6xi32>
    %select_n3A_77 = arith.select %and3A_75, %add3A_76, %rem3A_64 : vector<60x6xi1>, vector<60x6xi32>
    %eq3A_78 = arith.cmpi eq, %select_n3A_77, %iota3A_26 : vector<60x6xi32>
    %convert_element_type3A_79 = arith.extui %eq3A_78 : vector<60x6xi1> to vector<60x6xi32>
    %convert_element_type3A_80 = arith.sitofp %convert_element_type3A_79 : vector<60x6xi32> to vector<60x6xf32>
    %iota3A_81 = tpu.iota {dimensions = array<i32: 0>} : vector<60x2xi32>
    %iota3A_82 = tpu.iota {dimensions = array<i32: 1>} : vector<60x2xi32>
    %jit3A_83 = arith.constant 2 : i32
    %eq3A_84 = arith.constant 0 : i32
    %eq3A_85 = arith.cmpi eq, %jit3A_83, %eq3A_84 : i32
    %jit3A_86 = arith.constant 1 : i32
    %select_n3A_87 = arith.select %eq3A_85, %jit3A_86, %jit3A_83 : i32
    %rem3A_88 = vector.broadcast %select_n3A_87 : i32 to vector<60x2xi32>
    %rem3A_89 = arith.remsi %iota3A_81, %rem3A_88 : vector<60x2xi32>
    %ne3A_90 = arith.constant 0 : i32
    %ne3A_91 = vector.broadcast %ne3A_90 : i32 to vector<60x2xi32>
    %ne3A_92 = arith.cmpi ne, %rem3A_89, %ne3A_91 : vector<60x2xi32>
    %lt3A_93 = arith.constant 0 : i32
    %lt3A_94 = vector.broadcast %lt3A_93 : i32 to vector<60x2xi32>
    %lt3A_95 = arith.cmpi slt, %rem3A_89, %lt3A_94 : vector<60x2xi32>
    %lt3A_96 = arith.constant 0 : i32
    %lt3A_97 = arith.cmpi slt, %select_n3A_87, %lt3A_96 : i32
    %ne3A_98 = vector.broadcast %lt3A_97 : i1 to vector<60x2xi1>
    %ne3A_99 = vector.broadcast %ne3A_98 : vector<60x2xi1> to vector<60x2xi1>
    %ne3A_100 = arith.xori %lt3A_95, %ne3A_99 : vector<60x2xi1>
    %and3A_101 = arith.andi %ne3A_100, %ne3A_92 : vector<60x2xi1>
    %add3A_102 = vector.broadcast %select_n3A_87 : i32 to vector<60x2xi32>
    %add3A_103 = arith.addi %rem3A_89, %add3A_102 : vector<60x2xi32>
    %select_n3A_104 = arith.select %and3A_101, %add3A_103, %rem3A_89 : vector<60x2xi1>, vector<60x2xi32>
    %eq3A_105 = arith.cmpi eq, %select_n3A_104, %iota3A_82 : vector<60x2xi32>
    %convert_element_type3A_106 = arith.extui %eq3A_105 : vector<60x2xi1> to vector<60x2xi32>
    %convert_element_type3A_107 = arith.sitofp %convert_element_type3A_106 : vector<60x2xi32> to vector<60x2xf32>
    %get3A = arith.constant 0 : index
    %get3A_108 = arith.constant 0 : index
    %get3A_109 = vector.load %arg0[%get3A, %get3A_108] : memref<5x64xf32, #tpu.memory_space<vmem>>, vector<5x64xf32>
    %dot_general3A = arith.constant dense<0.000000e+00> : vector<60x64xf32>
    %dot_general3A_110 = tpu.matmul %convert_element_type3A_24, %get3A_109, %dot_general3A {dimension_numbers = #tpu.dot_dimension_numbers<[1], [0], [0], [1], [0, 0, 1, 1], [], []>, precision = #tpu.contract_precision<fp32>, transpose_lhs_hint = false} : vector<60x5xf32>, vector<5x64xf32>, vector<60x64xf32> -> vector<60x64xf32>
    %get3A_111 = arith.constant 0 : index
    %get3A_112 = arith.constant 0 : index
    %get3A_113 = vector.load %arg1[%get3A_111, %get3A_112] : memref<6x64xf32, #tpu.memory_space<vmem>>, vector<6x64xf32>
    %dot_general3A_114 = arith.constant dense<0.000000e+00> : vector<60x64xf32>
    %dot_general3A_115 = tpu.matmul %convert_element_type3A_80, %get3A_113, %dot_general3A_114 {dimension_numbers = #tpu.dot_dimension_numbers<[1], [0], [0], [1], [0, 0, 1, 1], [], []>, precision = #tpu.contract_precision<fp32>, transpose_lhs_hint = false} : vector<60x6xf32>, vector<6x64xf32>, vector<60x64xf32> -> vector<60x64xf32>
    %add3A_116 = arith.addf %dot_general3A_110, %dot_general3A_115 : vector<60x64xf32>
    %get3A_117 = arith.constant 0 : index
    %get3A_118 = arith.constant 0 : index
    %get3A_119 = vector.load %arg2[%get3A_117, %get3A_118] : memref<2x64xf32, #tpu.memory_space<vmem>>, vector<2x64xf32>
    %dot_general3A_120 = arith.constant dense<0.000000e+00> : vector<60x64xf32>
    %dot_general3A_121 = tpu.matmul %convert_element_type3A_107, %get3A_119, %dot_general3A_120 {dimension_numbers = #tpu.dot_dimension_numbers<[1], [0], [0], [1], [0, 0, 1, 1], [], []>, precision = #tpu.contract_precision<fp32>, transpose_lhs_hint = false} : vector<60x2xf32>, vector<2x64xf32>, vector<60x64xf32> -> vector<60x64xf32>
    %add3A_122 = arith.addf %add3A_116, %dot_general3A_121 : vector<60x64xf32>
    %swap3A = arith.constant 0 : index
    %swap3A_123 = arith.constant 0 : index
    %swap3A_124 = vector.load %arg3[%swap3A, %swap3A_123] : memref<60x128xf32, #tpu.memory_space<vmem>>, vector<60x64xf32>
    tpu.vector_store %arg3[%swap3A, %swap3A_123], %add3A_122 {strides = array<i32>} : memref<60x128xf32, #tpu.memory_space<vmem>>, vector<60x64xf32>,
    %broadcast_in_dim3A = arith.constant 0.000000e+00 : f32
    %broadcast_in_dim3A_125 = vector.broadcast %broadcast_in_dim3A : f32 to vector<60x64xf32>
    %swap3A_126 = arith.constant 0 : index
    %swap3A_127 = arith.constant 64 : index
    %swap3A_128 = vector.load %arg3[%swap3A_126, %swap3A_127] : memref<60x128xf32, #tpu.memory_space<vmem>>, vector<60x64xf32>
    tpu.vector_store %arg3[%swap3A_126, %swap3A_127], %broadcast_in_dim3A_125 {strides = array<i32>} : memref<60x128xf32, #tpu.memory_space<vmem>>, vector<60x64xf32>,
    return
  }
}

</mosaic_0001>

<sc_bundles>
// kernel: kernel.4.cloned.1.call-start
scs
__scs_entry_jumppad:
0x0: {  	(pc) =	sbr.rel $0x88, $3  }
0x1: {  	(tag) =	ssettag $0x0;
	lr =	simm.s32 $0x1  }
0x2: {  	[smem:$0x3F9D] =	sst lr;
	_ =	strace $0xD0000000  }
0x3: {  	_ = 	snop  }
0x4: {  	_ = 	snop  }
0x5: {  	_ = 	snop  }
0x6: {  	_ = 	snop  }
0x7: {  	_ = 	snop  }
__scs_overlays_trampoline_lowered:
0x8: {  	[smem:$0x3FAC] =	sst s0  }
0x9: {  	[smem:$0x3FAD] =	sst s1  }
0xa: {  	[smem:$0x3FAE] =	sst s2  }
0xb: {  	[smem:$0x3FAF] =	sst s3  }
0xc: {  	[smem:$0x3FB0] =	sst s4  }
0xd: {  	[smem:$0x3FB1] =	sst s5  }
0xe: {  	[smem:$0x3FB2] =	sst s6  }
0xf: {  	[smem:$0x3FB3] =	sst s7  }
0x10: {  	[smem:$0x3FB4] =	sst s8  }
0x11: {  	[smem:$0x3FB5] =	sst s9;
	s0 =	simm.s32 @!p0 $0x0  }
0x12: {  	s1 =	sld [smem:$0x3F9B];
	s0 =	simm.s32 @p0 $0x1  }
0x13: {  	[smem:$0x3FB6] =	sst s0;
	s0 =	simm.s32 @!p1 $0x0  }
0x14: {  	s2 =	sld [smem:$0x3F9A];
	s0 =	simm.s32 @p1 $0x1  }
0x15: {  	[smem:$0x3FB7] =	sst s0;
	s0 =	simm.s32 @!p2 $0x0  }
0x16: {  	s3 =	sld [smem:$0x3FDB];
	s0 =	simm.s32 @p2 $0x1  }
0x17: {  	s4 =	simm.s32 $0x1BF5;
	[smem:$0x3FB9] =	sst s0  }
0x18: {  	s0 =	sld [smem:$0x3F9C];
	_ =	swait.ge [sflag:s4], $0x0  }
0x19: {  	s7 =	sld [smem:$0x3F9D]  }
0x1a: {  	s8 =	sadd.s32 $0xFFFFE003, lr  }
0x1b: {  	s9 =	sadd.s32 $0xFFFFFEF7, lr;
	s5 =	simm.s32 $0xFFFFFFFF;
	p2 =	slt.u32 s8, $0xFFFFF086  }
0x1c: {  	p1 =	slt.u32 s9, $0xF7A;
	s5 =	simm.s32 @!p2 $0x0  }
0x1d: {  	s5 =	simm.s32 @p1 $0x1;
	p0 =	seq.s32 s7, s2  }
0x1e: {  	s7 =	smul.u32 @!p0 $0xF7A, s2;
	p2 =	seq.s32 @!p0 s5, $0x0  }
0x1f: {  	s9 =	smul.u32 $0xF7A, s1;
	s8 =	simm.s32 @!p0 $0x1BF5;
	p2 =	por !p2, p0  }
0x20: {  	[sflag:s8] =	ssyncset.s32 @!p0 $0xFFFFF086;
	s6 =	sadd.s32 @!p0 s3, s7;
	s7 =	simm.s32 @!p0 $0x108  }
0x21: {  	s3 =	sadd.s32 s3, s9;
	s6 =	sadd.s32 @!p0 $0x88, s6;
	s7 =	simm.s32 @p2 $0x1082  }
0x22: {  	[simem:s7], [sflag:s8] =	dma.local @!p0 [hbm:s6], $0xF7A  }
0x23: {  	s9 =	sor.u32 $0xD0000000, s2;
	s6 =	simm.s32 $0x108;
	_ =	swait.ge @!p0 [sflag:s8], $0x0  }
0x24: {  	s3 =	sadd.s32 $0x88, s3;
	s6 =	simm.s32 @!p1 $0x1082;
	[sflag:s4] =	ssyncset.s32 $0xFFFFF086  }
0x25: {  	[simem:s6], [sflag:s4] =	dma.local [hbm:s3], $0xF7A  }
0x26: {  	[smem:$0x3F9D] =	sst s1;
	(tag) =	ssettag s2;
	_ =	strace s9  }
0x27: {  	s1 =	sld [smem:$0x3FAD]  }
0x28: {  	s2 =	sld [smem:$0x3FAE]  }
0x29: {  	s4 =	sld [smem:$0x3FB0]  }
0x2a: {  	p0 =	seq.s32 s5, $0x0;
	s5 =	sld [smem:$0x3FB1]  }
0x2b: {  	s6 =	sld [smem:$0x3FB2]  }
0x2c: {  	s7 =	sld [smem:$0x3FB3]  }
0x2d: {  	s3 =	simm.s32 $0x108;
	s8 =	sld [smem:$0x3FB4]  }
0x2e: {  	s3 =	simm.s32 @!p0 $0x1082;
	s9 =	sld [smem:$0x3FB5]  }
0x2f: {  	lr =	sadd.s32 s0, s3;
	s0 =	sld [smem:$0x3FAC]  }
0x30: {  	s3 =	sld [smem:$0x3FAF]  }
0x31: {  	[smem:$0x3FB8] =	sst s10  }
0x32: {  	s10 =	sld [smem:$0x3FB6];
	_ =	sdelay $0x3  }
0x33: {  	p0 =	seq.s32 s10, $0x1;
	s10 =	sld [smem:$0x3FB8];
	_ =	sdelay $0x3  }
0x34: {  	[smem:$0x3FB8] =	sst s10  }
0x35: {  	s10 =	sld [smem:$0x3FB7];
	_ =	sdelay $0x3  }
0x36: {  	p1 =	seq.s32 s10, $0x1;
	s10 =	sld [smem:$0x3FB8];
	_ =	sdelay $0x3  }
0x37: {  	[smem:$0x3FB8] =	sst s10  }
0x38: {  	s10 =	sld [smem:$0x3FB9]  }
0x39: {  	_ = 	snop;
	(pc) =	sbr.ind lr, $3  }
0x3a: {  	_ = 	snop  }
0x3b: {  	_ = 	snop  }
0x3c: {  	p2 =	seq.s32 s10, $0x1;
	s10 =	sld [smem:$0x3FB8]  }
0x3d: {  	_ =	shalt  }
0x3e: {  	_ =	shalt  }
0x3f: {  	_ =	shalt  }
0x40: {  	_ =	shalt  }
0x41: {  	_ =	shalt  }
0x42: {  	_ =	shalt  }
0x43: {  	_ =	shalt  }
0x44: {  	_ =	shalt  }
0x45: {  	_ =	shalt  }
0x46: {  	_ =	shalt  }
0x47: {  	_ =	shalt  }
0x48: {  	_ =	shalt  }
0x49: {  	_ =	shalt  }
0x4a: {  	_ =	shalt  }
0x4b: {  	_ =	shalt  }
0x4c: {  	_ =	shalt  }
0x4d: {  	_ =	shalt  }
0x4e: {  	_ =	shalt  }
0x4f: {  	_ =	shalt  }
0x50: {  	_ =	shalt  }
0x51: {  	_ =	shalt  }
0x52: {  	_ =	shalt  }
0x53: {  	_ =	shalt  }
0x54: {  	_ =	shalt  }
0x55: {  	_ =	shalt  }
0x56: {  	_ =	shalt  }
0x57: {  	_ =	shalt  }
0x58: {  	_ =	shalt  }
0x59: {  	_ =	shalt  }
0x5a: {  	_ =	shalt  }
0x5b: {  	_ =	shalt  }
0x5c: {  	_ =	shalt  }
0x5d: {  	_ =	shalt  }
0x5e: {  	_ =	shalt  }
0x5f: {  	_ =	shalt  }
0x60: {  	_ =	shalt  }
0x61: {  	_ =	shalt  }
0x62: {  	_ =	shalt  }
0x63: {  	_ =	shalt  }
0x64: {  	_ =	shalt  }
0x65: {  	_ =	shalt  }
0x66: {  	_ =	shalt  }
0x67: {  	_ =	shalt  }
0x68: {  	_ =	shalt  }
0x69: {  	_ =	shalt  }
0x6a: {  	_ =	shalt  }
0x6b: {  	_ =	shalt  }
0x6c: {  	_ =	shalt  }
0x6d: {  	_ =	shalt  }
0x6e: {  	_ =	shalt  }
0x6f: {  	_ =	shalt  }
0x70: {  	_ =	shalt  }
0x71: {  	_ =	shalt  }
0x72: {  	_ =	shalt  }
0x73: {  	_ =	shalt  }
0x74: {  	_ =	shalt  }
0x75: {  	_ =	shalt  }
0x76: {  	_ =	shalt  }
0x77: {  	_ =	shalt  }
0x78: {  	_ =	shalt  }
0x79: {  	_ =	shalt  }
0x7a: {  	_ =	shalt  }
0x7b: {  	_ =	shalt  }
0x7c: {  	_ =	shalt  }
0x7d: {  	_ =	shalt  }
0x7e: {  	_ =	shalt  }
0x7f: {  	_ =	shalt  }
0x80: {  	_ =	shalt  }
0x81: {  	_ =	shalt  }
0x82: {  	_ =	shalt  }
0x83: {  	_ =	shalt  }
0x84: {  	_ =	shalt  }
0x85: {  	_ =	shalt  }
0x86: {  	_ =	shalt  }
0x87: {  	_ =	shalt  }
.Lfunc_end0:
.L_simem_size_0:
called_computation_lowered:
.L_overlay_start_0:
0x88: {  	s2 =	sld [smem:$0x3FD9]  }
0x89: {  	s3 =	sld [smem:$0x3FFE];
	_ =	sdelay $0x1  }
0x8a: {  	s1 =	srdreg.scid  }
0x8b: {  	s0 =	sand.u32 $0x1, s1  }
0x8c: {  	s17 =	sshll.u32 s0, $0xA;
	s2 =	sadd.s32 s3, s2  }
0x8d: {  	s2 =	sadd.s32 s2, s17  }
0x8e: {  	[smem:$0x3FC4] =	sst s2  }
0x8f: {  	_ = 	snop  }
0x90: {  	s2 =	sld [smem:$0x3FD0];
	(tm) =	ssettm $0x1  }
0x91: {  	s18 =	sld [smem:$0x3FFB];
	_ =	sdelay $0x3  }
0x92: {  	_ =	strace s18  }
0x93: {  	s3 =	sld [smem:$0x3FFC];
	_ =	sdelay $0x3  }
0x94: {  	_ =	strace s3  }
0x95: {  	s3 =	sld [smem:$0x3FFD];
	_ =	sdelay $0x3  }
0x96: {  	_ =	strace s3  }
0x97: {  	_ =	strace $0x8FFFFFFF  }
0x98: {  	s19 =	sld [smem:$0x3FDB];
	_ =	sdelay $0x1  }
0x99: {  	s4 =	simm.s32 $_scs_section_size  }
0x9a: {  	s5 =	simm.s32 $_size__tile_overlayer_lowered;
	s6 =	simm.s32 $_tile_overlayer_lowered  }
0x9b: {  	s22 =	simm.s32 $0x1BFF;
	s21 =	sshll.u32 s6, $0x1;
	s3 =	sadd.s32 s4, s19  }
0x9c: {  	s7 =	simm.s32 $0x0;
	s20 =	sshll.u32 s5, $0x1;
	s5 =	sadd.s32 s21, s3  }
0x9d: {  	[timem:s7], [sflag:s22] =	dma.local [hbm:s5], s20  }
0x9e: {  	_ =	swait.ge [sflag:s22], s20  }
0x9f: {  	s4 =	ssub.s32 $0x0, s20;
	[sflag:s22] =	ssyncset.done $0x0  }
0xa0: {  	[sflag:s22] =	ssyncadd.s32 s4;
	_ =	sdelay $0x1  }
0xa1: {  	s23 =	simm.s32 $0x1B8B  }
0xa2: {  	_ =	swait.ge [sflag:s23], $0x1  }
0xa3: {  	[sflag:s23] =	ssyncset.done $0x0  }
0xa4: {  	s25 =	simm.s32 $0x1B8E;
	s24 =	sld [smem:$0x3FFE];
	[sflag:s23] =	ssyncadd.s32 $0xFFFFFFFF  }
0xa5: {  	s26 =	simm.s32 $execute0_lowered;
	[smem:$0x3FD2] =	sst s25  }
0xa6: {  	s5 =	sshll.u32 s26, $0x1;
	_ =	strace $0x80000046;
	[dreg:$0x1] =	wrdreg $0xFFFFFFFF  }
0xa7: {  	s28 =	simm.s32 $_size_execute0_lowered;
	s3 =	sadd.s32 s3, s5;
	[dreg:$0x0] =	wrdreg $0x0  }
0xa8: {  	s5 =	sshll.u32 s28, $0x1;
	[dreg:$0x2] =	wrdreg s3  }
0xa9: {  	[dreg:$0x3] =	wrdreg s5  }
0xaa: {  	[dreg:$0x4] =	wrdreg $0xC0  }
0xab: {  	_ =	task [dreg:s7], $0x5FFFF  }
0xac: {  	[dreg:$0x1] =	wrdreg $0xFFFFFFFF  }
0xad: {  	[dreg:$0x0] =	wrdreg $0x60  }
0xae: {  	[dreg:$0x2] =	wrdreg s24  }
0xaf: {  	[dreg:$0x3] =	wrdreg s2  }
0xb0: {  	[dreg:$0x4] =	wrdreg $0x0  }
0xb1: {  	[dreg:$0x5] =	wrdreg $0x9  }
0xb2: {  	_ =	task.clear_ibuf [dreg:s7], $0x6FFFF;
	_ =	strace $0x90000046  }
0xb3: {  	s29 =	simm.s32 $0x9;
	_ =	strace $0x80000048  }
0xb4: {  	_ =	swait.ge [sflag:s29], $0x1  }
0xb5: {  	[sflag:s29] =	ssyncadd.s32 $0xFFFFFFFF  }
0xb6: {  	_ =	strace $0x90000048  }
0xb7: {  	_ =	sfence  }
0xb8: {  	s30 =	sld [smem:$0x0];
	_ =	sdelay $0x2  }
0xb9: {  	s31 =	sshll.u32 s1, $0xD;
	s1 =	sshrl.u32 s1, $0x2  }
0xba: {  	s3 =	sand.u32 $0x4000, s31;
	s1 =	sadd.s32 s1, s30  }
0xbb: {  	s0 =	sor.u32 s3, s0;
	s1 =	sshll.u32 s1, $0x11  }
0xbc: {  	s0 =	sor.u32 s1, s0  }
0xbd: {  	s0 =	sadd.s32 $0x8F2B, s0  }
0xbe: {  	[sflag:s0] =	ssyncadd.remote.s32 $0x1  }
0xbf: {  	_ =	sfence.sel $0xFFFF  }
0xc0: {  	[dreg:$0x0] =	wrdreg $0xFFFFFFFF;
	(pc) =	sbr.abs _section_cstart, $3  }
0xc1: {  	[dreg:$0x1] =	wrdreg $0xFFFFFFFF  }
0xc2: {  	_ =	task.clear_ibuf [dreg:s7], $0x2FFFF;
	_ =	strace $0x9FFFFFFF  }
0xc3: {  	(tm) =	ssettm $0x7FFFFFFF  }
tec
execute0_lowered:
.L_overlay_start_1:
0x0: {  	(tag) =	ssettag $0x1  }
0x1: {  	s1 =	rddreg [dreg:$0x0]  }
0x2: {  	s2 =	rddreg [dreg:$0x1]  }
0x3: {  	s3 =	rddreg [dreg:$0x2]  }
0x4: {  	s0 =	srdreg.scid;
	s7 =	stileid.u32;
	s4 =	simm.s32 $0x0  }
0x5: {  	s31 =	simm.s32 $0x6;
	s30 =	simm.s32 $0x2E0;
	s0 =	sand.u32 $0x1, s0  }
0x6: {  	s5 =	sshll.u32 s7, $0x1;
	[smem:$0x7FF] =	sst s4;
	s6 =	sadd.s32 $0x18800, s1  }
0x7: {  	s8 =	sadd.s32 $0x31000, s1;
	p0 =	sne.s32 s7, $0x0;
	s9 =	sor.u32 s0, s5  }
0x8: {  	_ =	strace $0x80000047;
	s0 =	ssub.s32 $0x2, s0;
	s5 =	smul.u32 $0x61A8, s9  }
0x9: {  	[dreg:$0x4] =	wrdreg s8;
	s10 =	sshrl.u32 s0, $0x1;
	s9 =	smul.u32 $0x30D400, s9  }
0xa: {  	s8 =	sadd.s32 $0x31400, s1;
	s0 =	ssub.s32 s0, s10;
	s11 =	sshrl.u32 s5, $0x3  }
0xb: {  	s19 =	sshrl.u32 s9, $0x3;
	s20 =	sadd.s32 $0x6180, s5;
	s0 =	smax.u32 s0, $0x1  }
0xc: {  	s28 =	sadd.s32 $0x200, s5;
	s25 =	sadd.s32 s6, s11;
	[dreg:$0x13] =	wrdreg s0  }
0xd: {  	s29 =	sadd.s32 $0x280, s5;
	s12 =	sadd.s32 s1, s11;
	[dreg:$0x5] =	wrdreg s25  }
0xe: {  	s26 =	sadd.s32 $0x10, s11;
	s13 =	sadd.s32 s2, s11;
	[dreg:$0x6] =	wrdreg s12  }
0xf: {  	s11 =	sadd.s32 $0x20, s11;
	[dreg:$0x7] =	wrdreg s13;
	s14 =	sadd.s32 s6, s26  }
0x10: {  	s21 =	sshrl.u32 s20, $0x3;
	s15 =	sadd.s32 s1, s26;
	[dreg:$0x8] =	wrdreg s14  }
0x11: {  	s10 =	sadd.s32 s2, s26;
	s16 =	sadd.s32 s6, s11;
	[dreg:$0x9] =	wrdreg s15  }
0x12: {  	s17 =	sadd.s32 s1, s11;
	s18 =	sadd.s32 s2, s11;
	[dreg:$0xa] =	wrdreg s10  }
0x13: {  	s23 =	sadd.s32 s6, s21;
	s24 =	sadd.s32 s1, s21;
	[dreg:$0xb] =	wrdreg s16  }
0x14: {  	s25 =	sshll.u32 s20, $0x4;
	s26 =	sadd.s32 s2, s21;
	[dreg:$0xc] =	wrdreg s17  }
0x15: {  	s11 =	simm.s32 $0x1;
	s12 =	simm.s32 $0x80;
	[dreg:$0xd] =	wrdreg s18  }
0x16: {  	s13 =	simm.s32 $0x660;
	s20 =	simm.s32 $0x4;
	[dreg:$0xf] =	wrdreg s23  }
0x17: {  	s21 =	simm.s32 $0xC7E0;
	s18 =	sadd.s32 $0xFFFFFF80, s5;
	[dreg:$0x10] =	wrdreg s24  }
0x18: {  	s10 =	sadd.s32 s8, s19;
	s19 =	sadd.s32 $0x4000, s9;
	[dreg:$0x11] =	wrdreg s26  }
0x19: {  	s7 =	sadd.s32 s8, s25;
	s26 =	sadd.s32 $0x180, s5;
	s14 =	simm.s32 $0x7E0  }
0x1a: {  	s15 =	simm.s32 $0x2;
	s25 =	simm.s32 $0x5;
	s23 =	simm.s32 $0x1E0  }
0x1b: {  	s24 =	simm.s32 $0x260;
	s22 =	sadd.s32 $0x61000, s10;
	[dreg:$0x12] =	wrdreg s7  }
0x1c: {  	s7 =	simm.s32 $0x0;
	[dreg:$0xe] =	wrdreg s22;
	s22 =	simm.s32 $0x3  }
.LBB2_1:
0x1d: {  	[dreg:$0x14] =	wrdreg s7  }
0x1e: {  	s0 =	sshrl.u32 @!p0 s3, $0x3;
	s7 =	simm.s32 @!p0 $0x1C0A;
	s9 =	rddreg [dreg:$0x4]  }
0x1f: {  	[spmem:s0], [sflag:s7] =	dma.local @!p0 [hbm:s9], $0x3C0  }
0x20: {  	s0 =	simm.s32 @!p0 $0xA  }
0x21: {  	_ =	swait.ge @!p0 [sflag:s0], $0x3C0  }
0x22: {  	[sflag:s0] =	ssyncset.done @!p0 $0x0  }
0x23: {  	[sflag:s0] =	ssyncadd.s32 @!p0 $0xFFFFFC40  }
0x24: {  	[bflag:$0x0] =	sbarrier.arrive $0xFFFF  }
0x25: {  	s10 =	simm.s32 $0x1E0;
	s9 =	rddreg [dreg:$0x5]  }
0x26: {  	[tilespmem:s10], [sflag:$0x1] =	stream.linear.gather [hbm4b:s9+s4], $0x80, $0x38;
	[tilespmem:$0x187E0] =	vst v63  }
0x27: {  	s16 =	simm.s32 $0x260;
	s10 =	rddreg [dreg:$0x6]  }
0x28: {  	[tilespmem:s16], [sflag:$0x1] =	stream.linear.gather [hbm4b:s10+s4], $0x80, $0x38;
	[tilespmem:$0x187E0] =	vst v63  }
0x29: {  	s17 =	simm.s32 $0x2E0;
	s7 =	rddreg [dreg:$0x7]  }
0x2a: {  	[tilespmem:s17], [sflag:$0x1] =	stream.linear.gather [hbm4b:s7+s4], $0x80, $0x38;
	[tilespmem:$0x187E0] =	vst v63  }
0x2b: {  	s9 =	rddreg [dreg:$0x8];
	s10 =	simm.s32 $0x360  }
0x2c: {  	[tilespmem:s10], [sflag:$0x2] =	stream.linear.gather [hbm4b:s9+s4], $0x80, $0x38;
	[tilespmem:$0x187E0] =	vst v63  }
0x2d: {  	s16 =	rddreg [dreg:$0x9];
	s17 =	simm.s32 $0x3E0  }
0x2e: {  	[tilespmem:s17], [sflag:$0x2] =	stream.linear.gather [hbm4b:s16+s4], $0x80, $0x38;
	[tilespmem:$0x187E0] =	vst v63  }
0x2f: {  	s9 =	rddreg [dreg:$0xa];
	s10 =	simm.s32 $0x460  }
0x30: {  	[tilespmem:s10], [sflag:$0x2] =	stream.linear.gather [hbm4b:s9+s4], $0x80, $0x38;
	[tilespmem:$0x187E0] =	vst v63  }
0x31: {  	s16 =	rddreg [dreg:$0xb];
	s17 =	simm.s32 $0x4E0  }
0x32: {  	[tilespmem:s17], [sflag:$0x3] =	stream.linear.gather [hbm4b:s16+s4], $0x80, $0x38;
	[tilespmem:$0x187E0] =	vst v63  }
0x33: {  	s9 =	rddreg [dreg:$0xc];
	s10 =	simm.s32 $0x560  }
0x34: {  	[tilespmem:s10], [sflag:$0x3] =	stream.linear.gather [hbm4b:s9+s4], $0x80, $0x38;
	[tilespmem:$0x187E0] =	vst v63  }
0x35: {  	s0 =	simm.s32 $0x0;
	s16 =	rddreg [dreg:$0xd];
	s17 =	simm.s32 $0x5E0  }
0x36: {  	[tilespmem:s17], [sflag:$0x3] =	stream.linear.gather [hbm4b:s16+s4], $0x80, $0x38;
	[tilespmem:$0x187E0] =	vst v63  }
.LBB2_2:
0x37: {  	_ =	swait.ge [sflag:s11], $0x80  }
0x38: {  	[sflag:s11] =	ssyncset.done $0x0  }
0x39: {  	[sflag:s11] =	ssyncadd.s32 $0xFFFFFF80  }
0x3a: {  	_ =	swait.ge [sflag:s11], $0x80  }
0x3b: {  	[sflag:s11] =	ssyncset.done $0x0  }
0x3c: {  	[sflag:s11] =	ssyncadd.s32 $0xFFFFFF80  }
0x3d: {  	_ =	swait.ge [sflag:s11], $0x80  }
0x3e: {  	[sflag:s11] =	ssyncset.done $0x0  }
0x3f: {  	[sflag:s11] =	ssyncadd.s32 $0xFFFFFF80  }
0x40: {  	v0 =	vld [tilespmem:$0x1E0]  }
0x41: {  	v1 =	vld [tilespmem:$0x260]  }
0x42: {  	v2 =	vld [tilespmem:$0x2E0]  }
0x43: {  	v3 =	vld [tilespmem:$0x1F0]  }
0x44: {  	v4 =	vld [tilespmem:$0x270]  }
0x45: {  	v5 =	vld [tilespmem:$0x2F0]  }
0x46: {  	v6 =	vld [tilespmem:$0x200]  }
0x47: {  	v7 =	vld [tilespmem:$0x280]  }
0x48: {  	v8 =	vld [tilespmem:$0x300]  }
0x49: {  	v9 =	vld [tilespmem:$0x210]  }
0x4a: {  	v10 =	vld [tilespmem:$0x290]  }
0x4b: {  	v12 =	vld [tilespmem:$0x220]  }
0x4c: {  	v13 =	vld [tilespmem:$0x2A0]  }
0x4d: {  	v15 =	vld [tilespmem:$0x230]  }
0x4e: {  	v16 =	vld [tilespmem:$0x2B0]  }
0x4f: {  	v38 =	vld [tilespmem:$0x240]  }
0x50: {  	v43 =	vld [tilespmem:$0x250]  }
0x51: {  	v46 =	vld [tilespmem:$0x2D0];
	v0 =	vmul.u32 $0xC, v0;
	v1 =	vshll.u32 v1, $0x1  }
0x52: {  	v40 =	vld [tilespmem:$0x2C0];
	v3 =	vmul.u32 $0xC, v3;
	v37 =	vshll.u32 v4, $0x1;
	v39 =	vmul.u32 $0xC, v6  }
0x53: {  	v14 =	vld [tilespmem:$0x320];
	v41 =	vshll.u32 v7, $0x1;
	v42 =	vmul.u32 $0xC, v9;
	v44 =	vshll.u32 v10, $0x1  }
0x54: {  	v17 =	vld [tilespmem:$0x330];
	v45 =	vmul.u32 $0xC, v12;
	v47 =	vshll.u32 v13, $0x1;
	v49 =	vmul.u32 $0xC, v15  }
0x55: {  	v11 =	vld [tilespmem:$0x310];
	v51 =	vshll.u32 v16, $0x1;
	v4 =	vmul.u32 $0xC, v38;
	v7 =	vmul.u32 $0xC, v43  }
0x56: {  	v48 =	vld [tilespmem:$0x340];
	v52 =	vshll.u32 v46, $0x1;
	v0 =	vadd.s32 v0, v1;
	v1 =	vadd.s32 v3, v37  }
0x57: {  	v50 =	vld [tilespmem:$0x350];
	v6 =	vadd.s32 v45, v47;
	v9 =	vadd.s32 v49, v51;
	v3 =	vshll.u32 v40, $0x1  }
0x58: {  	v0 =	vadd.s32 v2, v0;
	v1 =	vadd.s32 v5, v1;
	v2 =	vadd.s32 v39, v41  }
0x59: {  	v5 =	vadd.s32 v42, v44;
	v6 =	vadd.s32 v14, v6;
	v9 =	vadd.s32 v17, v9  }
0x5a: {  	v3 =	vadd.s32 v4, v3;
	v4 =	vadd.s32 v7, v52;
	v2 =	vadd.s32 v8, v2  }
0x5b: {  	v5 =	vadd.s32 v11, v5;
	v3 =	vadd.s32 v48, v3;
	vm0 =	vgt.s32 v0, $0x0  }
0x5c: {  	v4 =	vadd.s32 v50, v4;
	vm9 =	vgt.s32 v1, $0x0;
	v0 =	vnsel vm0, $0x0, v0  }
0x5d: {  	vm12 =	vgt.s32 v6, $0x0;
	v1 =	vnsel vm9, $0x0, v1;
	v0 =	vmin.u32 v0, $0x3B  }
0x5e: {  	vm13 =	vgt.s32 v9, $0x0;
	v58 =	vnsel vm12, $0x0, v6;
	v53 =	vmin.u32 v1, $0x3B;
	[tilespmem:$0x660] =	vst v0  }
0x5f: {  	vm10 =	vgt.s32 v2, $0x0;
	v60 =	vnsel vm13, $0x0, v9;
	v59 =	vmin.u32 v58, $0x3B;
	[tilespmem:$0x670] =	vst v53  }
0x60: {  	vm11 =	vgt.s32 v5, $0x0;
	v54 =	vnsel vm10, $0x0, v2;
	v61 =	vmin.u32 v60, $0x3B;
	[tilespmem:$0x6A0] =	vst v59  }
0x61: {  	p1 =	seq.s32 s0, $0x0;
	vm14 =	vgt.s32 v3, $0x0;
	v56 =	vnsel vm11, $0x0, v5;
	v55 =	vmin.u32 v54, $0x3B;
	[tilespmem:$0x6B0] =	vst v61  }
.Ltmp0:
0x62: {  	vm15 =	vgt.s32 v4, $0x0;
	v62 =	vnsel vm14, $0x0, v3;
	v57 =	vmin.u32 v56, $0x3B;
	[tilespmem:$0x680] =	vst v55;
	(pc) =	sbr.rel @p1 .LBB2_3-.Ltmp0, $4  }
0x63: {  	v63 =	vnsel vm15, $0x0, v4;
	v1 =	vmin.u32 v62, $0x3B;
	[tilespmem:$0x690] =	vst v57  }
0x64: {  	v0 =	vmin.u32 v63, $0x3B;
	[tilespmem:$0x6C0] =	vst v1  }
0x65: {  	[tilespmem:$0x6D0] =	vst v0  }
0x66: {  	[tilespmem:s14], [sflag:$0x4] =	stream.indirect.gather [spmem:s3], $0x80, s13, s12, $0xb8;
	[tilespmem:$0x187E0] =	vst v63  }
0x67: {  	_ =	swait.ge [sflag:s31], $0x4000  }
0x68: {  	p2 =	seq.s32 s0, $0x1;
	[sflag:s31] =	ssyncset.done $0x0  }
0x69: {  	s7 =	simm.s32 @!p2 $0x9;
	[sflag:s31] =	ssyncadd.s32 $0xFFFFC000  }
0x6a: {  	_ =	swait.ge @!p2 [sflag:s7], $0x4000  }
0x6b: {  	[sflag:s7] =	ssyncset.done @!p2 $0x0  }
0x6c: {  	[sflag:s7] =	ssyncadd.s32 @!p2 $0xFFFFC000;
	s7 =	simm.s32 $0x0  }
0x6d: {  	v0 =	vld [tilespmem:s7+$0x8B90]  }
0x6e: {  	v1 =	vld [tilespmem:s7+$0x87E0]  }
0x6f: {  	v2 =	vld [tilespmem:s7+$0x87F0]  }
0x70: {  	v3 =	vld [tilespmem:s7+$0x8800]  }
0x71: {  	v4 =	vld [tilespmem:s7+$0x8810]  }
0x72: {  	v5 =	vld [tilespmem:s7+$0x8860];
	[tilespmem:s7+$0x14B90] =	vst v0  }
0x73: {  	[tilespmem:s7+$0x147E0] =	vst v1;
	v0 =	vld [tilespmem:s7+$0x8870]  }
0x74: {  	[tilespmem:s7+$0x147F0] =	vst v2;
	v1 =	vld [tilespmem:s7+$0x8880]  }
0x75: {  	[tilespmem:s7+$0x14800] =	vst v3;
	v2 =	vld [tilespmem:s7+$0x8890]  }
0x76: {  	[tilespmem:s7+$0x14810] =	vst v4;
	v3 =	vld [tilespmem:s7+$0x88E0]  }
0x77: {  	[tilespmem:s7+$0x14860] =	vst v5;
	v4 =	vld [tilespmem:s7+$0x88F0]  }
0x78: {  	v5 =	vld [tilespmem:s7+$0x8AF0];
	[tilespmem:s7+$0x14870] =	vst v0  }
0x79: {  	v0 =	vld [tilespmem:s7+$0x8900];
	[tilespmem:s7+$0x14880] =	vst v1  }
0x7a: {  	v1 =	vld [tilespmem:s7+$0x8910];
	[tilespmem:s7+$0x14890] =	vst v2  }
0x7b: {  	v2 =	vld [tilespmem:s7+$0x8960];
	[tilespmem:s7+$0x148E0] =	vst v3  }
0x7c: {  	v3 =	vld [tilespmem:s7+$0x8970];
	[tilespmem:s7+$0x148F0] =	vst v4  }
0x7d: {  	v4 =	vld [tilespmem:s7+$0x8980];
	[tilespmem:s7+$0x14AF0] =	vst v5  }
0x7e: {  	[tilespmem:s7+$0x14900] =	vst v0;
	v0 =	vld [tilespmem:s7+$0x8990]  }
0x7f: {  	[tilespmem:s7+$0x14910] =	vst v1;
	v1 =	vld [tilespmem:s7+$0x89E0]  }
0x80: {  	[tilespmem:s7+$0x14960] =	vst v2;
	v2 =	vld [tilespmem:s7+$0x89F0]  }
0x81: {  	[tilespmem:s7+$0x14970] =	vst v3;
	v3 =	vld [tilespmem:s7+$0x8A00]  }
0x82: {  	[tilespmem:s7+$0x14980] =	vst v4;
	v4 =	vld [tilespmem:s7+$0x8A10]  }
0x83: {  	[tilespmem:s7+$0x14990] =	vst v0;
	v0 =	vld [tilespmem:s7+$0x8A60]  }
0x84: {  	[tilespmem:s7+$0x149E0] =	vst v1;
	v1 =	vld [tilespmem:s7+$0x8A70]  }
0x85: {  	[tilespmem:s7+$0x149F0] =	vst v2;
	v2 =	vld [tilespmem:s7+$0x8A80]  }
0x86: {  	[tilespmem:s7+$0x14A00] =	vst v3;
	v3 =	vld [tilespmem:s7+$0x8A90]  }
0x87: {  	[tilespmem:s7+$0x14A10] =	vst v4;
	v4 =	vld [tilespmem:s7+$0x8AE0]  }
0x88: {  	[tilespmem:s7+$0x14A60] =	vst v0;
	v0 =	vld [tilespmem:s7+$0x8B00]  }
0x89: {  	[tilespmem:s7+$0x14A70] =	vst v1;
	v1 =	vld [tilespmem:s7+$0x8B10]  }
0x8a: {  	[tilespmem:s7+$0x14A80] =	vst v2;
	v2 =	vld [tilespmem:s7+$0x8B60]  }
0x8b: {  	[tilespmem:s7+$0x14A90] =	vst v3;
	v3 =	vld [tilespmem:s7+$0x8B70]  }
0x8c: {  	s10 =	simm.s32 $0x400;
	s9 =	simm.s32 $0x2000;
	[tilespmem:s7+$0x14AE0] =	vst v4;
	v4 =	vld [tilespmem:s7+$0x8B80]  }
.LBB2_5:
0x8d: {  	p2 =	sne.s32 s9, $0xF000;
	v5 =	vld [tilespmem:s10+$0x8B90];
	[tilespmem:s7+$0x14B00] =	vst v0  }
0x8e: {  	v0 =	vld [tilespmem:s10+$0x87E0];
	[tilespmem:s7+$0x14B10] =	vst v1  }
0x8f: {  	v1 =	vld [tilespmem:s10+$0x87F0];
	[tilespmem:s7+$0x14B60] =	vst v2  }
0x90: {  	v2 =	vld [tilespmem:s10+$0x8800];
	[tilespmem:s7+$0x14B70] =	vst v3  }
0x91: {  	v3 =	vld [tilespmem:s10+$0x8810];
	[tilespmem:s7+$0x14B80] =	vst v4;
	s7 =	smov.u32 s10  }
0x92: {  	v4 =	vld [tilespmem:s7+$0x8860];
	[tilespmem:s7+$0x14B90] =	vst v5  }
0x93: {  	[tilespmem:s7+$0x147E0] =	vst v0;
	v0 =	vld [tilespmem:s7+$0x8870]  }
0x94: {  	[tilespmem:s7+$0x147F0] =	vst v1;
	v1 =	vld [tilespmem:s7+$0x8880]  }
0x95: {  	[tilespmem:s7+$0x14800] =	vst v2;
	v2 =	vld [tilespmem:s7+$0x8890]  }
0x96: {  	[tilespmem:s7+$0x14810] =	vst v3;
	v3 =	vld [tilespmem:s7+$0x88E0]  }
0x97: {  	[tilespmem:s7+$0x14860] =	vst v4;
	v4 =	vld [tilespmem:s7+$0x88F0]  }
0x98: {  	[tilespmem:s7+$0x14870] =	vst v0;
	v0 =	vld [tilespmem:s7+$0x8900]  }
0x99: {  	[tilespmem:s7+$0x14880] =	vst v1;
	v1 =	vld [tilespmem:s7+$0x8910]  }
0x9a: {  	[tilespmem:s7+$0x14890] =	vst v2;
	v2 =	vld [tilespmem:s7+$0x8960]  }
0x9b: {  	[tilespmem:s7+$0x148E0] =	vst v3;
	v3 =	vld [tilespmem:s7+$0x8970]  }
0x9c: {  	[tilespmem:s7+$0x148F0] =	vst v4;
	v4 =	vld [tilespmem:s7+$0x8980]  }
0x9d: {  	[tilespmem:s7+$0x14900] =	vst v0;
	v0 =	vld [tilespmem:s7+$0x8990]  }
0x9e: {  	[tilespmem:s7+$0x14910] =	vst v1;
	v1 =	vld [tilespmem:s7+$0x89E0]  }
0x9f: {  	[tilespmem:s7+$0x14960] =	vst v2;
	v2 =	vld [tilespmem:s7+$0x89F0]  }
0xa0: {  	[tilespmem:s7+$0x14970] =	vst v3;
	v3 =	vld [tilespmem:s7+$0x8A00]  }
0xa1: {  	[tilespmem:s7+$0x14980] =	vst v4;
	v4 =	vld [tilespmem:s7+$0x8A10]  }
0xa2: {  	[tilespmem:s7+$0x14990] =	vst v0;
	v0 =	vld [tilespmem:s7+$0x8A60]  }
0xa3: {  	[tilespmem:s7+$0x149E0] =	vst v1;
	v1 =	vld [tilespmem:s7+$0x8A70]  }
0xa4: {  	[tilespmem:s7+$0x149F0] =	vst v2;
	v2 =	vld [tilespmem:s7+$0x8A80]  }
0xa5: {  	[tilespmem:s7+$0x14A00] =	vst v3;
	v3 =	vld [tilespmem:s7+$0x8A90]  }
0xa6: {  	[tilespmem:s7+$0x14A10] =	vst v4;
	v4 =	vld [tilespmem:s7+$0x8AE0]  }
0xa7: {  	[tilespmem:s7+$0x14A60] =	vst v0;
	v5 =	vld [tilespmem:s7+$0x8AF0]  }
.Ltmp1:
0xa8: {  	[tilespmem:s7+$0x14A70] =	vst v1;
	v0 =	vld [tilespmem:s7+$0x8B00];
	(pc) =	sbr.rel @p2 .LBB2_5-.Ltmp1, $4  }
0xa9: {  	[tilespmem:s7+$0x14A80] =	vst v2;
	v1 =	vld [tilespmem:s7+$0x8B10]  }
0xaa: {  	[tilespmem:s7+$0x14A90] =	vst v3;
	v2 =	vld [tilespmem:s7+$0x8B60]  }
0xab: {  	[tilespmem:s7+$0x14AE0] =	vst v4;
	v3 =	vld [tilespmem:s7+$0x8B70]  }
0xac: {  	s10 =	sshra.s32 s9, $0x2;
	s9 =	sadd.s32 $0x1000, s9;
	[tilespmem:s7+$0x14AF0] =	vst v5;
	v4 =	vld [tilespmem:s7+$0x8B80]  }
0xad: {  	v5 =	vld [tilespmem:s10+$0x8B90];
	[tilespmem:s7+$0x14B00] =	vst v0  }
0xae: {  	v0 =	vld [tilespmem:s10+$0x87E0];
	[tilespmem:s7+$0x14B10] =	vst v1  }
0xaf: {  	v1 =	vld [tilespmem:s10+$0x87F0];
	[tilespmem:s7+$0x14B60] =	vst v2  }
0xb0: {  	v2 =	vld [tilespmem:s10+$0x8800];
	[tilespmem:s7+$0x14B70] =	vst v3  }
0xb1: {  	v3 =	vld [tilespmem:s10+$0x8810];
	[tilespmem:s7+$0x14B80] =	vst v4  }
0xb2: {  	v4 =	vld [tilespmem:s10+$0x8860];
	[tilespmem:s10+$0x14B90] =	vst v5  }
0xb3: {  	v38 =	vld [tilespmem:s10+$0x8870];
	[tilespmem:s10+$0x147E0] =	vst v0  }
0xb4: {  	v39 =	vld [tilespmem:s10+$0x8880];
	[tilespmem:s10+$0x147F0] =	vst v1  }
0xb5: {  	v40 =	vld [tilespmem:s10+$0x8890];
	[tilespmem:s10+$0x14800] =	vst v2  }
0xb6: {  	v41 =	vld [tilespmem:s10+$0x88E0];
	[tilespmem:s10+$0x14810] =	vst v3  }
0xb7: {  	v42 =	vld [tilespmem:s10+$0x88F0];
	[tilespmem:s10+$0x14860] =	vst v4  }
0xb8: {  	v43 =	vld [tilespmem:s10+$0x8900];
	[tilespmem:s10+$0x14870] =	vst v38  }
0xb9: {  	v44 =	vld [tilespmem:s10+$0x8910];
	[tilespmem:s10+$0x14880] =	vst v39  }
0xba: {  	v45 =	vld [tilespmem:s10+$0x8960];
	[tilespmem:s10+$0x14890] =	vst v40  }
0xbb: {  	v46 =	vld [tilespmem:s10+$0x8970];
	[tilespmem:s10+$0x148E0] =	vst v41  }
0xbc: {  	v47 =	vld [tilespmem:s10+$0x8980];
	[tilespmem:s10+$0x148F0] =	vst v42  }
0xbd: {  	v48 =	vld [tilespmem:s10+$0x8990];
	[tilespmem:s10+$0x14900] =	vst v43  }
0xbe: {  	v49 =	vld [tilespmem:s10+$0x89E0];
	[tilespmem:s10+$0x14910] =	vst v44  }
0xbf: {  	v50 =	vld [tilespmem:s10+$0x89F0];
	[tilespmem:s10+$0x14960] =	vst v45  }
0xc0: {  	v51 =	vld [tilespmem:s10+$0x8A00];
	[tilespmem:s10+$0x14970] =	vst v46  }
0xc1: {  	v52 =	vld [tilespmem:s10+$0x8A10];
	[tilespmem:s10+$0x14980] =	vst v47  }
0xc2: {  	v53 =	vld [tilespmem:s10+$0x8A60];
	[tilespmem:s10+$0x14990] =	vst v48  }
0xc3: {  	v54 =	vld [tilespmem:s10+$0x8A70];
	[tilespmem:s10+$0x149E0] =	vst v49  }
0xc4: {  	v55 =	vld [tilespmem:s10+$0x8A80];
	[tilespmem:s10+$0x149F0] =	vst v50  }
0xc5: {  	v56 =	vld [tilespmem:s10+$0x8A90];
	[tilespmem:s10+$0x14A00] =	vst v51  }
0xc6: {  	v57 =	vld [tilespmem:s10+$0x8AE0];
	[tilespmem:s10+$0x14A10] =	vst v52  }
0xc7: {  	v58 =	vld [tilespmem:s10+$0x8AF0];
	[tilespmem:s10+$0x14A60] =	vst v53  }
0xc8: {  	v59 =	vld [tilespmem:s10+$0x8B00];
	[tilespmem:s10+$0x14A70] =	vst v54  }
0xc9: {  	v60 =	vld [tilespmem:s10+$0x8B10];
	[tilespmem:s10+$0x14A80] =	vst v55  }
0xca: {  	v61 =	vld [tilespmem:s10+$0x8B60];
	[tilespmem:s10+$0x14A90] =	vst v56  }
0xcb: {  	v62 =	vld [tilespmem:s10+$0x8B70];
	[tilespmem:s10+$0x14AE0] =	vst v57  }
0xcc: {  	v63 =	vld [tilespmem:s10+$0x8B80];
	[tilespmem:s10+$0x14AF0] =	vst v58  }
0xcd: {  	p2 =	seq.s32 s0, $0x40;
	s7 =	smul.u32 $0x180, s0;
	[tilespmem:s10+$0x14B00] =	vst v59  }
.Ltmp2:
0xce: {  	[tilespmem:s10+$0x14B10] =	vst v60;
	(pc) =	sbr.rel @p2 .LBB2_8-.Ltmp2, $4  }
.Ltmp3:
0xcf: {  	s9 =	sadd.s32 s7, s18;
	[tilespmem:s10+$0x14B60] =	vst v61;
	(pc) =	sbr.rel @!p2 .LBB2_7-.Ltmp3, $4  }
0xd0: {  	s9 =	sshll.u32 s9, $0x4;
	[tilespmem:s10+$0x14B70] =	vst v62  }
0xd1: {  	s17 =	simm.s32 $0x147E0;
	s9 =	sadd.s32 s8, s9;
	[tilespmem:s10+$0x14B80] =	vst v63  }
0xd2: {  	[hbm4b:s9+s4] =	stream.linear.scatter [tilespmem:s17], [sflag:$0x9], $0x4000, $0x38;
	[tilespmem:$0x187E0] =	vst v63  }
0xd3: {  	_ = 	snop  }
.LBB2_3:
0xd4: {  	s7 =	simm.s32 $0x0  }
.LBB2_7:
0xd5: {  	s7 =	sadd.s32 s7, s26  }
0xd6: {  	s7 =	sshrl.u32 s7, $0x3  }
0xd7: {  	s9 =	sadd.s32 s6, s7  }
0xd8: {  	[tilespmem:s23], [sflag:$0x1] =	stream.linear.gather [hbm4b:s9+s4], $0x80, $0x38;
	[tilespmem:$0x187E0] =	vst v63  }
0xd9: {  	s17 =	sadd.s32 s1, s7  }
0xda: {  	[tilespmem:s24], [sflag:$0x1] =	stream.linear.gather [hbm4b:s17+s4], $0x80, $0x38;
	[tilespmem:$0x187E0] =	vst v63  }
0xdb: {  	s7 =	sadd.s32 s2, s7  }
0xdc: {  	[tilespmem:s30], [sflag:$0x1] =	stream.linear.gather [hbm4b:s7+s4], $0x80, $0x38;
	[tilespmem:$0x187E0] =	vst v63  }
.LBB2_8:
0xdd: {  	_ =	swait.ge [sflag:s15], $0x80  }
0xde: {  	[sflag:s15] =	ssyncset.done $0x0  }
0xdf: {  	[sflag:s15] =	ssyncadd.s32 $0xFFFFFF80  }
0xe0: {  	_ =	swait.ge [sflag:s15], $0x80  }
0xe1: {  	[sflag:s15] =	ssyncset.done $0x0  }
0xe2: {  	[sflag:s15] =	ssyncadd.s32 $0xFFFFFF80  }
0xe3: {  	_ =	swait.ge [sflag:s15], $0x80  }
0xe4: {  	[sflag:s15] =	ssyncset.done $0x0  }
0xe5: {  	[sflag:s15] =	ssyncadd.s32 $0xFFFFFF80  }
0xe6: {  	v0 =	vld [tilespmem:$0x360]  }
0xe7: {  	v1 =	vld [tilespmem:$0x3E0]  }
0xe8: {  	v2 =	vld [tilespmem:$0x460]  }
0xe9: {  	v3 =	vld [tilespmem:$0x370]  }
0xea: {  	v4 =	vld [tilespmem:$0x3F0]  }
0xeb: {  	v5 =	vld [tilespmem:$0x470]  }
0xec: {  	v6 =	vld [tilespmem:$0x380]  }
0xed: {  	v7 =	vld [tilespmem:$0x400]  }
0xee: {  	v8 =	vld [tilespmem:$0x480]  }
0xef: {  	v10 =	vld [tilespmem:$0x410]  }
0xf0: {  	v13 =	vld [tilespmem:$0x420]  }
0xf1: {  	v15 =	vld [tilespmem:$0x3B0]  }
0xf2: {  	v9 =	vld [tilespmem:$0x390]  }
0xf3: {  	v16 =	vld [tilespmem:$0x430]  }
0xf4: {  	v61 =	vld [tilespmem:$0x3D0];
	v0 =	vmul.u32 $0xC, v0;
	v3 =	vmul.u32 $0xC, v3  }
0xf5: {  	v12 =	vld [tilespmem:$0x3A0];
	v1 =	vshll.u32 v1, $0x1;
	v4 =	vshll.u32 v4, $0x1;
	v6 =	vmul.u32 $0xC, v6  }
0xf6: {  	v11 =	vld [tilespmem:$0x490];
	v56 =	vshll.u32 v10, $0x1;
	v57 =	vshll.u32 v13, $0x1;
	v58 =	vmul.u32 $0xC, v15  }
0xf7: {  	v14 =	vld [tilespmem:$0x4A0];
	v0 =	vadd.s32 v0, v1;
	v1 =	vadd.s32 v3, v4;
	v3 =	vshll.u32 v7, $0x1  }
0xf8: {  	v59 =	vshll.u32 v16, $0x1;
	v0 =	vadd.s32 v2, v0;
	v2 =	vadd.s32 v6, v3;
	v3 =	vld [tilespmem:$0x3C0]  }
0xf9: {  	v63 =	vmul.u32 $0xC, v61;
	v7 =	vld [tilespmem:$0x440];
	v1 =	vadd.s32 v5, v1;
	v5 =	vmul.u32 $0xC, v9  }
0xfa: {  	v6 =	vmul.u32 $0xC, v12;
	v2 =	vadd.s32 v8, v2;
	v8 =	vadd.s32 v58, v59  }
0xfb: {  	v4 =	vld [tilespmem:$0x4B0];
	vm0 =	vgt.s32 v0, $0x0;
	vm9 =	vgt.s32 v1, $0x0;
	v5 =	vadd.s32 v5, v56  }
0xfc: {  	v62 =	vld [tilespmem:$0x450];
	v6 =	vadd.s32 v6, v57;
	v0 =	vnsel vm0, $0x0, v0;
	v1 =	vnsel vm9, $0x0, v1  }
0xfd: {  	vm10 =	vgt.s32 v2, $0x0;
	v5 =	vadd.s32 v11, v5;
	v3 =	vmul.u32 $0xC, v3  }
0xfe: {  	v60 =	vld [tilespmem:$0x4C0];
	v6 =	vadd.s32 v14, v6;
	v0 =	vmin.u32 v0, $0x3B;
	v7 =	vshll.u32 v7, $0x1  }
0xff: {  	v1 =	vmin.u32 v1, $0x3B;
	v2 =	vnsel vm10, $0x0, v2;
	v3 =	vadd.s32 v3, v7;
	v7 =	vld [tilespmem:$0x4D0]  }
0x100: {  	v4 =	vadd.s32 v4, v8;
	vm11 =	vgt.s32 v5, $0x0;
	vm12 =	vgt.s32 v6, $0x0  }
0x101: {  	[tilespmem:$0x6E0] =	vst v0;
	v2 =	vmin.u32 v2, $0x3B;
	v0 =	vnsel vm11, $0x0, v5;
	v5 =	vshll.u32 v62, $0x1  }
0x102: {  	[tilespmem:$0x6F0] =	vst v1;
	vm13 =	vgt.s32 v4, $0x0;
	v1 =	vadd.s32 v63, v5;
	v5 =	vnsel vm12, $0x0, v6  }
0x103: {  	[tilespmem:$0x700] =	vst v2;
	v0 =	vmin.u32 v0, $0x3B;
	v2 =	vmin.u32 v5, $0x3B;
	v3 =	vadd.s32 v60, v3  }
0x104: {  	[tilespmem:$0x710] =	vst v0;
	v0 =	vnsel vm13, $0x0, v4;
	vm14 =	vgt.s32 v3, $0x0;
	v1 =	vadd.s32 v7, v1  }
0x105: {  	[tilespmem:$0x720] =	vst v2;
	v0 =	vmin.u32 v0, $0x3B;
	v2 =	vnsel vm14, $0x0, v3;
	vm15 =	vgt.s32 v1, $0x0  }
0x106: {  	[tilespmem:$0x730] =	vst v0;
	v0 =	vmin.u32 v2, $0x3B;
	v1 =	vnsel vm15, $0x0, v1  }
0x107: {  	[tilespmem:$0x740] =	vst v0;
	v0 =	vmin.u32 v1, $0x3B  }
0x108: {  	s7 =	simm.s32 $0x6E0;
	s9 =	simm.s32 $0x47E0;
	[tilespmem:$0x750] =	vst v0  }
0x109: {  	[tilespmem:s9], [sflag:$0x5] =	stream.indirect.gather [spmem:s3], $0x80, s7, s12, $0xb8;
	[tilespmem:$0x187E0] =	vst v63  }
0x10a: {  	_ =	swait.ge [sflag:s20], $0x4000  }
0x10b: {  	[sflag:s20] =	ssyncset.done $0x0  }
0x10c: {  	s7 =	simm.s32 @!p1 $0x7;
	[sflag:s20] =	ssyncadd.s32 $0xFFFFC000  }
0x10d: {  	_ =	swait.ge @!p1 [sflag:s7], $0x4000  }
0x10e: {  	[sflag:s7] =	ssyncset.done @!p1 $0x0  }
0x10f: {  	[sflag:s7] =	ssyncadd.s32 @!p1 $0xFFFFC000;
	s7 =	simm.s32 $0x0  }
0x110: {  	v0 =	vld [tilespmem:s7+$0xB90]  }
0x111: {  	v1 =	vld [tilespmem:s7+$0x7E0]  }
0x112: {  	v2 =	vld [tilespmem:s7+$0x7F0]  }
0x113: {  	v3 =	vld [tilespmem:s7+$0x800]  }
0x114: {  	v4 =	vld [tilespmem:s7+$0x810]  }
0x115: {  	v5 =	vld [tilespmem:s7+$0x860];
	[tilespmem:s7+$0xCB90] =	vst v0  }
0x116: {  	[tilespmem:s7+$0xC7E0] =	vst v1;
	v0 =	vld [tilespmem:s7+$0x870]  }
0x117: {  	[tilespmem:s7+$0xC7F0] =	vst v2;
	v1 =	vld [tilespmem:s7+$0x880]  }
0x118: {  	[tilespmem:s7+$0xC800] =	vst v3;
	v2 =	vld [tilespmem:s7+$0x890]  }
0x119: {  	[tilespmem:s7+$0xC810] =	vst v4;
	v3 =	vld [tilespmem:s7+$0x8E0]  }
0x11a: {  	[tilespmem:s7+$0xC860] =	vst v5;
	v4 =	vld [tilespmem:s7+$0x8F0]  }
0x11b: {  	v5 =	vld [tilespmem:s7+$0xAF0];
	[tilespmem:s7+$0xC870] =	vst v0  }
0x11c: {  	v0 =	vld [tilespmem:s7+$0x900];
	[tilespmem:s7+$0xC880] =	vst v1  }
0x11d: {  	v1 =	vld [tilespmem:s7+$0x910];
	[tilespmem:s7+$0xC890] =	vst v2  }
0x11e: {  	v2 =	vld [tilespmem:s7+$0x960];
	[tilespmem:s7+$0xC8E0] =	vst v3  }
0x11f: {  	v3 =	vld [tilespmem:s7+$0x970];
	[tilespmem:s7+$0xC8F0] =	vst v4  }
0x120: {  	v4 =	vld [tilespmem:s7+$0x980];
	[tilespmem:s7+$0xCAF0] =	vst v5  }
0x121: {  	[tilespmem:s7+$0xC900] =	vst v0;
	v0 =	vld [tilespmem:s7+$0x990]  }
0x122: {  	[tilespmem:s7+$0xC910] =	vst v1;
	v1 =	vld [tilespmem:s7+$0x9E0]  }
0x123: {  	[tilespmem:s7+$0xC960] =	vst v2;
	v2 =	vld [tilespmem:s7+$0x9F0]  }
0x124: {  	[tilespmem:s7+$0xC970] =	vst v3;
	v3 =	vld [tilespmem:s7+$0xA00]  }
0x125: {  	[tilespmem:s7+$0xC980] =	vst v4;
	v4 =	vld [tilespmem:s7+$0xA10]  }
0x126: {  	[tilespmem:s7+$0xC990] =	vst v0;
	v0 =	vld [tilespmem:s7+$0xA60]  }
0x127: {  	[tilespmem:s7+$0xC9E0] =	vst v1;
	v1 =	vld [tilespmem:s7+$0xA70]  }
0x128: {  	[tilespmem:s7+$0xC9F0] =	vst v2;
	v2 =	vld [tilespmem:s7+$0xA80]  }
0x129: {  	[tilespmem:s7+$0xCA00] =	vst v3;
	v3 =	vld [tilespmem:s7+$0xA90]  }
0x12a: {  	[tilespmem:s7+$0xCA10] =	vst v4;
	v4 =	vld [tilespmem:s7+$0xAE0]  }
0x12b: {  	[tilespmem:s7+$0xCA60] =	vst v0;
	v0 =	vld [tilespmem:s7+$0xB00]  }
0x12c: {  	[tilespmem:s7+$0xCA70] =	vst v1;
	v1 =	vld [tilespmem:s7+$0xB10]  }
0x12d: {  	[tilespmem:s7+$0xCA80] =	vst v2;
	v2 =	vld [tilespmem:s7+$0xB60]  }
0x12e: {  	[tilespmem:s7+$0xCA90] =	vst v3;
	v3 =	vld [tilespmem:s7+$0xB70]  }
0x12f: {  	s10 =	simm.s32 $0x400;
	s9 =	simm.s32 $0x2000;
	[tilespmem:s7+$0xCAE0] =	vst v4;
	v4 =	vld [tilespmem:s7+$0xB80]  }
.LBB2_9:
0x130: {  	p2 =	sne.s32 s9, $0xF000;
	v5 =	vld [tilespmem:s10+$0xB90];
	[tilespmem:s7+$0xCB00] =	vst v0  }
0x131: {  	v0 =	vld [tilespmem:s10+$0x7E0];
	[tilespmem:s7+$0xCB10] =	vst v1  }
0x132: {  	v1 =	vld [tilespmem:s10+$0x7F0];
	[tilespmem:s7+$0xCB60] =	vst v2  }
0x133: {  	v2 =	vld [tilespmem:s10+$0x800];
	[tilespmem:s7+$0xCB70] =	vst v3  }
0x134: {  	v3 =	vld [tilespmem:s10+$0x810];
	[tilespmem:s7+$0xCB80] =	vst v4;
	s7 =	smov.u32 s10  }
0x135: {  	v4 =	vld [tilespmem:s7+$0x860];
	[tilespmem:s7+$0xCB90] =	vst v5  }
0x136: {  	[tilespmem:s7+$0xC7E0] =	vst v0;
	v0 =	vld [tilespmem:s7+$0x870]  }
0x137: {  	[tilespmem:s7+$0xC7F0] =	vst v1;
	v1 =	vld [tilespmem:s7+$0x880]  }
0x138: {  	[tilespmem:s7+$0xC800] =	vst v2;
	v2 =	vld [tilespmem:s7+$0x890]  }
0x139: {  	[tilespmem:s7+$0xC810] =	vst v3;
	v3 =	vld [tilespmem:s7+$0x8E0]  }
0x13a: {  	[tilespmem:s7+$0xC860] =	vst v4;
	v4 =	vld [tilespmem:s7+$0x8F0]  }
0x13b: {  	[tilespmem:s7+$0xC870] =	vst v0;
	v0 =	vld [tilespmem:s7+$0x900]  }
0x13c: {  	[tilespmem:s7+$0xC880] =	vst v1;
	v1 =	vld [tilespmem:s7+$0x910]  }
0x13d: {  	[tilespmem:s7+$0xC890] =	vst v2;
	v2 =	vld [tilespmem:s7+$0x960]  }
0x13e: {  	[tilespmem:s7+$0xC8E0] =	vst v3;
	v3 =	vld [tilespmem:s7+$0x970]  }
0x13f: {  	[tilespmem:s7+$0xC8F0] =	vst v4;
	v4 =	vld [tilespmem:s7+$0x980]  }
0x140: {  	[tilespmem:s7+$0xC900] =	vst v0;
	v0 =	vld [tilespmem:s7+$0x990]  }
0x141: {  	[tilespmem:s7+$0xC910] =	vst v1;
	v1 =	vld [tilespmem:s7+$0x9E0]  }
0x142: {  	[tilespmem:s7+$0xC960] =	vst v2;
	v2 =	vld [tilespmem:s7+$0x9F0]  }
0x143: {  	[tilespmem:s7+$0xC970] =	vst v3;
	v3 =	vld [tilespmem:s7+$0xA00]  }
0x144: {  	[tilespmem:s7+$0xC980] =	vst v4;
	v4 =	vld [tilespmem:s7+$0xA10]  }
0x145: {  	[tilespmem:s7+$0xC990] =	vst v0;
	v0 =	vld [tilespmem:s7+$0xA60]  }
0x146: {  	[tilespmem:s7+$0xC9E0] =	vst v1;
	v1 =	vld [tilespmem:s7+$0xA70]  }
0x147: {  	[tilespmem:s7+$0xC9F0] =	vst v2;
	v2 =	vld [tilespmem:s7+$0xA80]  }
0x148: {  	[tilespmem:s7+$0xCA00] =	vst v3;
	v3 =	vld [tilespmem:s7+$0xA90]  }
0x149: {  	[tilespmem:s7+$0xCA10] =	vst v4;
	v4 =	vld [tilespmem:s7+$0xAE0]  }
0x14a: {  	[tilespmem:s7+$0xCA60] =	vst v0;
	v5 =	vld [tilespmem:s7+$0xAF0]  }
.Ltmp4:
0x14b: {  	[tilespmem:s7+$0xCA70] =	vst v1;
	v0 =	vld [tilespmem:s7+$0xB00];
	(pc) =	sbr.rel @p2 .LBB2_9-.Ltmp4, $4  }
0x14c: {  	[tilespmem:s7+$0xCA80] =	vst v2;
	v1 =	vld [tilespmem:s7+$0xB10]  }
0x14d: {  	[tilespmem:s7+$0xCA90] =	vst v3;
	v2 =	vld [tilespmem:s7+$0xB60]  }
0x14e: {  	[tilespmem:s7+$0xCAE0] =	vst v4;
	v3 =	vld [tilespmem:s7+$0xB70]  }
0x14f: {  	s10 =	sshra.s32 s9, $0x2;
	s9 =	sadd.s32 $0x1000, s9;
	[tilespmem:s7+$0xCAF0] =	vst v5;
	v4 =	vld [tilespmem:s7+$0xB80]  }
0x150: {  	v5 =	vld [tilespmem:s10+$0xB90];
	[tilespmem:s7+$0xCB00] =	vst v0  }
0x151: {  	v0 =	vld [tilespmem:s10+$0x7E0];
	[tilespmem:s7+$0xCB10] =	vst v1  }
0x152: {  	v1 =	vld [tilespmem:s10+$0x7F0];
	[tilespmem:s7+$0xCB60] =	vst v2  }
0x153: {  	v2 =	vld [tilespmem:s10+$0x800];
	[tilespmem:s7+$0xCB70] =	vst v3  }
0x154: {  	v3 =	vld [tilespmem:s10+$0x810];
	[tilespmem:s7+$0xCB80] =	vst v4  }
0x155: {  	v4 =	vld [tilespmem:s10+$0x860];
	[tilespmem:s10+$0xCB90] =	vst v5  }
0x156: {  	[tilespmem:s10+$0xC7E0] =	vst v0;
	v0 =	vld [tilespmem:s10+$0x870]  }
0x157: {  	[tilespmem:s10+$0xC7F0] =	vst v1;
	v1 =	vld [tilespmem:s10+$0x880]  }
0x158: {  	[tilespmem:s10+$0xC800] =	vst v2;
	v2 =	vld [tilespmem:s10+$0x890]  }
0x159: {  	[tilespmem:s10+$0xC810] =	vst v3;
	v3 =	vld [tilespmem:s10+$0x8E0]  }
0x15a: {  	[tilespmem:s10+$0xC860] =	vst v4;
	v4 =	vld [tilespmem:s10+$0x8F0]  }
0x15b: {  	[tilespmem:s10+$0xC870] =	vst v0;
	v0 =	vld [tilespmem:s10+$0x900]  }
0x15c: {  	[tilespmem:s10+$0xC880] =	vst v1;
	v1 =	vld [tilespmem:s10+$0x910]  }
0x15d: {  	[tilespmem:s10+$0xC890] =	vst v2;
	v2 =	vld [tilespmem:s10+$0x960]  }
0x15e: {  	[tilespmem:s10+$0xC8E0] =	vst v3;
	v3 =	vld [tilespmem:s10+$0x970]  }
0x15f: {  	[tilespmem:s10+$0xC8F0] =	vst v4;
	v4 =	vld [tilespmem:s10+$0x980]  }
0x160: {  	[tilespmem:s10+$0xC900] =	vst v0;
	v0 =	vld [tilespmem:s10+$0x990]  }
0x161: {  	[tilespmem:s10+$0xC910] =	vst v1;
	v1 =	vld [tilespmem:s10+$0x9E0]  }
0x162: {  	[tilespmem:s10+$0xC960] =	vst v2;
	v2 =	vld [tilespmem:s10+$0x9F0]  }
0x163: {  	[tilespmem:s10+$0xC970] =	vst v3;
	v3 =	vld [tilespmem:s10+$0xA00]  }
0x164: {  	[tilespmem:s10+$0xC980] =	vst v4;
	v4 =	vld [tilespmem:s10+$0xA10]  }
0x165: {  	[tilespmem:s10+$0xC990] =	vst v0;
	v0 =	vld [tilespmem:s10+$0xA60]  }
0x166: {  	[tilespmem:s10+$0xC9E0] =	vst v1;
	v1 =	vld [tilespmem:s10+$0xA70]  }
0x167: {  	[tilespmem:s10+$0xC9F0] =	vst v2;
	v2 =	vld [tilespmem:s10+$0xA80]  }
0x168: {  	[tilespmem:s10+$0xCA00] =	vst v3;
	v3 =	vld [tilespmem:s10+$0xA90]  }
0x169: {  	[tilespmem:s10+$0xCA10] =	vst v4;
	v4 =	vld [tilespmem:s10+$0xAE0]  }
0x16a: {  	[tilespmem:s10+$0xCA60] =	vst v0;
	v0 =	vld [tilespmem:s10+$0xAF0]  }
0x16b: {  	[tilespmem:s10+$0xCA70] =	vst v1;
	v1 =	vld [tilespmem:s10+$0xB00]  }
0x16c: {  	[tilespmem:s10+$0xCA80] =	vst v2;
	v2 =	vld [tilespmem:s10+$0xB10]  }
0x16d: {  	[tilespmem:s10+$0xCA90] =	vst v3;
	v3 =	vld [tilespmem:s10+$0xB60]  }
0x16e: {  	[tilespmem:s10+$0xCAE0] =	vst v4;
	v4 =	vld [tilespmem:s10+$0xB70]  }
0x16f: {  	[tilespmem:s10+$0xCAF0] =	vst v0;
	v0 =	vld [tilespmem:s10+$0xB80]  }
0x170: {  	s7 =	smul.u32 $0x180, s0;
	[tilespmem:s10+$0xCB00] =	vst v1  }
0x171: {  	[tilespmem:s10+$0xCB10] =	vst v2  }
0x172: {  	s9 =	sadd.s32 s5, s7;
	[tilespmem:s10+$0xCB60] =	vst v3  }
0x173: {  	s9 =	sshll.u32 s9, $0x4;
	[tilespmem:s10+$0xCB70] =	vst v4  }
0x174: {  	p2 =	seq.s32 s0, $0x40;
	s9 =	sadd.s32 s8, s9;
	[tilespmem:s10+$0xCB80] =	vst v0  }
0x175: {  	[hbm4b:s9+s4] =	stream.linear.scatter [tilespmem:s21], [sflag:$0x7], $0x4000, $0x38;
	[tilespmem:$0x187E0] =	vst v63  }
0x176: {  	s9 =	sadd.s32 @!p2 s7, s28  }
0x177: {  	s9 =	sshrl.u32 @!p2 s9, $0x3  }
0x178: {  	s16 =	simm.s32 @!p2 $0x0;
	s17 =	simm.s32 @!p2 $0x360;
	s10 =	sadd.s32 @!p2 s6, s9  }
0x179: {  	[tilespmem:s17], [sflag:$0x2] =	stream.linear.gather @!p2 [hbm4b:s10+s16], $0x80, $0x38;
	[tilespmem:$0x187E0] =	vst v63  }
0x17a: {  	s10 =	sadd.s32 @!p2 s1, s9;
	s17 =	simm.s32 @!p2 $0x3E0  }
0x17b: {  	[tilespmem:s17], [sflag:$0x2] =	stream.linear.gather @!p2 [hbm4b:s10+s16], $0x80, $0x38;
	[tilespmem:$0x187E0] =	vst v63  }
0x17c: {  	s9 =	sadd.s32 @!p2 s2, s9;
	s10 =	simm.s32 @!p2 $0x460  }
0x17d: {  	[tilespmem:s10], [sflag:$0x2] =	stream.linear.gather @!p2 [hbm4b:s9+s16], $0x80, $0x38;
	[tilespmem:$0x187E0] =	vst v63  }
0x17e: {  	_ =	swait.ge [sflag:s22], $0x80  }
0x17f: {  	[sflag:s22] =	ssyncset.done $0x0  }
0x180: {  	[sflag:s22] =	ssyncadd.s32 $0xFFFFFF80  }
0x181: {  	_ =	swait.ge [sflag:s22], $0x80  }
0x182: {  	[sflag:s22] =	ssyncset.done $0x0  }
0x183: {  	[sflag:s22] =	ssyncadd.s32 $0xFFFFFF80  }
0x184: {  	_ =	swait.ge [sflag:s22], $0x80  }
0x185: {  	[sflag:s22] =	ssyncset.done $0x0  }
0x186: {  	[sflag:s22] =	ssyncadd.s32 $0xFFFFFF80  }
0x187: {  	v0 =	vld [tilespmem:$0x4E0]  }
0x188: {  	v1 =	vld [tilespmem:$0x560]  }
0x189: {  	v2 =	vld [tilespmem:$0x5E0]  }
0x18a: {  	v3 =	vld [tilespmem:$0x4F0]  }
0x18b: {  	v4 =	vld [tilespmem:$0x570]  }
0x18c: {  	v5 =	vld [tilespmem:$0x5F0]  }
0x18d: {  	v6 =	vld [tilespmem:$0x500]  }
0x18e: {  	v7 =	vld [tilespmem:$0x580]  }
0x18f: {  	v8 =	vld [tilespmem:$0x600]  }
0x190: {  	v10 =	vld [tilespmem:$0x590]  }
0x191: {  	v13 =	vld [tilespmem:$0x5A0]  }
0x192: {  	v15 =	vld [tilespmem:$0x530]  }
0x193: {  	v9 =	vld [tilespmem:$0x510]  }
0x194: {  	v16 =	vld [tilespmem:$0x5B0]  }
0x195: {  	v61 =	vld [tilespmem:$0x550];
	v0 =	vmul.u32 $0xC, v0;
	v3 =	vmul.u32 $0xC, v3  }
0x196: {  	v12 =	vld [tilespmem:$0x520];
	v1 =	vshll.u32 v1, $0x1;
	v4 =	vshll.u32 v4, $0x1;
	v6 =	vmul.u32 $0xC, v6  }
0x197: {  	v11 =	vld [tilespmem:$0x610];
	v56 =	vshll.u32 v10, $0x1;
	v57 =	vshll.u32 v13, $0x1;
	v58 =	vmul.u32 $0xC, v15  }
0x198: {  	v14 =	vld [tilespmem:$0x620];
	v0 =	vadd.s32 v0, v1;
	v1 =	vadd.s32 v3, v4;
	v3 =	vshll.u32 v7, $0x1  }
0x199: {  	v59 =	vshll.u32 v16, $0x1;
	v0 =	vadd.s32 v2, v0;
	v2 =	vadd.s32 v6, v3;
	v3 =	vld [tilespmem:$0x540]  }
0x19a: {  	v63 =	vmul.u32 $0xC, v61;
	v7 =	vld [tilespmem:$0x5C0];
	v1 =	vadd.s32 v5, v1;
	v5 =	vmul.u32 $0xC, v9  }
0x19b: {  	v6 =	vmul.u32 $0xC, v12;
	v2 =	vadd.s32 v8, v2;
	v8 =	vadd.s32 v58, v59  }
0x19c: {  	v4 =	vld [tilespmem:$0x630];
	vm0 =	vgt.s32 v0, $0x0;
	vm9 =	vgt.s32 v1, $0x0;
	v5 =	vadd.s32 v5, v56  }
0x19d: {  	v62 =	vld [tilespmem:$0x5D0];
	v6 =	vadd.s32 v6, v57;
	v0 =	vnsel vm0, $0x0, v0;
	v1 =	vnsel vm9, $0x0, v1  }
0x19e: {  	vm10 =	vgt.s32 v2, $0x0;
	v5 =	vadd.s32 v11, v5;
	v3 =	vmul.u32 $0xC, v3  }
0x19f: {  	v60 =	vld [tilespmem:$0x640];
	v6 =	vadd.s32 v14, v6;
	v0 =	vmin.u32 v0, $0x3B;
	v7 =	vshll.u32 v7, $0x1  }
0x1a0: {  	v1 =	vmin.u32 v1, $0x3B;
	v2 =	vnsel vm10, $0x0, v2;
	v3 =	vadd.s32 v3, v7;
	v7 =	vld [tilespmem:$0x650]  }
0x1a1: {  	v4 =	vadd.s32 v4, v8;
	vm11 =	vgt.s32 v5, $0x0;
	vm12 =	vgt.s32 v6, $0x0  }
0x1a2: {  	[tilespmem:$0x760] =	vst v0;
	v2 =	vmin.u32 v2, $0x3B;
	v0 =	vnsel vm11, $0x0, v5;
	v5 =	vshll.u32 v62, $0x1  }
0x1a3: {  	[tilespmem:$0x770] =	vst v1;
	vm13 =	vgt.s32 v4, $0x0;
	v1 =	vadd.s32 v63, v5;
	v5 =	vnsel vm12, $0x0, v6  }
0x1a4: {  	[tilespmem:$0x780] =	vst v2;
	v0 =	vmin.u32 v0, $0x3B;
	v2 =	vmin.u32 v5, $0x3B;
	v3 =	vadd.s32 v60, v3  }
0x1a5: {  	[tilespmem:$0x790] =	vst v0;
	v0 =	vnsel vm13, $0x0, v4;
	vm14 =	vgt.s32 v3, $0x0;
	v1 =	vadd.s32 v7, v1  }
0x1a6: {  	[tilespmem:$0x7A0] =	vst v2;
	v0 =	vmin.u32 v0, $0x3B;
	v2 =	vnsel vm14, $0x0, v3;
	vm15 =	vgt.s32 v1, $0x0  }
0x1a7: {  	[tilespmem:$0x7B0] =	vst v0;
	v0 =	vmin.u32 v2, $0x3B;
	v1 =	vnsel vm15, $0x0, v1  }
0x1a8: {  	[tilespmem:$0x7C0] =	vst v0;
	v0 =	vmin.u32 v1, $0x3B  }
0x1a9: {  	s17 =	simm.s32 $0x87E0;
	s16 =	simm.s32 $0x760;
	[tilespmem:$0x7D0] =	vst v0  }
0x1aa: {  	[tilespmem:s17], [sflag:$0x6] =	stream.indirect.gather [spmem:s3], $0x80, s16, s12, $0xb8;
	[tilespmem:$0x187E0] =	vst v63  }
0x1ab: {  	_ =	swait.ge [sflag:s25], $0x4000  }
0x1ac: {  	[sflag:s25] =	ssyncset.done $0x0  }
0x1ad: {  	s9 =	simm.s32 @!p1 $0x8;
	[sflag:s25] =	ssyncadd.s32 $0xFFFFC000  }
0x1ae: {  	_ =	swait.ge @!p1 [sflag:s9], $0x4000  }
0x1af: {  	[sflag:s9] =	ssyncset.done @!p1 $0x0  }
0x1b0: {  	[sflag:s9] =	ssyncadd.s32 @!p1 $0xFFFFC000;
	s9 =	simm.s32 $0x0  }
0x1b1: {  	v0 =	vld [tilespmem:s9+$0x4B90]  }
0x1b2: {  	v1 =	vld [tilespmem:s9+$0x47E0]  }
0x1b3: {  	v2 =	vld [tilespmem:s9+$0x47F0]  }
0x1b4: {  	v3 =	vld [tilespmem:s9+$0x4800]  }
0x1b5: {  	v4 =	vld [tilespmem:s9+$0x4810]  }
0x1b6: {  	v5 =	vld [tilespmem:s9+$0x4860];
	[tilespmem:s9+$0x10B90] =	vst v0  }
0x1b7: {  	[tilespmem:s9+$0x107E0] =	vst v1;
	v0 =	vld [tilespmem:s9+$0x4870]  }
0x1b8: {  	[tilespmem:s9+$0x107F0] =	vst v2;
	v1 =	vld [tilespmem:s9+$0x4880]  }
0x1b9: {  	[tilespmem:s9+$0x10800] =	vst v3;
	v2 =	vld [tilespmem:s9+$0x4890]  }
0x1ba: {  	[tilespmem:s9+$0x10810] =	vst v4;
	v3 =	vld [tilespmem:s9+$0x48E0]  }
0x1bb: {  	[tilespmem:s9+$0x10860] =	vst v5;
	v4 =	vld [tilespmem:s9+$0x48F0]  }
0x1bc: {  	v5 =	vld [tilespmem:s9+$0x4AF0];
	[tilespmem:s9+$0x10870] =	vst v0  }
0x1bd: {  	v0 =	vld [tilespmem:s9+$0x4900];
	[tilespmem:s9+$0x10880] =	vst v1  }
0x1be: {  	v1 =	vld [tilespmem:s9+$0x4910];
	[tilespmem:s9+$0x10890] =	vst v2  }
0x1bf: {  	v2 =	vld [tilespmem:s9+$0x4960];
	[tilespmem:s9+$0x108E0] =	vst v3  }
0x1c0: {  	v3 =	vld [tilespmem:s9+$0x4970];
	[tilespmem:s9+$0x108F0] =	vst v4  }
0x1c1: {  	v4 =	vld [tilespmem:s9+$0x4980];
	[tilespmem:s9+$0x10AF0] =	vst v5  }
0x1c2: {  	[tilespmem:s9+$0x10900] =	vst v0;
	v0 =	vld [tilespmem:s9+$0x4990]  }
0x1c3: {  	[tilespmem:s9+$0x10910] =	vst v1;
	v1 =	vld [tilespmem:s9+$0x49E0]  }
0x1c4: {  	[tilespmem:s9+$0x10960] =	vst v2;
	v2 =	vld [tilespmem:s9+$0x49F0]  }
0x1c5: {  	[tilespmem:s9+$0x10970] =	vst v3;
	v3 =	vld [tilespmem:s9+$0x4A00]  }
0x1c6: {  	[tilespmem:s9+$0x10980] =	vst v4;
	v4 =	vld [tilespmem:s9+$0x4A10]  }
0x1c7: {  	[tilespmem:s9+$0x10990] =	vst v0;
	v0 =	vld [tilespmem:s9+$0x4A60]  }
0x1c8: {  	[tilespmem:s9+$0x109E0] =	vst v1;
	v1 =	vld [tilespmem:s9+$0x4A70]  }
0x1c9: {  	[tilespmem:s9+$0x109F0] =	vst v2;
	v2 =	vld [tilespmem:s9+$0x4A80]  }
0x1ca: {  	[tilespmem:s9+$0x10A00] =	vst v3;
	v3 =	vld [tilespmem:s9+$0x4A90]  }
0x1cb: {  	[tilespmem:s9+$0x10A10] =	vst v4;
	v4 =	vld [tilespmem:s9+$0x4AE0]  }
0x1cc: {  	[tilespmem:s9+$0x10A60] =	vst v0;
	v0 =	vld [tilespmem:s9+$0x4B00]  }
0x1cd: {  	[tilespmem:s9+$0x10A70] =	vst v1;
	v1 =	vld [tilespmem:s9+$0x4B10]  }
0x1ce: {  	[tilespmem:s9+$0x10A80] =	vst v2;
	v2 =	vld [tilespmem:s9+$0x4B60]  }
0x1cf: {  	[tilespmem:s9+$0x10A90] =	vst v3;
	v3 =	vld [tilespmem:s9+$0x4B70]  }
0x1d0: {  	s10 =	simm.s32 $0x2000;
	s16 =	simm.s32 $0x400;
	[tilespmem:s9+$0x10AE0] =	vst v4;
	v4 =	vld [tilespmem:s9+$0x4B80]  }
.LBB2_11:
0x1d1: {  	p1 =	sne.s32 s10, $0xF000;
	v5 =	vld [tilespmem:s16+$0x4B90];
	[tilespmem:s9+$0x10B00] =	vst v0  }
0x1d2: {  	v0 =	vld [tilespmem:s16+$0x47E0];
	[tilespmem:s9+$0x10B10] =	vst v1  }
0x1d3: {  	v1 =	vld [tilespmem:s16+$0x47F0];
	[tilespmem:s9+$0x10B60] =	vst v2  }
0x1d4: {  	v2 =	vld [tilespmem:s16+$0x4800];
	[tilespmem:s9+$0x10B70] =	vst v3  }
0x1d5: {  	v3 =	vld [tilespmem:s16+$0x4810];
	[tilespmem:s9+$0x10B80] =	vst v4;
	s9 =	smov.u32 s16  }
0x1d6: {  	v4 =	vld [tilespmem:s9+$0x4860];
	[tilespmem:s9+$0x10B90] =	vst v5  }
0x1d7: {  	[tilespmem:s9+$0x107E0] =	vst v0;
	v0 =	vld [tilespmem:s9+$0x4870]  }
0x1d8: {  	[tilespmem:s9+$0x107F0] =	vst v1;
	v1 =	vld [tilespmem:s9+$0x4880]  }
0x1d9: {  	[tilespmem:s9+$0x10800] =	vst v2;
	v2 =	vld [tilespmem:s9+$0x4890]  }
0x1da: {  	[tilespmem:s9+$0x10810] =	vst v3;
	v3 =	vld [tilespmem:s9+$0x48E0]  }
0x1db: {  	[tilespmem:s9+$0x10860] =	vst v4;
	v4 =	vld [tilespmem:s9+$0x48F0]  }
0x1dc: {  	[tilespmem:s9+$0x10870] =	vst v0;
	v0 =	vld [tilespmem:s9+$0x4900]  }
0x1dd: {  	[tilespmem:s9+$0x10880] =	vst v1;
	v1 =	vld [tilespmem:s9+$0x4910]  }
0x1de: {  	[tilespmem:s9+$0x10890] =	vst v2;
	v2 =	vld [tilespmem:s9+$0x4960]  }
0x1df: {  	[tilespmem:s9+$0x108E0] =	vst v3;
	v3 =	vld [tilespmem:s9+$0x4970]  }
0x1e0: {  	[tilespmem:s9+$0x108F0] =	vst v4;
	v4 =	vld [tilespmem:s9+$0x4980]  }
0x1e1: {  	[tilespmem:s9+$0x10900] =	vst v0;
	v0 =	vld [tilespmem:s9+$0x4990]  }
0x1e2: {  	[tilespmem:s9+$0x10910] =	vst v1;
	v1 =	vld [tilespmem:s9+$0x49E0]  }
0x1e3: {  	[tilespmem:s9+$0x10960] =	vst v2;
	v2 =	vld [tilespmem:s9+$0x49F0]  }
0x1e4: {  	[tilespmem:s9+$0x10970] =	vst v3;
	v3 =	vld [tilespmem:s9+$0x4A00]  }
0x1e5: {  	[tilespmem:s9+$0x10980] =	vst v4;
	v4 =	vld [tilespmem:s9+$0x4A10]  }
0x1e6: {  	[tilespmem:s9+$0x10990] =	vst v0;
	v0 =	vld [tilespmem:s9+$0x4A60]  }
0x1e7: {  	[tilespmem:s9+$0x109E0] =	vst v1;
	v1 =	vld [tilespmem:s9+$0x4A70]  }
0x1e8: {  	[tilespmem:s9+$0x109F0] =	vst v2;
	v2 =	vld [tilespmem:s9+$0x4A80]  }
0x1e9: {  	[tilespmem:s9+$0x10A00] =	vst v3;
	v3 =	vld [tilespmem:s9+$0x4A90]  }
0x1ea: {  	[tilespmem:s9+$0x10A10] =	vst v4;
	v4 =	vld [tilespmem:s9+$0x4AE0]  }
0x1eb: {  	[tilespmem:s9+$0x10A60] =	vst v0;
	v5 =	vld [tilespmem:s9+$0x4AF0]  }
.Ltmp5:
0x1ec: {  	[tilespmem:s9+$0x10A70] =	vst v1;
	v0 =	vld [tilespmem:s9+$0x4B00];
	(pc) =	sbr.rel @p1 .LBB2_11-.Ltmp5, $4  }
0x1ed: {  	[tilespmem:s9+$0x10A80] =	vst v2;
	v1 =	vld [tilespmem:s9+$0x4B10]  }
0x1ee: {  	[tilespmem:s9+$0x10A90] =	vst v3;
	v2 =	vld [tilespmem:s9+$0x4B60]  }
0x1ef: {  	[tilespmem:s9+$0x10AE0] =	vst v4;
	v3 =	vld [tilespmem:s9+$0x4B70]  }
0x1f0: {  	s16 =	sshra.s32 s10, $0x2;
	s10 =	sadd.s32 $0x1000, s10;
	[tilespmem:s9+$0x10AF0] =	vst v5;
	v4 =	vld [tilespmem:s9+$0x4B80]  }
0x1f1: {  	v5 =	vld [tilespmem:s16+$0x4B90];
	[tilespmem:s9+$0x10B00] =	vst v0  }
0x1f2: {  	v0 =	vld [tilespmem:s16+$0x47E0];
	[tilespmem:s9+$0x10B10] =	vst v1  }
0x1f3: {  	v1 =	vld [tilespmem:s16+$0x47F0];
	[tilespmem:s9+$0x10B60] =	vst v2  }
0x1f4: {  	v2 =	vld [tilespmem:s16+$0x4800];
	[tilespmem:s9+$0x10B70] =	vst v3  }
0x1f5: {  	v3 =	vld [tilespmem:s16+$0x4810];
	[tilespmem:s9+$0x10B80] =	vst v4  }
0x1f6: {  	v4 =	vld [tilespmem:s16+$0x4860];
	[tilespmem:s16+$0x10B90] =	vst v5  }
0x1f7: {  	v38 =	vld [tilespmem:s16+$0x4870];
	[tilespmem:s16+$0x107E0] =	vst v0  }
0x1f8: {  	v39 =	vld [tilespmem:s16+$0x4880];
	[tilespmem:s16+$0x107F0] =	vst v1  }
0x1f9: {  	v40 =	vld [tilespmem:s16+$0x4890];
	[tilespmem:s16+$0x10800] =	vst v2  }
0x1fa: {  	v41 =	vld [tilespmem:s16+$0x48E0];
	[tilespmem:s16+$0x10810] =	vst v3  }
0x1fb: {  	v42 =	vld [tilespmem:s16+$0x48F0];
	[tilespmem:s16+$0x10860] =	vst v4  }
0x1fc: {  	v43 =	vld [tilespmem:s16+$0x4900];
	[tilespmem:s16+$0x10870] =	vst v38  }
0x1fd: {  	v44 =	vld [tilespmem:s16+$0x4910];
	[tilespmem:s16+$0x10880] =	vst v39  }
0x1fe: {  	v45 =	vld [tilespmem:s16+$0x4960];
	[tilespmem:s16+$0x10890] =	vst v40  }
0x1ff: {  	v46 =	vld [tilespmem:s16+$0x4970];
	[tilespmem:s16+$0x108E0] =	vst v41  }
0x200: {  	v47 =	vld [tilespmem:s16+$0x4980];
	[tilespmem:s16+$0x108F0] =	vst v42  }
0x201: {  	v48 =	vld [tilespmem:s16+$0x4990];
	[tilespmem:s16+$0x10900] =	vst v43  }
0x202: {  	v49 =	vld [tilespmem:s16+$0x49E0];
	[tilespmem:s16+$0x10910] =	vst v44  }
0x203: {  	v50 =	vld [tilespmem:s16+$0x49F0];
	[tilespmem:s16+$0x10960] =	vst v45  }
0x204: {  	v51 =	vld [tilespmem:s16+$0x4A00];
	[tilespmem:s16+$0x10970] =	vst v46  }
0x205: {  	v52 =	vld [tilespmem:s16+$0x4A10];
	[tilespmem:s16+$0x10980] =	vst v47  }
0x206: {  	v53 =	vld [tilespmem:s16+$0x4A60];
	[tilespmem:s16+$0x10990] =	vst v48  }
0x207: {  	v54 =	vld [tilespmem:s16+$0x4A70];
	[tilespmem:s16+$0x109E0] =	vst v49  }
0x208: {  	v55 =	vld [tilespmem:s16+$0x4A80];
	[tilespmem:s16+$0x109F0] =	vst v50  }
0x209: {  	v56 =	vld [tilespmem:s16+$0x4A90];
	[tilespmem:s16+$0x10A00] =	vst v51  }
0x20a: {  	v57 =	vld [tilespmem:s16+$0x4AE0];
	[tilespmem:s16+$0x10A10] =	vst v52  }
0x20b: {  	v58 =	vld [tilespmem:s16+$0x4AF0];
	[tilespmem:s16+$0x10A60] =	vst v53  }
0x20c: {  	v59 =	vld [tilespmem:s16+$0x4B00];
	[tilespmem:s16+$0x10A70] =	vst v54  }
0x20d: {  	v60 =	vld [tilespmem:s16+$0x4B10];
	[tilespmem:s16+$0x10A80] =	vst v55  }
0x20e: {  	v61 =	vld [tilespmem:s16+$0x4B60];
	[tilespmem:s16+$0x10A90] =	vst v56  }
0x20f: {  	v62 =	vld [tilespmem:s16+$0x4B70];
	[tilespmem:s16+$0x10AE0] =	vst v57  }
0x210: {  	v63 =	vld [tilespmem:s16+$0x4B80];
	[tilespmem:s16+$0x10AF0] =	vst v58  }
0x211: {  	s17 =	smul.u32 $0xC000, s0;
	[tilespmem:s16+$0x10B00] =	vst v59  }
.Ltmp6:
0x212: {  	[tilespmem:s16+$0x10B10] =	vst v60;
	(pc) =	sbr.rel @p2 .LBB2_14-.Ltmp6, $4  }
0x213: {  	s9 =	sadd.s32 s17, s19;
	[tilespmem:s16+$0x10B60] =	vst v61  }
0x214: {  	s9 =	sshrl.u32 s9, $0x3;
	[tilespmem:s16+$0x10B70] =	vst v62  }
0x215: {  	s10 =	simm.s32 $0x107E0;
	s9 =	sadd.s32 s8, s9;
	[tilespmem:s16+$0x10B80] =	vst v63  }
0x216: {  	[hbm4b:s9+s4] =	stream.linear.scatter [tilespmem:s10], [sflag:$0x8], $0x4000, $0x38;
	[tilespmem:$0x187E0] =	vst v63  }
0x217: {  	s7 =	sadd.s32 s7, s29  }
0x218: {  	s7 =	sshrl.u32 s7, $0x3  }
0x219: {  	s10 =	simm.s32 $0x4E0;
	s9 =	sadd.s32 s6, s7  }
0x21a: {  	[tilespmem:s10], [sflag:$0x3] =	stream.linear.gather [hbm4b:s9+s4], $0x80, $0x38;
	[tilespmem:$0x187E0] =	vst v63  }
.Ltmp7:
0x21b: {  	_ = 	snop;
	(pc) =	sbr.rel .LBB2_2-.Ltmp7, $4  }
0x21c: {  	s16 =	simm.s32 $0x560;
	s10 =	sadd.s32 s1, s7  }
0x21d: {  	[tilespmem:s16], [sflag:$0x3] =	stream.linear.gather [hbm4b:s10+s4], $0x80, $0x38;
	[tilespmem:$0x187E0] =	vst v63  }
0x21e: {  	s17 =	simm.s32 $0x5E0;
	s0 =	sadd.s32 $0x1, s0;
	s7 =	sadd.s32 s2, s7  }
0x21f: {  	[tilespmem:s17], [sflag:$0x3] =	stream.linear.gather [hbm4b:s7+s4], $0x80, $0x38;
	[tilespmem:$0x187E0] =	vst v63  }
.LBB2_14:
0x220: {  	_ =	swait.ge [sflag:s31], $0x4000  }
0x221: {  	[sflag:s31] =	ssyncset.done $0x0  }
0x222: {  	s10 =	simm.s32 $0x9;
	[sflag:s31] =	ssyncadd.s32 $0xFFFFC000  }
0x223: {  	_ =	swait.ge [sflag:s10], $0x4000  }
0x224: {  	[sflag:s10] =	ssyncset.done $0x0  }
0x225: {  	s0 =	simm.s32 $0x0;
	[sflag:s10] =	ssyncadd.s32 $0xFFFFC000  }
0x226: {  	v0 =	vld [tilespmem:s0+$0x8B90]  }
0x227: {  	v1 =	vld [tilespmem:s0+$0x87E0]  }
0x228: {  	v2 =	vld [tilespmem:s0+$0x87F0]  }
0x229: {  	v3 =	vld [tilespmem:s0+$0x8800]  }
0x22a: {  	v4 =	vld [tilespmem:s0+$0x8810]  }
0x22b: {  	v5 =	vld [tilespmem:s0+$0x8860];
	[tilespmem:s0+$0x14B90] =	vst v0  }
0x22c: {  	[tilespmem:s0+$0x147E0] =	vst v1;
	v0 =	vld [tilespmem:s0+$0x8870]  }
0x22d: {  	[tilespmem:s0+$0x147F0] =	vst v2;
	v1 =	vld [tilespmem:s0+$0x8880]  }
0x22e: {  	[tilespmem:s0+$0x14800] =	vst v3;
	v2 =	vld [tilespmem:s0+$0x8890]  }
0x22f: {  	[tilespmem:s0+$0x14810] =	vst v4;
	v3 =	vld [tilespmem:s0+$0x88E0]  }
0x230: {  	[tilespmem:s0+$0x14860] =	vst v5;
	v4 =	vld [tilespmem:s0+$0x88F0]  }
0x231: {  	v5 =	vld [tilespmem:s0+$0x8AF0];
	[tilespmem:s0+$0x14870] =	vst v0  }
0x232: {  	v0 =	vld [tilespmem:s0+$0x8900];
	[tilespmem:s0+$0x14880] =	vst v1  }
0x233: {  	v1 =	vld [tilespmem:s0+$0x8910];
	[tilespmem:s0+$0x14890] =	vst v2  }
0x234: {  	v2 =	vld [tilespmem:s0+$0x8960];
	[tilespmem:s0+$0x148E0] =	vst v3  }
0x235: {  	v3 =	vld [tilespmem:s0+$0x8970];
	[tilespmem:s0+$0x148F0] =	vst v4  }
0x236: {  	v4 =	vld [tilespmem:s0+$0x8980];
	[tilespmem:s0+$0x14AF0] =	vst v5  }
0x237: {  	[tilespmem:s0+$0x14900] =	vst v0;
	v0 =	vld [tilespmem:s0+$0x8990]  }
0x238: {  	[tilespmem:s0+$0x14910] =	vst v1;
	v1 =	vld [tilespmem:s0+$0x89E0]  }
0x239: {  	[tilespmem:s0+$0x14960] =	vst v2;
	v2 =	vld [tilespmem:s0+$0x89F0]  }
0x23a: {  	[tilespmem:s0+$0x14970] =	vst v3;
	v3 =	vld [tilespmem:s0+$0x8A00]  }
0x23b: {  	[tilespmem:s0+$0x14980] =	vst v4;
	v4 =	vld [tilespmem:s0+$0x8A10]  }
0x23c: {  	[tilespmem:s0+$0x14990] =	vst v0;
	v0 =	vld [tilespmem:s0+$0x8A60]  }
0x23d: {  	[tilespmem:s0+$0x149E0] =	vst v1;
	v1 =	vld [tilespmem:s0+$0x8A70]  }
0x23e: {  	[tilespmem:s0+$0x149F0] =	vst v2;
	v2 =	vld [tilespmem:s0+$0x8A80]  }
0x23f: {  	[tilespmem:s0+$0x14A00] =	vst v3;
	v3 =	vld [tilespmem:s0+$0x8A90]  }
0x240: {  	[tilespmem:s0+$0x14A10] =	vst v4;
	v4 =	vld [tilespmem:s0+$0x8AE0]  }
0x241: {  	[tilespmem:s0+$0x14A60] =	vst v0;
	v0 =	vld [tilespmem:s0+$0x8B00]  }
0x242: {  	[tilespmem:s0+$0x14A70] =	vst v1;
	v1 =	vld [tilespmem:s0+$0x8B10]  }
0x243: {  	[tilespmem:s0+$0x14A80] =	vst v2;
	v2 =	vld [tilespmem:s0+$0x8B60]  }
0x244: {  	[tilespmem:s0+$0x14A90] =	vst v3;
	v3 =	vld [tilespmem:s0+$0x8B70]  }
0x245: {  	s9 =	simm.s32 $0x400;
	s7 =	simm.s32 $0x2000;
	[tilespmem:s0+$0x14AE0] =	vst v4;
	v4 =	vld [tilespmem:s0+$0x8B80]  }
.LBB2_15:
0x246: {  	p1 =	sne.s32 s7, $0xF000;
	v5 =	vld [tilespmem:s9+$0x8B90];
	[tilespmem:s0+$0x14B00] =	vst v0  }
0x247: {  	v0 =	vld [tilespmem:s9+$0x87E0];
	[tilespmem:s0+$0x14B10] =	vst v1  }
0x248: {  	v1 =	vld [tilespmem:s9+$0x87F0];
	[tilespmem:s0+$0x14B60] =	vst v2  }
0x249: {  	v2 =	vld [tilespmem:s9+$0x8800];
	[tilespmem:s0+$0x14B70] =	vst v3  }
0x24a: {  	v3 =	vld [tilespmem:s9+$0x8810];
	[tilespmem:s0+$0x14B80] =	vst v4;
	s0 =	smov.u32 s9  }
0x24b: {  	v4 =	vld [tilespmem:s0+$0x8860];
	[tilespmem:s0+$0x14B90] =	vst v5  }
0x24c: {  	[tilespmem:s0+$0x147E0] =	vst v0;
	v0 =	vld [tilespmem:s0+$0x8870]  }
0x24d: {  	[tilespmem:s0+$0x147F0] =	vst v1;
	v1 =	vld [tilespmem:s0+$0x8880]  }
0x24e: {  	[tilespmem:s0+$0x14800] =	vst v2;
	v2 =	vld [tilespmem:s0+$0x8890]  }
0x24f: {  	[tilespmem:s0+$0x14810] =	vst v3;
	v3 =	vld [tilespmem:s0+$0x88E0]  }
0x250: {  	[tilespmem:s0+$0x14860] =	vst v4;
	v4 =	vld [tilespmem:s0+$0x88F0]  }
0x251: {  	[tilespmem:s0+$0x14870] =	vst v0;
	v0 =	vld [tilespmem:s0+$0x8900]  }
0x252: {  	[tilespmem:s0+$0x14880] =	vst v1;
	v1 =	vld [tilespmem:s0+$0x8910]  }
0x253: {  	[tilespmem:s0+$0x14890] =	vst v2;
	v2 =	vld [tilespmem:s0+$0x8960]  }
0x254: {  	[tilespmem:s0+$0x148E0] =	vst v3;
	v3 =	vld [tilespmem:s0+$0x8970]  }
0x255: {  	[tilespmem:s0+$0x148F0] =	vst v4;
	v4 =	vld [tilespmem:s0+$0x8980]  }
0x256: {  	[tilespmem:s0+$0x14900] =	vst v0;
	v0 =	vld [tilespmem:s0+$0x8990]  }
0x257: {  	[tilespmem:s0+$0x14910] =	vst v1;
	v1 =	vld [tilespmem:s0+$0x89E0]  }
0x258: {  	[tilespmem:s0+$0x14960] =	vst v2;
	v2 =	vld [tilespmem:s0+$0x89F0]  }
0x259: {  	[tilespmem:s0+$0x14970] =	vst v3;
	v3 =	vld [tilespmem:s0+$0x8A00]  }
0x25a: {  	[tilespmem:s0+$0x14980] =	vst v4;
	v4 =	vld [tilespmem:s0+$0x8A10]  }
0x25b: {  	[tilespmem:s0+$0x14990] =	vst v0;
	v0 =	vld [tilespmem:s0+$0x8A60]  }
0x25c: {  	[tilespmem:s0+$0x149E0] =	vst v1;
	v1 =	vld [tilespmem:s0+$0x8A70]  }
0x25d: {  	[tilespmem:s0+$0x149F0] =	vst v2;
	v2 =	vld [tilespmem:s0+$0x8A80]  }
0x25e: {  	[tilespmem:s0+$0x14A00] =	vst v3;
	v3 =	vld [tilespmem:s0+$0x8A90]  }
0x25f: {  	[tilespmem:s0+$0x14A10] =	vst v4;
	v4 =	vld [tilespmem:s0+$0x8AE0]  }
0x260: {  	[tilespmem:s0+$0x14A60] =	vst v0;
	v5 =	vld [tilespmem:s0+$0x8AF0]  }
.Ltmp8:
0x261: {  	[tilespmem:s0+$0x14A70] =	vst v1;
	v0 =	vld [tilespmem:s0+$0x8B00];
	(pc) =	sbr.rel @p1 .LBB2_15-.Ltmp8, $4  }
0x262: {  	[tilespmem:s0+$0x14A80] =	vst v2;
	v1 =	vld [tilespmem:s0+$0x8B10]  }
0x263: {  	[tilespmem:s0+$0x14A90] =	vst v3;
	v2 =	vld [tilespmem:s0+$0x8B60]  }
0x264: {  	[tilespmem:s0+$0x14AE0] =	vst v4;
	v3 =	vld [tilespmem:s0+$0x8B70]  }
0x265: {  	s9 =	sshra.s32 s7, $0x2;
	s7 =	sadd.s32 $0x1000, s7;
	[tilespmem:s0+$0x14AF0] =	vst v5;
	v4 =	vld [tilespmem:s0+$0x8B80]  }
0x266: {  	v5 =	vld [tilespmem:s9+$0x8B90];
	[tilespmem:s0+$0x14B00] =	vst v0  }
0x267: {  	v0 =	vld [tilespmem:s9+$0x87E0];
	[tilespmem:s0+$0x14B10] =	vst v1  }
0x268: {  	v1 =	vld [tilespmem:s9+$0x87F0];
	[tilespmem:s0+$0x14B60] =	vst v2  }
0x269: {  	v2 =	vld [tilespmem:s9+$0x8800];
	[tilespmem:s0+$0x14B70] =	vst v3  }
0x26a: {  	v3 =	vld [tilespmem:s9+$0x8810];
	[tilespmem:s0+$0x14B80] =	vst v4  }
0x26b: {  	v4 =	vld [tilespmem:s9+$0x8860];
	[tilespmem:s9+$0x14B90] =	vst v5  }
0x26c: {  	v14 =	vld [tilespmem:s9+$0x8870];
	[tilespmem:s9+$0x147E0] =	vst v0  }
0x26d: {  	v15 =	vld [tilespmem:s9+$0x8880];
	[tilespmem:s9+$0x147F0] =	vst v1  }
0x26e: {  	v16 =	vld [tilespmem:s9+$0x8890];
	[tilespmem:s9+$0x14800] =	vst v2  }
0x26f: {  	v17 =	vld [tilespmem:s9+$0x88E0];
	[tilespmem:s9+$0x14810] =	vst v3  }
0x270: {  	v18 =	vld [tilespmem:s9+$0x88F0];
	[tilespmem:s9+$0x14860] =	vst v4  }
0x271: {  	v19 =	vld [tilespmem:s9+$0x8900];
	[tilespmem:s9+$0x14870] =	vst v14  }
0x272: {  	v20 =	vld [tilespmem:s9+$0x8910];
	[tilespmem:s9+$0x14880] =	vst v15  }
0x273: {  	v21 =	vld [tilespmem:s9+$0x8960];
	[tilespmem:s9+$0x14890] =	vst v16  }
0x274: {  	v22 =	vld [tilespmem:s9+$0x8970];
	[tilespmem:s9+$0x148E0] =	vst v17  }
0x275: {  	v23 =	vld [tilespmem:s9+$0x8980];
	[tilespmem:s9+$0x148F0] =	vst v18  }
0x276: {  	v24 =	vld [tilespmem:s9+$0x8990];
	[tilespmem:s9+$0x14900] =	vst v19  }
0x277: {  	v25 =	vld [tilespmem:s9+$0x89E0];
	[tilespmem:s9+$0x14910] =	vst v20  }
0x278: {  	v26 =	vld [tilespmem:s9+$0x89F0];
	[tilespmem:s9+$0x14960] =	vst v21  }
0x279: {  	v27 =	vld [tilespmem:s9+$0x8A00];
	[tilespmem:s9+$0x14970] =	vst v22  }
0x27a: {  	v28 =	vld [tilespmem:s9+$0x8A10];
	[tilespmem:s9+$0x14980] =	vst v23  }
0x27b: {  	v29 =	vld [tilespmem:s9+$0x8A60];
	[tilespmem:s9+$0x14990] =	vst v24  }
0x27c: {  	v30 =	vld [tilespmem:s9+$0x8A70];
	[tilespmem:s9+$0x149E0] =	vst v25  }
0x27d: {  	v31 =	vld [tilespmem:s9+$0x8A80];
	[tilespmem:s9+$0x149F0] =	vst v26  }
0x27e: {  	v32 =	vld [tilespmem:s9+$0x8A90];
	[tilespmem:s9+$0x14A00] =	vst v27  }
0x27f: {  	v33 =	vld [tilespmem:s9+$0x8AE0];
	[tilespmem:s9+$0x14A10] =	vst v28  }
0x280: {  	v34 =	vld [tilespmem:s9+$0x8AF0];
	[tilespmem:s9+$0x14A60] =	vst v29  }
0x281: {  	v35 =	vld [tilespmem:s9+$0x8B00];
	[tilespmem:s9+$0x14A70] =	vst v30  }
0x282: {  	v36 =	vld [tilespmem:s9+$0x8B10];
	[tilespmem:s9+$0x14A80] =	vst v31  }
0x283: {  	v37 =	vld [tilespmem:s9+$0x8B60];
	[tilespmem:s9+$0x14A90] =	vst v32  }
0x284: {  	v38 =	vld [tilespmem:s9+$0x8B70];
	[tilespmem:s9+$0x14AE0] =	vst v33  }
0x285: {  	v39 =	vld [tilespmem:s9+$0x8B80];
	[tilespmem:s9+$0x14AF0] =	vst v34  }
0x286: {  	[tilespmem:s9+$0x14B00] =	vst v35  }
0x287: {  	[tilespmem:s9+$0x14B10] =	vst v36  }
0x288: {  	[tilespmem:s9+$0x14B60] =	vst v37  }
0x289: {  	[tilespmem:s9+$0x14B70] =	vst v38  }
0x28a: {  	s16 =	rddreg [dreg:$0xe];
	s7 =	simm.s32 $0x147E0;
	s17 =	simm.s32 $0x7;
	[tilespmem:s9+$0x14B80] =	vst v39  }
0x28b: {  	[hbm4b:s16+s4] =	stream.linear.scatter [tilespmem:s7], [sflag:$0x9], $0x4000, $0x38;
	[tilespmem:$0x187E0] =	vst v63  }
0x28c: {  	_ =	swait.ge [sflag:s17], $0x4000  }
0x28d: {  	[sflag:s17] =	ssyncset.done $0x0  }
0x28e: {  	s9 =	simm.s32 $0x1E0;
	s7 =	rddreg [dreg:$0xf];
	[sflag:s17] =	ssyncadd.s32 $0xFFFFC000  }
0x28f: {  	[tilespmem:s9], [sflag:$0xA] =	stream.linear.gather [hbm4b:s7+s4], $0x28, $0x38;
	[tilespmem:$0x187E0] =	vst v63  }
0x290: {  	s9 =	simm.s32 $0xA  }
0x291: {  	_ =	swait.ge [sflag:s9], $0x28  }
0x292: {  	[sflag:s9] =	ssyncset.done $0x0  }
0x293: {  	s17 =	simm.s32 $0x260;
	s16 =	rddreg [dreg:$0x10];
	[sflag:s9] =	ssyncadd.s32 $0xFFFFFFD8  }
0x294: {  	[tilespmem:s17], [sflag:$0xA] =	stream.linear.gather [hbm4b:s16+s4], $0x28, $0x38;
	[tilespmem:$0x187E0] =	vst v63  }
0x295: {  	_ =	swait.ge [sflag:s9], $0x28  }
0x296: {  	[sflag:s9] =	ssyncset.done $0x0  }
0x297: {  	s17 =	simm.s32 $0x2E0;
	s16 =	rddreg [dreg:$0x11];
	[sflag:s9] =	ssyncadd.s32 $0xFFFFFFD8  }
0x298: {  	[tilespmem:s17], [sflag:$0xA] =	stream.linear.gather [hbm4b:s16+s4], $0x28, $0x38;
	[tilespmem:$0x187E0] =	vst v63  }
0x299: {  	_ =	swait.ge [sflag:s9], $0x28  }
0x29a: {  	[sflag:s9] =	ssyncset.done $0x0  }
0x29b: {  	[sflag:s9] =	ssyncadd.s32 $0xFFFFFFD8  }
0x29c: {  	v40 =	vld [tilespmem:$0x1E0]  }
0x29d: {  	v41 =	vld [tilespmem:$0x260]  }
0x29e: {  	v42 =	vld [tilespmem:$0x2E0]  }
0x29f: {  	v43 =	vld [tilespmem:$0x1F0]  }
0x2a0: {  	v44 =	vld [tilespmem:$0x270]  }
0x2a1: {  	v45 =	vld [tilespmem:$0x2F0]  }
0x2a2: {  	v6 =	vld [tilespmem:$0x200]  }
0x2a3: {  	v7 =	vld [tilespmem:$0x280]  }
0x2a4: {  	v9 =	vld [tilespmem:$0x210]  }
0x2a5: {  	v10 =	vld [tilespmem:$0x290]  }
0x2a6: {  	v12 =	vld [tilespmem:$0x220]  }
0x2a7: {  	v13 =	vld [tilespmem:$0x2A0]  }
0x2a8: {  	v15 =	vld [tilespmem:$0x230]  }
0x2a9: {  	v16 =	vld [tilespmem:$0x2B0]  }
0x2aa: {  	v53 =	vld [tilespmem:$0x2C0]  }
0x2ab: {  	v59 =	vld [tilespmem:$0x250]  }
0x2ac: {  	v8 =	vld [tilespmem:$0x300];
	v0 =	vmul.u32 $0xC, v40;
	v3 =	vmul.u32 $0xC, v43  }
0x2ad: {  	v50 =	vld [tilespmem:$0x240];
	v1 =	vshll.u32 v41, $0x1;
	v4 =	vshll.u32 v44, $0x1;
	v6 =	vmul.u32 $0xC, v6  }
0x2ae: {  	v11 =	vld [tilespmem:$0x310];
	v47 =	vshll.u32 v7, $0x1;
	v51 =	vmul.u32 $0xC, v9;
	v52 =	vmul.u32 $0xC, v12  }
0x2af: {  	v14 =	vld [tilespmem:$0x320];
	v54 =	vshll.u32 v10, $0x1;
	v55 =	vshll.u32 v13, $0x1;
	v56 =	vmul.u32 $0xC, v15  }
0x2b0: {  	v48 =	vld [tilespmem:$0x330];
	v57 =	vshll.u32 v16, $0x1;
	v7 =	vshll.u32 v53, $0x1;
	v62 =	vmul.u32 $0xC, v59  }
0x2b1: {  	v0 =	vadd.s32 v0, v1;
	v46 =	vadd.s32 v3, v4;
	v49 =	vadd.s32 v6, v47  }
0x2b2: {  	v60 =	vld [tilespmem:$0x2D0];
	v5 =	vadd.s32 v51, v54;
	v6 =	vadd.s32 v52, v55;
	v3 =	vmul.u32 $0xC, v50  }
0x2b3: {  	v58 =	vld [tilespmem:$0x340];
	v0 =	vadd.s32 v42, v0;
	v1 =	vadd.s32 v45, v46;
	v2 =	vadd.s32 v8, v49  }
0x2b4: {  	v5 =	vadd.s32 v11, v5;
	v6 =	vadd.s32 v14, v6;
	v8 =	vadd.s32 v56, v57  }
0x2b5: {  	vm0 =	vgt.s32 v0, $0x0;
	v4 =	vadd.s32 v48, v8;
	vm9 =	vgt.s32 v1, $0x0  }
0x2b6: {  	v3 =	vadd.s32 v3, v7;
	vm10 =	vgt.s32 v2, $0x0;
	vm11 =	vgt.s32 v5, $0x0  }
0x2b7: {  	v61 =	vld [tilespmem:$0x350];
	vm12 =	vgt.s32 v6, $0x0;
	v8 =	vshll.u32 v60, $0x1;
	v0 =	vnsel vm0, $0x0, v0  }
0x2b8: {  	v1 =	vnsel vm9, $0x0, v1;
	v3 =	vadd.s32 v58, v3;
	v0 =	vmin.u32 v0, $0x3B  }
0x2b9: {  	v2 =	vnsel vm10, $0x0, v2;
	v63 =	vnsel vm11, $0x0, v5;
	v1 =	vmin.u32 v1, $0x3B;
	[tilespmem:$0x660] =	vst v0  }
0x2ba: {  	v10 =	vnsel vm12, $0x0, v6;
	vm13 =	vgt.s32 v4, $0x0;
	v2 =	vmin.u32 v2, $0x3B;
	[tilespmem:$0x670] =	vst v1  }
0x2bb: {  	v9 =	vadd.s32 v62, v8;
	v11 =	vmin.u32 v10, $0x3B;
	v12 =	vnsel vm13, $0x0, v4;
	[tilespmem:$0x680] =	vst v2  }
0x2bc: {  	vm14 =	vgt.s32 v3, $0x0;
	v0 =	vmin.u32 v63, $0x3B;
	v1 =	vadd.s32 v61, v9;
	[tilespmem:$0x6A0] =	vst v11  }
0x2bd: {  	v13 =	vnsel vm14, $0x0, v3;
	[tilespmem:$0x690] =	vst v0;
	v0 =	vmin.u32 v12, $0x3B;
	vm15 =	vgt.s32 v1, $0x0  }
0x2be: {  	v14 =	vmin.u32 v13, $0x3B;
	[tilespmem:$0x6B0] =	vst v0;
	v1 =	vnsel vm15, $0x0, v1  }
0x2bf: {  	[tilespmem:$0x6C0] =	vst v14;
	v15 =	vmin.u32 v1, $0x3B  }
0x2c0: {  	[tilespmem:$0x6D0] =	vst v15  }
0x2c1: {  	[tilespmem:s14], [sflag:$0x4] =	stream.indirect.gather [spmem:s3], $0x80, s13, s12, $0xb8;
	[tilespmem:$0x187E0] =	vst v63  }
0x2c2: {  	_ =	swait.ge [sflag:s20], $0x4000  }
0x2c3: {  	[sflag:s20] =	ssyncset.done $0x0  }
0x2c4: {  	[sflag:s20] =	ssyncadd.s32 $0xFFFFC000  }
0x2c5: {  	v16 =	vld [tilespmem:$0x7E0]  }
0x2c6: {  	v17 =	vld [tilespmem:$0x7F0]  }
0x2c7: {  	v18 =	vld [tilespmem:$0x800]  }
0x2c8: {  	v19 =	vld [tilespmem:$0x810]  }
0x2c9: {  	v20 =	vld [tilespmem:$0x860]  }
0x2ca: {  	v21 =	vld [tilespmem:$0x870];
	[tilespmem:$0xC7E0] =	vst v16  }
0x2cb: {  	v22 =	vld [tilespmem:$0x880];
	[tilespmem:$0xC7F0] =	vst v17  }
0x2cc: {  	v23 =	vld [tilespmem:$0x890];
	[tilespmem:$0xC800] =	vst v18  }
0x2cd: {  	v24 =	vld [tilespmem:$0x8E0];
	[tilespmem:$0xC810] =	vst v19  }
0x2ce: {  	v25 =	vld [tilespmem:$0x8F0];
	[tilespmem:$0xC860] =	vst v20  }
0x2cf: {  	v26 =	vld [tilespmem:$0x900];
	[tilespmem:$0xC870] =	vst v21  }
0x2d0: {  	v27 =	vld [tilespmem:$0x910];
	[tilespmem:$0xC880] =	vst v22  }
0x2d1: {  	v28 =	vld [tilespmem:$0x960];
	[tilespmem:$0xC890] =	vst v23  }
0x2d2: {  	v29 =	vld [tilespmem:$0x970];
	[tilespmem:$0xC8E0] =	vst v24  }
0x2d3: {  	v30 =	vld [tilespmem:$0x980];
	[tilespmem:$0xC8F0] =	vst v25  }
0x2d4: {  	v31 =	vld [tilespmem:$0x990];
	[tilespmem:$0xC900] =	vst v26  }
0x2d5: {  	v32 =	vld [tilespmem:$0x9E0];
	[tilespmem:$0xC910] =	vst v27  }
0x2d6: {  	v33 =	vld [tilespmem:$0x9F0];
	[tilespmem:$0xC960] =	vst v28  }
0x2d7: {  	v34 =	vld [tilespmem:$0xA00];
	[tilespmem:$0xC970] =	vst v29  }
0x2d8: {  	v35 =	vld [tilespmem:$0xA10];
	[tilespmem:$0xC980] =	vst v30  }
0x2d9: {  	v36 =	vld [tilespmem:$0xA60];
	[tilespmem:$0xC990] =	vst v31  }
0x2da: {  	v37 =	vld [tilespmem:$0xA70];
	[tilespmem:$0xC9E0] =	vst v32  }
0x2db: {  	v38 =	vld [tilespmem:$0xA80];
	[tilespmem:$0xC9F0] =	vst v33  }
0x2dc: {  	v39 =	vld [tilespmem:$0xA90];
	[tilespmem:$0xCA00] =	vst v34  }
0x2dd: {  	v40 =	vld [tilespmem:$0xAE0];
	[tilespmem:$0xCA10] =	vst v35  }
0x2de: {  	v41 =	vld [tilespmem:$0xAF0];
	[tilespmem:$0xCA60] =	vst v36  }
0x2df: {  	v42 =	vld [tilespmem:$0xB00];
	[tilespmem:$0xCA70] =	vst v37  }
0x2e0: {  	v43 =	vld [tilespmem:$0xB10];
	[tilespmem:$0xCA80] =	vst v38  }
0x2e1: {  	v44 =	vld [tilespmem:$0xB60];
	[tilespmem:$0xCA90] =	vst v39  }
0x2e2: {  	v45 =	vld [tilespmem:$0xB70];
	[tilespmem:$0xCAE0] =	vst v40  }
0x2e3: {  	v46 =	vld [tilespmem:$0xB80];
	[tilespmem:$0xCAF0] =	vst v41  }
0x2e4: {  	v47 =	vld [tilespmem:$0xB90];
	[tilespmem:$0xCB00] =	vst v42  }
0x2e5: {  	v48 =	vld [tilespmem:$0xBE0];
	[tilespmem:$0xCB10] =	vst v43  }
0x2e6: {  	v49 =	vld [tilespmem:$0xBF0];
	[tilespmem:$0xCB60] =	vst v44  }
0x2e7: {  	v50 =	vld [tilespmem:$0xC00];
	[tilespmem:$0xCB70] =	vst v45  }
0x2e8: {  	v51 =	vld [tilespmem:$0xC10];
	[tilespmem:$0xCB80] =	vst v46  }
0x2e9: {  	v52 =	vld [tilespmem:$0xC60];
	[tilespmem:$0xCB90] =	vst v47  }
0x2ea: {  	v53 =	vld [tilespmem:$0xC70];
	[tilespmem:$0xCBE0] =	vst v48  }
0x2eb: {  	v54 =	vld [tilespmem:$0xC80];
	[tilespmem:$0xCBF0] =	vst v49  }
0x2ec: {  	v55 =	vld [tilespmem:$0xC90];
	[tilespmem:$0xCC00] =	vst v50  }
0x2ed: {  	v56 =	vld [tilespmem:$0xCE0];
	[tilespmem:$0xCC10] =	vst v51  }
0x2ee: {  	v57 =	vld [tilespmem:$0xCF0];
	[tilespmem:$0xCC60] =	vst v52  }
0x2ef: {  	v58 =	vld [tilespmem:$0xD00];
	[tilespmem:$0xCC70] =	vst v53  }
0x2f0: {  	v59 =	vld [tilespmem:$0xD10];
	[tilespmem:$0xCC80] =	vst v54  }
0x2f1: {  	v60 =	vld [tilespmem:$0xD60];
	[tilespmem:$0xCC90] =	vst v55  }
0x2f2: {  	v61 =	vld [tilespmem:$0xD70];
	[tilespmem:$0xCCE0] =	vst v56  }
0x2f3: {  	v62 =	vld [tilespmem:$0xD80];
	[tilespmem:$0xCCF0] =	vst v57  }
0x2f4: {  	v63 =	vld [tilespmem:$0xD90];
	[tilespmem:$0xCD00] =	vst v58  }
0x2f5: {  	v8 =	vld [tilespmem:$0xDE0];
	[tilespmem:$0xCD10] =	vst v59  }
0x2f6: {  	v9 =	vld [tilespmem:$0xDF0];
	[tilespmem:$0xCD60] =	vst v60  }
0x2f7: {  	v10 =	vld [tilespmem:$0xE00];
	[tilespmem:$0xCD70] =	vst v61  }
0x2f8: {  	v11 =	vld [tilespmem:$0xE10];
	[tilespmem:$0xCD80] =	vst v62  }
0x2f9: {  	v12 =	vld [tilespmem:$0xE60];
	[tilespmem:$0xCD90] =	vst v63  }
0x2fa: {  	v13 =	vld [tilespmem:$0xE70];
	[tilespmem:$0xCDE0] =	vst v8  }
0x2fb: {  	v14 =	vld [tilespmem:$0xE80];
	[tilespmem:$0xCDF0] =	vst v9  }
0x2fc: {  	v15 =	vld [tilespmem:$0xE90];
	[tilespmem:$0xCE00] =	vst v10  }
0x2fd: {  	[tilespmem:$0xCE10] =	vst v11;
	v16 =	vld [tilespmem:$0xEE0]  }
0x2fe: {  	[tilespmem:$0xCE60] =	vst v12;
	v17 =	vld [tilespmem:$0xEF0]  }
0x2ff: {  	[tilespmem:$0xCE70] =	vst v13;
	v18 =	vld [tilespmem:$0xF00]  }
0x300: {  	[tilespmem:$0xCE80] =	vst v14;
	v19 =	vld [tilespmem:$0xF10]  }
0x301: {  	[tilespmem:$0xCE90] =	vst v15;
	v20 =	vld [tilespmem:$0xF60]  }
0x302: {  	v21 =	vld [tilespmem:$0xF70];
	[tilespmem:$0xCEE0] =	vst v16  }
0x303: {  	v22 =	vld [tilespmem:$0xF80];
	[tilespmem:$0xCEF0] =	vst v17  }
0x304: {  	v23 =	vld [tilespmem:$0xF90];
	[tilespmem:$0xCF00] =	vst v18  }
0x305: {  	v24 =	vld [tilespmem:$0xFE0];
	[tilespmem:$0xCF10] =	vst v19  }
0x306: {  	v25 =	vld [tilespmem:$0xFF0];
	[tilespmem:$0xCF60] =	vst v20  }
0x307: {  	v26 =	vld [tilespmem:$0x1000];
	[tilespmem:$0xCF70] =	vst v21  }
0x308: {  	v27 =	vld [tilespmem:$0x1010];
	[tilespmem:$0xCF80] =	vst v22  }
0x309: {  	v28 =	vld [tilespmem:$0x1060];
	[tilespmem:$0xCF90] =	vst v23  }
0x30a: {  	v29 =	vld [tilespmem:$0x1070];
	[tilespmem:$0xCFE0] =	vst v24  }
0x30b: {  	v30 =	vld [tilespmem:$0x1080];
	[tilespmem:$0xCFF0] =	vst v25  }
0x30c: {  	v31 =	vld [tilespmem:$0x1090];
	[tilespmem:$0xD000] =	vst v26  }
0x30d: {  	v32 =	vld [tilespmem:$0x10E0];
	[tilespmem:$0xD010] =	vst v27  }
0x30e: {  	v33 =	vld [tilespmem:$0x10F0];
	[tilespmem:$0xD060] =	vst v28  }
0x30f: {  	v34 =	vld [tilespmem:$0x1100];
	[tilespmem:$0xD070] =	vst v29  }
0x310: {  	v35 =	vld [tilespmem:$0x1110];
	[tilespmem:$0xD080] =	vst v30  }
0x311: {  	v36 =	vld [tilespmem:$0x1160];
	[tilespmem:$0xD090] =	vst v31  }
0x312: {  	v37 =	vld [tilespmem:$0x1170];
	[tilespmem:$0xD0E0] =	vst v32  }
0x313: {  	v38 =	vld [tilespmem:$0x1180];
	[tilespmem:$0xD0F0] =	vst v33  }
0x314: {  	v39 =	vld [tilespmem:$0x1190];
	[tilespmem:$0xD100] =	vst v34  }
0x315: {  	v40 =	vld [tilespmem:$0x11E0];
	[tilespmem:$0xD110] =	vst v35  }
0x316: {  	v41 =	vld [tilespmem:$0x11F0];
	[tilespmem:$0xD160] =	vst v36  }
0x317: {  	v42 =	vld [tilespmem:$0x1200];
	[tilespmem:$0xD170] =	vst v37  }
0x318: {  	v43 =	vld [tilespmem:$0x1210];
	[tilespmem:$0xD180] =	vst v38  }
0x319: {  	v44 =	vld [tilespmem:$0x1260];
	[tilespmem:$0xD190] =	vst v39  }
0x31a: {  	v45 =	vld [tilespmem:$0x1270];
	[tilespmem:$0xD1E0] =	vst v40  }
0x31b: {  	v46 =	vld [tilespmem:$0x1280];
	[tilespmem:$0xD1F0] =	vst v41  }
0x31c: {  	v47 =	vld [tilespmem:$0x1290];
	[tilespmem:$0xD200] =	vst v42  }
0x31d: {  	v48 =	vld [tilespmem:$0x12E0];
	[tilespmem:$0xD210] =	vst v43  }
0x31e: {  	v49 =	vld [tilespmem:$0x12F0];
	[tilespmem:$0xD260] =	vst v44  }
0x31f: {  	v50 =	vld [tilespmem:$0x1300];
	[tilespmem:$0xD270] =	vst v45  }
0x320: {  	v51 =	vld [tilespmem:$0x1310];
	[tilespmem:$0xD280] =	vst v46  }
0x321: {  	v52 =	vld [tilespmem:$0x1360];
	[tilespmem:$0xD290] =	vst v47  }
0x322: {  	v53 =	vld [tilespmem:$0x1370];
	[tilespmem:$0xD2E0] =	vst v48  }
0x323: {  	v54 =	vld [tilespmem:$0x1380];
	[tilespmem:$0xD2F0] =	vst v49  }
0x324: {  	v55 =	vld [tilespmem:$0x1390];
	[tilespmem:$0xD300] =	vst v50  }
0x325: {  	v56 =	vld [tilespmem:$0x13E0];
	[tilespmem:$0xD310] =	vst v51  }
0x326: {  	v57 =	vld [tilespmem:$0x13F0];
	[tilespmem:$0xD360] =	vst v52  }
0x327: {  	v58 =	vld [tilespmem:$0x1400];
	[tilespmem:$0xD370] =	vst v53  }
0x328: {  	v59 =	vld [tilespmem:$0x1410];
	[tilespmem:$0xD380] =	vst v54  }
0x329: {  	v60 =	vld [tilespmem:$0x1460];
	[tilespmem:$0xD390] =	vst v55  }
0x32a: {  	v61 =	vld [tilespmem:$0x1470];
	[tilespmem:$0xD3E0] =	vst v56  }
0x32b: {  	v62 =	vld [tilespmem:$0x1480];
	[tilespmem:$0xD3F0] =	vst v57  }
0x32c: {  	v63 =	vld [tilespmem:$0x1490];
	[tilespmem:$0xD400] =	vst v58  }
0x32d: {  	v8 =	vld [tilespmem:$0x14E0];
	[tilespmem:$0xD410] =	vst v59  }
0x32e: {  	v9 =	vld [tilespmem:$0x14F0];
	[tilespmem:$0xD460] =	vst v60  }
0x32f: {  	v10 =	vld [tilespmem:$0x1500];
	[tilespmem:$0xD470] =	vst v61  }
0x330: {  	v11 =	vld [tilespmem:$0x1510];
	[tilespmem:$0xD480] =	vst v62  }
0x331: {  	v12 =	vld [tilespmem:$0x1560];
	[tilespmem:$0xD490] =	vst v63  }
0x332: {  	v13 =	vld [tilespmem:$0x1570];
	[tilespmem:$0xD4E0] =	vst v8  }
0x333: {  	v14 =	vld [tilespmem:$0x1580];
	[tilespmem:$0xD4F0] =	vst v9  }
0x334: {  	v15 =	vld [tilespmem:$0x1590];
	[tilespmem:$0xD500] =	vst v10  }
0x335: {  	[tilespmem:$0xD510] =	vst v11;
	v16 =	vld [tilespmem:$0x15E0]  }
0x336: {  	[tilespmem:$0xD560] =	vst v12;
	v17 =	vld [tilespmem:$0x15F0]  }
0x337: {  	[tilespmem:$0xD570] =	vst v13;
	v18 =	vld [tilespmem:$0x1600]  }
0x338: {  	[tilespmem:$0xD580] =	vst v14;
	v19 =	vld [tilespmem:$0x1610]  }
0x339: {  	[tilespmem:$0xD590] =	vst v15;
	v20 =	vld [tilespmem:$0x1660]  }
0x33a: {  	v21 =	vld [tilespmem:$0x1670];
	[tilespmem:$0xD5E0] =	vst v16  }
0x33b: {  	v22 =	vld [tilespmem:$0x1680];
	[tilespmem:$0xD5F0] =	vst v17  }
0x33c: {  	v23 =	vld [tilespmem:$0x1690];
	[tilespmem:$0xD600] =	vst v18  }
0x33d: {  	v24 =	vld [tilespmem:$0x16E0];
	[tilespmem:$0xD610] =	vst v19  }
0x33e: {  	v25 =	vld [tilespmem:$0x16F0];
	[tilespmem:$0xD660] =	vst v20  }
0x33f: {  	v26 =	vld [tilespmem:$0x1700];
	[tilespmem:$0xD670] =	vst v21  }
0x340: {  	v27 =	vld [tilespmem:$0x1710];
	[tilespmem:$0xD680] =	vst v22  }
0x341: {  	v28 =	vld [tilespmem:$0x1760];
	[tilespmem:$0xD690] =	vst v23  }
0x342: {  	v29 =	vld [tilespmem:$0x1770];
	[tilespmem:$0xD6E0] =	vst v24  }
0x343: {  	v30 =	vld [tilespmem:$0x1780];
	[tilespmem:$0xD6F0] =	vst v25  }
0x344: {  	v31 =	vld [tilespmem:$0x1790];
	[tilespmem:$0xD700] =	vst v26  }
0x345: {  	v32 =	vld [tilespmem:$0x17E0];
	[tilespmem:$0xD710] =	vst v27  }
0x346: {  	v33 =	vld [tilespmem:$0x17F0];
	[tilespmem:$0xD760] =	vst v28  }
0x347: {  	v34 =	vld [tilespmem:$0x1800];
	[tilespmem:$0xD770] =	vst v29  }
0x348: {  	v35 =	vld [tilespmem:$0x1810];
	[tilespmem:$0xD780] =	vst v30  }
0x349: {  	v36 =	vld [tilespmem:$0x1860];
	[tilespmem:$0xD790] =	vst v31  }
0x34a: {  	v37 =	vld [tilespmem:$0x1870];
	[tilespmem:$0xD7E0] =	vst v32  }
0x34b: {  	v38 =	vld [tilespmem:$0x1880];
	[tilespmem:$0xD7F0] =	vst v33  }
0x34c: {  	v39 =	vld [tilespmem:$0x1890];
	[tilespmem:$0xD800] =	vst v34  }
0x34d: {  	v40 =	vld [tilespmem:$0x18E0];
	[tilespmem:$0xD810] =	vst v35  }
0x34e: {  	v41 =	vld [tilespmem:$0x18F0];
	[tilespmem:$0xD860] =	vst v36  }
0x34f: {  	v42 =	vld [tilespmem:$0x1900];
	[tilespmem:$0xD870] =	vst v37  }
0x350: {  	v43 =	vld [tilespmem:$0x1910];
	[tilespmem:$0xD880] =	vst v38  }
0x351: {  	v44 =	vld [tilespmem:$0x1960];
	[tilespmem:$0xD890] =	vst v39  }
0x352: {  	v45 =	vld [tilespmem:$0x1970];
	[tilespmem:$0xD8E0] =	vst v40  }
0x353: {  	v46 =	vld [tilespmem:$0x1980];
	[tilespmem:$0xD8F0] =	vst v41  }
0x354: {  	v47 =	vld [tilespmem:$0x1990];
	[tilespmem:$0xD900] =	vst v42  }
0x355: {  	v48 =	vld [tilespmem:$0x19E0];
	[tilespmem:$0xD910] =	vst v43  }
0x356: {  	v49 =	vld [tilespmem:$0x19F0];
	[tilespmem:$0xD960] =	vst v44  }
0x357: {  	v50 =	vld [tilespmem:$0x1A00];
	[tilespmem:$0xD970] =	vst v45  }
0x358: {  	v51 =	vld [tilespmem:$0x1A10];
	[tilespmem:$0xD980] =	vst v46  }
0x359: {  	v52 =	vld [tilespmem:$0x1A60];
	[tilespmem:$0xD990] =	vst v47  }
0x35a: {  	v53 =	vld [tilespmem:$0x1A70];
	[tilespmem:$0xD9E0] =	vst v48  }
0x35b: {  	v54 =	vld [tilespmem:$0x1A80];
	[tilespmem:$0xD9F0] =	vst v49  }
0x35c: {  	v55 =	vld [tilespmem:$0x1A90];
	[tilespmem:$0xDA00] =	vst v50  }
0x35d: {  	v56 =	vld [tilespmem:$0x1AE0];
	[tilespmem:$0xDA10] =	vst v51  }
0x35e: {  	v57 =	vld [tilespmem:$0x1AF0];
	[tilespmem:$0xDA60] =	vst v52  }
0x35f: {  	v58 =	vld [tilespmem:$0x1B00];
	[tilespmem:$0xDA70] =	vst v53  }
0x360: {  	v59 =	vld [tilespmem:$0x1B10];
	[tilespmem:$0xDA80] =	vst v54  }
0x361: {  	v60 =	vld [tilespmem:$0x1B60];
	[tilespmem:$0xDA90] =	vst v55  }
0x362: {  	v61 =	vld [tilespmem:$0x1B70];
	[tilespmem:$0xDAE0] =	vst v56  }
0x363: {  	v62 =	vld [tilespmem:$0x1B80];
	[tilespmem:$0xDAF0] =	vst v57  }
0x364: {  	v63 =	vld [tilespmem:$0x1B90];
	[tilespmem:$0xDB00] =	vst v58  }
0x365: {  	[tilespmem:$0xDB10] =	vst v59  }
0x366: {  	[tilespmem:$0xDB60] =	vst v60  }
0x367: {  	[tilespmem:$0xDB70] =	vst v61  }
0x368: {  	[tilespmem:$0xDB80] =	vst v62  }
0x369: {  	s7 =	rddreg [dreg:$0x12];
	[tilespmem:$0xDB90] =	vst v63  }
0x36a: {  	[hbm4b:s7+s4] =	stream.linear.scatter [tilespmem:s21], [sflag:$0xA], $0x1400, $0x38;
	[tilespmem:$0x187E0] =	vst v63  }
0x36b: {  	_ =	swait.ge [sflag:s9], $0x1400  }
0x36c: {  	[sflag:s9] =	ssyncset.done $0x0  }
0x36d: {  	[sflag:s9] =	ssyncadd.s32 $0xFFFFEC00;
	s9 =	simm.s32 $0x8  }
0x36e: {  	_ =	swait.ge [sflag:s9], $0x4000  }
0x36f: {  	[sflag:s9] =	ssyncset.done $0x0  }
0x370: {  	[sflag:s9] =	ssyncadd.s32 $0xFFFFC000  }
0x371: {  	_ =	swait.ge [sflag:s10], $0x4000  }
0x372: {  	s16 =	rddreg [dreg:$0x14]  }
0x373: {  	s17 =	rddreg [dreg:$0x13];
	s7 =	sadd.s32 $0x1, s16  }
0x374: {  	p1 =	sne.s32 s7, s17  }
.Ltmp9:
0x375: {  	_ = 	snop;
	(pc) =	sbr.rel @p1 .LBB2_1-.Ltmp9, $3  }
0x376: {  	_ =	sdelay $0x1  }
0x377: {  	[sflag:s10] =	ssyncset.done $0x0  }
0x378: {  	[sflag:s10] =	ssyncadd.s32 $0xFFFFC000  }
0x379: {  	_ =	sfence.sel $0x180000  }
0x37a: {  	[bflag:$0x0] =	sbarrier.arrive $0xFFFF  }
0x37b: {  	_ =	strace $0x90000047  }
0x37c: {  	[bflag:$0x2] =	sbarrier.arrive $0xFFFF  }
0x37d: {  	s0 =	rddreg [dreg:$0x3]  }
0x37e: {  	s0 =	sadd.s32 @!p0 $0x100000, s0  }
0x37f: {  	[sflag:s0] =	ssyncadd.tile.s32 @!p0 $0x1;
	_ =	shalt  }
.Lfunc_end2:
_tile_overlayer_lowered:
.L_overlay_start_2:
0x380: {  	(tag) =	ssettag $0x2  }
0x381: {  	s0 =	rddreg [dreg:$0x0];
	s2 =	stileid.u32  }
0x382: {  	s1 =	rddreg [dreg:$0x1];
	p0 =	sne.s32 s2, $0x0  }
0x383: {  	s3 =	rddreg [dreg:$0x2];
	[bflag:$0x3] =	sbarrier.arrive $0xFFFF;
	s2 =	simm.s32 @!p0 $0x1C0A  }
0x384: {  	[timem:s3], [sflag:s2] =	dma.local @!p0 [hbm:s0], s1  }
0x385: {  	s0 =	simm.s32 @!p0 $0xA  }
0x386: {  	_ =	swait.ge @!p0 [sflag:s0], s1  }
0x387: {  	s1 =	ssub.s32 @!p0 $0x0, s1;
	[sflag:s0] =	ssyncset.done @!p0 $0x0  }
0x388: {  	[sflag:s0] =	ssyncadd.s32 @!p0 s1  }
0x389: {  	[bflag:$0x3] =	sbarrier.arrive $0xFFFF  }
0x38a: {  	_ =	shalt  }

</sc_bundles>
